<compile_context>
chip_gen: v7x
topology: tpu7x:2x2x1
jax: 0.10.2.dev20260603
libtpu: 0.0.44.dev20260713+nightly
codegen_flags: <defaults>
</compile_context>

<pallas_src>
import functools

import jax
import jax.numpy as jnp
from jax import lax
from jax.experimental import pallas as pl
from jax.experimental.pallas import tpu as pltpu
from jax.experimental.pallas import tpu_sc as plsc

B, N, D = 8, 576, 256
Q, K = 8, 8192
M = B * N

M_T = 576
K_T = 512
_BIG = jnp.int32(2**30)

_SC_CORES = 2
_SC_SUBCORES = 16
_NW = _SC_CORES * _SC_SUBCORES
_RPW = M // _NW
_GC = 72


def _argmin_body(res_ref, cb_ref, esq_ref, idx_ref, mind_ref):
    r = res_ref[...]
    rsq = jnp.sum(r * r, axis=1)

    def body(k, carry):
        run_min, run_idx = carry
        cb = cb_ref[pl.ds(k * K_T, K_T), :]
        esq = esq_ref[0, pl.ds(k * K_T, K_T)]
        mm = lax.dot_general(
            r, cb, (((1,), (1,)), ((), ())),
            preferred_element_type=jnp.float32,
        )
        d = (rsq[:, None] - 2.0 * mm) + esq[None, :]
        tmin = jnp.min(d, axis=1)
        iota = lax.broadcasted_iota(jnp.int32, (M_T, K_T), 1)
        tidx = jnp.min(jnp.where(d == tmin[:, None], iota, 2**30), axis=1)
        tidx = tidx + k * K_T
        upd = tmin < run_min
        return jnp.where(upd, tmin, run_min), jnp.where(upd, tidx, run_idx)

    init = (jnp.full((M_T,), jnp.inf, jnp.float32),
            jnp.zeros((M_T,), jnp.int32))
    run_min, run_idx = lax.fori_loop(0, K // K_T, body, init)
    idx_ref[0, 0, :] = run_idx
    mind_ref[0, 0, :] = run_min


def _argmin_stage(residual, cb, esq):
    n_mt = M // M_T
    idx3, mind3 = pl.pallas_call(
        _argmin_body,
        grid=(n_mt,),
        in_specs=[
            pl.BlockSpec((M_T, D), lambda i: (i, 0)),
            pl.BlockSpec((K, D), lambda i: (0, 0)),
            pl.BlockSpec((1, K), lambda i: (0, 0)),
        ],
        out_specs=[
            pl.BlockSpec((1, 1, M_T), lambda i: (i, 0, 0)),
            pl.BlockSpec((1, 1, M_T), lambda i: (i, 0, 0)),
        ],
        out_shape=[
            jax.ShapeDtypeStruct((n_mt, 1, M_T), jnp.int32),
            jax.ShapeDtypeStruct((n_mt, 1, M_T), jnp.float32),
        ],
    )(residual, cb, esq)
    return idx3.reshape(M), mind3.reshape(M)


def _make_sc_gather(last):
    mesh = plsc.VectorSubcoreMesh(
        core_axis_name="c", subcore_axis_name="s", num_cores=_SC_CORES)
    n_out = 2 if last else 1
    out_type = [jax.ShapeDtypeStruct((M, D), jnp.float32)] * n_out
    scratch = [
        pltpu.VMEM((_RPW,), jnp.int32),
        pltpu.VMEM((_RPW, D), jnp.float32),
        pltpu.VMEM((_RPW, D), jnp.float32),
        pltpu.SemaphoreType.DMA,
    ]
    if last:
        scratch.append(pltpu.VMEM((_RPW, D), jnp.float32))

    def _sub_loop(dst_v, a_v, b_v):
        def row(i, _):
            def col(j, _):
                s = pl.ds(j * 16, 16)
                dst_v[i, s] = a_v[i, s] - b_v[i, s]
                return 0
            return lax.fori_loop(0, D // 16, col, 0)
        lax.fori_loop(0, _RPW, row, 0)

    def body(table_hbm, idx_hbm, res_hbm, *rest):
        if last:
            x_hbm, res_out, q_out, idx_v, rows_v, res_v, sem, x_v = rest
        else:
            res_out, idx_v, rows_v, res_v, sem = rest
        wid = lax.axis_index("s") * _SC_CORES + lax.axis_index("c")
        base = wid * _RPW
        pltpu.sync_copy(idx_hbm.at[pl.ds(base, _RPW)], idx_v)
        for c in range(_RPW // _GC):
            s = pl.ds(c * _GC, _GC)
            pltpu.async_copy(table_hbm.at[idx_v.at[s]], rows_v.at[s], sem).wait()
        pltpu.sync_copy(res_hbm.at[pl.ds(base, _RPW)], res_v)
        _sub_loop(res_v, res_v, rows_v)
        pltpu.sync_copy(res_v, res_out.at[pl.ds(base, _RPW)])
        if last:
            pltpu.sync_copy(x_hbm.at[pl.ds(base, _RPW)], x_v)
            _sub_loop(rows_v, x_v, res_v)
            pltpu.sync_copy(rows_v, q_out.at[pl.ds(base, _RPW)])

    return pl.kernel(body, mesh=mesh, out_type=out_type, scratch_types=scratch)


_sc_gather_mid = _make_sc_gather(last=False)
_sc_gather_last = _make_sc_gather(last=True)


def kernel(x, codebooks):
    xf = x.reshape(M, D)
    esqs = jnp.sum(codebooks ** 2, axis=-1)
    residual = xf
    idx_list, mind_list = [], []
    qout = None
    for q in range(Q):
        idx, mind = _argmin_stage(residual, codebooks[q],
                                  esqs[q].reshape(1, K))
        idx_list.append(idx)
        mind_list.append(mind)
        if q < Q - 1:
            (residual,) = _sc_gather_mid(codebooks[q], idx, residual)
        else:
            residual, qout = _sc_gather_last(codebooks[q], idx, residual, xf)
    all_idx = jnp.stack(idx_list, axis=-1).reshape(B, N, Q)
    minds = jnp.stack(mind_list, axis=-1).reshape(B, N, Q).astype(jnp.float32)
    losses = jnp.sum(minds, axis=1) / (N * D)
    return qout.reshape(B, N, D), all_idx, losses

# --- scband reference (transcript-rebuilt; emitter-appended) ---
"""Pipeline reference for scband-residual-vq-43293270344191 (READ-ONLY COPY).

The authoritative reference and input builder live on the scoring server;
editing this copy changes nothing except your own understanding.
"""

import jax, jax.numpy as jnp
import numpy as np

B, N, D = 8, 576, 256
Q, K = 8, 8192


def setup_inputs(seed: int = 0) -> dict:
    key = jax.random.key(seed)
    k1, k2 = jax.random.split(key)
    x = jax.random.normal(k1, (B, N, D), dtype=jnp.float32)
    # learned parameters: one codebook per quantizer (shared_codebook=False)
    codebooks = jax.random.normal(k2, (Q, K, D), dtype=jnp.float32) * 0.02
    return {"x": x, "codebooks": codebooks}


def reference(x, codebooks):
    # Faithful eval-mode ResidualVQ (Algorithm 1, SoundStream):
    # iteratively quantize the residual with each codebook.
    quantized_out = jnp.zeros_like(x)
    residual = x
    all_indices = []
    all_losses = []
    for q in range(codebooks.shape[0]):
        embed = codebooks[q]  # [K, D]
        # squared euclidean distances: ||r||^2 - 2 r.e + ||e||^2  -> [B, N, K]
        dist = (
            jnp.sum(residual ** 2, axis=-1, keepdims=True)
            - 2.0 * jnp.einsum("bnd,kd->bnk", residual, embed)
            + jnp.sum(embed ** 2, axis=-1)
        )
        indices = jnp.argmin(dist, axis=-1)  # [B, N]
        quantized = jnp.take(embed, indices, axis=0)  # [B, N, D]
        # commitment loss per batch element (codebook detached, as in VQ)
        commit_loss = jnp.mean(
            (jax.lax.stop_gradient(quantized) - residual) ** 2, axis=(1, 2)
        )  # [B]
        # straight-through estimator
        quantized_st = residual + jax.lax.stop_gradient(quantized - residual)
        residual = residual - quantized_st
        quantized_out = quantized_out + quantized_st
        all_indices.append(indices)
        all_losses.append(commit_loss)
    all_indices = jnp.stack(all_indices, axis=-1)  # [B, N, Q]
    all_losses = jnp.stack(all_losses, axis=-1)  # [B, Q]
    return quantized_out, all_indices, all_losses

if __name__ == "__main__":
    import jax
    _d = setup_inputs()
    print(jax.jit(kernel)(*tuple(_d.values())))

</pallas_src>

<mosaic_0001>
#map = affine_map<(d0, d1) -> (0, 0)>
#map1 = affine_map<(d0, d1) -> (0)>
module attributes {stable_mosaic.version = 14 : i64} {
  func.func @body(%arg0: i32, %arg1: i32, %arg2: memref<8192x256xf32, #tpu.memory_space<hbm>>, %arg3: memref<4608xi32, #tpu.memory_space<hbm>>, %arg4: memref<4608x256xf32, #tpu.memory_space<hbm>>, %arg5: memref<4608x256xf32, #tpu.memory_space<hbm>>, %arg6: memref<144xi32, #tpu.memory_space<vmem>>, %arg7: memref<144x256xf32, #tpu.memory_space<vmem>>, %arg8: memref<144x256xf32, #tpu.memory_space<vmem>>, %arg9: memref<!tpu.dma_semaphore, #tpu.memory_space<semaphore_mem>>) attributes {dimension_semantics = [#tpu.dimension_semantics<core_parallel>, #tpu.dimension_semantics<subcore_parallel>], iteration_bounds = array<i64: 2, 16>, scalar_prefetch = 0 : i64, scratch_operands = 4 : i64, tpu.core_type = #tpu.core_type<sc_vector_subcore>, window_params = [{transform_indices = #map}, {transform_indices = #map1}, {transform_indices = #map}, {transform_indices = #map}]} {
    %mul3A = arith.constant 2 : i32
    %mul3A_0 = arith.muli %arg1, %mul3A : i32
    %add3A = arith.addi %mul3A_0, %arg0 : i32
    %mul3A_1 = arith.constant 144 : i32
    %mul3A_2 = arith.muli %add3A, %mul3A_1 : i32
    "tpu.region"() ({
      %run_scoped3A = tpu.sem_alloc : memref<!tpu.dma_semaphore, #tpu.memory_space<semaphore_mem>>
      %dma_start3A_39 = tpu.memref_slice %arg3[%mul3A_2] : memref<4608xi32, #tpu.memory_space<hbm>> -> memref<144xi32, #tpu.memory_space<hbm>>
      %dma_start3A_40 = tpu.memref_slice %arg3[%mul3A_2] : memref<4608xi32, #tpu.memory_space<hbm>> -> memref<144xi32, #tpu.memory_space<hbm>>
      tpu.enqueue_dma source(%dma_start3A_40 : memref<144xi32, #tpu.memory_space<hbm>>) target(%arg6 : memref<144xi32, #tpu.memory_space<vmem>>) target_semaphore(%run_scoped3A : memref<!tpu.dma_semaphore, #tpu.memory_space<semaphore_mem>>)
      %dma_wait3A_41 = tpu.memref_slice %arg3[%mul3A_2] : memref<4608xi32, #tpu.memory_space<hbm>> -> memref<144xi32, #tpu.memory_space<hbm>>
      %dma_wait3A_42 = tpu.memref_slice %arg3[%mul3A_2] : memref<4608xi32, #tpu.memory_space<hbm>> -> memref<144xi32, #tpu.memory_space<hbm>>
      tpu.wait_dma2 semaphore(%run_scoped3A : memref<!tpu.dma_semaphore, #tpu.memory_space<semaphore_mem>>) src(%dma_wait3A_42 : memref<144xi32, #tpu.memory_space<hbm>>) dst(%arg6 : memref<144xi32, #tpu.memory_space<vmem>>)
      tpu.yield
    }) : () -> ()
    %dma_start3A = arith.constant 0 : i32
    %dma_start3A_3 = arith.constant 0 : i32
    %dma_start3A_4 = tpu.memref_slice %arg7[%dma_start3A, %dma_start3A_3] : memref<144x256xf32, #tpu.memory_space<vmem>> -> memref<72x256xf32, #tpu.memory_space<vmem>>
    %dma_start3A_5 = arith.constant 0 : i32
    %dma_start3A_6 = tpu.memref_slice %arg6[%dma_start3A_5] : memref<144xi32, #tpu.memory_space<vmem>> -> memref<72xi32, #tpu.memory_space<vmem>>
    %dma_start3A_7 = arith.constant 0 : i32
    %dma_start3A_8 = arith.constant 0 : i32
    %dma_start3A_9 = tpu.memref_slice %arg2[%dma_start3A_7, %dma_start3A_8] : memref<8192x256xf32, #tpu.memory_space<hbm>> -> memref<8192x256xf32, #tpu.memory_space<hbm>>
    tpu.enqueue_indirect_dma source(%dma_start3A_9 : memref<8192x256xf32, #tpu.memory_space<hbm>>) target(%dma_start3A_4 : memref<72x256xf32, #tpu.memory_space<vmem>>) offsets(%dma_start3A_6 : memref<72xi32, #tpu.memory_space<vmem>>) semaphore(%arg9 : memref<!tpu.dma_semaphore, #tpu.memory_space<semaphore_mem>>)
    %dma_wait3A = arith.constant 0 : i32
    %dma_wait3A_10 = arith.constant 0 : i32
    %dma_wait3A_11 = tpu.memref_slice %arg7[%dma_wait3A, %dma_wait3A_10] : memref<144x256xf32, #tpu.memory_space<vmem>> -> memref<72x256xf32, #tpu.memory_space<vmem>>
    %dma_wait3A_12 = arith.constant 0 : i32
    %dma_wait3A_13 = tpu.memref_slice %arg6[%dma_wait3A_12] : memref<144xi32, #tpu.memory_space<vmem>> -> memref<72xi32, #tpu.memory_space<vmem>>
    %dma_wait3A_14 = arith.constant 0 : i32
    %dma_wait3A_15 = arith.constant 0 : i32
    %dma_wait3A_16 = tpu.memref_slice %arg2[%dma_wait3A_14, %dma_wait3A_15] : memref<8192x256xf32, #tpu.memory_space<hbm>> -> memref<8192x256xf32, #tpu.memory_space<hbm>>
    tpu.wait_indirect_dma semaphore(%arg9 : memref<!tpu.dma_semaphore, #tpu.memory_space<semaphore_mem>>) src(%dma_wait3A_16 : memref<8192x256xf32, #tpu.memory_space<hbm>>) dst(%dma_wait3A_11 : memref<72x256xf32, #tpu.memory_space<vmem>>)
    %dma_start3A_17 = arith.constant 72 : i32
    %dma_start3A_18 = arith.constant 0 : i32
    %dma_start3A_19 = tpu.memref_slice %arg7[%dma_start3A_17, %dma_start3A_18] : memref<144x256xf32, #tpu.memory_space<vmem>> -> memref<72x256xf32, #tpu.memory_space<vmem>>
    %dma_start3A_20 = arith.constant 72 : i32
    %dma_start3A_21 = tpu.memref_slice %arg6[%dma_start3A_20] : memref<144xi32, #tpu.memory_space<vmem>> -> memref<72xi32, #tpu.memory_space<vmem>>
    %dma_start3A_22 = arith.constant 0 : i32
    %dma_start3A_23 = arith.constant 0 : i32
    %dma_start3A_24 = tpu.memref_slice %arg2[%dma_start3A_22, %dma_start3A_23] : memref<8192x256xf32, #tpu.memory_space<hbm>> -> memref<8192x256xf32, #tpu.memory_space<hbm>>
    tpu.enqueue_indirect_dma source(%dma_start3A_24 : memref<8192x256xf32, #tpu.memory_space<hbm>>) target(%dma_start3A_19 : memref<72x256xf32, #tpu.memory_space<vmem>>) offsets(%dma_start3A_21 : memref<72xi32, #tpu.memory_space<vmem>>) semaphore(%arg9 : memref<!tpu.dma_semaphore, #tpu.memory_space<semaphore_mem>>)
    %dma_wait3A_25 = arith.constant 72 : i32
    %dma_wait3A_26 = arith.constant 0 : i32
    %dma_wait3A_27 = tpu.memref_slice %arg7[%dma_wait3A_25, %dma_wait3A_26] : memref<144x256xf32, #tpu.memory_space<vmem>> -> memref<72x256xf32, #tpu.memory_space<vmem>>
    %dma_wait3A_28 = arith.constant 72 : i32
    %dma_wait3A_29 = tpu.memref_slice %arg6[%dma_wait3A_28] : memref<144xi32, #tpu.memory_space<vmem>> -> memref<72xi32, #tpu.memory_space<vmem>>
    %dma_wait3A_30 = arith.constant 0 : i32
    %dma_wait3A_31 = arith.constant 0 : i32
    %dma_wait3A_32 = tpu.memref_slice %arg2[%dma_wait3A_30, %dma_wait3A_31] : memref<8192x256xf32, #tpu.memory_space<hbm>> -> memref<8192x256xf32, #tpu.memory_space<hbm>>
    tpu.wait_indirect_dma semaphore(%arg9 : memref<!tpu.dma_semaphore, #tpu.memory_space<semaphore_mem>>) src(%dma_wait3A_32 : memref<8192x256xf32, #tpu.memory_space<hbm>>) dst(%dma_wait3A_27 : memref<72x256xf32, #tpu.memory_space<vmem>>)
    "tpu.region"() ({
      %run_scoped3A = tpu.sem_alloc : memref<!tpu.dma_semaphore, #tpu.memory_space<semaphore_mem>>
      %dma_start3A_39 = arith.constant 0 : i32
      %dma_start3A_40 = tpu.memref_slice %arg4[%mul3A_2, %dma_start3A_39] : memref<4608x256xf32, #tpu.memory_space<hbm>> -> memref<144x256xf32, #tpu.memory_space<hbm>>
      %dma_start3A_41 = arith.constant 0 : i32
      %dma_start3A_42 = tpu.memref_slice %arg4[%mul3A_2, %dma_start3A_41] : memref<4608x256xf32, #tpu.memory_space<hbm>> -> memref<144x256xf32, #tpu.memory_space<hbm>>
      tpu.enqueue_dma source(%dma_start3A_42 : memref<144x256xf32, #tpu.memory_space<hbm>>) target(%arg8 : memref<144x256xf32, #tpu.memory_space<vmem>>) target_semaphore(%run_scoped3A : memref<!tpu.dma_semaphore, #tpu.memory_space<semaphore_mem>>)
      %dma_wait3A_43 = arith.constant 0 : i32
      %dma_wait3A_44 = tpu.memref_slice %arg4[%mul3A_2, %dma_wait3A_43] : memref<4608x256xf32, #tpu.memory_space<hbm>> -> memref<144x256xf32, #tpu.memory_space<hbm>>
      %dma_wait3A_45 = arith.constant 0 : i32
      %dma_wait3A_46 = tpu.memref_slice %arg4[%mul3A_2, %dma_wait3A_45] : memref<4608x256xf32, #tpu.memory_space<hbm>> -> memref<144x256xf32, #tpu.memory_space<hbm>>
      tpu.wait_dma2 semaphore(%run_scoped3A : memref<!tpu.dma_semaphore, #tpu.memory_space<semaphore_mem>>) src(%dma_wait3A_46 : memref<144x256xf32, #tpu.memory_space<hbm>>) dst(%arg8 : memref<144x256xf32, #tpu.memory_space<vmem>>)
      tpu.yield
    }) : () -> ()
    %scan3A = arith.constant 0 : i32
    %scan3A_33 = arith.constant 0 : i32
    %scan3A_34 = arith.constant 144 : i32
    %scan3A_35 = arith.addi %scan3A_33, %scan3A_34 : i32
    %scan3A_36 = arith.constant 1 : i32
    %scan3A_37 = scf.for %scan3A_39 = %scan3A_33 to %scan3A_35 step %scan3A_36 iter_args(%scan3A_40 = %scan3A) -> (i32)  : i32 {
      %scan3A_41 = arith.constant 0 : i32
      %scan3A_42 = arith.constant 0 : i32
      %scan3A_43 = arith.constant 16 : i32
      %scan3A_44 = arith.addi %scan3A_42, %scan3A_43 : i32
      %scan3A_45 = arith.constant 1 : i32
      %scan3A_46 = scf.for %scan3A_48 = %scan3A_42 to %scan3A_44 step %scan3A_45 iter_args(%scan3A_49 = %scan3A_41) -> (i32)  : i32 {
        %mul3A_50 = arith.constant 16 : i32
        %mul3A_51 = arith.muli %scan3A_48, %mul3A_50 : i32
        %get3A = arith.index_cast %scan3A_39 : i32 to index
        %get3A_52 = arith.index_cast %mul3A_51 : i32 to index
        %get3A_53 = tpu.vector_load %arg8[%get3A, %get3A_52] {strides = array<i32>} : memref<144x256xf32, #tpu.memory_space<vmem>>, vector<1x16xf32>,
        %get3A_54 = vector.shape_cast %get3A_53 : vector<1x16xf32> to vector<16xf32>
        %get3A_55 = arith.index_cast %scan3A_39 : i32 to index
        %get3A_56 = arith.index_cast %mul3A_51 : i32 to index
        %get3A_57 = tpu.vector_load %arg7[%get3A_55, %get3A_56] {strides = array<i32>} : memref<144x256xf32, #tpu.memory_space<vmem>>, vector<1x16xf32>,
        %get3A_58 = vector.shape_cast %get3A_57 : vector<1x16xf32> to vector<16xf32>
        %sub3A = arith.subf %get3A_54, %get3A_58 : vector<16xf32>
        %swap3A = arith.index_cast %scan3A_39 : i32 to index
        %swap3A_59 = arith.index_cast %mul3A_51 : i32 to index
        %swap3A_60 = tpu.vector_load %arg8[%swap3A, %swap3A_59] {strides = array<i32>} : memref<144x256xf32, #tpu.memory_space<vmem>>, vector<1x16xf32>,
        %swap3A_61 = vector.shape_cast %swap3A_60 : vector<1x16xf32> to vector<16xf32>
        %swap3A_62 = vector.shape_cast %sub3A : vector<16xf32> to vector<1x16xf32>
        tpu.vector_store %arg8[%swap3A, %swap3A_59], %swap3A_62 {strides = array<i32>} : memref<144x256xf32, #tpu.memory_space<vmem>>, vector<1x16xf32>,
        %scan3A_63 = arith.constant 0 : i32
        scf.yield %scan3A_63 : i32
      }
      %scan3A_47 = arith.constant 16 : i32
      scf.yield %scan3A_46 : i32
    }
    %scan3A_38 = arith.constant 144 : i32
    "tpu.region"() ({
      %run_scoped3A = tpu.sem_alloc : memref<!tpu.dma_semaphore, #tpu.memory_space<semaphore_mem>>
      %dma_start3A_39 = arith.constant 0 : i32
      %dma_start3A_40 = tpu.memref_slice %arg5[%mul3A_2, %dma_start3A_39] : memref<4608x256xf32, #tpu.memory_space<hbm>> -> memref<144x256xf32, #tpu.memory_space<hbm>>
      %dma_start3A_41 = arith.constant 0 : i32
      %dma_start3A_42 = tpu.memref_slice %arg5[%mul3A_2, %dma_start3A_41] : memref<4608x256xf32, #tpu.memory_space<hbm>> -> memref<144x256xf32, #tpu.memory_space<hbm>>
      tpu.enqueue_dma source(%arg8 : memref<144x256xf32, #tpu.memory_space<vmem>>) target(%dma_start3A_42 : memref<144x256xf32, #tpu.memory_space<hbm>>) target_semaphore(%run_scoped3A : memref<!tpu.dma_semaphore, #tpu.memory_space<semaphore_mem>>)
      %dma_wait3A_43 = arith.constant 0 : i32
      %dma_wait3A_44 = tpu.memref_slice %arg5[%mul3A_2, %dma_wait3A_43] : memref<4608x256xf32, #tpu.memory_space<hbm>> -> memref<144x256xf32, #tpu.memory_space<hbm>>
      %dma_wait3A_45 = arith.constant 0 : i32
      %dma_wait3A_46 = tpu.memref_slice %arg5[%mul3A_2, %dma_wait3A_45] : memref<4608x256xf32, #tpu.memory_space<hbm>> -> memref<144x256xf32, #tpu.memory_space<hbm>>
      tpu.wait_dma2 semaphore(%run_scoped3A : memref<!tpu.dma_semaphore, #tpu.memory_space<semaphore_mem>>) src(%arg8 : memref<144x256xf32, #tpu.memory_space<vmem>>) dst(%dma_wait3A_46 : memref<144x256xf32, #tpu.memory_space<hbm>>)
      tpu.yield
    }) : () -> ()
    return
  }
}

#map = affine_map<(d0, d1) -> (0, 0)>
#map1 = affine_map<(d0, d1) -> (0)>
module attributes {stable_mosaic.version = 14 : i64} {
  func.func @body(%arg0: i32, %arg1: i32, %arg2: memref<8192x256xf32, #tpu.memory_space<hbm>>, %arg3: memref<4608xi32, #tpu.memory_space<hbm>>, %arg4: memref<4608x256xf32, #tpu.memory_space<hbm>>, %arg5: memref<4608x256xf32, #tpu.memory_space<hbm>>, %arg6: memref<144xi32, #tpu.memory_space<vmem>>, %arg7: memref<144x256xf32, #tpu.memory_space<vmem>>, %arg8: memref<144x256xf32, #tpu.memory_space<vmem>>, %arg9: memref<!tpu.dma_semaphore, #tpu.memory_space<semaphore_mem>>) attributes {dimension_semantics = [#tpu.dimension_semantics<core_parallel>, #tpu.dimension_semantics<subcore_parallel>], iteration_bounds = array<i64: 2, 16>, scalar_prefetch = 0 : i64, scratch_operands = 4 : i64, tpu.core_type = #tpu.core_type<sc_vector_subcore>, window_params = [{transform_indices = #map}, {transform_indices = #map1}, {transform_indices = #map}, {transform_indices = #map}]} {
    %mul3A = arith.constant 2 : i32
    %mul3A_0 = arith.muli %arg1, %mul3A : i32
    %add3A = arith.addi %mul3A_0, %arg0 : i32
    %mul3A_1 = arith.constant 144 : i32
    %mul3A_2 = arith.muli %add3A, %mul3A_1 : i32
    "tpu.region"() ({
      %run_scoped3A = tpu.sem_alloc : memref<!tpu.dma_semaphore, #tpu.memory_space<semaphore_mem>>
      %dma_start3A_39 = tpu.memref_slice %arg3[%mul3A_2] : memref<4608xi32, #tpu.memory_space<hbm>> -> memref<144xi32, #tpu.memory_space<hbm>>
      %dma_start3A_40 = tpu.memref_slice %arg3[%mul3A_2] : memref<4608xi32, #tpu.memory_space<hbm>> -> memref<144xi32, #tpu.memory_space<hbm>>
      tpu.enqueue_dma source(%dma_start3A_40 : memref<144xi32, #tpu.memory_space<hbm>>) target(%arg6 : memref<144xi32, #tpu.memory_space<vmem>>) target_semaphore(%run_scoped3A : memref<!tpu.dma_semaphore, #tpu.memory_space<semaphore_mem>>)
      %dma_wait3A_41 = tpu.memref_slice %arg3[%mul3A_2] : memref<4608xi32, #tpu.memory_space<hbm>> -> memref<144xi32, #tpu.memory_space<hbm>>
      %dma_wait3A_42 = tpu.memref_slice %arg3[%mul3A_2] : memref<4608xi32, #tpu.memory_space<hbm>> -> memref<144xi32, #tpu.memory_space<hbm>>
      tpu.wait_dma2 semaphore(%run_scoped3A : memref<!tpu.dma_semaphore, #tpu.memory_space<semaphore_mem>>) src(%dma_wait3A_42 : memref<144xi32, #tpu.memory_space<hbm>>) dst(%arg6 : memref<144xi32, #tpu.memory_space<vmem>>)
      tpu.yield
    }) : () -> ()
    %dma_start3A = arith.constant 0 : i32
    %dma_start3A_3 = arith.constant 0 : i32
    %dma_start3A_4 = tpu.memref_slice %arg7[%dma_start3A, %dma_start3A_3] : memref<144x256xf32, #tpu.memory_space<vmem>> -> memref<72x256xf32, #tpu.memory_space<vmem>>
    %dma_start3A_5 = arith.constant 0 : i32
    %dma_start3A_6 = tpu.memref_slice %arg6[%dma_start3A_5] : memref<144xi32, #tpu.memory_space<vmem>> -> memref<72xi32, #tpu.memory_space<vmem>>
    %dma_start3A_7 = arith.constant 0 : i32
    %dma_start3A_8 = arith.constant 0 : i32
    %dma_start3A_9 = tpu.memref_slice %arg2[%dma_start3A_7, %dma_start3A_8] : memref<8192x256xf32, #tpu.memory_space<hbm>> -> memref<8192x256xf32, #tpu.memory_space<hbm>>
    tpu.enqueue_indirect_dma source(%dma_start3A_9 : memref<8192x256xf32, #tpu.memory_space<hbm>>) target(%dma_start3A_4 : memref<72x256xf32, #tpu.memory_space<vmem>>) offsets(%dma_start3A_6 : memref<72xi32, #tpu.memory_space<vmem>>) semaphore(%arg9 : memref<!tpu.dma_semaphore, #tpu.memory_space<semaphore_mem>>)
    %dma_wait3A = arith.constant 0 : i32
    %dma_wait3A_10 = arith.constant 0 : i32
    %dma_wait3A_11 = tpu.memref_slice %arg7[%dma_wait3A, %dma_wait3A_10] : memref<144x256xf32, #tpu.memory_space<vmem>> -> memref<72x256xf32, #tpu.memory_space<vmem>>
    %dma_wait3A_12 = arith.constant 0 : i32
    %dma_wait3A_13 = tpu.memref_slice %arg6[%dma_wait3A_12] : memref<144xi32, #tpu.memory_space<vmem>> -> memref<72xi32, #tpu.memory_space<vmem>>
    %dma_wait3A_14 = arith.constant 0 : i32
    %dma_wait3A_15 = arith.constant 0 : i32
    %dma_wait3A_16 = tpu.memref_slice %arg2[%dma_wait3A_14, %dma_wait3A_15] : memref<8192x256xf32, #tpu.memory_space<hbm>> -> memref<8192x256xf32, #tpu.memory_space<hbm>>
    tpu.wait_indirect_dma semaphore(%arg9 : memref<!tpu.dma_semaphore, #tpu.memory_space<semaphore_mem>>) src(%dma_wait3A_16 : memref<8192x256xf32, #tpu.memory_space<hbm>>) dst(%dma_wait3A_11 : memref<72x256xf32, #tpu.memory_space<vmem>>)
    %dma_start3A_17 = arith.constant 72 : i32
    %dma_start3A_18 = arith.constant 0 : i32
    %dma_start3A_19 = tpu.memref_slice %arg7[%dma_start3A_17, %dma_start3A_18] : memref<144x256xf32, #tpu.memory_space<vmem>> -> memref<72x256xf32, #tpu.memory_space<vmem>>
    %dma_start3A_20 = arith.constant 72 : i32
    %dma_start3A_21 = tpu.memref_slice %arg6[%dma_start3A_20] : memref<144xi32, #tpu.memory_space<vmem>> -> memref<72xi32, #tpu.memory_space<vmem>>
    %dma_start3A_22 = arith.constant 0 : i32
    %dma_start3A_23 = arith.constant 0 : i32
    %dma_start3A_24 = tpu.memref_slice %arg2[%dma_start3A_22, %dma_start3A_23] : memref<8192x256xf32, #tpu.memory_space<hbm>> -> memref<8192x256xf32, #tpu.memory_space<hbm>>
    tpu.enqueue_indirect_dma source(%dma_start3A_24 : memref<8192x256xf32, #tpu.memory_space<hbm>>) target(%dma_start3A_19 : memref<72x256xf32, #tpu.memory_space<vmem>>) offsets(%dma_start3A_21 : memref<72xi32, #tpu.memory_space<vmem>>) semaphore(%arg9 : memref<!tpu.dma_semaphore, #tpu.memory_space<semaphore_mem>>)
    %dma_wait3A_25 = arith.constant 72 : i32
    %dma_wait3A_26 = arith.constant 0 : i32
    %dma_wait3A_27 = tpu.memref_slice %arg7[%dma_wait3A_25, %dma_wait3A_26] : memref<144x256xf32, #tpu.memory_space<vmem>> -> memref<72x256xf32, #tpu.memory_space<vmem>>
    %dma_wait3A_28 = arith.constant 72 : i32
    %dma_wait3A_29 = tpu.memref_slice %arg6[%dma_wait3A_28] : memref<144xi32, #tpu.memory_space<vmem>> -> memref<72xi32, #tpu.memory_space<vmem>>
    %dma_wait3A_30 = arith.constant 0 : i32
    %dma_wait3A_31 = arith.constant 0 : i32
    %dma_wait3A_32 = tpu.memref_slice %arg2[%dma_wait3A_30, %dma_wait3A_31] : memref<8192x256xf32, #tpu.memory_space<hbm>> -> memref<8192x256xf32, #tpu.memory_space<hbm>>
    tpu.wait_indirect_dma semaphore(%arg9 : memref<!tpu.dma_semaphore, #tpu.memory_space<semaphore_mem>>) src(%dma_wait3A_32 : memref<8192x256xf32, #tpu.memory_space<hbm>>) dst(%dma_wait3A_27 : memref<72x256xf32, #tpu.memory_space<vmem>>)
    "tpu.region"() ({
      %run_scoped3A = tpu.sem_alloc : memref<!tpu.dma_semaphore, #tpu.memory_space<semaphore_mem>>
      %dma_start3A_39 = arith.constant 0 : i32
      %dma_start3A_40 = tpu.memref_slice %arg4[%mul3A_2, %dma_start3A_39] : memref<4608x256xf32, #tpu.memory_space<hbm>> -> memref<144x256xf32, #tpu.memory_space<hbm>>
      %dma_start3A_41 = arith.constant 0 : i32
      %dma_start3A_42 = tpu.memref_slice %arg4[%mul3A_2, %dma_start3A_41] : memref<4608x256xf32, #tpu.memory_space<hbm>> -> memref<144x256xf32, #tpu.memory_space<hbm>>
      tpu.enqueue_dma source(%dma_start3A_42 : memref<144x256xf32, #tpu.memory_space<hbm>>) target(%arg8 : memref<144x256xf32, #tpu.memory_space<vmem>>) target_semaphore(%run_scoped3A : memref<!tpu.dma_semaphore, #tpu.memory_space<semaphore_mem>>)
      %dma_wait3A_43 = arith.constant 0 : i32
      %dma_wait3A_44 = tpu.memref_slice %arg4[%mul3A_2, %dma_wait3A_43] : memref<4608x256xf32, #tpu.memory_space<hbm>> -> memref<144x256xf32, #tpu.memory_space<hbm>>
      %dma_wait3A_45 = arith.constant 0 : i32
      %dma_wait3A_46 = tpu.memref_slice %arg4[%mul3A_2, %dma_wait3A_45] : memref<4608x256xf32, #tpu.memory_space<hbm>> -> memref<144x256xf32, #tpu.memory_space<hbm>>
      tpu.wait_dma2 semaphore(%run_scoped3A : memref<!tpu.dma_semaphore, #tpu.memory_space<semaphore_mem>>) src(%dma_wait3A_46 : memref<144x256xf32, #tpu.memory_space<hbm>>) dst(%arg8 : memref<144x256xf32, #tpu.memory_space<vmem>>)
      tpu.yield
    }) : () -> ()
    %scan3A = arith.constant 0 : i32
    %scan3A_33 = arith.constant 0 : i32
    %scan3A_34 = arith.constant 144 : i32
    %scan3A_35 = arith.addi %scan3A_33, %scan3A_34 : i32
    %scan3A_36 = arith.constant 1 : i32
    %scan3A_37 = scf.for %scan3A_39 = %scan3A_33 to %scan3A_35 step %scan3A_36 iter_args(%scan3A_40 = %scan3A) -> (i32)  : i32 {
      %scan3A_41 = arith.constant 0 : i32
      %scan3A_42 = arith.constant 0 : i32
      %scan3A_43 = arith.constant 16 : i32
      %scan3A_44 = arith.addi %scan3A_42, %scan3A_43 : i32
      %scan3A_45 = arith.constant 1 : i32
      %scan3A_46 = scf.for %scan3A_48 = %scan3A_42 to %scan3A_44 step %scan3A_45 iter_args(%scan3A_49 = %scan3A_41) -> (i32)  : i32 {
        %mul3A_50 = arith.constant 16 : i32
        %mul3A_51 = arith.muli %scan3A_48, %mul3A_50 : i32
        %get3A = arith.index_cast %scan3A_39 : i32 to index
        %get3A_52 = arith.index_cast %mul3A_51 : i32 to index
        %get3A_53 = tpu.vector_load %arg8[%get3A, %get3A_52] {strides = array<i32>} : memref<144x256xf32, #tpu.memory_space<vmem>>, vector<1x16xf32>,
        %get3A_54 = vector.shape_cast %get3A_53 : vector<1x16xf32> to vector<16xf32>
        %get3A_55 = arith.index_cast %scan3A_39 : i32 to index
        %get3A_56 = arith.index_cast %mul3A_51 : i32 to index
        %get3A_57 = tpu.vector_load %arg7[%get3A_55, %get3A_56] {strides = array<i32>} : memref<144x256xf32, #tpu.memory_space<vmem>>, vector<1x16xf32>,
        %get3A_58 = vector.shape_cast %get3A_57 : vector<1x16xf32> to vector<16xf32>
        %sub3A = arith.subf %get3A_54, %get3A_58 : vector<16xf32>
        %swap3A = arith.index_cast %scan3A_39 : i32 to index
        %swap3A_59 = arith.index_cast %mul3A_51 : i32 to index
        %swap3A_60 = tpu.vector_load %arg8[%swap3A, %swap3A_59] {strides = array<i32>} : memref<144x256xf32, #tpu.memory_space<vmem>>, vector<1x16xf32>,
        %swap3A_61 = vector.shape_cast %swap3A_60 : vector<1x16xf32> to vector<16xf32>
        %swap3A_62 = vector.shape_cast %sub3A : vector<16xf32> to vector<1x16xf32>
        tpu.vector_store %arg8[%swap3A, %swap3A_59], %swap3A_62 {strides = array<i32>} : memref<144x256xf32, #tpu.memory_space<vmem>>, vector<1x16xf32>,
        %scan3A_63 = arith.constant 0 : i32
        scf.yield %scan3A_63 : i32
      }
      %scan3A_47 = arith.constant 16 : i32
      scf.yield %scan3A_46 : i32
    }
    %scan3A_38 = arith.constant 144 : i32
    "tpu.region"() ({
      %run_scoped3A = tpu.sem_alloc : memref<!tpu.dma_semaphore, #tpu.memory_space<semaphore_mem>>
      %dma_start3A_39 = arith.constant 0 : i32
      %dma_start3A_40 = tpu.memref_slice %arg5[%mul3A_2, %dma_start3A_39] : memref<4608x256xf32, #tpu.memory_space<hbm>> -> memref<144x256xf32, #tpu.memory_space<hbm>>
      %dma_start3A_41 = arith.constant 0 : i32
      %dma_start3A_42 = tpu.memref_slice %arg5[%mul3A_2, %dma_start3A_41] : memref<4608x256xf32, #tpu.memory_space<hbm>> -> memref<144x256xf32, #tpu.memory_space<hbm>>
      tpu.enqueue_dma source(%arg8 : memref<144x256xf32, #tpu.memory_space<vmem>>) target(%dma_start3A_42 : memref<144x256xf32, #tpu.memory_space<hbm>>) target_semaphore(%run_scoped3A : memref<!tpu.dma_semaphore, #tpu.memory_space<semaphore_mem>>)
      %dma_wait3A_43 = arith.constant 0 : i32
      %dma_wait3A_44 = tpu.memref_slice %arg5[%mul3A_2, %dma_wait3A_43] : memref<4608x256xf32, #tpu.memory_space<hbm>> -> memref<144x256xf32, #tpu.memory_space<hbm>>
      %dma_wait3A_45 = arith.constant 0 : i32
      %dma_wait3A_46 = tpu.memref_slice %arg5[%mul3A_2, %dma_wait3A_45] : memref<4608x256xf32, #tpu.memory_space<hbm>> -> memref<144x256xf32, #tpu.memory_space<hbm>>
      tpu.wait_dma2 semaphore(%run_scoped3A : memref<!tpu.dma_semaphore, #tpu.memory_space<semaphore_mem>>) src(%arg8 : memref<144x256xf32, #tpu.memory_space<vmem>>) dst(%dma_wait3A_46 : memref<144x256xf32, #tpu.memory_space<hbm>>)
      tpu.yield
    }) : () -> ()
    return
  }
}

#map = affine_map<(d0, d1) -> (0, 0)>
#map1 = affine_map<(d0, d1) -> (0)>
module attributes {stable_mosaic.version = 14 : i64} {
  func.func @body(%arg0: i32, %arg1: i32, %arg2: memref<8192x256xf32, #tpu.memory_space<hbm>>, %arg3: memref<4608xi32, #tpu.memory_space<hbm>>, %arg4: memref<4608x256xf32, #tpu.memory_space<hbm>>, %arg5: memref<4608x256xf32, #tpu.memory_space<hbm>>, %arg6: memref<144xi32, #tpu.memory_space<vmem>>, %arg7: memref<144x256xf32, #tpu.memory_space<vmem>>, %arg8: memref<144x256xf32, #tpu.memory_space<vmem>>, %arg9: memref<!tpu.dma_semaphore, #tpu.memory_space<semaphore_mem>>) attributes {dimension_semantics = [#tpu.dimension_semantics<core_parallel>, #tpu.dimension_semantics<subcore_parallel>], iteration_bounds = array<i64: 2, 16>, scalar_prefetch = 0 : i64, scratch_operands = 4 : i64, tpu.core_type = #tpu.core_type<sc_vector_subcore>, window_params = [{transform_indices = #map}, {transform_indices = #map1}, {transform_indices = #map}, {transform_indices = #map}]} {
    %mul3A = arith.constant 2 : i32
    %mul3A_0 = arith.muli %arg1, %mul3A : i32
    %add3A = arith.addi %mul3A_0, %arg0 : i32
    %mul3A_1 = arith.constant 144 : i32
    %mul3A_2 = arith.muli %add3A, %mul3A_1 : i32
    "tpu.region"() ({
      %run_scoped3A = tpu.sem_alloc : memref<!tpu.dma_semaphore, #tpu.memory_space<semaphore_mem>>
      %dma_start3A_39 = tpu.memref_slice %arg3[%mul3A_2] : memref<4608xi32, #tpu.memory_space<hbm>> -> memref<144xi32, #tpu.memory_space<hbm>>
      %dma_start3A_40 = tpu.memref_slice %arg3[%mul3A_2] : memref<4608xi32, #tpu.memory_space<hbm>> -> memref<144xi32, #tpu.memory_space<hbm>>
      tpu.enqueue_dma source(%dma_start3A_40 : memref<144xi32, #tpu.memory_space<hbm>>) target(%arg6 : memref<144xi32, #tpu.memory_space<vmem>>) target_semaphore(%run_scoped3A : memref<!tpu.dma_semaphore, #tpu.memory_space<semaphore_mem>>)
      %dma_wait3A_41 = tpu.memref_slice %arg3[%mul3A_2] : memref<4608xi32, #tpu.memory_space<hbm>> -> memref<144xi32, #tpu.memory_space<hbm>>
      %dma_wait3A_42 = tpu.memref_slice %arg3[%mul3A_2] : memref<4608xi32, #tpu.memory_space<hbm>> -> memref<144xi32, #tpu.memory_space<hbm>>
      tpu.wait_dma2 semaphore(%run_scoped3A : memref<!tpu.dma_semaphore, #tpu.memory_space<semaphore_mem>>) src(%dma_wait3A_42 : memref<144xi32, #tpu.memory_space<hbm>>) dst(%arg6 : memref<144xi32, #tpu.memory_space<vmem>>)
      tpu.yield
    }) : () -> ()
    %dma_start3A = arith.constant 0 : i32
    %dma_start3A_3 = arith.constant 0 : i32
    %dma_start3A_4 = tpu.memref_slice %arg7[%dma_start3A, %dma_start3A_3] : memref<144x256xf32, #tpu.memory_space<vmem>> -> memref<72x256xf32, #tpu.memory_space<vmem>>
    %dma_start3A_5 = arith.constant 0 : i32
    %dma_start3A_6 = tpu.memref_slice %arg6[%dma_start3A_5] : memref<144xi32, #tpu.memory_space<vmem>> -> memref<72xi32, #tpu.memory_space<vmem>>
    %dma_start3A_7 = arith.constant 0 : i32
    %dma_start3A_8 = arith.constant 0 : i32
    %dma_start3A_9 = tpu.memref_slice %arg2[%dma_start3A_7, %dma_start3A_8] : memref<8192x256xf32, #tpu.memory_space<hbm>> -> memref<8192x256xf32, #tpu.memory_space<hbm>>
    tpu.enqueue_indirect_dma source(%dma_start3A_9 : memref<8192x256xf32, #tpu.memory_space<hbm>>) target(%dma_start3A_4 : memref<72x256xf32, #tpu.memory_space<vmem>>) offsets(%dma_start3A_6 : memref<72xi32, #tpu.memory_space<vmem>>) semaphore(%arg9 : memref<!tpu.dma_semaphore, #tpu.memory_space<semaphore_mem>>)
    %dma_wait3A = arith.constant 0 : i32
    %dma_wait3A_10 = arith.constant 0 : i32
    %dma_wait3A_11 = tpu.memref_slice %arg7[%dma_wait3A, %dma_wait3A_10] : memref<144x256xf32, #tpu.memory_space<vmem>> -> memref<72x256xf32, #tpu.memory_space<vmem>>
    %dma_wait3A_12 = arith.constant 0 : i32
    %dma_wait3A_13 = tpu.memref_slice %arg6[%dma_wait3A_12] : memref<144xi32, #tpu.memory_space<vmem>> -> memref<72xi32, #tpu.memory_space<vmem>>
    %dma_wait3A_14 = arith.constant 0 : i32
    %dma_wait3A_15 = arith.constant 0 : i32
    %dma_wait3A_16 = tpu.memref_slice %arg2[%dma_wait3A_14, %dma_wait3A_15] : memref<8192x256xf32, #tpu.memory_space<hbm>> -> memref<8192x256xf32, #tpu.memory_space<hbm>>
    tpu.wait_indirect_dma semaphore(%arg9 : memref<!tpu.dma_semaphore, #tpu.memory_space<semaphore_mem>>) src(%dma_wait3A_16 : memref<8192x256xf32, #tpu.memory_space<hbm>>) dst(%dma_wait3A_11 : memref<72x256xf32, #tpu.memory_space<vmem>>)
    %dma_start3A_17 = arith.constant 72 : i32
    %dma_start3A_18 = arith.constant 0 : i32
    %dma_start3A_19 = tpu.memref_slice %arg7[%dma_start3A_17, %dma_start3A_18] : memref<144x256xf32, #tpu.memory_space<vmem>> -> memref<72x256xf32, #tpu.memory_space<vmem>>
    %dma_start3A_20 = arith.constant 72 : i32
    %dma_start3A_21 = tpu.memref_slice %arg6[%dma_start3A_20] : memref<144xi32, #tpu.memory_space<vmem>> -> memref<72xi32, #tpu.memory_space<vmem>>
    %dma_start3A_22 = arith.constant 0 : i32
    %dma_start3A_23 = arith.constant 0 : i32
    %dma_start3A_24 = tpu.memref_slice %arg2[%dma_start3A_22, %dma_start3A_23] : memref<8192x256xf32, #tpu.memory_space<hbm>> -> memref<8192x256xf32, #tpu.memory_space<hbm>>
    tpu.enqueue_indirect_dma source(%dma_start3A_24 : memref<8192x256xf32, #tpu.memory_space<hbm>>) target(%dma_start3A_19 : memref<72x256xf32, #tpu.memory_space<vmem>>) offsets(%dma_start3A_21 : memref<72xi32, #tpu.memory_space<vmem>>) semaphore(%arg9 : memref<!tpu.dma_semaphore, #tpu.memory_space<semaphore_mem>>)
    %dma_wait3A_25 = arith.constant 72 : i32
    %dma_wait3A_26 = arith.constant 0 : i32
    %dma_wait3A_27 = tpu.memref_slice %arg7[%dma_wait3A_25, %dma_wait3A_26] : memref<144x256xf32, #tpu.memory_space<vmem>> -> memref<72x256xf32, #tpu.memory_space<vmem>>
    %dma_wait3A_28 = arith.constant 72 : i32
    %dma_wait3A_29 = tpu.memref_slice %arg6[%dma_wait3A_28] : memref<144xi32, #tpu.memory_space<vmem>> -> memref<72xi32, #tpu.memory_space<vmem>>
    %dma_wait3A_30 = arith.constant 0 : i32
    %dma_wait3A_31 = arith.constant 0 : i32
    %dma_wait3A_32 = tpu.memref_slice %arg2[%dma_wait3A_30, %dma_wait3A_31] : memref<8192x256xf32, #tpu.memory_space<hbm>> -> memref<8192x256xf32, #tpu.memory_space<hbm>>
    tpu.wait_indirect_dma semaphore(%arg9 : memref<!tpu.dma_semaphore, #tpu.memory_space<semaphore_mem>>) src(%dma_wait3A_32 : memref<8192x256xf32, #tpu.memory_space<hbm>>) dst(%dma_wait3A_27 : memref<72x256xf32, #tpu.memory_space<vmem>>)
    "tpu.region"() ({
      %run_scoped3A = tpu.sem_alloc : memref<!tpu.dma_semaphore, #tpu.memory_space<semaphore_mem>>
      %dma_start3A_39 = arith.constant 0 : i32
      %dma_start3A_40 = tpu.memref_slice %arg4[%mul3A_2, %dma_start3A_39] : memref<4608x256xf32, #tpu.memory_space<hbm>> -> memref<144x256xf32, #tpu.memory_space<hbm>>
      %dma_start3A_41 = arith.constant 0 : i32
      %dma_start3A_42 = tpu.memref_slice %arg4[%mul3A_2, %dma_start3A_41] : memref<4608x256xf32, #tpu.memory_space<hbm>> -> memref<144x256xf32, #tpu.memory_space<hbm>>
      tpu.enqueue_dma source(%dma_start3A_42 : memref<144x256xf32, #tpu.memory_space<hbm>>) target(%arg8 : memref<144x256xf32, #tpu.memory_space<vmem>>) target_semaphore(%run_scoped3A : memref<!tpu.dma_semaphore, #tpu.memory_space<semaphore_mem>>)
      %dma_wait3A_43 = arith.constant 0 : i32
      %dma_wait3A_44 = tpu.memref_slice %arg4[%mul3A_2, %dma_wait3A_43] : memref<4608x256xf32, #tpu.memory_space<hbm>> -> memref<144x256xf32, #tpu.memory_space<hbm>>
      %dma_wait3A_45 = arith.constant 0 : i32
      %dma_wait3A_46 = tpu.memref_slice %arg4[%mul3A_2, %dma_wait3A_45] : memref<4608x256xf32, #tpu.memory_space<hbm>> -> memref<144x256xf32, #tpu.memory_space<hbm>>
      tpu.wait_dma2 semaphore(%run_scoped3A : memref<!tpu.dma_semaphore, #tpu.memory_space<semaphore_mem>>) src(%dma_wait3A_46 : memref<144x256xf32, #tpu.memory_space<hbm>>) dst(%arg8 : memref<144x256xf32, #tpu.memory_space<vmem>>)
      tpu.yield
    }) : () -> ()
    %scan3A = arith.constant 0 : i32
    %scan3A_33 = arith.constant 0 : i32
    %scan3A_34 = arith.constant 144 : i32
    %scan3A_35 = arith.addi %scan3A_33, %scan3A_34 : i32
    %scan3A_36 = arith.constant 1 : i32
    %scan3A_37 = scf.for %scan3A_39 = %scan3A_33 to %scan3A_35 step %scan3A_36 iter_args(%scan3A_40 = %scan3A) -> (i32)  : i32 {
      %scan3A_41 = arith.constant 0 : i32
      %scan3A_42 = arith.constant 0 : i32
      %scan3A_43 = arith.constant 16 : i32
      %scan3A_44 = arith.addi %scan3A_42, %scan3A_43 : i32
      %scan3A_45 = arith.constant 1 : i32
      %scan3A_46 = scf.for %scan3A_48 = %scan3A_42 to %scan3A_44 step %scan3A_45 iter_args(%scan3A_49 = %scan3A_41) -> (i32)  : i32 {
        %mul3A_50 = arith.constant 16 : i32
        %mul3A_51 = arith.muli %scan3A_48, %mul3A_50 : i32
        %get3A = arith.index_cast %scan3A_39 : i32 to index
        %get3A_52 = arith.index_cast %mul3A_51 : i32 to index
        %get3A_53 = tpu.vector_load %arg8[%get3A, %get3A_52] {strides = array<i32>} : memref<144x256xf32, #tpu.memory_space<vmem>>, vector<1x16xf32>,
        %get3A_54 = vector.shape_cast %get3A_53 : vector<1x16xf32> to vector<16xf32>
        %get3A_55 = arith.index_cast %scan3A_39 : i32 to index
        %get3A_56 = arith.index_cast %mul3A_51 : i32 to index
        %get3A_57 = tpu.vector_load %arg7[%get3A_55, %get3A_56] {strides = array<i32>} : memref<144x256xf32, #tpu.memory_space<vmem>>, vector<1x16xf32>,
        %get3A_58 = vector.shape_cast %get3A_57 : vector<1x16xf32> to vector<16xf32>
        %sub3A = arith.subf %get3A_54, %get3A_58 : vector<16xf32>
        %swap3A = arith.index_cast %scan3A_39 : i32 to index
        %swap3A_59 = arith.index_cast %mul3A_51 : i32 to index
        %swap3A_60 = tpu.vector_load %arg8[%swap3A, %swap3A_59] {strides = array<i32>} : memref<144x256xf32, #tpu.memory_space<vmem>>, vector<1x16xf32>,
        %swap3A_61 = vector.shape_cast %swap3A_60 : vector<1x16xf32> to vector<16xf32>
        %swap3A_62 = vector.shape_cast %sub3A : vector<16xf32> to vector<1x16xf32>
        tpu.vector_store %arg8[%swap3A, %swap3A_59], %swap3A_62 {strides = array<i32>} : memref<144x256xf32, #tpu.memory_space<vmem>>, vector<1x16xf32>,
        %scan3A_63 = arith.constant 0 : i32
        scf.yield %scan3A_63 : i32
      }
      %scan3A_47 = arith.constant 16 : i32
      scf.yield %scan3A_46 : i32
    }
    %scan3A_38 = arith.constant 144 : i32
    "tpu.region"() ({
      %run_scoped3A = tpu.sem_alloc : memref<!tpu.dma_semaphore, #tpu.memory_space<semaphore_mem>>
      %dma_start3A_39 = arith.constant 0 : i32
      %dma_start3A_40 = tpu.memref_slice %arg5[%mul3A_2, %dma_start3A_39] : memref<4608x256xf32, #tpu.memory_space<hbm>> -> memref<144x256xf32, #tpu.memory_space<hbm>>
      %dma_start3A_41 = arith.constant 0 : i32
      %dma_start3A_42 = tpu.memref_slice %arg5[%mul3A_2, %dma_start3A_41] : memref<4608x256xf32, #tpu.memory_space<hbm>> -> memref<144x256xf32, #tpu.memory_space<hbm>>
      tpu.enqueue_dma source(%arg8 : memref<144x256xf32, #tpu.memory_space<vmem>>) target(%dma_start3A_42 : memref<144x256xf32, #tpu.memory_space<hbm>>) target_semaphore(%run_scoped3A : memref<!tpu.dma_semaphore, #tpu.memory_space<semaphore_mem>>)
      %dma_wait3A_43 = arith.constant 0 : i32
      %dma_wait3A_44 = tpu.memref_slice %arg5[%mul3A_2, %dma_wait3A_43] : memref<4608x256xf32, #tpu.memory_space<hbm>> -> memref<144x256xf32, #tpu.memory_space<hbm>>
      %dma_wait3A_45 = arith.constant 0 : i32
      %dma_wait3A_46 = tpu.memref_slice %arg5[%mul3A_2, %dma_wait3A_45] : memref<4608x256xf32, #tpu.memory_space<hbm>> -> memref<144x256xf32, #tpu.memory_space<hbm>>
      tpu.wait_dma2 semaphore(%run_scoped3A : memref<!tpu.dma_semaphore, #tpu.memory_space<semaphore_mem>>) src(%arg8 : memref<144x256xf32, #tpu.memory_space<vmem>>) dst(%dma_wait3A_46 : memref<144x256xf32, #tpu.memory_space<hbm>>)
      tpu.yield
    }) : () -> ()
    return
  }
}

#map = affine_map<(d0, d1) -> (0, 0)>
#map1 = affine_map<(d0, d1) -> (0)>
module attributes {stable_mosaic.version = 14 : i64} {
  func.func @body(%arg0: i32, %arg1: i32, %arg2: memref<8192x256xf32, #tpu.memory_space<hbm>>, %arg3: memref<4608xi32, #tpu.memory_space<hbm>>, %arg4: memref<4608x256xf32, #tpu.memory_space<hbm>>, %arg5: memref<4608x256xf32, #tpu.memory_space<hbm>>, %arg6: memref<144xi32, #tpu.memory_space<vmem>>, %arg7: memref<144x256xf32, #tpu.memory_space<vmem>>, %arg8: memref<144x256xf32, #tpu.memory_space<vmem>>, %arg9: memref<!tpu.dma_semaphore, #tpu.memory_space<semaphore_mem>>) attributes {dimension_semantics = [#tpu.dimension_semantics<core_parallel>, #tpu.dimension_semantics<subcore_parallel>], iteration_bounds = array<i64: 2, 16>, scalar_prefetch = 0 : i64, scratch_operands = 4 : i64, tpu.core_type = #tpu.core_type<sc_vector_subcore>, window_params = [{transform_indices = #map}, {transform_indices = #map1}, {transform_indices = #map}, {transform_indices = #map}]} {
    %mul3A = arith.constant 2 : i32
    %mul3A_0 = arith.muli %arg1, %mul3A : i32
    %add3A = arith.addi %mul3A_0, %arg0 : i32
    %mul3A_1 = arith.constant 144 : i32
    %mul3A_2 = arith.muli %add3A, %mul3A_1 : i32
    "tpu.region"() ({
      %run_scoped3A = tpu.sem_alloc : memref<!tpu.dma_semaphore, #tpu.memory_space<semaphore_mem>>
      %dma_start3A_39 = tpu.memref_slice %arg3[%mul3A_2] : memref<4608xi32, #tpu.memory_space<hbm>> -> memref<144xi32, #tpu.memory_space<hbm>>
      %dma_start3A_40 = tpu.memref_slice %arg3[%mul3A_2] : memref<4608xi32, #tpu.memory_space<hbm>> -> memref<144xi32, #tpu.memory_space<hbm>>
      tpu.enqueue_dma source(%dma_start3A_40 : memref<144xi32, #tpu.memory_space<hbm>>) target(%arg6 : memref<144xi32, #tpu.memory_space<vmem>>) target_semaphore(%run_scoped3A : memref<!tpu.dma_semaphore, #tpu.memory_space<semaphore_mem>>)
      %dma_wait3A_41 = tpu.memref_slice %arg3[%mul3A_2] : memref<4608xi32, #tpu.memory_space<hbm>> -> memref<144xi32, #tpu.memory_space<hbm>>
      %dma_wait3A_42 = tpu.memref_slice %arg3[%mul3A_2] : memref<4608xi32, #tpu.memory_space<hbm>> -> memref<144xi32, #tpu.memory_space<hbm>>
      tpu.wait_dma2 semaphore(%run_scoped3A : memref<!tpu.dma_semaphore, #tpu.memory_space<semaphore_mem>>) src(%dma_wait3A_42 : memref<144xi32, #tpu.memory_space<hbm>>) dst(%arg6 : memref<144xi32, #tpu.memory_space<vmem>>)
      tpu.yield
    }) : () -> ()
    %dma_start3A = arith.constant 0 : i32
    %dma_start3A_3 = arith.constant 0 : i32
    %dma_start3A_4 = tpu.memref_slice %arg7[%dma_start3A, %dma_start3A_3] : memref<144x256xf32, #tpu.memory_space<vmem>> -> memref<72x256xf32, #tpu.memory_space<vmem>>
    %dma_start3A_5 = arith.constant 0 : i32
    %dma_start3A_6 = tpu.memref_slice %arg6[%dma_start3A_5] : memref<144xi32, #tpu.memory_space<vmem>> -> memref<72xi32, #tpu.memory_space<vmem>>
    %dma_start3A_7 = arith.constant 0 : i32
    %dma_start3A_8 = arith.constant 0 : i32
    %dma_start3A_9 = tpu.memref_slice %arg2[%dma_start3A_7, %dma_start3A_8] : memref<8192x256xf32, #tpu.memory_space<hbm>> -> memref<8192x256xf32, #tpu.memory_space<hbm>>
    tpu.enqueue_indirect_dma source(%dma_start3A_9 : memref<8192x256xf32, #tpu.memory_space<hbm>>) target(%dma_start3A_4 : memref<72x256xf32, #tpu.memory_space<vmem>>) offsets(%dma_start3A_6 : memref<72xi32, #tpu.memory_space<vmem>>) semaphore(%arg9 : memref<!tpu.dma_semaphore, #tpu.memory_space<semaphore_mem>>)
    %dma_wait3A = arith.constant 0 : i32
    %dma_wait3A_10 = arith.constant 0 : i32
    %dma_wait3A_11 = tpu.memref_slice %arg7[%dma_wait3A, %dma_wait3A_10] : memref<144x256xf32, #tpu.memory_space<vmem>> -> memref<72x256xf32, #tpu.memory_space<vmem>>
    %dma_wait3A_12 = arith.constant 0 : i32
    %dma_wait3A_13 = tpu.memref_slice %arg6[%dma_wait3A_12] : memref<144xi32, #tpu.memory_space<vmem>> -> memref<72xi32, #tpu.memory_space<vmem>>
    %dma_wait3A_14 = arith.constant 0 : i32
    %dma_wait3A_15 = arith.constant 0 : i32
    %dma_wait3A_16 = tpu.memref_slice %arg2[%dma_wait3A_14, %dma_wait3A_15] : memref<8192x256xf32, #tpu.memory_space<hbm>> -> memref<8192x256xf32, #tpu.memory_space<hbm>>
    tpu.wait_indirect_dma semaphore(%arg9 : memref<!tpu.dma_semaphore, #tpu.memory_space<semaphore_mem>>) src(%dma_wait3A_16 : memref<8192x256xf32, #tpu.memory_space<hbm>>) dst(%dma_wait3A_11 : memref<72x256xf32, #tpu.memory_space<vmem>>)
    %dma_start3A_17 = arith.constant 72 : i32
    %dma_start3A_18 = arith.constant 0 : i32
    %dma_start3A_19 = tpu.memref_slice %arg7[%dma_start3A_17, %dma_start3A_18] : memref<144x256xf32, #tpu.memory_space<vmem>> -> memref<72x256xf32, #tpu.memory_space<vmem>>
    %dma_start3A_20 = arith.constant 72 : i32
    %dma_start3A_21 = tpu.memref_slice %arg6[%dma_start3A_20] : memref<144xi32, #tpu.memory_space<vmem>> -> memref<72xi32, #tpu.memory_space<vmem>>
    %dma_start3A_22 = arith.constant 0 : i32
    %dma_start3A_23 = arith.constant 0 : i32
    %dma_start3A_24 = tpu.memref_slice %arg2[%dma_start3A_22, %dma_start3A_23] : memref<8192x256xf32, #tpu.memory_space<hbm>> -> memref<8192x256xf32, #tpu.memory_space<hbm>>
    tpu.enqueue_indirect_dma source(%dma_start3A_24 : memref<8192x256xf32, #tpu.memory_space<hbm>>) target(%dma_start3A_19 : memref<72x256xf32, #tpu.memory_space<vmem>>) offsets(%dma_start3A_21 : memref<72xi32, #tpu.memory_space<vmem>>) semaphore(%arg9 : memref<!tpu.dma_semaphore, #tpu.memory_space<semaphore_mem>>)
    %dma_wait3A_25 = arith.constant 72 : i32
    %dma_wait3A_26 = arith.constant 0 : i32
    %dma_wait3A_27 = tpu.memref_slice %arg7[%dma_wait3A_25, %dma_wait3A_26] : memref<144x256xf32, #tpu.memory_space<vmem>> -> memref<72x256xf32, #tpu.memory_space<vmem>>
    %dma_wait3A_28 = arith.constant 72 : i32
    %dma_wait3A_29 = tpu.memref_slice %arg6[%dma_wait3A_28] : memref<144xi32, #tpu.memory_space<vmem>> -> memref<72xi32, #tpu.memory_space<vmem>>
    %dma_wait3A_30 = arith.constant 0 : i32
    %dma_wait3A_31 = arith.constant 0 : i32
    %dma_wait3A_32 = tpu.memref_slice %arg2[%dma_wait3A_30, %dma_wait3A_31] : memref<8192x256xf32, #tpu.memory_space<hbm>> -> memref<8192x256xf32, #tpu.memory_space<hbm>>
    tpu.wait_indirect_dma semaphore(%arg9 : memref<!tpu.dma_semaphore, #tpu.memory_space<semaphore_mem>>) src(%dma_wait3A_32 : memref<8192x256xf32, #tpu.memory_space<hbm>>) dst(%dma_wait3A_27 : memref<72x256xf32, #tpu.memory_space<vmem>>)
    "tpu.region"() ({
      %run_scoped3A = tpu.sem_alloc : memref<!tpu.dma_semaphore, #tpu.memory_space<semaphore_mem>>
      %dma_start3A_39 = arith.constant 0 : i32
      %dma_start3A_40 = tpu.memref_slice %arg4[%mul3A_2, %dma_start3A_39] : memref<4608x256xf32, #tpu.memory_space<hbm>> -> memref<144x256xf32, #tpu.memory_space<hbm>>
      %dma_start3A_41 = arith.constant 0 : i32
      %dma_start3A_42 = tpu.memref_slice %arg4[%mul3A_2, %dma_start3A_41] : memref<4608x256xf32, #tpu.memory_space<hbm>> -> memref<144x256xf32, #tpu.memory_space<hbm>>
      tpu.enqueue_dma source(%dma_start3A_42 : memref<144x256xf32, #tpu.memory_space<hbm>>) target(%arg8 : memref<144x256xf32, #tpu.memory_space<vmem>>) target_semaphore(%run_scoped3A : memref<!tpu.dma_semaphore, #tpu.memory_space<semaphore_mem>>)
      %dma_wait3A_43 = arith.constant 0 : i32
      %dma_wait3A_44 = tpu.memref_slice %arg4[%mul3A_2, %dma_wait3A_43] : memref<4608x256xf32, #tpu.memory_space<hbm>> -> memref<144x256xf32, #tpu.memory_space<hbm>>
      %dma_wait3A_45 = arith.constant 0 : i32
      %dma_wait3A_46 = tpu.memref_slice %arg4[%mul3A_2, %dma_wait3A_45] : memref<4608x256xf32, #tpu.memory_space<hbm>> -> memref<144x256xf32, #tpu.memory_space<hbm>>
      tpu.wait_dma2 semaphore(%run_scoped3A : memref<!tpu.dma_semaphore, #tpu.memory_space<semaphore_mem>>) src(%dma_wait3A_46 : memref<144x256xf32, #tpu.memory_space<hbm>>) dst(%arg8 : memref<144x256xf32, #tpu.memory_space<vmem>>)
      tpu.yield
    }) : () -> ()
    %scan3A = arith.constant 0 : i32
    %scan3A_33 = arith.constant 0 : i32
    %scan3A_34 = arith.constant 144 : i32
    %scan3A_35 = arith.addi %scan3A_33, %scan3A_34 : i32
    %scan3A_36 = arith.constant 1 : i32
    %scan3A_37 = scf.for %scan3A_39 = %scan3A_33 to %scan3A_35 step %scan3A_36 iter_args(%scan3A_40 = %scan3A) -> (i32)  : i32 {
      %scan3A_41 = arith.constant 0 : i32
      %scan3A_42 = arith.constant 0 : i32
      %scan3A_43 = arith.constant 16 : i32
      %scan3A_44 = arith.addi %scan3A_42, %scan3A_43 : i32
      %scan3A_45 = arith.constant 1 : i32
      %scan3A_46 = scf.for %scan3A_48 = %scan3A_42 to %scan3A_44 step %scan3A_45 iter_args(%scan3A_49 = %scan3A_41) -> (i32)  : i32 {
        %mul3A_50 = arith.constant 16 : i32
        %mul3A_51 = arith.muli %scan3A_48, %mul3A_50 : i32
        %get3A = arith.index_cast %scan3A_39 : i32 to index
        %get3A_52 = arith.index_cast %mul3A_51 : i32 to index
        %get3A_53 = tpu.vector_load %arg8[%get3A, %get3A_52] {strides = array<i32>} : memref<144x256xf32, #tpu.memory_space<vmem>>, vector<1x16xf32>,
        %get3A_54 = vector.shape_cast %get3A_53 : vector<1x16xf32> to vector<16xf32>
        %get3A_55 = arith.index_cast %scan3A_39 : i32 to index
        %get3A_56 = arith.index_cast %mul3A_51 : i32 to index
        %get3A_57 = tpu.vector_load %arg7[%get3A_55, %get3A_56] {strides = array<i32>} : memref<144x256xf32, #tpu.memory_space<vmem>>, vector<1x16xf32>,
        %get3A_58 = vector.shape_cast %get3A_57 : vector<1x16xf32> to vector<16xf32>
        %sub3A = arith.subf %get3A_54, %get3A_58 : vector<16xf32>
        %swap3A = arith.index_cast %scan3A_39 : i32 to index
        %swap3A_59 = arith.index_cast %mul3A_51 : i32 to index
        %swap3A_60 = tpu.vector_load %arg8[%swap3A, %swap3A_59] {strides = array<i32>} : memref<144x256xf32, #tpu.memory_space<vmem>>, vector<1x16xf32>,
        %swap3A_61 = vector.shape_cast %swap3A_60 : vector<1x16xf32> to vector<16xf32>
        %swap3A_62 = vector.shape_cast %sub3A : vector<16xf32> to vector<1x16xf32>
        tpu.vector_store %arg8[%swap3A, %swap3A_59], %swap3A_62 {strides = array<i32>} : memref<144x256xf32, #tpu.memory_space<vmem>>, vector<1x16xf32>,
        %scan3A_63 = arith.constant 0 : i32
        scf.yield %scan3A_63 : i32
      }
      %scan3A_47 = arith.constant 16 : i32
      scf.yield %scan3A_46 : i32
    }
    %scan3A_38 = arith.constant 144 : i32
    "tpu.region"() ({
      %run_scoped3A = tpu.sem_alloc : memref<!tpu.dma_semaphore, #tpu.memory_space<semaphore_mem>>
      %dma_start3A_39 = arith.constant 0 : i32
      %dma_start3A_40 = tpu.memref_slice %arg5[%mul3A_2, %dma_start3A_39] : memref<4608x256xf32, #tpu.memory_space<hbm>> -> memref<144x256xf32, #tpu.memory_space<hbm>>
      %dma_start3A_41 = arith.constant 0 : i32
      %dma_start3A_42 = tpu.memref_slice %arg5[%mul3A_2, %dma_start3A_41] : memref<4608x256xf32, #tpu.memory_space<hbm>> -> memref<144x256xf32, #tpu.memory_space<hbm>>
      tpu.enqueue_dma source(%arg8 : memref<144x256xf32, #tpu.memory_space<vmem>>) target(%dma_start3A_42 : memref<144x256xf32, #tpu.memory_space<hbm>>) target_semaphore(%run_scoped3A : memref<!tpu.dma_semaphore, #tpu.memory_space<semaphore_mem>>)
      %dma_wait3A_43 = arith.constant 0 : i32
      %dma_wait3A_44 = tpu.memref_slice %arg5[%mul3A_2, %dma_wait3A_43] : memref<4608x256xf32, #tpu.memory_space<hbm>> -> memref<144x256xf32, #tpu.memory_space<hbm>>
      %dma_wait3A_45 = arith.constant 0 : i32
      %dma_wait3A_46 = tpu.memref_slice %arg5[%mul3A_2, %dma_wait3A_45] : memref<4608x256xf32, #tpu.memory_space<hbm>> -> memref<144x256xf32, #tpu.memory_space<hbm>>
      tpu.wait_dma2 semaphore(%run_scoped3A : memref<!tpu.dma_semaphore, #tpu.memory_space<semaphore_mem>>) src(%arg8 : memref<144x256xf32, #tpu.memory_space<vmem>>) dst(%dma_wait3A_46 : memref<144x256xf32, #tpu.memory_space<hbm>>)
      tpu.yield
    }) : () -> ()
    return
  }
}

#map = affine_map<(d0, d1) -> (0, 0)>
#map1 = affine_map<(d0, d1) -> (0)>
module attributes {stable_mosaic.version = 14 : i64} {
  func.func @body(%arg0: i32, %arg1: i32, %arg2: memref<8192x256xf32, #tpu.memory_space<hbm>>, %arg3: memref<4608xi32, #tpu.memory_space<hbm>>, %arg4: memref<4608x256xf32, #tpu.memory_space<hbm>>, %arg5: memref<4608x256xf32, #tpu.memory_space<hbm>>, %arg6: memref<144xi32, #tpu.memory_space<vmem>>, %arg7: memref<144x256xf32, #tpu.memory_space<vmem>>, %arg8: memref<144x256xf32, #tpu.memory_space<vmem>>, %arg9: memref<!tpu.dma_semaphore, #tpu.memory_space<semaphore_mem>>) attributes {dimension_semantics = [#tpu.dimension_semantics<core_parallel>, #tpu.dimension_semantics<subcore_parallel>], iteration_bounds = array<i64: 2, 16>, scalar_prefetch = 0 : i64, scratch_operands = 4 : i64, tpu.core_type = #tpu.core_type<sc_vector_subcore>, window_params = [{transform_indices = #map}, {transform_indices = #map1}, {transform_indices = #map}, {transform_indices = #map}]} {
    %mul3A = arith.constant 2 : i32
    %mul3A_0 = arith.muli %arg1, %mul3A : i32
    %add3A = arith.addi %mul3A_0, %arg0 : i32
    %mul3A_1 = arith.constant 144 : i32
    %mul3A_2 = arith.muli %add3A, %mul3A_1 : i32
    "tpu.region"() ({
      %run_scoped3A = tpu.sem_alloc : memref<!tpu.dma_semaphore, #tpu.memory_space<semaphore_mem>>
      %dma_start3A_39 = tpu.memref_slice %arg3[%mul3A_2] : memref<4608xi32, #tpu.memory_space<hbm>> -> memref<144xi32, #tpu.memory_space<hbm>>
      %dma_start3A_40 = tpu.memref_slice %arg3[%mul3A_2] : memref<4608xi32, #tpu.memory_space<hbm>> -> memref<144xi32, #tpu.memory_space<hbm>>
      tpu.enqueue_dma source(%dma_start3A_40 : memref<144xi32, #tpu.memory_space<hbm>>) target(%arg6 : memref<144xi32, #tpu.memory_space<vmem>>) target_semaphore(%run_scoped3A : memref<!tpu.dma_semaphore, #tpu.memory_space<semaphore_mem>>)
      %dma_wait3A_41 = tpu.memref_slice %arg3[%mul3A_2] : memref<4608xi32, #tpu.memory_space<hbm>> -> memref<144xi32, #tpu.memory_space<hbm>>
      %dma_wait3A_42 = tpu.memref_slice %arg3[%mul3A_2] : memref<4608xi32, #tpu.memory_space<hbm>> -> memref<144xi32, #tpu.memory_space<hbm>>
      tpu.wait_dma2 semaphore(%run_scoped3A : memref<!tpu.dma_semaphore, #tpu.memory_space<semaphore_mem>>) src(%dma_wait3A_42 : memref<144xi32, #tpu.memory_space<hbm>>) dst(%arg6 : memref<144xi32, #tpu.memory_space<vmem>>)
      tpu.yield
    }) : () -> ()
    %dma_start3A = arith.constant 0 : i32
    %dma_start3A_3 = arith.constant 0 : i32
    %dma_start3A_4 = tpu.memref_slice %arg7[%dma_start3A, %dma_start3A_3] : memref<144x256xf32, #tpu.memory_space<vmem>> -> memref<72x256xf32, #tpu.memory_space<vmem>>
    %dma_start3A_5 = arith.constant 0 : i32
    %dma_start3A_6 = tpu.memref_slice %arg6[%dma_start3A_5] : memref<144xi32, #tpu.memory_space<vmem>> -> memref<72xi32, #tpu.memory_space<vmem>>
    %dma_start3A_7 = arith.constant 0 : i32
    %dma_start3A_8 = arith.constant 0 : i32
    %dma_start3A_9 = tpu.memref_slice %arg2[%dma_start3A_7, %dma_start3A_8] : memref<8192x256xf32, #tpu.memory_space<hbm>> -> memref<8192x256xf32, #tpu.memory_space<hbm>>
    tpu.enqueue_indirect_dma source(%dma_start3A_9 : memref<8192x256xf32, #tpu.memory_space<hbm>>) target(%dma_start3A_4 : memref<72x256xf32, #tpu.memory_space<vmem>>) offsets(%dma_start3A_6 : memref<72xi32, #tpu.memory_space<vmem>>) semaphore(%arg9 : memref<!tpu.dma_semaphore, #tpu.memory_space<semaphore_mem>>)
    %dma_wait3A = arith.constant 0 : i32
    %dma_wait3A_10 = arith.constant 0 : i32
    %dma_wait3A_11 = tpu.memref_slice %arg7[%dma_wait3A, %dma_wait3A_10] : memref<144x256xf32, #tpu.memory_space<vmem>> -> memref<72x256xf32, #tpu.memory_space<vmem>>
    %dma_wait3A_12 = arith.constant 0 : i32
    %dma_wait3A_13 = tpu.memref_slice %arg6[%dma_wait3A_12] : memref<144xi32, #tpu.memory_space<vmem>> -> memref<72xi32, #tpu.memory_space<vmem>>
    %dma_wait3A_14 = arith.constant 0 : i32
    %dma_wait3A_15 = arith.constant 0 : i32
    %dma_wait3A_16 = tpu.memref_slice %arg2[%dma_wait3A_14, %dma_wait3A_15] : memref<8192x256xf32, #tpu.memory_space<hbm>> -> memref<8192x256xf32, #tpu.memory_space<hbm>>
    tpu.wait_indirect_dma semaphore(%arg9 : memref<!tpu.dma_semaphore, #tpu.memory_space<semaphore_mem>>) src(%dma_wait3A_16 : memref<8192x256xf32, #tpu.memory_space<hbm>>) dst(%dma_wait3A_11 : memref<72x256xf32, #tpu.memory_space<vmem>>)
    %dma_start3A_17 = arith.constant 72 : i32
    %dma_start3A_18 = arith.constant 0 : i32
    %dma_start3A_19 = tpu.memref_slice %arg7[%dma_start3A_17, %dma_start3A_18] : memref<144x256xf32, #tpu.memory_space<vmem>> -> memref<72x256xf32, #tpu.memory_space<vmem>>
    %dma_start3A_20 = arith.constant 72 : i32
    %dma_start3A_21 = tpu.memref_slice %arg6[%dma_start3A_20] : memref<144xi32, #tpu.memory_space<vmem>> -> memref<72xi32, #tpu.memory_space<vmem>>
    %dma_start3A_22 = arith.constant 0 : i32
    %dma_start3A_23 = arith.constant 0 : i32
    %dma_start3A_24 = tpu.memref_slice %arg2[%dma_start3A_22, %dma_start3A_23] : memref<8192x256xf32, #tpu.memory_space<hbm>> -> memref<8192x256xf32, #tpu.memory_space<hbm>>
    tpu.enqueue_indirect_dma source(%dma_start3A_24 : memref<8192x256xf32, #tpu.memory_space<hbm>>) target(%dma_start3A_19 : memref<72x256xf32, #tpu.memory_space<vmem>>) offsets(%dma_start3A_21 : memref<72xi32, #tpu.memory_space<vmem>>) semaphore(%arg9 : memref<!tpu.dma_semaphore, #tpu.memory_space<semaphore_mem>>)
    %dma_wait3A_25 = arith.constant 72 : i32
    %dma_wait3A_26 = arith.constant 0 : i32
    %dma_wait3A_27 = tpu.memref_slice %arg7[%dma_wait3A_25, %dma_wait3A_26] : memref<144x256xf32, #tpu.memory_space<vmem>> -> memref<72x256xf32, #tpu.memory_space<vmem>>
    %dma_wait3A_28 = arith.constant 72 : i32
    %dma_wait3A_29 = tpu.memref_slice %arg6[%dma_wait3A_28] : memref<144xi32, #tpu.memory_space<vmem>> -> memref<72xi32, #tpu.memory_space<vmem>>
    %dma_wait3A_30 = arith.constant 0 : i32
    %dma_wait3A_31 = arith.constant 0 : i32
    %dma_wait3A_32 = tpu.memref_slice %arg2[%dma_wait3A_30, %dma_wait3A_31] : memref<8192x256xf32, #tpu.memory_space<hbm>> -> memref<8192x256xf32, #tpu.memory_space<hbm>>
    tpu.wait_indirect_dma semaphore(%arg9 : memref<!tpu.dma_semaphore, #tpu.memory_space<semaphore_mem>>) src(%dma_wait3A_32 : memref<8192x256xf32, #tpu.memory_space<hbm>>) dst(%dma_wait3A_27 : memref<72x256xf32, #tpu.memory_space<vmem>>)
    "tpu.region"() ({
      %run_scoped3A = tpu.sem_alloc : memref<!tpu.dma_semaphore, #tpu.memory_space<semaphore_mem>>
      %dma_start3A_39 = arith.constant 0 : i32
      %dma_start3A_40 = tpu.memref_slice %arg4[%mul3A_2, %dma_start3A_39] : memref<4608x256xf32, #tpu.memory_space<hbm>> -> memref<144x256xf32, #tpu.memory_space<hbm>>
      %dma_start3A_41 = arith.constant 0 : i32
      %dma_start3A_42 = tpu.memref_slice %arg4[%mul3A_2, %dma_start3A_41] : memref<4608x256xf32, #tpu.memory_space<hbm>> -> memref<144x256xf32, #tpu.memory_space<hbm>>
      tpu.enqueue_dma source(%dma_start3A_42 : memref<144x256xf32, #tpu.memory_space<hbm>>) target(%arg8 : memref<144x256xf32, #tpu.memory_space<vmem>>) target_semaphore(%run_scoped3A : memref<!tpu.dma_semaphore, #tpu.memory_space<semaphore_mem>>)
      %dma_wait3A_43 = arith.constant 0 : i32
      %dma_wait3A_44 = tpu.memref_slice %arg4[%mul3A_2, %dma_wait3A_43] : memref<4608x256xf32, #tpu.memory_space<hbm>> -> memref<144x256xf32, #tpu.memory_space<hbm>>
      %dma_wait3A_45 = arith.constant 0 : i32
      %dma_wait3A_46 = tpu.memref_slice %arg4[%mul3A_2, %dma_wait3A_45] : memref<4608x256xf32, #tpu.memory_space<hbm>> -> memref<144x256xf32, #tpu.memory_space<hbm>>
      tpu.wait_dma2 semaphore(%run_scoped3A : memref<!tpu.dma_semaphore, #tpu.memory_space<semaphore_mem>>) src(%dma_wait3A_46 : memref<144x256xf32, #tpu.memory_space<hbm>>) dst(%arg8 : memref<144x256xf32, #tpu.memory_space<vmem>>)
      tpu.yield
    }) : () -> ()
    %scan3A = arith.constant 0 : i32
    %scan3A_33 = arith.constant 0 : i32
    %scan3A_34 = arith.constant 144 : i32
    %scan3A_35 = arith.addi %scan3A_33, %scan3A_34 : i32
    %scan3A_36 = arith.constant 1 : i32
    %scan3A_37 = scf.for %scan3A_39 = %scan3A_33 to %scan3A_35 step %scan3A_36 iter_args(%scan3A_40 = %scan3A) -> (i32)  : i32 {
      %scan3A_41 = arith.constant 0 : i32
      %scan3A_42 = arith.constant 0 : i32
      %scan3A_43 = arith.constant 16 : i32
      %scan3A_44 = arith.addi %scan3A_42, %scan3A_43 : i32
      %scan3A_45 = arith.constant 1 : i32
      %scan3A_46 = scf.for %scan3A_48 = %scan3A_42 to %scan3A_44 step %scan3A_45 iter_args(%scan3A_49 = %scan3A_41) -> (i32)  : i32 {
        %mul3A_50 = arith.constant 16 : i32
        %mul3A_51 = arith.muli %scan3A_48, %mul3A_50 : i32
        %get3A = arith.index_cast %scan3A_39 : i32 to index
        %get3A_52 = arith.index_cast %mul3A_51 : i32 to index
        %get3A_53 = tpu.vector_load %arg8[%get3A, %get3A_52] {strides = array<i32>} : memref<144x256xf32, #tpu.memory_space<vmem>>, vector<1x16xf32>,
        %get3A_54 = vector.shape_cast %get3A_53 : vector<1x16xf32> to vector<16xf32>
        %get3A_55 = arith.index_cast %scan3A_39 : i32 to index
        %get3A_56 = arith.index_cast %mul3A_51 : i32 to index
        %get3A_57 = tpu.vector_load %arg7[%get3A_55, %get3A_56] {strides = array<i32>} : memref<144x256xf32, #tpu.memory_space<vmem>>, vector<1x16xf32>,
        %get3A_58 = vector.shape_cast %get3A_57 : vector<1x16xf32> to vector<16xf32>
        %sub3A = arith.subf %get3A_54, %get3A_58 : vector<16xf32>
        %swap3A = arith.index_cast %scan3A_39 : i32 to index
        %swap3A_59 = arith.index_cast %mul3A_51 : i32 to index
        %swap3A_60 = tpu.vector_load %arg8[%swap3A, %swap3A_59] {strides = array<i32>} : memref<144x256xf32, #tpu.memory_space<vmem>>, vector<1x16xf32>,
        %swap3A_61 = vector.shape_cast %swap3A_60 : vector<1x16xf32> to vector<16xf32>
        %swap3A_62 = vector.shape_cast %sub3A : vector<16xf32> to vector<1x16xf32>
        tpu.vector_store %arg8[%swap3A, %swap3A_59], %swap3A_62 {strides = array<i32>} : memref<144x256xf32, #tpu.memory_space<vmem>>, vector<1x16xf32>,
        %scan3A_63 = arith.constant 0 : i32
        scf.yield %scan3A_63 : i32
      }
      %scan3A_47 = arith.constant 16 : i32
      scf.yield %scan3A_46 : i32
    }
    %scan3A_38 = arith.constant 144 : i32
    "tpu.region"() ({
      %run_scoped3A = tpu.sem_alloc : memref<!tpu.dma_semaphore, #tpu.memory_space<semaphore_mem>>
      %dma_start3A_39 = arith.constant 0 : i32
      %dma_start3A_40 = tpu.memref_slice %arg5[%mul3A_2, %dma_start3A_39] : memref<4608x256xf32, #tpu.memory_space<hbm>> -> memref<144x256xf32, #tpu.memory_space<hbm>>
      %dma_start3A_41 = arith.constant 0 : i32
      %dma_start3A_42 = tpu.memref_slice %arg5[%mul3A_2, %dma_start3A_41] : memref<4608x256xf32, #tpu.memory_space<hbm>> -> memref<144x256xf32, #tpu.memory_space<hbm>>
      tpu.enqueue_dma source(%arg8 : memref<144x256xf32, #tpu.memory_space<vmem>>) target(%dma_start3A_42 : memref<144x256xf32, #tpu.memory_space<hbm>>) target_semaphore(%run_scoped3A : memref<!tpu.dma_semaphore, #tpu.memory_space<semaphore_mem>>)
      %dma_wait3A_43 = arith.constant 0 : i32
      %dma_wait3A_44 = tpu.memref_slice %arg5[%mul3A_2, %dma_wait3A_43] : memref<4608x256xf32, #tpu.memory_space<hbm>> -> memref<144x256xf32, #tpu.memory_space<hbm>>
      %dma_wait3A_45 = arith.constant 0 : i32
      %dma_wait3A_46 = tpu.memref_slice %arg5[%mul3A_2, %dma_wait3A_45] : memref<4608x256xf32, #tpu.memory_space<hbm>> -> memref<144x256xf32, #tpu.memory_space<hbm>>
      tpu.wait_dma2 semaphore(%run_scoped3A : memref<!tpu.dma_semaphore, #tpu.memory_space<semaphore_mem>>) src(%arg8 : memref<144x256xf32, #tpu.memory_space<vmem>>) dst(%dma_wait3A_46 : memref<144x256xf32, #tpu.memory_space<hbm>>)
      tpu.yield
    }) : () -> ()
    return
  }
}

#map = affine_map<(d0, d1) -> (0, 0)>
#map1 = affine_map<(d0, d1) -> (0)>
module attributes {stable_mosaic.version = 14 : i64} {
  func.func @body(%arg0: i32, %arg1: i32, %arg2: memref<8192x256xf32, #tpu.memory_space<hbm>>, %arg3: memref<4608xi32, #tpu.memory_space<hbm>>, %arg4: memref<4608x256xf32, #tpu.memory_space<hbm>>, %arg5: memref<4608x256xf32, #tpu.memory_space<hbm>>, %arg6: memref<144xi32, #tpu.memory_space<vmem>>, %arg7: memref<144x256xf32, #tpu.memory_space<vmem>>, %arg8: memref<144x256xf32, #tpu.memory_space<vmem>>, %arg9: memref<!tpu.dma_semaphore, #tpu.memory_space<semaphore_mem>>) attributes {dimension_semantics = [#tpu.dimension_semantics<core_parallel>, #tpu.dimension_semantics<subcore_parallel>], iteration_bounds = array<i64: 2, 16>, scalar_prefetch = 0 : i64, scratch_operands = 4 : i64, tpu.core_type = #tpu.core_type<sc_vector_subcore>, window_params = [{transform_indices = #map}, {transform_indices = #map1}, {transform_indices = #map}, {transform_indices = #map}]} {
    %mul3A = arith.constant 2 : i32
    %mul3A_0 = arith.muli %arg1, %mul3A : i32
    %add3A = arith.addi %mul3A_0, %arg0 : i32
    %mul3A_1 = arith.constant 144 : i32
    %mul3A_2 = arith.muli %add3A, %mul3A_1 : i32
    "tpu.region"() ({
      %run_scoped3A = tpu.sem_alloc : memref<!tpu.dma_semaphore, #tpu.memory_space<semaphore_mem>>
      %dma_start3A_39 = tpu.memref_slice %arg3[%mul3A_2] : memref<4608xi32, #tpu.memory_space<hbm>> -> memref<144xi32, #tpu.memory_space<hbm>>
      %dma_start3A_40 = tpu.memref_slice %arg3[%mul3A_2] : memref<4608xi32, #tpu.memory_space<hbm>> -> memref<144xi32, #tpu.memory_space<hbm>>
      tpu.enqueue_dma source(%dma_start3A_40 : memref<144xi32, #tpu.memory_space<hbm>>) target(%arg6 : memref<144xi32, #tpu.memory_space<vmem>>) target_semaphore(%run_scoped3A : memref<!tpu.dma_semaphore, #tpu.memory_space<semaphore_mem>>)
      %dma_wait3A_41 = tpu.memref_slice %arg3[%mul3A_2] : memref<4608xi32, #tpu.memory_space<hbm>> -> memref<144xi32, #tpu.memory_space<hbm>>
      %dma_wait3A_42 = tpu.memref_slice %arg3[%mul3A_2] : memref<4608xi32, #tpu.memory_space<hbm>> -> memref<144xi32, #tpu.memory_space<hbm>>
      tpu.wait_dma2 semaphore(%run_scoped3A : memref<!tpu.dma_semaphore, #tpu.memory_space<semaphore_mem>>) src(%dma_wait3A_42 : memref<144xi32, #tpu.memory_space<hbm>>) dst(%arg6 : memref<144xi32, #tpu.memory_space<vmem>>)
      tpu.yield
    }) : () -> ()
    %dma_start3A = arith.constant 0 : i32
    %dma_start3A_3 = arith.constant 0 : i32
    %dma_start3A_4 = tpu.memref_slice %arg7[%dma_start3A, %dma_start3A_3] : memref<144x256xf32, #tpu.memory_space<vmem>> -> memref<72x256xf32, #tpu.memory_space<vmem>>
    %dma_start3A_5 = arith.constant 0 : i32
    %dma_start3A_6 = tpu.memref_slice %arg6[%dma_start3A_5] : memref<144xi32, #tpu.memory_space<vmem>> -> memref<72xi32, #tpu.memory_space<vmem>>
    %dma_start3A_7 = arith.constant 0 : i32
    %dma_start3A_8 = arith.constant 0 : i32
    %dma_start3A_9 = tpu.memref_slice %arg2[%dma_start3A_7, %dma_start3A_8] : memref<8192x256xf32, #tpu.memory_space<hbm>> -> memref<8192x256xf32, #tpu.memory_space<hbm>>
    tpu.enqueue_indirect_dma source(%dma_start3A_9 : memref<8192x256xf32, #tpu.memory_space<hbm>>) target(%dma_start3A_4 : memref<72x256xf32, #tpu.memory_space<vmem>>) offsets(%dma_start3A_6 : memref<72xi32, #tpu.memory_space<vmem>>) semaphore(%arg9 : memref<!tpu.dma_semaphore, #tpu.memory_space<semaphore_mem>>)
    %dma_wait3A = arith.constant 0 : i32
    %dma_wait3A_10 = arith.constant 0 : i32
    %dma_wait3A_11 = tpu.memref_slice %arg7[%dma_wait3A, %dma_wait3A_10] : memref<144x256xf32, #tpu.memory_space<vmem>> -> memref<72x256xf32, #tpu.memory_space<vmem>>
    %dma_wait3A_12 = arith.constant 0 : i32
    %dma_wait3A_13 = tpu.memref_slice %arg6[%dma_wait3A_12] : memref<144xi32, #tpu.memory_space<vmem>> -> memref<72xi32, #tpu.memory_space<vmem>>
    %dma_wait3A_14 = arith.constant 0 : i32
    %dma_wait3A_15 = arith.constant 0 : i32
    %dma_wait3A_16 = tpu.memref_slice %arg2[%dma_wait3A_14, %dma_wait3A_15] : memref<8192x256xf32, #tpu.memory_space<hbm>> -> memref<8192x256xf32, #tpu.memory_space<hbm>>
    tpu.wait_indirect_dma semaphore(%arg9 : memref<!tpu.dma_semaphore, #tpu.memory_space<semaphore_mem>>) src(%dma_wait3A_16 : memref<8192x256xf32, #tpu.memory_space<hbm>>) dst(%dma_wait3A_11 : memref<72x256xf32, #tpu.memory_space<vmem>>)
    %dma_start3A_17 = arith.constant 72 : i32
    %dma_start3A_18 = arith.constant 0 : i32
    %dma_start3A_19 = tpu.memref_slice %arg7[%dma_start3A_17, %dma_start3A_18] : memref<144x256xf32, #tpu.memory_space<vmem>> -> memref<72x256xf32, #tpu.memory_space<vmem>>
    %dma_start3A_20 = arith.constant 72 : i32
    %dma_start3A_21 = tpu.memref_slice %arg6[%dma_start3A_20] : memref<144xi32, #tpu.memory_space<vmem>> -> memref<72xi32, #tpu.memory_space<vmem>>
    %dma_start3A_22 = arith.constant 0 : i32
    %dma_start3A_23 = arith.constant 0 : i32
    %dma_start3A_24 = tpu.memref_slice %arg2[%dma_start3A_22, %dma_start3A_23] : memref<8192x256xf32, #tpu.memory_space<hbm>> -> memref<8192x256xf32, #tpu.memory_space<hbm>>
    tpu.enqueue_indirect_dma source(%dma_start3A_24 : memref<8192x256xf32, #tpu.memory_space<hbm>>) target(%dma_start3A_19 : memref<72x256xf32, #tpu.memory_space<vmem>>) offsets(%dma_start3A_21 : memref<72xi32, #tpu.memory_space<vmem>>) semaphore(%arg9 : memref<!tpu.dma_semaphore, #tpu.memory_space<semaphore_mem>>)
    %dma_wait3A_25 = arith.constant 72 : i32
    %dma_wait3A_26 = arith.constant 0 : i32
    %dma_wait3A_27 = tpu.memref_slice %arg7[%dma_wait3A_25, %dma_wait3A_26] : memref<144x256xf32, #tpu.memory_space<vmem>> -> memref<72x256xf32, #tpu.memory_space<vmem>>
    %dma_wait3A_28 = arith.constant 72 : i32
    %dma_wait3A_29 = tpu.memref_slice %arg6[%dma_wait3A_28] : memref<144xi32, #tpu.memory_space<vmem>> -> memref<72xi32, #tpu.memory_space<vmem>>
    %dma_wait3A_30 = arith.constant 0 : i32
    %dma_wait3A_31 = arith.constant 0 : i32
    %dma_wait3A_32 = tpu.memref_slice %arg2[%dma_wait3A_30, %dma_wait3A_31] : memref<8192x256xf32, #tpu.memory_space<hbm>> -> memref<8192x256xf32, #tpu.memory_space<hbm>>
    tpu.wait_indirect_dma semaphore(%arg9 : memref<!tpu.dma_semaphore, #tpu.memory_space<semaphore_mem>>) src(%dma_wait3A_32 : memref<8192x256xf32, #tpu.memory_space<hbm>>) dst(%dma_wait3A_27 : memref<72x256xf32, #tpu.memory_space<vmem>>)
    "tpu.region"() ({
      %run_scoped3A = tpu.sem_alloc : memref<!tpu.dma_semaphore, #tpu.memory_space<semaphore_mem>>
      %dma_start3A_39 = arith.constant 0 : i32
      %dma_start3A_40 = tpu.memref_slice %arg4[%mul3A_2, %dma_start3A_39] : memref<4608x256xf32, #tpu.memory_space<hbm>> -> memref<144x256xf32, #tpu.memory_space<hbm>>
      %dma_start3A_41 = arith.constant 0 : i32
      %dma_start3A_42 = tpu.memref_slice %arg4[%mul3A_2, %dma_start3A_41] : memref<4608x256xf32, #tpu.memory_space<hbm>> -> memref<144x256xf32, #tpu.memory_space<hbm>>
      tpu.enqueue_dma source(%dma_start3A_42 : memref<144x256xf32, #tpu.memory_space<hbm>>) target(%arg8 : memref<144x256xf32, #tpu.memory_space<vmem>>) target_semaphore(%run_scoped3A : memref<!tpu.dma_semaphore, #tpu.memory_space<semaphore_mem>>)
      %dma_wait3A_43 = arith.constant 0 : i32
      %dma_wait3A_44 = tpu.memref_slice %arg4[%mul3A_2, %dma_wait3A_43] : memref<4608x256xf32, #tpu.memory_space<hbm>> -> memref<144x256xf32, #tpu.memory_space<hbm>>
      %dma_wait3A_45 = arith.constant 0 : i32
      %dma_wait3A_46 = tpu.memref_slice %arg4[%mul3A_2, %dma_wait3A_45] : memref<4608x256xf32, #tpu.memory_space<hbm>> -> memref<144x256xf32, #tpu.memory_space<hbm>>
      tpu.wait_dma2 semaphore(%run_scoped3A : memref<!tpu.dma_semaphore, #tpu.memory_space<semaphore_mem>>) src(%dma_wait3A_46 : memref<144x256xf32, #tpu.memory_space<hbm>>) dst(%arg8 : memref<144x256xf32, #tpu.memory_space<vmem>>)
      tpu.yield
    }) : () -> ()
    %scan3A = arith.constant 0 : i32
    %scan3A_33 = arith.constant 0 : i32
    %scan3A_34 = arith.constant 144 : i32
    %scan3A_35 = arith.addi %scan3A_33, %scan3A_34 : i32
    %scan3A_36 = arith.constant 1 : i32
    %scan3A_37 = scf.for %scan3A_39 = %scan3A_33 to %scan3A_35 step %scan3A_36 iter_args(%scan3A_40 = %scan3A) -> (i32)  : i32 {
      %scan3A_41 = arith.constant 0 : i32
      %scan3A_42 = arith.constant 0 : i32
      %scan3A_43 = arith.constant 16 : i32
      %scan3A_44 = arith.addi %scan3A_42, %scan3A_43 : i32
      %scan3A_45 = arith.constant 1 : i32
      %scan3A_46 = scf.for %scan3A_48 = %scan3A_42 to %scan3A_44 step %scan3A_45 iter_args(%scan3A_49 = %scan3A_41) -> (i32)  : i32 {
        %mul3A_50 = arith.constant 16 : i32
        %mul3A_51 = arith.muli %scan3A_48, %mul3A_50 : i32
        %get3A = arith.index_cast %scan3A_39 : i32 to index
        %get3A_52 = arith.index_cast %mul3A_51 : i32 to index
        %get3A_53 = tpu.vector_load %arg8[%get3A, %get3A_52] {strides = array<i32>} : memref<144x256xf32, #tpu.memory_space<vmem>>, vector<1x16xf32>,
        %get3A_54 = vector.shape_cast %get3A_53 : vector<1x16xf32> to vector<16xf32>
        %get3A_55 = arith.index_cast %scan3A_39 : i32 to index
        %get3A_56 = arith.index_cast %mul3A_51 : i32 to index
        %get3A_57 = tpu.vector_load %arg7[%get3A_55, %get3A_56] {strides = array<i32>} : memref<144x256xf32, #tpu.memory_space<vmem>>, vector<1x16xf32>,
        %get3A_58 = vector.shape_cast %get3A_57 : vector<1x16xf32> to vector<16xf32>
        %sub3A = arith.subf %get3A_54, %get3A_58 : vector<16xf32>
        %swap3A = arith.index_cast %scan3A_39 : i32 to index
        %swap3A_59 = arith.index_cast %mul3A_51 : i32 to index
        %swap3A_60 = tpu.vector_load %arg8[%swap3A, %swap3A_59] {strides = array<i32>} : memref<144x256xf32, #tpu.memory_space<vmem>>, vector<1x16xf32>,
        %swap3A_61 = vector.shape_cast %swap3A_60 : vector<1x16xf32> to vector<16xf32>
        %swap3A_62 = vector.shape_cast %sub3A : vector<16xf32> to vector<1x16xf32>
        tpu.vector_store %arg8[%swap3A, %swap3A_59], %swap3A_62 {strides = array<i32>} : memref<144x256xf32, #tpu.memory_space<vmem>>, vector<1x16xf32>,
        %scan3A_63 = arith.constant 0 : i32
        scf.yield %scan3A_63 : i32
      }
      %scan3A_47 = arith.constant 16 : i32
      scf.yield %scan3A_46 : i32
    }
    %scan3A_38 = arith.constant 144 : i32
    "tpu.region"() ({
      %run_scoped3A = tpu.sem_alloc : memref<!tpu.dma_semaphore, #tpu.memory_space<semaphore_mem>>
      %dma_start3A_39 = arith.constant 0 : i32
      %dma_start3A_40 = tpu.memref_slice %arg5[%mul3A_2, %dma_start3A_39] : memref<4608x256xf32, #tpu.memory_space<hbm>> -> memref<144x256xf32, #tpu.memory_space<hbm>>
      %dma_start3A_41 = arith.constant 0 : i32
      %dma_start3A_42 = tpu.memref_slice %arg5[%mul3A_2, %dma_start3A_41] : memref<4608x256xf32, #tpu.memory_space<hbm>> -> memref<144x256xf32, #tpu.memory_space<hbm>>
      tpu.enqueue_dma source(%arg8 : memref<144x256xf32, #tpu.memory_space<vmem>>) target(%dma_start3A_42 : memref<144x256xf32, #tpu.memory_space<hbm>>) target_semaphore(%run_scoped3A : memref<!tpu.dma_semaphore, #tpu.memory_space<semaphore_mem>>)
      %dma_wait3A_43 = arith.constant 0 : i32
      %dma_wait3A_44 = tpu.memref_slice %arg5[%mul3A_2, %dma_wait3A_43] : memref<4608x256xf32, #tpu.memory_space<hbm>> -> memref<144x256xf32, #tpu.memory_space<hbm>>
      %dma_wait3A_45 = arith.constant 0 : i32
      %dma_wait3A_46 = tpu.memref_slice %arg5[%mul3A_2, %dma_wait3A_45] : memref<4608x256xf32, #tpu.memory_space<hbm>> -> memref<144x256xf32, #tpu.memory_space<hbm>>
      tpu.wait_dma2 semaphore(%run_scoped3A : memref<!tpu.dma_semaphore, #tpu.memory_space<semaphore_mem>>) src(%arg8 : memref<144x256xf32, #tpu.memory_space<vmem>>) dst(%dma_wait3A_46 : memref<144x256xf32, #tpu.memory_space<hbm>>)
      tpu.yield
    }) : () -> ()
    return
  }
}

#map = affine_map<(d0, d1) -> (0, 0)>
#map1 = affine_map<(d0, d1) -> (0)>
module attributes {stable_mosaic.version = 14 : i64} {
  func.func @body(%arg0: i32, %arg1: i32, %arg2: memref<8192x256xf32, #tpu.memory_space<hbm>>, %arg3: memref<4608xi32, #tpu.memory_space<hbm>>, %arg4: memref<4608x256xf32, #tpu.memory_space<hbm>>, %arg5: memref<4608x256xf32, #tpu.memory_space<hbm>>, %arg6: memref<144xi32, #tpu.memory_space<vmem>>, %arg7: memref<144x256xf32, #tpu.memory_space<vmem>>, %arg8: memref<144x256xf32, #tpu.memory_space<vmem>>, %arg9: memref<!tpu.dma_semaphore, #tpu.memory_space<semaphore_mem>>) attributes {dimension_semantics = [#tpu.dimension_semantics<core_parallel>, #tpu.dimension_semantics<subcore_parallel>], iteration_bounds = array<i64: 2, 16>, scalar_prefetch = 0 : i64, scratch_operands = 4 : i64, tpu.core_type = #tpu.core_type<sc_vector_subcore>, window_params = [{transform_indices = #map}, {transform_indices = #map1}, {transform_indices = #map}, {transform_indices = #map}]} {
    %mul3A = arith.constant 2 : i32
    %mul3A_0 = arith.muli %arg1, %mul3A : i32
    %add3A = arith.addi %mul3A_0, %arg0 : i32
    %mul3A_1 = arith.constant 144 : i32
    %mul3A_2 = arith.muli %add3A, %mul3A_1 : i32
    "tpu.region"() ({
      %run_scoped3A = tpu.sem_alloc : memref<!tpu.dma_semaphore, #tpu.memory_space<semaphore_mem>>
      %dma_start3A_39 = tpu.memref_slice %arg3[%mul3A_2] : memref<4608xi32, #tpu.memory_space<hbm>> -> memref<144xi32, #tpu.memory_space<hbm>>
      %dma_start3A_40 = tpu.memref_slice %arg3[%mul3A_2] : memref<4608xi32, #tpu.memory_space<hbm>> -> memref<144xi32, #tpu.memory_space<hbm>>
      tpu.enqueue_dma source(%dma_start3A_40 : memref<144xi32, #tpu.memory_space<hbm>>) target(%arg6 : memref<144xi32, #tpu.memory_space<vmem>>) target_semaphore(%run_scoped3A : memref<!tpu.dma_semaphore, #tpu.memory_space<semaphore_mem>>)
      %dma_wait3A_41 = tpu.memref_slice %arg3[%mul3A_2] : memref<4608xi32, #tpu.memory_space<hbm>> -> memref<144xi32, #tpu.memory_space<hbm>>
      %dma_wait3A_42 = tpu.memref_slice %arg3[%mul3A_2] : memref<4608xi32, #tpu.memory_space<hbm>> -> memref<144xi32, #tpu.memory_space<hbm>>
      tpu.wait_dma2 semaphore(%run_scoped3A : memref<!tpu.dma_semaphore, #tpu.memory_space<semaphore_mem>>) src(%dma_wait3A_42 : memref<144xi32, #tpu.memory_space<hbm>>) dst(%arg6 : memref<144xi32, #tpu.memory_space<vmem>>)
      tpu.yield
    }) : () -> ()
    %dma_start3A = arith.constant 0 : i32
    %dma_start3A_3 = arith.constant 0 : i32
    %dma_start3A_4 = tpu.memref_slice %arg7[%dma_start3A, %dma_start3A_3] : memref<144x256xf32, #tpu.memory_space<vmem>> -> memref<72x256xf32, #tpu.memory_space<vmem>>
    %dma_start3A_5 = arith.constant 0 : i32
    %dma_start3A_6 = tpu.memref_slice %arg6[%dma_start3A_5] : memref<144xi32, #tpu.memory_space<vmem>> -> memref<72xi32, #tpu.memory_space<vmem>>
    %dma_start3A_7 = arith.constant 0 : i32
    %dma_start3A_8 = arith.constant 0 : i32
    %dma_start3A_9 = tpu.memref_slice %arg2[%dma_start3A_7, %dma_start3A_8] : memref<8192x256xf32, #tpu.memory_space<hbm>> -> memref<8192x256xf32, #tpu.memory_space<hbm>>
    tpu.enqueue_indirect_dma source(%dma_start3A_9 : memref<8192x256xf32, #tpu.memory_space<hbm>>) target(%dma_start3A_4 : memref<72x256xf32, #tpu.memory_space<vmem>>) offsets(%dma_start3A_6 : memref<72xi32, #tpu.memory_space<vmem>>) semaphore(%arg9 : memref<!tpu.dma_semaphore, #tpu.memory_space<semaphore_mem>>)
    %dma_wait3A = arith.constant 0 : i32
    %dma_wait3A_10 = arith.constant 0 : i32
    %dma_wait3A_11 = tpu.memref_slice %arg7[%dma_wait3A, %dma_wait3A_10] : memref<144x256xf32, #tpu.memory_space<vmem>> -> memref<72x256xf32, #tpu.memory_space<vmem>>
    %dma_wait3A_12 = arith.constant 0 : i32
    %dma_wait3A_13 = tpu.memref_slice %arg6[%dma_wait3A_12] : memref<144xi32, #tpu.memory_space<vmem>> -> memref<72xi32, #tpu.memory_space<vmem>>
    %dma_wait3A_14 = arith.constant 0 : i32
    %dma_wait3A_15 = arith.constant 0 : i32
    %dma_wait3A_16 = tpu.memref_slice %arg2[%dma_wait3A_14, %dma_wait3A_15] : memref<8192x256xf32, #tpu.memory_space<hbm>> -> memref<8192x256xf32, #tpu.memory_space<hbm>>
    tpu.wait_indirect_dma semaphore(%arg9 : memref<!tpu.dma_semaphore, #tpu.memory_space<semaphore_mem>>) src(%dma_wait3A_16 : memref<8192x256xf32, #tpu.memory_space<hbm>>) dst(%dma_wait3A_11 : memref<72x256xf32, #tpu.memory_space<vmem>>)
    %dma_start3A_17 = arith.constant 72 : i32
    %dma_start3A_18 = arith.constant 0 : i32
    %dma_start3A_19 = tpu.memref_slice %arg7[%dma_start3A_17, %dma_start3A_18] : memref<144x256xf32, #tpu.memory_space<vmem>> -> memref<72x256xf32, #tpu.memory_space<vmem>>
    %dma_start3A_20 = arith.constant 72 : i32
    %dma_start3A_21 = tpu.memref_slice %arg6[%dma_start3A_20] : memref<144xi32, #tpu.memory_space<vmem>> -> memref<72xi32, #tpu.memory_space<vmem>>
    %dma_start3A_22 = arith.constant 0 : i32
    %dma_start3A_23 = arith.constant 0 : i32
    %dma_start3A_24 = tpu.memref_slice %arg2[%dma_start3A_22, %dma_start3A_23] : memref<8192x256xf32, #tpu.memory_space<hbm>> -> memref<8192x256xf32, #tpu.memory_space<hbm>>
    tpu.enqueue_indirect_dma source(%dma_start3A_24 : memref<8192x256xf32, #tpu.memory_space<hbm>>) target(%dma_start3A_19 : memref<72x256xf32, #tpu.memory_space<vmem>>) offsets(%dma_start3A_21 : memref<72xi32, #tpu.memory_space<vmem>>) semaphore(%arg9 : memref<!tpu.dma_semaphore, #tpu.memory_space<semaphore_mem>>)
    %dma_wait3A_25 = arith.constant 72 : i32
    %dma_wait3A_26 = arith.constant 0 : i32
    %dma_wait3A_27 = tpu.memref_slice %arg7[%dma_wait3A_25, %dma_wait3A_26] : memref<144x256xf32, #tpu.memory_space<vmem>> -> memref<72x256xf32, #tpu.memory_space<vmem>>
    %dma_wait3A_28 = arith.constant 72 : i32
    %dma_wait3A_29 = tpu.memref_slice %arg6[%dma_wait3A_28] : memref<144xi32, #tpu.memory_space<vmem>> -> memref<72xi32, #tpu.memory_space<vmem>>
    %dma_wait3A_30 = arith.constant 0 : i32
    %dma_wait3A_31 = arith.constant 0 : i32
    %dma_wait3A_32 = tpu.memref_slice %arg2[%dma_wait3A_30, %dma_wait3A_31] : memref<8192x256xf32, #tpu.memory_space<hbm>> -> memref<8192x256xf32, #tpu.memory_space<hbm>>
    tpu.wait_indirect_dma semaphore(%arg9 : memref<!tpu.dma_semaphore, #tpu.memory_space<semaphore_mem>>) src(%dma_wait3A_32 : memref<8192x256xf32, #tpu.memory_space<hbm>>) dst(%dma_wait3A_27 : memref<72x256xf32, #tpu.memory_space<vmem>>)
    "tpu.region"() ({
      %run_scoped3A = tpu.sem_alloc : memref<!tpu.dma_semaphore, #tpu.memory_space<semaphore_mem>>
      %dma_start3A_39 = arith.constant 0 : i32
      %dma_start3A_40 = tpu.memref_slice %arg4[%mul3A_2, %dma_start3A_39] : memref<4608x256xf32, #tpu.memory_space<hbm>> -> memref<144x256xf32, #tpu.memory_space<hbm>>
      %dma_start3A_41 = arith.constant 0 : i32
      %dma_start3A_42 = tpu.memref_slice %arg4[%mul3A_2, %dma_start3A_41] : memref<4608x256xf32, #tpu.memory_space<hbm>> -> memref<144x256xf32, #tpu.memory_space<hbm>>
      tpu.enqueue_dma source(%dma_start3A_42 : memref<144x256xf32, #tpu.memory_space<hbm>>) target(%arg8 : memref<144x256xf32, #tpu.memory_space<vmem>>) target_semaphore(%run_scoped3A : memref<!tpu.dma_semaphore, #tpu.memory_space<semaphore_mem>>)
      %dma_wait3A_43 = arith.constant 0 : i32
      %dma_wait3A_44 = tpu.memref_slice %arg4[%mul3A_2, %dma_wait3A_43] : memref<4608x256xf32, #tpu.memory_space<hbm>> -> memref<144x256xf32, #tpu.memory_space<hbm>>
      %dma_wait3A_45 = arith.constant 0 : i32
      %dma_wait3A_46 = tpu.memref_slice %arg4[%mul3A_2, %dma_wait3A_45] : memref<4608x256xf32, #tpu.memory_space<hbm>> -> memref<144x256xf32, #tpu.memory_space<hbm>>
      tpu.wait_dma2 semaphore(%run_scoped3A : memref<!tpu.dma_semaphore, #tpu.memory_space<semaphore_mem>>) src(%dma_wait3A_46 : memref<144x256xf32, #tpu.memory_space<hbm>>) dst(%arg8 : memref<144x256xf32, #tpu.memory_space<vmem>>)
      tpu.yield
    }) : () -> ()
    %scan3A = arith.constant 0 : i32
    %scan3A_33 = arith.constant 0 : i32
    %scan3A_34 = arith.constant 144 : i32
    %scan3A_35 = arith.addi %scan3A_33, %scan3A_34 : i32
    %scan3A_36 = arith.constant 1 : i32
    %scan3A_37 = scf.for %scan3A_39 = %scan3A_33 to %scan3A_35 step %scan3A_36 iter_args(%scan3A_40 = %scan3A) -> (i32)  : i32 {
      %scan3A_41 = arith.constant 0 : i32
      %scan3A_42 = arith.constant 0 : i32
      %scan3A_43 = arith.constant 16 : i32
      %scan3A_44 = arith.addi %scan3A_42, %scan3A_43 : i32
      %scan3A_45 = arith.constant 1 : i32
      %scan3A_46 = scf.for %scan3A_48 = %scan3A_42 to %scan3A_44 step %scan3A_45 iter_args(%scan3A_49 = %scan3A_41) -> (i32)  : i32 {
        %mul3A_50 = arith.constant 16 : i32
        %mul3A_51 = arith.muli %scan3A_48, %mul3A_50 : i32
        %get3A = arith.index_cast %scan3A_39 : i32 to index
        %get3A_52 = arith.index_cast %mul3A_51 : i32 to index
        %get3A_53 = tpu.vector_load %arg8[%get3A, %get3A_52] {strides = array<i32>} : memref<144x256xf32, #tpu.memory_space<vmem>>, vector<1x16xf32>,
        %get3A_54 = vector.shape_cast %get3A_53 : vector<1x16xf32> to vector<16xf32>
        %get3A_55 = arith.index_cast %scan3A_39 : i32 to index
        %get3A_56 = arith.index_cast %mul3A_51 : i32 to index
        %get3A_57 = tpu.vector_load %arg7[%get3A_55, %get3A_56] {strides = array<i32>} : memref<144x256xf32, #tpu.memory_space<vmem>>, vector<1x16xf32>,
        %get3A_58 = vector.shape_cast %get3A_57 : vector<1x16xf32> to vector<16xf32>
        %sub3A = arith.subf %get3A_54, %get3A_58 : vector<16xf32>
        %swap3A = arith.index_cast %scan3A_39 : i32 to index
        %swap3A_59 = arith.index_cast %mul3A_51 : i32 to index
        %swap3A_60 = tpu.vector_load %arg8[%swap3A, %swap3A_59] {strides = array<i32>} : memref<144x256xf32, #tpu.memory_space<vmem>>, vector<1x16xf32>,
        %swap3A_61 = vector.shape_cast %swap3A_60 : vector<1x16xf32> to vector<16xf32>
        %swap3A_62 = vector.shape_cast %sub3A : vector<16xf32> to vector<1x16xf32>
        tpu.vector_store %arg8[%swap3A, %swap3A_59], %swap3A_62 {strides = array<i32>} : memref<144x256xf32, #tpu.memory_space<vmem>>, vector<1x16xf32>,
        %scan3A_63 = arith.constant 0 : i32
        scf.yield %scan3A_63 : i32
      }
      %scan3A_47 = arith.constant 16 : i32
      scf.yield %scan3A_46 : i32
    }
    %scan3A_38 = arith.constant 144 : i32
    "tpu.region"() ({
      %run_scoped3A = tpu.sem_alloc : memref<!tpu.dma_semaphore, #tpu.memory_space<semaphore_mem>>
      %dma_start3A_39 = arith.constant 0 : i32
      %dma_start3A_40 = tpu.memref_slice %arg5[%mul3A_2, %dma_start3A_39] : memref<4608x256xf32, #tpu.memory_space<hbm>> -> memref<144x256xf32, #tpu.memory_space<hbm>>
      %dma_start3A_41 = arith.constant 0 : i32
      %dma_start3A_42 = tpu.memref_slice %arg5[%mul3A_2, %dma_start3A_41] : memref<4608x256xf32, #tpu.memory_space<hbm>> -> memref<144x256xf32, #tpu.memory_space<hbm>>
      tpu.enqueue_dma source(%arg8 : memref<144x256xf32, #tpu.memory_space<vmem>>) target(%dma_start3A_42 : memref<144x256xf32, #tpu.memory_space<hbm>>) target_semaphore(%run_scoped3A : memref<!tpu.dma_semaphore, #tpu.memory_space<semaphore_mem>>)
      %dma_wait3A_43 = arith.constant 0 : i32
      %dma_wait3A_44 = tpu.memref_slice %arg5[%mul3A_2, %dma_wait3A_43] : memref<4608x256xf32, #tpu.memory_space<hbm>> -> memref<144x256xf32, #tpu.memory_space<hbm>>
      %dma_wait3A_45 = arith.constant 0 : i32
      %dma_wait3A_46 = tpu.memref_slice %arg5[%mul3A_2, %dma_wait3A_45] : memref<4608x256xf32, #tpu.memory_space<hbm>> -> memref<144x256xf32, #tpu.memory_space<hbm>>
      tpu.wait_dma2 semaphore(%run_scoped3A : memref<!tpu.dma_semaphore, #tpu.memory_space<semaphore_mem>>) src(%arg8 : memref<144x256xf32, #tpu.memory_space<vmem>>) dst(%dma_wait3A_46 : memref<144x256xf32, #tpu.memory_space<hbm>>)
      tpu.yield
    }) : () -> ()
    return
  }
}

#map = affine_map<(d0, d1) -> (0, 0)>
#map1 = affine_map<(d0, d1) -> (0)>
module attributes {stable_mosaic.version = 14 : i64} {
  func.func @body(%arg0: i32, %arg1: i32, %arg2: memref<8192x256xf32, #tpu.memory_space<hbm>>, %arg3: memref<4608xi32, #tpu.memory_space<hbm>>, %arg4: memref<4608x256xf32, #tpu.memory_space<hbm>>, %arg5: memref<4608x256xf32, #tpu.memory_space<hbm>>, %arg6: memref<4608x256xf32, #tpu.memory_space<hbm>>, %arg7: memref<4608x256xf32, #tpu.memory_space<hbm>>, %arg8: memref<144xi32, #tpu.memory_space<vmem>>, %arg9: memref<144x256xf32, #tpu.memory_space<vmem>>, %arg10: memref<144x256xf32, #tpu.memory_space<vmem>>, %arg11: memref<!tpu.dma_semaphore, #tpu.memory_space<semaphore_mem>>, %arg12: memref<144x256xf32, #tpu.memory_space<vmem>>) attributes {dimension_semantics = [#tpu.dimension_semantics<core_parallel>, #tpu.dimension_semantics<subcore_parallel>], iteration_bounds = array<i64: 2, 16>, scalar_prefetch = 0 : i64, scratch_operands = 5 : i64, tpu.core_type = #tpu.core_type<sc_vector_subcore>, window_params = [{transform_indices = #map}, {transform_indices = #map1}, {transform_indices = #map}, {transform_indices = #map}, {transform_indices = #map}, {transform_indices = #map}]} {
    %mul3A = arith.constant 2 : i32
    %mul3A_0 = arith.muli %arg1, %mul3A : i32
    %add3A = arith.addi %mul3A_0, %arg0 : i32
    %mul3A_1 = arith.constant 144 : i32
    %mul3A_2 = arith.muli %add3A, %mul3A_1 : i32
    "tpu.region"() ({
      %run_scoped3A = tpu.sem_alloc : memref<!tpu.dma_semaphore, #tpu.memory_space<semaphore_mem>>
      %dma_start3A_46 = tpu.memref_slice %arg3[%mul3A_2] : memref<4608xi32, #tpu.memory_space<hbm>> -> memref<144xi32, #tpu.memory_space<hbm>>
      %dma_start3A_47 = tpu.memref_slice %arg3[%mul3A_2] : memref<4608xi32, #tpu.memory_space<hbm>> -> memref<144xi32, #tpu.memory_space<hbm>>
      tpu.enqueue_dma source(%dma_start3A_47 : memref<144xi32, #tpu.memory_space<hbm>>) target(%arg8 : memref<144xi32, #tpu.memory_space<vmem>>) target_semaphore(%run_scoped3A : memref<!tpu.dma_semaphore, #tpu.memory_space<semaphore_mem>>)
      %dma_wait3A_48 = tpu.memref_slice %arg3[%mul3A_2] : memref<4608xi32, #tpu.memory_space<hbm>> -> memref<144xi32, #tpu.memory_space<hbm>>
      %dma_wait3A_49 = tpu.memref_slice %arg3[%mul3A_2] : memref<4608xi32, #tpu.memory_space<hbm>> -> memref<144xi32, #tpu.memory_space<hbm>>
      tpu.wait_dma2 semaphore(%run_scoped3A : memref<!tpu.dma_semaphore, #tpu.memory_space<semaphore_mem>>) src(%dma_wait3A_49 : memref<144xi32, #tpu.memory_space<hbm>>) dst(%arg8 : memref<144xi32, #tpu.memory_space<vmem>>)
      tpu.yield
    }) : () -> ()
    %dma_start3A = arith.constant 0 : i32
    %dma_start3A_3 = arith.constant 0 : i32
    %dma_start3A_4 = tpu.memref_slice %arg9[%dma_start3A, %dma_start3A_3] : memref<144x256xf32, #tpu.memory_space<vmem>> -> memref<72x256xf32, #tpu.memory_space<vmem>>
    %dma_start3A_5 = arith.constant 0 : i32
    %dma_start3A_6 = tpu.memref_slice %arg8[%dma_start3A_5] : memref<144xi32, #tpu.memory_space<vmem>> -> memref<72xi32, #tpu.memory_space<vmem>>
    %dma_start3A_7 = arith.constant 0 : i32
    %dma_start3A_8 = arith.constant 0 : i32
    %dma_start3A_9 = tpu.memref_slice %arg2[%dma_start3A_7, %dma_start3A_8] : memref<8192x256xf32, #tpu.memory_space<hbm>> -> memref<8192x256xf32, #tpu.memory_space<hbm>>
    tpu.enqueue_indirect_dma source(%dma_start3A_9 : memref<8192x256xf32, #tpu.memory_space<hbm>>) target(%dma_start3A_4 : memref<72x256xf32, #tpu.memory_space<vmem>>) offsets(%dma_start3A_6 : memref<72xi32, #tpu.memory_space<vmem>>) semaphore(%arg11 : memref<!tpu.dma_semaphore, #tpu.memory_space<semaphore_mem>>)
    %dma_wait3A = arith.constant 0 : i32
    %dma_wait3A_10 = arith.constant 0 : i32
    %dma_wait3A_11 = tpu.memref_slice %arg9[%dma_wait3A, %dma_wait3A_10] : memref<144x256xf32, #tpu.memory_space<vmem>> -> memref<72x256xf32, #tpu.memory_space<vmem>>
    %dma_wait3A_12 = arith.constant 0 : i32
    %dma_wait3A_13 = tpu.memref_slice %arg8[%dma_wait3A_12] : memref<144xi32, #tpu.memory_space<vmem>> -> memref<72xi32, #tpu.memory_space<vmem>>
    %dma_wait3A_14 = arith.constant 0 : i32
    %dma_wait3A_15 = arith.constant 0 : i32
    %dma_wait3A_16 = tpu.memref_slice %arg2[%dma_wait3A_14, %dma_wait3A_15] : memref<8192x256xf32, #tpu.memory_space<hbm>> -> memref<8192x256xf32, #tpu.memory_space<hbm>>
    tpu.wait_indirect_dma semaphore(%arg11 : memref<!tpu.dma_semaphore, #tpu.memory_space<semaphore_mem>>) src(%dma_wait3A_16 : memref<8192x256xf32, #tpu.memory_space<hbm>>) dst(%dma_wait3A_11 : memref<72x256xf32, #tpu.memory_space<vmem>>)
    %dma_start3A_17 = arith.constant 72 : i32
    %dma_start3A_18 = arith.constant 0 : i32
    %dma_start3A_19 = tpu.memref_slice %arg9[%dma_start3A_17, %dma_start3A_18] : memref<144x256xf32, #tpu.memory_space<vmem>> -> memref<72x256xf32, #tpu.memory_space<vmem>>
    %dma_start3A_20 = arith.constant 72 : i32
    %dma_start3A_21 = tpu.memref_slice %arg8[%dma_start3A_20] : memref<144xi32, #tpu.memory_space<vmem>> -> memref<72xi32, #tpu.memory_space<vmem>>
    %dma_start3A_22 = arith.constant 0 : i32
    %dma_start3A_23 = arith.constant 0 : i32
    %dma_start3A_24 = tpu.memref_slice %arg2[%dma_start3A_22, %dma_start3A_23] : memref<8192x256xf32, #tpu.memory_space<hbm>> -> memref<8192x256xf32, #tpu.memory_space<hbm>>
    tpu.enqueue_indirect_dma source(%dma_start3A_24 : memref<8192x256xf32, #tpu.memory_space<hbm>>) target(%dma_start3A_19 : memref<72x256xf32, #tpu.memory_space<vmem>>) offsets(%dma_start3A_21 : memref<72xi32, #tpu.memory_space<vmem>>) semaphore(%arg11 : memref<!tpu.dma_semaphore, #tpu.memory_space<semaphore_mem>>)
    %dma_wait3A_25 = arith.constant 72 : i32
    %dma_wait3A_26 = arith.constant 0 : i32
    %dma_wait3A_27 = tpu.memref_slice %arg9[%dma_wait3A_25, %dma_wait3A_26] : memref<144x256xf32, #tpu.memory_space<vmem>> -> memref<72x256xf32, #tpu.memory_space<vmem>>
    %dma_wait3A_28 = arith.constant 72 : i32
    %dma_wait3A_29 = tpu.memref_slice %arg8[%dma_wait3A_28] : memref<144xi32, #tpu.memory_space<vmem>> -> memref<72xi32, #tpu.memory_space<vmem>>
    %dma_wait3A_30 = arith.constant 0 : i32
    %dma_wait3A_31 = arith.constant 0 : i32
    %dma_wait3A_32 = tpu.memref_slice %arg2[%dma_wait3A_30, %dma_wait3A_31] : memref<8192x256xf32, #tpu.memory_space<hbm>> -> memref<8192x256xf32, #tpu.memory_space<hbm>>
    tpu.wait_indirect_dma semaphore(%arg11 : memref<!tpu.dma_semaphore, #tpu.memory_space<semaphore_mem>>) src(%dma_wait3A_32 : memref<8192x256xf32, #tpu.memory_space<hbm>>) dst(%dma_wait3A_27 : memref<72x256xf32, #tpu.memory_space<vmem>>)
    "tpu.region"() ({
      %run_scoped3A = tpu.sem_alloc : memref<!tpu.dma_semaphore, #tpu.memory_space<semaphore_mem>>
      %dma_start3A_46 = arith.constant 0 : i32
      %dma_start3A_47 = tpu.memref_slice %arg4[%mul3A_2, %dma_start3A_46] : memref<4608x256xf32, #tpu.memory_space<hbm>> -> memref<144x256xf32, #tpu.memory_space<hbm>>
      %dma_start3A_48 = arith.constant 0 : i32
      %dma_start3A_49 = tpu.memref_slice %arg4[%mul3A_2, %dma_start3A_48] : memref<4608x256xf32, #tpu.memory_space<hbm>> -> memref<144x256xf32, #tpu.memory_space<hbm>>
      tpu.enqueue_dma source(%dma_start3A_49 : memref<144x256xf32, #tpu.memory_space<hbm>>) target(%arg10 : memref<144x256xf32, #tpu.memory_space<vmem>>) target_semaphore(%run_scoped3A : memref<!tpu.dma_semaphore, #tpu.memory_space<semaphore_mem>>)
      %dma_wait3A_50 = arith.constant 0 : i32
      %dma_wait3A_51 = tpu.memref_slice %arg4[%mul3A_2, %dma_wait3A_50] : memref<4608x256xf32, #tpu.memory_space<hbm>> -> memref<144x256xf32, #tpu.memory_space<hbm>>
      %dma_wait3A_52 = arith.constant 0 : i32
      %dma_wait3A_53 = tpu.memref_slice %arg4[%mul3A_2, %dma_wait3A_52] : memref<4608x256xf32, #tpu.memory_space<hbm>> -> memref<144x256xf32, #tpu.memory_space<hbm>>
      tpu.wait_dma2 semaphore(%run_scoped3A : memref<!tpu.dma_semaphore, #tpu.memory_space<semaphore_mem>>) src(%dma_wait3A_53 : memref<144x256xf32, #tpu.memory_space<hbm>>) dst(%arg10 : memref<144x256xf32, #tpu.memory_space<vmem>>)
      tpu.yield
    }) : () -> ()
    %scan3A = arith.constant 0 : i32
    %scan3A_33 = arith.constant 0 : i32
    %scan3A_34 = arith.constant 144 : i32
    %scan3A_35 = arith.addi %scan3A_33, %scan3A_34 : i32
    %scan3A_36 = arith.constant 1 : i32
    %scan3A_37 = scf.for %scan3A_46 = %scan3A_33 to %scan3A_35 step %scan3A_36 iter_args(%scan3A_47 = %scan3A) -> (i32)  : i32 {
      %scan3A_48 = arith.constant 0 : i32
      %scan3A_49 = arith.constant 0 : i32
      %scan3A_50 = arith.constant 16 : i32
      %scan3A_51 = arith.addi %scan3A_49, %scan3A_50 : i32
      %scan3A_52 = arith.constant 1 : i32
      %scan3A_53 = scf.for %scan3A_55 = %scan3A_49 to %scan3A_51 step %scan3A_52 iter_args(%scan3A_56 = %scan3A_48) -> (i32)  : i32 {
        %mul3A_57 = arith.constant 16 : i32
        %mul3A_58 = arith.muli %scan3A_55, %mul3A_57 : i32
        %get3A = arith.index_cast %scan3A_46 : i32 to index
        %get3A_59 = arith.index_cast %mul3A_58 : i32 to index
        %get3A_60 = tpu.vector_load %arg10[%get3A, %get3A_59] {strides = array<i32>} : memref<144x256xf32, #tpu.memory_space<vmem>>, vector<1x16xf32>,
        %get3A_61 = vector.shape_cast %get3A_60 : vector<1x16xf32> to vector<16xf32>
        %get3A_62 = arith.index_cast %scan3A_46 : i32 to index
        %get3A_63 = arith.index_cast %mul3A_58 : i32 to index
        %get3A_64 = tpu.vector_load %arg9[%get3A_62, %get3A_63] {strides = array<i32>} : memref<144x256xf32, #tpu.memory_space<vmem>>, vector<1x16xf32>,
        %get3A_65 = vector.shape_cast %get3A_64 : vector<1x16xf32> to vector<16xf32>
        %sub3A = arith.subf %get3A_61, %get3A_65 : vector<16xf32>
        %swap3A = arith.index_cast %scan3A_46 : i32 to index
        %swap3A_66 = arith.index_cast %mul3A_58 : i32 to index
        %swap3A_67 = tpu.vector_load %arg10[%swap3A, %swap3A_66] {strides = array<i32>} : memref<144x256xf32, #tpu.memory_space<vmem>>, vector<1x16xf32>,
        %swap3A_68 = vector.shape_cast %swap3A_67 : vector<1x16xf32> to vector<16xf32>
        %swap3A_69 = vector.shape_cast %sub3A : vector<16xf32> to vector<1x16xf32>
        tpu.vector_store %arg10[%swap3A, %swap3A_66], %swap3A_69 {strides = array<i32>} : memref<144x256xf32, #tpu.memory_space<vmem>>, vector<1x16xf32>,
        %scan3A_70 = arith.constant 0 : i32
        scf.yield %scan3A_70 : i32
      }
      %scan3A_54 = arith.constant 16 : i32
      scf.yield %scan3A_53 : i32
    }
    %scan3A_38 = arith.constant 144 : i32
    "tpu.region"() ({
      %run_scoped3A = tpu.sem_alloc : memref<!tpu.dma_semaphore, #tpu.memory_space<semaphore_mem>>
      %dma_start3A_46 = arith.constant 0 : i32
      %dma_start3A_47 = tpu.memref_slice %arg6[%mul3A_2, %dma_start3A_46] : memref<4608x256xf32, #tpu.memory_space<hbm>> -> memref<144x256xf32, #tpu.memory_space<hbm>>
      %dma_start3A_48 = arith.constant 0 : i32
      %dma_start3A_49 = tpu.memref_slice %arg6[%mul3A_2, %dma_start3A_48] : memref<4608x256xf32, #tpu.memory_space<hbm>> -> memref<144x256xf32, #tpu.memory_space<hbm>>
      tpu.enqueue_dma source(%arg10 : memref<144x256xf32, #tpu.memory_space<vmem>>) target(%dma_start3A_49 : memref<144x256xf32, #tpu.memory_space<hbm>>) target_semaphore(%run_scoped3A : memref<!tpu.dma_semaphore, #tpu.memory_space<semaphore_mem>>)
      %dma_wait3A_50 = arith.constant 0 : i32
      %dma_wait3A_51 = tpu.memref_slice %arg6[%mul3A_2, %dma_wait3A_50] : memref<4608x256xf32, #tpu.memory_space<hbm>> -> memref<144x256xf32, #tpu.memory_space<hbm>>
      %dma_wait3A_52 = arith.constant 0 : i32
      %dma_wait3A_53 = tpu.memref_slice %arg6[%mul3A_2, %dma_wait3A_52] : memref<4608x256xf32, #tpu.memory_space<hbm>> -> memref<144x256xf32, #tpu.memory_space<hbm>>
      tpu.wait_dma2 semaphore(%run_scoped3A : memref<!tpu.dma_semaphore, #tpu.memory_space<semaphore_mem>>) src(%arg10 : memref<144x256xf32, #tpu.memory_space<vmem>>) dst(%dma_wait3A_53 : memref<144x256xf32, #tpu.memory_space<hbm>>)
      tpu.yield
    }) : () -> ()
    "tpu.region"() ({
      %run_scoped3A = tpu.sem_alloc : memref<!tpu.dma_semaphore, #tpu.memory_space<semaphore_mem>>
      %dma_start3A_46 = arith.constant 0 : i32
      %dma_start3A_47 = tpu.memref_slice %arg5[%mul3A_2, %dma_start3A_46] : memref<4608x256xf32, #tpu.memory_space<hbm>> -> memref<144x256xf32, #tpu.memory_space<hbm>>
      %dma_start3A_48 = arith.constant 0 : i32
      %dma_start3A_49 = tpu.memref_slice %arg5[%mul3A_2, %dma_start3A_48] : memref<4608x256xf32, #tpu.memory_space<hbm>> -> memref<144x256xf32, #tpu.memory_space<hbm>>
      tpu.enqueue_dma source(%dma_start3A_49 : memref<144x256xf32, #tpu.memory_space<hbm>>) target(%arg12 : memref<144x256xf32, #tpu.memory_space<vmem>>) target_semaphore(%run_scoped3A : memref<!tpu.dma_semaphore, #tpu.memory_space<semaphore_mem>>)
      %dma_wait3A_50 = arith.constant 0 : i32
      %dma_wait3A_51 = tpu.memref_slice %arg5[%mul3A_2, %dma_wait3A_50] : memref<4608x256xf32, #tpu.memory_space<hbm>> -> memref<144x256xf32, #tpu.memory_space<hbm>>
      %dma_wait3A_52 = arith.constant 0 : i32
      %dma_wait3A_53 = tpu.memref_slice %arg5[%mul3A_2, %dma_wait3A_52] : memref<4608x256xf32, #tpu.memory_space<hbm>> -> memref<144x256xf32, #tpu.memory_space<hbm>>
      tpu.wait_dma2 semaphore(%run_scoped3A : memref<!tpu.dma_semaphore, #tpu.memory_space<semaphore_mem>>) src(%dma_wait3A_53 : memref<144x256xf32, #tpu.memory_space<hbm>>) dst(%arg12 : memref<144x256xf32, #tpu.memory_space<vmem>>)
      tpu.yield
    }) : () -> ()
    %scan3A_39 = arith.constant 0 : i32
    %scan3A_40 = arith.constant 0 : i32
    %scan3A_41 = arith.constant 144 : i32
    %scan3A_42 = arith.addi %scan3A_40, %scan3A_41 : i32
    %scan3A_43 = arith.constant 1 : i32
    %scan3A_44 = scf.for %scan3A_46 = %scan3A_40 to %scan3A_42 step %scan3A_43 iter_args(%scan3A_47 = %scan3A_39) -> (i32)  : i32 {
      %scan3A_48 = arith.constant 0 : i32
      %scan3A_49 = arith.constant 0 : i32
      %scan3A_50 = arith.constant 16 : i32
      %scan3A_51 = arith.addi %scan3A_49, %scan3A_50 : i32
      %scan3A_52 = arith.constant 1 : i32
      %scan3A_53 = scf.for %scan3A_55 = %scan3A_49 to %scan3A_51 step %scan3A_52 iter_args(%scan3A_56 = %scan3A_48) -> (i32)  : i32 {
        %mul3A_57 = arith.constant 16 : i32
        %mul3A_58 = arith.muli %scan3A_55, %mul3A_57 : i32
        %get3A = arith.index_cast %scan3A_46 : i32 to index
        %get3A_59 = arith.index_cast %mul3A_58 : i32 to index
        %get3A_60 = tpu.vector_load %arg12[%get3A, %get3A_59] {strides = array<i32>} : memref<144x256xf32, #tpu.memory_space<vmem>>, vector<1x16xf32>,
        %get3A_61 = vector.shape_cast %get3A_60 : vector<1x16xf32> to vector<16xf32>
        %get3A_62 = arith.index_cast %scan3A_46 : i32 to index
        %get3A_63 = arith.index_cast %mul3A_58 : i32 to index
        %get3A_64 = tpu.vector_load %arg10[%get3A_62, %get3A_63] {strides = array<i32>} : memref<144x256xf32, #tpu.memory_space<vmem>>, vector<1x16xf32>,
        %get3A_65 = vector.shape_cast %get3A_64 : vector<1x16xf32> to vector<16xf32>
        %sub3A = arith.subf %get3A_61, %get3A_65 : vector<16xf32>
        %swap3A = arith.index_cast %scan3A_46 : i32 to index
        %swap3A_66 = arith.index_cast %mul3A_58 : i32 to index
        %swap3A_67 = tpu.vector_load %arg9[%swap3A, %swap3A_66] {strides = array<i32>} : memref<144x256xf32, #tpu.memory_space<vmem>>, vector<1x16xf32>,
        %swap3A_68 = vector.shape_cast %swap3A_67 : vector<1x16xf32> to vector<16xf32>
        %swap3A_69 = vector.shape_cast %sub3A : vector<16xf32> to vector<1x16xf32>
        tpu.vector_store %arg9[%swap3A, %swap3A_66], %swap3A_69 {strides = array<i32>} : memref<144x256xf32, #tpu.memory_space<vmem>>, vector<1x16xf32>,
        %scan3A_70 = arith.constant 0 : i32
        scf.yield %scan3A_70 : i32
      }
      %scan3A_54 = arith.constant 16 : i32
      scf.yield %scan3A_53 : i32
    }
    %scan3A_45 = arith.constant 144 : i32
    "tpu.region"() ({
      %run_scoped3A = tpu.sem_alloc : memref<!tpu.dma_semaphore, #tpu.memory_space<semaphore_mem>>
      %dma_start3A_46 = arith.constant 0 : i32
      %dma_start3A_47 = tpu.memref_slice %arg7[%mul3A_2, %dma_start3A_46] : memref<4608x256xf32, #tpu.memory_space<hbm>> -> memref<144x256xf32, #tpu.memory_space<hbm>>
      %dma_start3A_48 = arith.constant 0 : i32
      %dma_start3A_49 = tpu.memref_slice %arg7[%mul3A_2, %dma_start3A_48] : memref<4608x256xf32, #tpu.memory_space<hbm>> -> memref<144x256xf32, #tpu.memory_space<hbm>>
      tpu.enqueue_dma source(%arg9 : memref<144x256xf32, #tpu.memory_space<vmem>>) target(%dma_start3A_49 : memref<144x256xf32, #tpu.memory_space<hbm>>) target_semaphore(%run_scoped3A : memref<!tpu.dma_semaphore, #tpu.memory_space<semaphore_mem>>)
      %dma_wait3A_50 = arith.constant 0 : i32
      %dma_wait3A_51 = tpu.memref_slice %arg7[%mul3A_2, %dma_wait3A_50] : memref<4608x256xf32, #tpu.memory_space<hbm>> -> memref<144x256xf32, #tpu.memory_space<hbm>>
      %dma_wait3A_52 = arith.constant 0 : i32
      %dma_wait3A_53 = tpu.memref_slice %arg7[%mul3A_2, %dma_wait3A_52] : memref<4608x256xf32, #tpu.memory_space<hbm>> -> memref<144x256xf32, #tpu.memory_space<hbm>>
      tpu.wait_dma2 semaphore(%run_scoped3A : memref<!tpu.dma_semaphore, #tpu.memory_space<semaphore_mem>>) src(%arg9 : memref<144x256xf32, #tpu.memory_space<vmem>>) dst(%dma_wait3A_53 : memref<144x256xf32, #tpu.memory_space<hbm>>)
      tpu.yield
    }) : () -> ()
    return
  }
}

module attributes {stable_mosaic.version = 14 : i64} {
  func.func @_argmin_body(%arg0: i32, %arg1: memref<576x256xf32, #tpu.memory_space<vmem>>, %arg2: memref<8192x256xf32, #tpu.memory_space<vmem>>, %arg3: memref<1x8192xf32, #tpu.memory_space<vmem>>, %arg4: memref<1x1x576xi32, #tpu.memory_space<vmem>>, %arg5: memref<1x1x576xf32, #tpu.memory_space<vmem>>) attributes {dimension_semantics = [#tpu.dimension_semantics<arbitrary>], iteration_bounds = array<i64: 8>, scalar_prefetch = 0 : i64, scratch_operands = 0 : i64, tpu.core_type = #tpu.core_type<tc>, window_params = [{transform_indices = @transform_0, window_bounds = array<i64: 576, 256>}, {pipeline_mode = #tpu.pipeline_mode<synchronous>, transform_indices = @transform_1, window_bounds = array<i64: 8192, 256>}, {pipeline_mode = #tpu.pipeline_mode<synchronous>, transform_indices = @transform_2, window_bounds = array<i64: 1, 8192>}, {transform_indices = @transform_3, window_bounds = array<i64: 1, 1, 576>}, {transform_indices = @transform_4, window_bounds = array<i64: 1, 1, 576>}]} {
    %get3A = arith.constant 0 : index
    %get3A_0 = arith.constant 0 : index
    %get3A_1 = vector.load %arg1[%get3A, %get3A_0] : memref<576x256xf32, #tpu.memory_space<vmem>>, vector<576x256xf32>
    %mul3A = arith.mulf %get3A_1, %get3A_1 : vector<576x256xf32>
    %reduce_sum3A = arith.constant dense<0.000000e+00> : vector<576xf32>
    %reduce_sum3A_2 = vector.multi_reduction <add>, %mul3A, %reduce_sum3A [1] : vector<576x256xf32> to vector<576xf32>
    %broadcast_in_dim3A = arith.constant 0x7F800000 : f32
    %broadcast_in_dim3A_3 = vector.broadcast %broadcast_in_dim3A : f32 to vector<576xf32>
    %broadcast_in_dim3A_4 = arith.constant 0 : i32
    %broadcast_in_dim3A_5 = vector.broadcast %broadcast_in_dim3A_4 : i32 to vector<576xi32>
    %scan3A = arith.constant 0 : i32
    %scan3A_6 = arith.constant 16 : i32
    %scan3A_7 = arith.addi %scan3A, %scan3A_6 : i32
    %scan3A_8 = arith.constant 1 : i32
    %scan3A_9:2 = scf.for %scan3A_22 = %scan3A to %scan3A_7 step %scan3A_8 iter_args(%scan3A_23 = %broadcast_in_dim3A_3, %scan3A_24 = %broadcast_in_dim3A_5) -> (vector<576xf32>, vector<576xi32>)  : i32 {
      %mul3A_25 = arith.constant 512 : i32
      %mul3A_26 = arith.muli %scan3A_22, %mul3A_25 : i32
      %get3A_27 = arith.index_cast %mul3A_26 : i32 to index
      %get3A_28 = arith.constant 0 : index
      %get3A_29 = vector.load %arg2[%get3A_27, %get3A_28] : memref<8192x256xf32, #tpu.memory_space<vmem>>, vector<512x256xf32>
      %mul3A_30 = arith.constant 512 : i32
      %mul3A_31 = arith.muli %scan3A_22, %mul3A_30 : i32
      %get3A_32 = arith.constant 0 : index
      %get3A_33 = arith.index_cast %mul3A_31 : i32 to index
      %get3A_34 = vector.load %arg3[%get3A_32, %get3A_33] : memref<1x8192xf32, #tpu.memory_space<vmem>>, vector<1x512xf32>
      %get3A_35 = vector.shape_cast %get3A_34 : vector<1x512xf32> to vector<512xf32>
      %dot_general3A = arith.constant dense<0.000000e+00> : vector<576x512xf32>
      %dot_general3A_36 = tpu.matmul %get3A_1, %get3A_29, %dot_general3A {dimension_numbers = #tpu.dot_dimension_numbers<[1], [1], [0], [0], [0, 0, 1, 0], [], []>, transpose_lhs_hint = false} : vector<576x256xf32>, vector<512x256xf32>, vector<576x512xf32> -> vector<576x512xf32>
      %broadcast_in_dim3A_37 = vector.shape_cast %reduce_sum3A_2 : vector<576xf32> to vector<576x1xf32>
      %mul3A_38 = arith.constant 2.000000e+00 : f32
      %mul3A_39 = vector.broadcast %mul3A_38 : f32 to vector<576x512xf32>
      %mul3A_40 = arith.mulf %mul3A_39, %dot_general3A_36 : vector<576x512xf32>
      %sub3A = vector.broadcast %broadcast_in_dim3A_37 : vector<576x1xf32> to vector<576x512xf32>
      %sub3A_41 = arith.subf %sub3A, %mul3A_40 : vector<576x512xf32>
      %broadcast_in_dim3A_42 = vector.shape_cast %get3A_35 : vector<512xf32> to vector<1x512xf32>
      %add3A = vector.broadcast %broadcast_in_dim3A_42 : vector<1x512xf32> to vector<576x512xf32>
      %add3A_43 = arith.addf %sub3A_41, %add3A : vector<576x512xf32>
      %reduce_min3A = arith.constant dense<0x7F800000> : vector<576xf32>
      %reduce_min3A_44 = vector.multi_reduction <minimumf>, %add3A_43, %reduce_min3A [1] : vector<576x512xf32> to vector<576xf32>
      %iota3A = tpu.iota {dimensions = array<i32: 1>} : vector<576x512xi32>
      %broadcast_in_dim3A_45 = vector.shape_cast %reduce_min3A_44 : vector<576xf32> to vector<576x1xf32>
      %eq3A = vector.broadcast %broadcast_in_dim3A_45 : vector<576x1xf32> to vector<576x512xf32>
      %eq3A_46 = arith.cmpf oeq, %add3A_43, %eq3A : vector<576x512xf32>
      %jit3A = arith.constant 1073741824 : i32
      %broadcast_in_dim3A_47 = vector.broadcast %jit3A : i32 to vector<576x512xi32>
      %select_n3A = arith.select %eq3A_46, %iota3A, %broadcast_in_dim3A_47 : vector<576x512xi1>, vector<576x512xi32>
      %reduce_min3A_48 = arith.constant dense<2147483647> : vector<576xi32>
      %reduce_min3A_49 = vector.multi_reduction <minsi>, %select_n3A, %reduce_min3A_48 [1] : vector<576x512xi32> to vector<576xi32>
      %mul3A_50 = arith.constant 512 : i32
      %mul3A_51 = arith.muli %scan3A_22, %mul3A_50 : i32
      %add3A_52 = vector.broadcast %mul3A_51 : i32 to vector<576xi32>
      %add3A_53 = arith.addi %reduce_min3A_49, %add3A_52 : vector<576xi32>
      %lt3A = arith.cmpf olt, %reduce_min3A_44, %scan3A_23 : vector<576xf32>
      %select_n3A_54 = arith.select %lt3A, %reduce_min3A_44, %scan3A_23 : vector<576xi1>, vector<576xf32>
      %select_n3A_55 = arith.select %lt3A, %add3A_53, %scan3A_24 : vector<576xi1>, vector<576xi32>
      scf.yield %select_n3A_54, %select_n3A_55 : vector<576xf32>, vector<576xi32>
    }
    %scan3A_10 = arith.constant 16 : i32
    %swap3A = arith.constant 0 : index
    %swap3A_11 = arith.constant 0 : index
    %swap3A_12 = arith.constant 0 : index
    %swap3A_13 = vector.load %arg4[%swap3A, %swap3A_11, %swap3A_12] : memref<1x1x576xi32, #tpu.memory_space<vmem>>, vector<1x1x576xi32>
    %swap3A_14 = vector.shape_cast %swap3A_13 : vector<1x1x576xi32> to vector<576xi32>
    %swap3A_15 = vector.shape_cast %scan3A_9#1 : vector<576xi32> to vector<1x1x576xi32>
    tpu.vector_store %arg4[%swap3A, %swap3A_11, %swap3A_12], %swap3A_15 {strides = array<i32>} : memref<1x1x576xi32, #tpu.memory_space<vmem>>, vector<1x1x576xi32>,
    %swap3A_16 = arith.constant 0 : index
    %swap3A_17 = arith.constant 0 : index
    %swap3A_18 = arith.constant 0 : index
    %swap3A_19 = vector.load %arg5[%swap3A_16, %swap3A_17, %swap3A_18] : memref<1x1x576xf32, #tpu.memory_space<vmem>>, vector<1x1x576xf32>
    %swap3A_20 = vector.shape_cast %swap3A_19 : vector<1x1x576xf32> to vector<576xf32>
    %swap3A_21 = vector.shape_cast %scan3A_9#0 : vector<576xf32> to vector<1x1x576xf32>
    tpu.vector_store %arg5[%swap3A_16, %swap3A_17, %swap3A_18], %swap3A_21 {strides = array<i32>} : memref<1x1x576xf32, #tpu.memory_space<vmem>>, vector<1x1x576xf32>,
    return
  }
  func.func @transform_0(%arg0: i32) -> (i32, i32) {
    %c0_i32 = arith.constant 0 : i32
    %c0_i32_0 = arith.constant 0 : i32
    return %arg0, %c0_i32 : i32, i32
  }
  func.func @transform_1(%arg0: i32) -> (i32, i32) {
    %c0_i32 = arith.constant 0 : i32
    %c0_i32_0 = arith.constant 0 : i32
    %c0_i32_1 = arith.constant 0 : i32
    return %c0_i32, %c0_i32_0 : i32, i32
  }
  func.func @transform_2(%arg0: i32) -> (i32, i32) {
    %c0_i32 = arith.constant 0 : i32
    %c0_i32_0 = arith.constant 0 : i32
    %c0_i32_1 = arith.constant 0 : i32
    return %c0_i32, %c0_i32_0 : i32, i32
  }
  func.func @transform_3(%arg0: i32) -> (i32, i32, i32) {
    %c0_i32 = arith.constant 0 : i32
    %c0_i32_0 = arith.constant 0 : i32
    %c0_i32_1 = arith.constant 0 : i32
    return %arg0, %c0_i32, %c0_i32_0 : i32, i32, i32
  }
  func.func @transform_4(%arg0: i32) -> (i32, i32, i32) {
    %c0_i32 = arith.constant 0 : i32
    %c0_i32_0 = arith.constant 0 : i32
    %c0_i32_1 = arith.constant 0 : i32
    return %arg0, %c0_i32, %c0_i32_0 : i32, i32, i32
  }
}

</mosaic_0001>

<sc_bundles>
// kernel: kernel.18.cloned.1.call-start
scs
__scs_entry_jumppad:
0x0: {  	(pc) =	sbr.rel $0x88, $3  }
0x1: {  	(tag) =	ssettag $0x0;
	lr =	simm.s32 $0x1  }
0x2: {  	[smem:$0x3F9F] =	sst lr;
	_ =	strace $0xD0000000  }
0x3: {  	_ = 	snop  }
0x4: {  	_ = 	snop  }
0x5: {  	_ = 	snop  }
0x6: {  	_ = 	snop  }
0x7: {  	_ = 	snop  }
__scs_overlays_trampoline_lowered:
0x8: {  	[smem:$0x3FAE] =	sst s0  }
0x9: {  	[smem:$0x3FAF] =	sst s1  }
0xa: {  	[smem:$0x3FB0] =	sst s2  }
0xb: {  	[smem:$0x3FB1] =	sst s3  }
0xc: {  	[smem:$0x3FB2] =	sst s4  }
0xd: {  	[smem:$0x3FB3] =	sst s5  }
0xe: {  	[smem:$0x3FB4] =	sst s6  }
0xf: {  	[smem:$0x3FB5] =	sst s7  }
0x10: {  	[smem:$0x3FB6] =	sst s8  }
0x11: {  	[smem:$0x3FB7] =	sst s9;
	s0 =	simm.s32 @!p0 $0x0  }
0x12: {  	s1 =	sld [smem:$0x3F9D];
	s0 =	simm.s32 @p0 $0x1  }
0x13: {  	[smem:$0x3FB8] =	sst s0;
	s0 =	simm.s32 @!p1 $0x0  }
0x14: {  	s2 =	sld [smem:$0x3F9C];
	s0 =	simm.s32 @p1 $0x1  }
0x15: {  	[smem:$0x3FB9] =	sst s0;
	s0 =	simm.s32 @!p2 $0x0  }
0x16: {  	s3 =	sld [smem:$0x3FDB];
	s0 =	simm.s32 @p2 $0x1  }
0x17: {  	s4 =	simm.s32 $0x1BF5;
	[smem:$0x3FBB] =	sst s0  }
0x18: {  	s0 =	sld [smem:$0x3F9E];
	_ =	swait.ge [sflag:s4], $0x0  }
0x19: {  	s7 =	sld [smem:$0x3F9F]  }
0x1a: {  	s8 =	sadd.s32 $0xFFFFE003, lr  }
0x1b: {  	s9 =	sadd.s32 $0xFFFFFEF7, lr;
	s5 =	simm.s32 $0xFFFFFFFF;
	p2 =	slt.u32 s8, $0xFFFFF086  }
0x1c: {  	p1 =	slt.u32 s9, $0xF7A;
	s5 =	simm.s32 @!p2 $0x0  }
0x1d: {  	s5 =	simm.s32 @p1 $0x1;
	p0 =	seq.s32 s7, s2  }
0x1e: {  	s7 =	smul.u32 @!p0 $0xF7A, s2;
	p2 =	seq.s32 @!p0 s5, $0x0  }
0x1f: {  	s9 =	smul.u32 $0xF7A, s1;
	s8 =	simm.s32 @!p0 $0x1BF5;
	p2 =	por !p2, p0  }
0x20: {  	[sflag:s8] =	ssyncset.s32 @!p0 $0xFFFFF086;
	s6 =	sadd.s32 @!p0 s3, s7;
	s7 =	simm.s32 @!p0 $0x108  }
0x21: {  	s3 =	sadd.s32 s3, s9;
	s6 =	sadd.s32 @!p0 $0x88, s6;
	s7 =	simm.s32 @p2 $0x1082  }
0x22: {  	[simem:s7], [sflag:s8] =	dma.local @!p0 [hbm:s6], $0xF7A  }
0x23: {  	s9 =	sor.u32 $0xD0000000, s2;
	s6 =	simm.s32 $0x108;
	_ =	swait.ge @!p0 [sflag:s8], $0x0  }
0x24: {  	s3 =	sadd.s32 $0x88, s3;
	s6 =	simm.s32 @!p1 $0x1082;
	[sflag:s4] =	ssyncset.s32 $0xFFFFF086  }
0x25: {  	[simem:s6], [sflag:s4] =	dma.local [hbm:s3], $0xF7A  }
0x26: {  	[smem:$0x3F9F] =	sst s1;
	(tag) =	ssettag s2;
	_ =	strace s9  }
0x27: {  	s1 =	sld [smem:$0x3FAF]  }
0x28: {  	s2 =	sld [smem:$0x3FB0]  }
0x29: {  	s4 =	sld [smem:$0x3FB2]  }
0x2a: {  	p0 =	seq.s32 s5, $0x0;
	s5 =	sld [smem:$0x3FB3]  }
0x2b: {  	s6 =	sld [smem:$0x3FB4]  }
0x2c: {  	s7 =	sld [smem:$0x3FB5]  }
0x2d: {  	s3 =	simm.s32 $0x108;
	s8 =	sld [smem:$0x3FB6]  }
0x2e: {  	s3 =	simm.s32 @!p0 $0x1082;
	s9 =	sld [smem:$0x3FB7]  }
0x2f: {  	lr =	sadd.s32 s0, s3;
	s0 =	sld [smem:$0x3FAE]  }
0x30: {  	s3 =	sld [smem:$0x3FB1]  }
0x31: {  	[smem:$0x3FBA] =	sst s10  }
0x32: {  	s10 =	sld [smem:$0x3FB8];
	_ =	sdelay $0x3  }
0x33: {  	p0 =	seq.s32 s10, $0x1;
	s10 =	sld [smem:$0x3FBA];
	_ =	sdelay $0x3  }
0x34: {  	[smem:$0x3FBA] =	sst s10  }
0x35: {  	s10 =	sld [smem:$0x3FB9];
	_ =	sdelay $0x3  }
0x36: {  	p1 =	seq.s32 s10, $0x1;
	s10 =	sld [smem:$0x3FBA];
	_ =	sdelay $0x3  }
0x37: {  	[smem:$0x3FBA] =	sst s10  }
0x38: {  	s10 =	sld [smem:$0x3FBB]  }
0x39: {  	_ = 	snop;
	(pc) =	sbr.ind lr, $3  }
0x3a: {  	_ = 	snop  }
0x3b: {  	_ = 	snop  }
0x3c: {  	p2 =	seq.s32 s10, $0x1;
	s10 =	sld [smem:$0x3FBA]  }
0x3d: {  	_ =	shalt  }
0x3e: {  	_ =	shalt  }
0x3f: {  	_ =	shalt  }
0x40: {  	_ =	shalt  }
0x41: {  	_ =	shalt  }
0x42: {  	_ =	shalt  }
0x43: {  	_ =	shalt  }
0x44: {  	_ =	shalt  }
0x45: {  	_ =	shalt  }
0x46: {  	_ =	shalt  }
0x47: {  	_ =	shalt  }
0x48: {  	_ =	shalt  }
0x49: {  	_ =	shalt  }
0x4a: {  	_ =	shalt  }
0x4b: {  	_ =	shalt  }
0x4c: {  	_ =	shalt  }
0x4d: {  	_ =	shalt  }
0x4e: {  	_ =	shalt  }
0x4f: {  	_ =	shalt  }
0x50: {  	_ =	shalt  }
0x51: {  	_ =	shalt  }
0x52: {  	_ =	shalt  }
0x53: {  	_ =	shalt  }
0x54: {  	_ =	shalt  }
0x55: {  	_ =	shalt  }
0x56: {  	_ =	shalt  }
0x57: {  	_ =	shalt  }
0x58: {  	_ =	shalt  }
0x59: {  	_ =	shalt  }
0x5a: {  	_ =	shalt  }
0x5b: {  	_ =	shalt  }
0x5c: {  	_ =	shalt  }
0x5d: {  	_ =	shalt  }
0x5e: {  	_ =	shalt  }
0x5f: {  	_ =	shalt  }
0x60: {  	_ =	shalt  }
0x61: {  	_ =	shalt  }
0x62: {  	_ =	shalt  }
0x63: {  	_ =	shalt  }
0x64: {  	_ =	shalt  }
0x65: {  	_ =	shalt  }
0x66: {  	_ =	shalt  }
0x67: {  	_ =	shalt  }
0x68: {  	_ =	shalt  }
0x69: {  	_ =	shalt  }
0x6a: {  	_ =	shalt  }
0x6b: {  	_ =	shalt  }
0x6c: {  	_ =	shalt  }
0x6d: {  	_ =	shalt  }
0x6e: {  	_ =	shalt  }
0x6f: {  	_ =	shalt  }
0x70: {  	_ =	shalt  }
0x71: {  	_ =	shalt  }
0x72: {  	_ =	shalt  }
0x73: {  	_ =	shalt  }
0x74: {  	_ =	shalt  }
0x75: {  	_ =	shalt  }
0x76: {  	_ =	shalt  }
0x77: {  	_ =	shalt  }
0x78: {  	_ =	shalt  }
0x79: {  	_ =	shalt  }
0x7a: {  	_ =	shalt  }
0x7b: {  	_ =	shalt  }
0x7c: {  	_ =	shalt  }
0x7d: {  	_ =	shalt  }
0x7e: {  	_ =	shalt  }
0x7f: {  	_ =	shalt  }
0x80: {  	_ =	shalt  }
0x81: {  	_ =	shalt  }
0x82: {  	_ =	shalt  }
0x83: {  	_ =	shalt  }
0x84: {  	_ =	shalt  }
0x85: {  	_ =	shalt  }
0x86: {  	_ =	shalt  }
0x87: {  	_ =	shalt  }
.Lfunc_end0:
.L_simem_size_0:
called_computation_lowered:
.L_overlay_start_0:
0x88: {  	s2 =	sld [smem:$0x3FD9]  }
0x89: {  	s3 =	sld [smem:$0x3FFE];
	_ =	sdelay $0x1  }
0x8a: {  	s1 =	srdreg.scid  }
0x8b: {  	s0 =	sand.u32 $0x1, s1  }
0x8c: {  	s14 =	sshll.u32 s0, $0xA;
	s2 =	sadd.s32 s3, s2  }
0x8d: {  	s2 =	sadd.s32 s2, s14  }
0x8e: {  	[smem:$0x3FC6] =	sst s2  }
0x8f: {  	_ = 	snop  }
0x90: {  	s2 =	sld [smem:$0x3FD0];
	_ =	sdelay $0x2  }
0x91: {  	s4 =	simm.s32 $0xA;
	s5 =	simm.s32 $0x10;
	s15 =	sld [smem:$0x3FC9]  }
0x92: {  	[smem:s5], [sflag:s4] =	dma.local [hbm:s2], $0x1  }
0x93: {  	_ =	swait.eq [sflag:s4], $0x1  }
0x94: {  	[sflag:s4] =	ssyncset.done $0x0  }
0x95: {  	[sflag:s4] =	ssyncadd.s32 $0xFFFFFFFF  }
0x96: {  	s16 =	sld [smem:$0x11];
	(tm) =	ssettm $0x1  }
0x97: {  	s17 =	sld [smem:$0x3FFB];
	_ =	sdelay $0x3  }
0x98: {  	_ =	strace s17  }
0x99: {  	s4 =	sld [smem:$0x3FFC];
	_ =	sdelay $0x3  }
0x9a: {  	_ =	strace s4  }
0x9b: {  	s4 =	sld [smem:$0x3FFD];
	_ =	sdelay $0x3  }
0x9c: {  	_ =	strace s4  }
0x9d: {  	_ =	strace $0x8FFFFFFF  }
0x9e: {  	s18 =	sld [smem:$0x3FDB];
	_ =	sdelay $0x1  }
0x9f: {  	s19 =	simm.s32 $_scs_section_size  }
0xa0: {  	s6 =	simm.s32 $_size__tile_overlayer_lowered;
	s7 =	simm.s32 $_tile_overlayer_lowered  }
0xa1: {  	s22 =	simm.s32 $0x1BFF;
	s21 =	sshll.u32 s7, $0x1;
	s4 =	sadd.s32 s19, s18  }
0xa2: {  	s8 =	simm.s32 $0x0;
	s20 =	sshll.u32 s6, $0x1;
	s6 =	sadd.s32 s21, s4  }
0xa3: {  	[timem:s8], [sflag:s22] =	dma.local [hbm:s6], s20  }
0xa4: {  	_ =	swait.ge [sflag:s22], s20  }
0xa5: {  	s5 =	ssub.s32 $0x0, s20;
	[sflag:s22] =	ssyncset.done $0x0  }
0xa6: {  	[sflag:s22] =	ssyncadd.s32 s5;
	_ =	sdelay $0x1  }
0xa7: {  	s23 =	simm.s32 $0x1B8B  }
0xa8: {  	_ =	swait.ge [sflag:s23], $0x1  }
0xa9: {  	[sflag:s23] =	ssyncset.done $0x0  }
0xaa: {  	s25 =	simm.s32 $0x1B8E;
	s24 =	sld [smem:$0x3FFE];
	[sflag:s23] =	ssyncadd.s32 $0xFFFFFFFF  }
0xab: {  	s26 =	simm.s32 $execute0_lowered;
	[smem:$0x3FD2] =	sst s25  }
0xac: {  	s6 =	sshll.u32 s26, $0x1;
	_ =	strace $0x80000046;
	[dreg:$0x1] =	wrdreg $0xFFFFFFFF  }
0xad: {  	s28 =	simm.s32 $_size_execute0_lowered;
	s4 =	sadd.s32 s4, s6;
	[dreg:$0x0] =	wrdreg $0x0  }
0xae: {  	s6 =	sshll.u32 s28, $0x1;
	[dreg:$0x2] =	wrdreg s4  }
0xaf: {  	[dreg:$0x3] =	wrdreg s6  }
0xb0: {  	[dreg:$0x4] =	wrdreg $0xC0  }
0xb1: {  	_ =	task [dreg:s8], $0x5FFFF  }
0xb2: {  	[dreg:$0x1] =	wrdreg $0xFFFFFFFF  }
0xb3: {  	[dreg:$0x0] =	wrdreg $0x60  }
0xb4: {  	[dreg:$0x2] =	wrdreg s24  }
0xb5: {  	[dreg:$0x3] =	wrdreg s16  }
0xb6: {  	[dreg:$0x4] =	wrdreg s15  }
0xb7: {  	[dreg:$0x5] =	wrdreg $0x9  }
0xb8: {  	_ =	task.clear_ibuf [dreg:s8], $0x6FFFF;
	_ =	strace $0x90000046  }
0xb9: {  	s29 =	simm.s32 $0x9;
	_ =	strace $0x80000048  }
0xba: {  	_ =	swait.ge [sflag:s29], $0x1  }
0xbb: {  	[sflag:s29] =	ssyncadd.s32 $0xFFFFFFFF  }
0xbc: {  	_ =	strace $0x90000048  }
0xbd: {  	_ =	sfence  }
0xbe: {  	s30 =	sld [smem:$0x0];
	_ =	sdelay $0x2  }
0xbf: {  	s31 =	sshll.u32 s1, $0xD;
	s1 =	sshrl.u32 s1, $0x2  }
0xc0: {  	s3 =	sand.u32 $0x4000, s31;
	s1 =	sadd.s32 s1, s30  }
0xc1: {  	s0 =	sor.u32 s3, s0;
	s1 =	sshll.u32 s1, $0x11  }
0xc2: {  	s0 =	sor.u32 s1, s0  }
0xc3: {  	s0 =	sadd.s32 $0x8F2B, s0  }
0xc4: {  	[sflag:s0] =	ssyncadd.remote.s32 $0x1  }
0xc5: {  	_ =	sfence.sel $0xFFFF  }
0xc6: {  	[dreg:$0x0] =	wrdreg $0xFFFFFFFF;
	(pc) =	sbr.abs _section_cstart, $3  }
0xc7: {  	[dreg:$0x1] =	wrdreg $0xFFFFFFFF  }
0xc8: {  	_ =	task.clear_ibuf [dreg:s8], $0x2FFFF;
	_ =	strace $0x9FFFFFFF  }
0xc9: {  	(tm) =	ssettm $0x7FFFFFFF  }
tec
execute0_lowered:
.L_overlay_start_1:
0x0: {  	(tag) =	ssettag $0x1  }
0x1: {  	s0 =	rddreg [dreg:$0x0]  }
0x2: {  	s1 =	rddreg [dreg:$0x1]  }
0x3: {  	s2 =	srdreg.scid;
	s4 =	stileid.u32  }
0x4: {  	s5 =	rddreg [dreg:$0x2];
	s13 =	simm.s32 $0x2100;
	s14 =	simm.s32 $0x2900  }
0x5: {  	s15 =	simm.s32 $0x3100;
	s16 =	simm.s32 $0x3900;
	s17 =	simm.s32 $0x4100  }
0x6: {  	s18 =	simm.s32 $0x1;
	s19 =	simm.s32 $0x4900;
	s20 =	simm.s32 $0x5100  }
0x7: {  	s21 =	simm.s32 $0x5900;
	s22 =	simm.s32 $0x6100;
	s23 =	simm.s32 $0x6900  }
0x8: {  	s24 =	simm.s32 $0x7100;
	s25 =	simm.s32 $0x7900;
	s26 =	simm.s32 $0x8100  }
0x9: {  	s28 =	simm.s32 $0x8900;
	s3 =	sand.u32 $0x1, s2;
	s4 =	sshll.u32 s4, $0x1  }
0xa: {  	s29 =	simm.s32 $0x9100;
	s30 =	simm.s32 $0x0;
	s4 =	sor.u32 s3, s4  }
0xb: {  	s2 =	simm.s32 $0x0;
	s7 =	ssub.s32 $0x2, s3;
	s6 =	smul.u32 $0x1200, s4  }
0xc: {  	[smem:$0x7FF] =	sst s2;
	s4 =	smul.u32 $0x12, s4;
	s8 =	sshrl.u32 s7, $0x1  }
0xd: {  	v2 =	vlaneseq.u32;
	s3 =	sadd.s32 $0x1C3200, s0;
	_ =	strace $0x80000047;
	s7 =	ssub.s32 s7, s8  }
0xe: {  	vm0 =	vmmov $0xffff;
	v1 =	vshrl.u32 v2, $0x3;
	s8 =	simm.s32 $0x2;
	s0 =	sadd.s32 s6, s0;
	s4 =	sadd.s32 s1, s4  }
0xf: {  	v0 =	vand.u32 $0x7, v2;
	v2 =	vor.u32 $0x8, v2;
	v1 =	vmul.u32 $0x8, v1;
	s5 =	sadd.s32 s5, s6;
	s7 =	smax.u32 s7, $0x1;
	s6 =	sadd.s32 $0x203A00, s0  }
.LBB2_1:
0x10: {  	[tilespmem:s2], [sflag:$0x2] =	stream.linear.gather [hbm4b:s4+s2], $0x90, $0x38;
	[tilespmem:$0x12100] =	vst v63  }
0x11: {  	_ =	swait.ge [sflag:s8], $0x90  }
0x12: {  	[sflag:s8] =	ssyncset.done $0x0  }
0x13: {  	[sflag:s8] =	ssyncadd.s32 $0xFFFFFF70  }
0x14: {  	v3 =	vld [tilespmem:$0x0];
	_ =	sdelay $0x4  }
0x15: {  	v4 =	vshll.u32 v3, $0x1  }
0x16: {  	v3 =	vand.u32 $0x7, v3;
	v4 =	vand.u32 $0xFFFFFFF0, v4  }
0x17: {  	v3 =	vor.u32 v3, v4  }
0x18: {  	v4 =	vperm.xlane v3, v0;
	_ =	sdelay $0x1  }
0x19: {  	v3 =	vperm.xlane v3, v2;
	v4 =	vadd.s32 v1, v4;
	_ =	sdelay $0x1  }
0x1a: {  	v3 =	vadd.s32 v1, v3;
	_ =	sdelay $0x1  }
0x1b: {  	s0 =	simm.s32 $0x100  }
0x1c: {  	[tilespmem:s0], [sflag:$0x1] =	stream.indirect_vreg.gather [hbm4b:s3+s2], $0x80, v4, vm0, $0xb8;
	[tilespmem:$0x12100] =	vst v63  }
0x1d: {  	s10 =	simm.s32 $0x900  }
0x1e: {  	[tilespmem:s10], [sflag:$0x1] =	stream.indirect_vreg.gather [hbm4b:s3+s2], $0x80, v3, vm0, $0xb8;
	[tilespmem:$0x12100] =	vst v63  }
0x1f: {  	v3 =	vld [tilespmem:$0x10];
	_ =	sdelay $0x4  }
0x20: {  	v55 =	vshll.u32 v3, $0x1  }
0x21: {  	v3 =	vand.u32 $0x7, v3;
	v4 =	vand.u32 $0xFFFFFFF0, v55  }
0x22: {  	v3 =	vor.u32 v3, v4  }
0x23: {  	v4 =	vperm.xlane v3, v0;
	_ =	sdelay $0x1  }
0x24: {  	v3 =	vperm.xlane v3, v2;
	v4 =	vadd.s32 v1, v4;
	_ =	sdelay $0x1  }
0x25: {  	v3 =	vadd.s32 v1, v3;
	_ =	sdelay $0x1  }
0x26: {  	s11 =	simm.s32 $0x1100  }
0x27: {  	[tilespmem:s11], [sflag:$0x1] =	stream.indirect_vreg.gather [hbm4b:s3+s2], $0x80, v4, vm0, $0xb8;
	[tilespmem:$0x12100] =	vst v63  }
0x28: {  	s12 =	simm.s32 $0x1900  }
0x29: {  	[tilespmem:s12], [sflag:$0x1] =	stream.indirect_vreg.gather [hbm4b:s3+s2], $0x80, v3, vm0, $0xb8;
	[tilespmem:$0x12100] =	vst v63  }
0x2a: {  	v3 =	vld [tilespmem:$0x20];
	_ =	sdelay $0x4  }
0x2b: {  	v56 =	vshll.u32 v3, $0x1  }
0x2c: {  	v3 =	vand.u32 $0x7, v3;
	v4 =	vand.u32 $0xFFFFFFF0, v56  }
0x2d: {  	v3 =	vor.u32 v3, v4  }
0x2e: {  	v4 =	vperm.xlane v3, v0;
	_ =	sdelay $0x1  }
0x2f: {  	v3 =	vperm.xlane v3, v2;
	v4 =	vadd.s32 v1, v4;
	_ =	sdelay $0x1  }
0x30: {  	v3 =	vadd.s32 v1, v3;
	_ =	sdelay $0x2  }
0x31: {  	[tilespmem:s13], [sflag:$0x1] =	stream.indirect_vreg.gather [hbm4b:s3+s2], $0x80, v4, vm0, $0xb8;
	[tilespmem:$0x12100] =	vst v63  }
0x32: {  	_ = 	snop  }
0x33: {  	[tilespmem:s14], [sflag:$0x1] =	stream.indirect_vreg.gather [hbm4b:s3+s2], $0x80, v3, vm0, $0xb8;
	[tilespmem:$0x12100] =	vst v63  }
0x34: {  	v3 =	vld [tilespmem:$0x30];
	_ =	sdelay $0x4  }
0x35: {  	v57 =	vshll.u32 v3, $0x1  }
0x36: {  	v3 =	vand.u32 $0x7, v3;
	v4 =	vand.u32 $0xFFFFFFF0, v57  }
0x37: {  	v3 =	vor.u32 v3, v4  }
0x38: {  	v4 =	vperm.xlane v3, v0;
	_ =	sdelay $0x1  }
0x39: {  	v3 =	vperm.xlane v3, v2;
	v4 =	vadd.s32 v1, v4;
	_ =	sdelay $0x1  }
0x3a: {  	v3 =	vadd.s32 v1, v3;
	_ =	sdelay $0x2  }
0x3b: {  	[tilespmem:s15], [sflag:$0x1] =	stream.indirect_vreg.gather [hbm4b:s3+s2], $0x80, v4, vm0, $0xb8;
	[tilespmem:$0x12100] =	vst v63  }
0x3c: {  	_ = 	snop  }
0x3d: {  	[tilespmem:s16], [sflag:$0x1] =	stream.indirect_vreg.gather [hbm4b:s3+s2], $0x80, v3, vm0, $0xb8;
	[tilespmem:$0x12100] =	vst v63  }
0x3e: {  	v3 =	vld.msk [tilespmem:$0x40], $0xff;
	_ =	sdelay $0x4  }
0x3f: {  	v58 =	vshll.u32 v3, $0x1  }
0x40: {  	v3 =	vand.u32 $0x7, v3;
	v4 =	vand.u32 $0xFFFFFFF0, v58  }
0x41: {  	v3 =	vor.u32 v3, v4  }
0x42: {  	v3 =	vperm.xlane v3, v0;
	_ =	sdelay $0x1  }
0x43: {  	v3 =	vadd.s32 v1, v3;
	_ =	sdelay $0x4  }
0x44: {  	[tilespmem:s17], [sflag:$0x1] =	stream.indirect_vreg.gather [hbm4b:s3+s2], $0x80, v3, vm0, $0xb8;
	[tilespmem:$0x12100] =	vst v63  }
0x45: {  	_ =	swait.ge [sflag:s18], $0x4800  }
0x46: {  	[sflag:s18] =	ssyncset.done $0x0  }
0x47: {  	[sflag:s18] =	ssyncadd.s32 $0xFFFFB800  }
0x48: {  	v3 =	vld [tilespmem:$0x48];
	_ =	sdelay $0x4  }
0x49: {  	v59 =	vshll.u32 v3, $0x1  }
0x4a: {  	v3 =	vand.u32 $0x7, v3;
	v4 =	vand.u32 $0xFFFFFFF0, v59  }
0x4b: {  	v3 =	vor.u32 v3, v4  }
0x4c: {  	v4 =	vperm.xlane v3, v0;
	_ =	sdelay $0x1  }
0x4d: {  	v3 =	vperm.xlane v3, v2;
	v4 =	vadd.s32 v1, v4;
	_ =	sdelay $0x1  }
0x4e: {  	v3 =	vadd.s32 v1, v3;
	_ =	sdelay $0x2  }
0x4f: {  	[tilespmem:s19], [sflag:$0x1] =	stream.indirect_vreg.gather [hbm4b:s3+s2], $0x80, v4, vm0, $0xb8;
	[tilespmem:$0x12100] =	vst v63  }
0x50: {  	_ = 	snop  }
0x51: {  	[tilespmem:s20], [sflag:$0x1] =	stream.indirect_vreg.gather [hbm4b:s3+s2], $0x80, v3, vm0, $0xb8;
	[tilespmem:$0x12100] =	vst v63  }
0x52: {  	v3 =	vld [tilespmem:$0x58];
	_ =	sdelay $0x4  }
0x53: {  	v60 =	vshll.u32 v3, $0x1  }
0x54: {  	v3 =	vand.u32 $0x7, v3;
	v4 =	vand.u32 $0xFFFFFFF0, v60  }
0x55: {  	v3 =	vor.u32 v3, v4  }
0x56: {  	v4 =	vperm.xlane v3, v0;
	_ =	sdelay $0x1  }
0x57: {  	v3 =	vperm.xlane v3, v2;
	v4 =	vadd.s32 v1, v4;
	_ =	sdelay $0x1  }
0x58: {  	v3 =	vadd.s32 v1, v3;
	_ =	sdelay $0x2  }
0x59: {  	[tilespmem:s21], [sflag:$0x1] =	stream.indirect_vreg.gather [hbm4b:s3+s2], $0x80, v4, vm0, $0xb8;
	[tilespmem:$0x12100] =	vst v63  }
0x5a: {  	_ = 	snop  }
0x5b: {  	[tilespmem:s22], [sflag:$0x1] =	stream.indirect_vreg.gather [hbm4b:s3+s2], $0x80, v3, vm0, $0xb8;
	[tilespmem:$0x12100] =	vst v63  }
0x5c: {  	v3 =	vld [tilespmem:$0x68];
	_ =	sdelay $0x4  }
0x5d: {  	v61 =	vshll.u32 v3, $0x1  }
0x5e: {  	v3 =	vand.u32 $0x7, v3;
	v4 =	vand.u32 $0xFFFFFFF0, v61  }
0x5f: {  	v3 =	vor.u32 v3, v4  }
0x60: {  	v4 =	vperm.xlane v3, v0;
	_ =	sdelay $0x1  }
0x61: {  	v3 =	vperm.xlane v3, v2;
	v4 =	vadd.s32 v1, v4;
	_ =	sdelay $0x1  }
0x62: {  	v3 =	vadd.s32 v1, v3;
	_ =	sdelay $0x2  }
0x63: {  	[tilespmem:s23], [sflag:$0x1] =	stream.indirect_vreg.gather [hbm4b:s3+s2], $0x80, v4, vm0, $0xb8;
	[tilespmem:$0x12100] =	vst v63  }
0x64: {  	_ = 	snop  }
0x65: {  	[tilespmem:s24], [sflag:$0x1] =	stream.indirect_vreg.gather [hbm4b:s3+s2], $0x80, v3, vm0, $0xb8;
	[tilespmem:$0x12100] =	vst v63  }
0x66: {  	v3 =	vld [tilespmem:$0x78];
	_ =	sdelay $0x4  }
0x67: {  	v62 =	vshll.u32 v3, $0x1  }
0x68: {  	v3 =	vand.u32 $0x7, v3;
	v4 =	vand.u32 $0xFFFFFFF0, v62  }
0x69: {  	v3 =	vor.u32 v3, v4  }
0x6a: {  	v4 =	vperm.xlane v3, v0;
	_ =	sdelay $0x1  }
0x6b: {  	v3 =	vperm.xlane v3, v2;
	v4 =	vadd.s32 v1, v4;
	_ =	sdelay $0x1  }
0x6c: {  	v3 =	vadd.s32 v1, v3;
	_ =	sdelay $0x2  }
0x6d: {  	[tilespmem:s25], [sflag:$0x1] =	stream.indirect_vreg.gather [hbm4b:s3+s2], $0x80, v4, vm0, $0xb8;
	[tilespmem:$0x12100] =	vst v63  }
0x6e: {  	_ = 	snop  }
0x6f: {  	[tilespmem:s26], [sflag:$0x1] =	stream.indirect_vreg.gather [hbm4b:s3+s2], $0x80, v3, vm0, $0xb8;
	[tilespmem:$0x12100] =	vst v63  }
0x70: {  	v3 =	vld.msk [tilespmem:$0x88], $0xff;
	_ =	sdelay $0x4  }
0x71: {  	v63 =	vshll.u32 v3, $0x1  }
0x72: {  	v3 =	vand.u32 $0x7, v3;
	v4 =	vand.u32 $0xFFFFFFF0, v63  }
0x73: {  	v3 =	vor.u32 v3, v4  }
0x74: {  	v3 =	vperm.xlane v3, v0;
	_ =	sdelay $0x1  }
0x75: {  	v3 =	vadd.s32 v1, v3;
	_ =	sdelay $0x4  }
0x76: {  	[tilespmem:s28], [sflag:$0x1] =	stream.indirect_vreg.gather [hbm4b:s3+s2], $0x80, v3, vm0, $0xb8;
	[tilespmem:$0x12100] =	vst v63  }
0x77: {  	_ =	swait.ge [sflag:s18], $0x4800  }
0x78: {  	[sflag:s18] =	ssyncset.done $0x0  }
0x79: {  	[sflag:s18] =	ssyncadd.s32 $0xFFFFB800  }
0x7a: {  	[tilespmem:s29], [sflag:$0x2] =	stream.linear.gather [hbm4b:s5+s2], $0x9000, $0x38;
	[tilespmem:$0x12100] =	vst v63  }
0x7b: {  	_ =	swait.ge [sflag:s8], $0x9000  }
0x7c: {  	[sflag:s8] =	ssyncset.done $0x0  }
0x7d: {  	s31 =	simm.s32 $0x0;
	[sflag:s8] =	ssyncadd.s32 $0xFFFF7000  }
.LBB2_2:
0x7e: {  	s0 =	sshll.u32 s31, $0x8;
	s1 =	sshll.u32 s31, $0x7  }
0x7f: {  	s9 =	simm.s32 $0x0;
	s0 =	sand.u32 $0xF800, s0;
	s1 =	sand.u32 $0x380, s1  }
0x80: {  	s12 =	sand.u32 $0x400, s9;
	s1 =	sor.u32 s0, s1  }
0x81: {  	s9 =	sand.u32 $0x70, s9;
	s0 =	sor.u32 s12, s1  }
0x82: {  	s0 =	sor.u32 s9, s0  }
0x83: {  	v3 =	vld [tilespmem:s0+$0x100]  }
0x84: {  	v4 =	vld [tilespmem:s0+$0x9100];
	_ =	sdelay $0x2  }
0x85: {  	s9 =	simm.s32 $0x80  }
0x86: {  	s10 =	simm.s32 $0x10;
	s12 =	sand.u32 $0x400, s9  }
0x87: {  	s11 =	sand.u32 $0x70, s10;
	s10 =	simm.s32 $0x20;
	s12 =	sor.u32 s12, s1;
	v3 =	vsub.f32 v4, v3  }
.LBB2_3:
0x88: {  	p0 =	sne.s32 s10, $0xF0;
	s11 =	sor.u32 s11, s12  }
0x89: {  	v4 =	vld [tilespmem:s11+$0x100];
	[tilespmem:s0+$0x9100] =	vst v3;
	s0 =	smov.u32 s11  }
0x8a: {  	v3 =	vld [tilespmem:s0+$0x9100]  }
.Ltmp0:
0x8b: {  	(pc) =	sbr.rel @p0 .LBB2_3-.Ltmp0, $4  }
0x8c: {  	_ = 	snop  }
0x8d: {  	s9 =	sadd.s32 $0x80, s9  }
0x8e: {  	s12 =	sand.u32 $0x400, s9  }
0x8f: {  	s11 =	sand.u32 $0x70, s10;
	s10 =	sadd.s32 $0x10, s10;
	s12 =	sor.u32 s12, s1;
	v3 =	vsub.f32 v3, v4  }
0x90: {  	s1 =	sor.u32 s11, s12  }
0x91: {  	v4 =	vld [tilespmem:s1+$0x100];
	[tilespmem:s0+$0x9100] =	vst v3  }
0x92: {  	v3 =	vld [tilespmem:s1+$0x9100]  }
0x93: {  	s31 =	sadd.s32 $0x1, s31  }
0x94: {  	p0 =	sne.s32 s31, $0x90  }
.Ltmp1:
0x95: {  	_ = 	snop;
	(pc) =	sbr.rel @p0 .LBB2_2-.Ltmp1, $3  }
0x96: {  	_ = 	snop  }
0x97: {  	v3 =	vsub.f32 v3, v4;
	_ =	sdelay $0x1  }
0x98: {  	[tilespmem:s1+$0x9100] =	vst v3  }
0x99: {  	s30 =	sadd.s32 $0x1, s30  }
0x9a: {  	p0 =	sne.s32 s30, s7  }
.Ltmp2:
0x9b: {  	_ = 	snop;
	(pc) =	sbr.rel @p0 .LBB2_1-.Ltmp2, $4  }
0x9c: {  	[hbm4b:s6+s2] =	stream.linear.scatter [tilespmem:s29], [sflag:$0x2], $0x9000, $0x38;
	[tilespmem:$0x12100] =	vst v63  }
0x9d: {  	_ =	swait.ge [sflag:s8], $0x9000  }
0x9e: {  	[sflag:s8] =	ssyncset.done $0x0  }
0x9f: {  	[sflag:s8] =	ssyncadd.s32 $0xFFFF7000  }
0xa0: {  	_ =	sfence.sel $0x180000  }
0xa1: {  	[bflag:$0x0] =	sbarrier.arrive $0xFFFF  }
0xa2: {  	_ =	strace $0x90000047  }
0xa3: {  	s0 =	stileid.u32;
	[bflag:$0x2] =	sbarrier.arrive $0xFFFF  }
0xa4: {  	p0 =	sne.s32 s0, $0x0;
	s0 =	rddreg [dreg:$0x3]  }
0xa5: {  	s0 =	sadd.s32 @!p0 $0x100000, s0  }
0xa6: {  	[sflag:s0] =	ssyncadd.tile.s32 @!p0 $0x1;
	_ =	shalt  }
.Lfunc_end2:
_tile_overlayer_lowered:
.L_overlay_start_2:
0xa7: {  	(tag) =	ssettag $0x2  }
0xa8: {  	s0 =	rddreg [dreg:$0x0];
	s2 =	stileid.u32  }
0xa9: {  	s1 =	rddreg [dreg:$0x1];
	p0 =	sne.s32 s2, $0x0  }
0xaa: {  	s3 =	rddreg [dreg:$0x2];
	[bflag:$0x3] =	sbarrier.arrive $0xFFFF;
	s2 =	simm.s32 @!p0 $0x1C02  }
0xab: {  	[timem:s3], [sflag:s2] =	dma.local @!p0 [hbm:s0], s1  }
0xac: {  	s0 =	simm.s32 @!p0 $0x2  }
0xad: {  	_ =	swait.ge @!p0 [sflag:s0], s1  }
0xae: {  	s1 =	ssub.s32 @!p0 $0x0, s1;
	[sflag:s0] =	ssyncset.done @!p0 $0x0  }
0xaf: {  	[sflag:s0] =	ssyncadd.s32 @!p0 s1  }
0xb0: {  	[bflag:$0x3] =	sbarrier.arrive $0xFFFF  }
0xb1: {  	_ =	shalt  }

// kernel: kernel.21.cloned.1.call-start
scs
__scs_entry_jumppad:
0x0: {  	(pc) =	sbr.rel $0x88, $3  }
0x1: {  	(tag) =	ssettag $0x0;
	lr =	simm.s32 $0x1  }
0x2: {  	[smem:$0x3F9F] =	sst lr;
	_ =	strace $0xD0000000  }
0x3: {  	_ = 	snop  }
0x4: {  	_ = 	snop  }
0x5: {  	_ = 	snop  }
0x6: {  	_ = 	snop  }
0x7: {  	_ = 	snop  }
__scs_overlays_trampoline_lowered:
0x8: {  	[smem:$0x3FAE] =	sst s0  }
0x9: {  	[smem:$0x3FAF] =	sst s1  }
0xa: {  	[smem:$0x3FB0] =	sst s2  }
0xb: {  	[smem:$0x3FB1] =	sst s3  }
0xc: {  	[smem:$0x3FB2] =	sst s4  }
0xd: {  	[smem:$0x3FB3] =	sst s5  }
0xe: {  	[smem:$0x3FB4] =	sst s6  }
0xf: {  	[smem:$0x3FB5] =	sst s7  }
0x10: {  	[smem:$0x3FB6] =	sst s8  }
0x11: {  	[smem:$0x3FB7] =	sst s9;
	s0 =	simm.s32 @!p0 $0x0  }
0x12: {  	s1 =	sld [smem:$0x3F9D];
	s0 =	simm.s32 @p0 $0x1  }
0x13: {  	[smem:$0x3FB8] =	sst s0;
	s0 =	simm.s32 @!p1 $0x0  }
0x14: {  	s2 =	sld [smem:$0x3F9C];
	s0 =	simm.s32 @p1 $0x1  }
0x15: {  	[smem:$0x3FB9] =	sst s0;
	s0 =	simm.s32 @!p2 $0x0  }
0x16: {  	s3 =	sld [smem:$0x3FDB];
	s0 =	simm.s32 @p2 $0x1  }
0x17: {  	s4 =	simm.s32 $0x1BF5;
	[smem:$0x3FBB] =	sst s0  }
0x18: {  	s0 =	sld [smem:$0x3F9E];
	_ =	swait.ge [sflag:s4], $0x0  }
0x19: {  	s7 =	sld [smem:$0x3F9F]  }
0x1a: {  	s8 =	sadd.s32 $0xFFFFE003, lr  }
0x1b: {  	s9 =	sadd.s32 $0xFFFFFEF7, lr;
	s5 =	simm.s32 $0xFFFFFFFF;
	p2 =	slt.u32 s8, $0xFFFFF086  }
0x1c: {  	p1 =	slt.u32 s9, $0xF7A;
	s5 =	simm.s32 @!p2 $0x0  }
0x1d: {  	s5 =	simm.s32 @p1 $0x1;
	p0 =	seq.s32 s7, s2  }
0x1e: {  	s7 =	smul.u32 @!p0 $0xF7A, s2;
	p2 =	seq.s32 @!p0 s5, $0x0  }
0x1f: {  	s9 =	smul.u32 $0xF7A, s1;
	s8 =	simm.s32 @!p0 $0x1BF5;
	p2 =	por !p2, p0  }
0x20: {  	[sflag:s8] =	ssyncset.s32 @!p0 $0xFFFFF086;
	s6 =	sadd.s32 @!p0 s3, s7;
	s7 =	simm.s32 @!p0 $0x108  }
0x21: {  	s3 =	sadd.s32 s3, s9;
	s6 =	sadd.s32 @!p0 $0x88, s6;
	s7 =	simm.s32 @p2 $0x1082  }
0x22: {  	[simem:s7], [sflag:s8] =	dma.local @!p0 [hbm:s6], $0xF7A  }
0x23: {  	s9 =	sor.u32 $0xD0000000, s2;
	s6 =	simm.s32 $0x108;
	_ =	swait.ge @!p0 [sflag:s8], $0x0  }
0x24: {  	s3 =	sadd.s32 $0x88, s3;
	s6 =	simm.s32 @!p1 $0x1082;
	[sflag:s4] =	ssyncset.s32 $0xFFFFF086  }
0x25: {  	[simem:s6], [sflag:s4] =	dma.local [hbm:s3], $0xF7A  }
0x26: {  	[smem:$0x3F9F] =	sst s1;
	(tag) =	ssettag s2;
	_ =	strace s9  }
0x27: {  	s1 =	sld [smem:$0x3FAF]  }
0x28: {  	s2 =	sld [smem:$0x3FB0]  }
0x29: {  	s4 =	sld [smem:$0x3FB2]  }
0x2a: {  	p0 =	seq.s32 s5, $0x0;
	s5 =	sld [smem:$0x3FB3]  }
0x2b: {  	s6 =	sld [smem:$0x3FB4]  }
0x2c: {  	s7 =	sld [smem:$0x3FB5]  }
0x2d: {  	s3 =	simm.s32 $0x108;
	s8 =	sld [smem:$0x3FB6]  }
0x2e: {  	s3 =	simm.s32 @!p0 $0x1082;
	s9 =	sld [smem:$0x3FB7]  }
0x2f: {  	lr =	sadd.s32 s0, s3;
	s0 =	sld [smem:$0x3FAE]  }
0x30: {  	s3 =	sld [smem:$0x3FB1]  }
0x31: {  	[smem:$0x3FBA] =	sst s10  }
0x32: {  	s10 =	sld [smem:$0x3FB8];
	_ =	sdelay $0x3  }
0x33: {  	p0 =	seq.s32 s10, $0x1;
	s10 =	sld [smem:$0x3FBA];
	_ =	sdelay $0x3  }
0x34: {  	[smem:$0x3FBA] =	sst s10  }
0x35: {  	s10 =	sld [smem:$0x3FB9];
	_ =	sdelay $0x3  }
0x36: {  	p1 =	seq.s32 s10, $0x1;
	s10 =	sld [smem:$0x3FBA];
	_ =	sdelay $0x3  }
0x37: {  	[smem:$0x3FBA] =	sst s10  }
0x38: {  	s10 =	sld [smem:$0x3FBB]  }
0x39: {  	_ = 	snop;
	(pc) =	sbr.ind lr, $3  }
0x3a: {  	_ = 	snop  }
0x3b: {  	_ = 	snop  }
0x3c: {  	p2 =	seq.s32 s10, $0x1;
	s10 =	sld [smem:$0x3FBA]  }
0x3d: {  	_ =	shalt  }
0x3e: {  	_ =	shalt  }
0x3f: {  	_ =	shalt  }
0x40: {  	_ =	shalt  }
0x41: {  	_ =	shalt  }
0x42: {  	_ =	shalt  }
0x43: {  	_ =	shalt  }
0x44: {  	_ =	shalt  }
0x45: {  	_ =	shalt  }
0x46: {  	_ =	shalt  }
0x47: {  	_ =	shalt  }
0x48: {  	_ =	shalt  }
0x49: {  	_ =	shalt  }
0x4a: {  	_ =	shalt  }
0x4b: {  	_ =	shalt  }
0x4c: {  	_ =	shalt  }
0x4d: {  	_ =	shalt  }
0x4e: {  	_ =	shalt  }
0x4f: {  	_ =	shalt  }
0x50: {  	_ =	shalt  }
0x51: {  	_ =	shalt  }
0x52: {  	_ =	shalt  }
0x53: {  	_ =	shalt  }
0x54: {  	_ =	shalt  }
0x55: {  	_ =	shalt  }
0x56: {  	_ =	shalt  }
0x57: {  	_ =	shalt  }
0x58: {  	_ =	shalt  }
0x59: {  	_ =	shalt  }
0x5a: {  	_ =	shalt  }
0x5b: {  	_ =	shalt  }
0x5c: {  	_ =	shalt  }
0x5d: {  	_ =	shalt  }
0x5e: {  	_ =	shalt  }
0x5f: {  	_ =	shalt  }
0x60: {  	_ =	shalt  }
0x61: {  	_ =	shalt  }
0x62: {  	_ =	shalt  }
0x63: {  	_ =	shalt  }
0x64: {  	_ =	shalt  }
0x65: {  	_ =	shalt  }
0x66: {  	_ =	shalt  }
0x67: {  	_ =	shalt  }
0x68: {  	_ =	shalt  }
0x69: {  	_ =	shalt  }
0x6a: {  	_ =	shalt  }
0x6b: {  	_ =	shalt  }
0x6c: {  	_ =	shalt  }
0x6d: {  	_ =	shalt  }
0x6e: {  	_ =	shalt  }
0x6f: {  	_ =	shalt  }
0x70: {  	_ =	shalt  }
0x71: {  	_ =	shalt  }
0x72: {  	_ =	shalt  }
0x73: {  	_ =	shalt  }
0x74: {  	_ =	shalt  }
0x75: {  	_ =	shalt  }
0x76: {  	_ =	shalt  }
0x77: {  	_ =	shalt  }
0x78: {  	_ =	shalt  }
0x79: {  	_ =	shalt  }
0x7a: {  	_ =	shalt  }
0x7b: {  	_ =	shalt  }
0x7c: {  	_ =	shalt  }
0x7d: {  	_ =	shalt  }
0x7e: {  	_ =	shalt  }
0x7f: {  	_ =	shalt  }
0x80: {  	_ =	shalt  }
0x81: {  	_ =	shalt  }
0x82: {  	_ =	shalt  }
0x83: {  	_ =	shalt  }
0x84: {  	_ =	shalt  }
0x85: {  	_ =	shalt  }
0x86: {  	_ =	shalt  }
0x87: {  	_ =	shalt  }
.Lfunc_end0:
.L_simem_size_0:
called_computation.1_lowered:
.L_overlay_start_0:
0x88: {  	s2 =	sld [smem:$0x3FD9]  }
0x89: {  	s3 =	sld [smem:$0x3FFE];
	_ =	sdelay $0x1  }
0x8a: {  	s1 =	srdreg.scid  }
0x8b: {  	s0 =	sand.u32 $0x1, s1  }
0x8c: {  	s14 =	sshll.u32 s0, $0xA;
	s2 =	sadd.s32 s3, s2  }
0x8d: {  	s2 =	sadd.s32 s2, s14  }
0x8e: {  	[smem:$0x3FC6] =	sst s2  }
0x8f: {  	_ = 	snop  }
0x90: {  	s2 =	sld [smem:$0x3FD0];
	_ =	sdelay $0x2  }
0x91: {  	s15 =	simm.s32 $0xA;
	s4 =	simm.s32 $0x10  }
0x92: {  	[smem:s4], [sflag:s15] =	dma.local [hbm:s2], $0x1  }
0x93: {  	_ =	swait.eq [sflag:s15], $0x1  }
0x94: {  	[sflag:s15] =	ssyncset.done $0x0  }
0x95: {  	s16 =	sld [smem:$0x10];
	[sflag:s15] =	ssyncadd.s32 $0xFFFFFFFF  }
0x96: {  	s17 =	sld [smem:$0x11];
	(tm) =	ssettm $0x1  }
0x97: {  	s18 =	sld [smem:$0x3FFB];
	_ =	sdelay $0x3  }
0x98: {  	_ =	strace s18  }
0x99: {  	s4 =	sld [smem:$0x3FFC];
	_ =	sdelay $0x3  }
0x9a: {  	_ =	strace s4  }
0x9b: {  	s4 =	sld [smem:$0x3FFD];
	_ =	sdelay $0x3  }
0x9c: {  	_ =	strace s4  }
0x9d: {  	_ =	strace $0x8FFFFFFF  }
0x9e: {  	s19 =	sld [smem:$0x3FDB];
	_ =	sdelay $0x1  }
0x9f: {  	s5 =	simm.s32 $_scs_section_size  }
0xa0: {  	s6 =	simm.s32 $_size__tile_overlayer_lowered;
	s7 =	simm.s32 $_tile_overlayer_lowered  }
0xa1: {  	s22 =	simm.s32 $0x1BFF;
	s21 =	sshll.u32 s7, $0x1;
	s4 =	sadd.s32 s5, s19  }
0xa2: {  	s8 =	simm.s32 $0x0;
	s20 =	sshll.u32 s6, $0x1;
	s6 =	sadd.s32 s21, s4  }
0xa3: {  	[timem:s8], [sflag:s22] =	dma.local [hbm:s6], s20  }
0xa4: {  	_ =	swait.ge [sflag:s22], s20  }
0xa5: {  	s5 =	ssub.s32 $0x0, s20;
	[sflag:s22] =	ssyncset.done $0x0  }
0xa6: {  	[sflag:s22] =	ssyncadd.s32 s5;
	_ =	sdelay $0x1  }
0xa7: {  	s23 =	simm.s32 $0x1B8B  }
0xa8: {  	_ =	swait.ge [sflag:s23], $0x1  }
0xa9: {  	[sflag:s23] =	ssyncset.done $0x0  }
0xaa: {  	s25 =	simm.s32 $0x1B8E;
	s24 =	sld [smem:$0x3FFE];
	[sflag:s23] =	ssyncadd.s32 $0xFFFFFFFF  }
0xab: {  	s26 =	simm.s32 $execute0_lowered;
	[smem:$0x3FD2] =	sst s25  }
0xac: {  	s6 =	sshll.u32 s26, $0x1;
	_ =	strace $0x80000049;
	[dreg:$0x1] =	wrdreg $0xFFFFFFFF  }
0xad: {  	s28 =	simm.s32 $_size_execute0_lowered;
	s4 =	sadd.s32 s4, s6;
	[dreg:$0x0] =	wrdreg $0x0  }
0xae: {  	s6 =	sshll.u32 s28, $0x1;
	[dreg:$0x2] =	wrdreg s4  }
0xaf: {  	[dreg:$0x3] =	wrdreg s6  }
0xb0: {  	[dreg:$0x4] =	wrdreg $0xC0  }
0xb1: {  	_ =	task [dreg:s8], $0x5FFFF  }
0xb2: {  	[dreg:$0x1] =	wrdreg $0xFFFFFFFF  }
0xb3: {  	[dreg:$0x0] =	wrdreg $0x60  }
0xb4: {  	[dreg:$0x2] =	wrdreg s24  }
0xb5: {  	[dreg:$0x3] =	wrdreg s17  }
0xb6: {  	[dreg:$0x4] =	wrdreg s16  }
0xb7: {  	[dreg:$0x5] =	wrdreg $0x9  }
0xb8: {  	_ =	task.clear_ibuf [dreg:s8], $0x6FFFF;
	_ =	strace $0x90000049  }
0xb9: {  	s29 =	simm.s32 $0x9;
	_ =	strace $0x8000004B  }
0xba: {  	_ =	swait.ge [sflag:s29], $0x1  }
0xbb: {  	[sflag:s29] =	ssyncadd.s32 $0xFFFFFFFF  }
0xbc: {  	_ =	strace $0x9000004B  }
0xbd: {  	_ =	sfence  }
0xbe: {  	s30 =	sld [smem:$0x0];
	_ =	sdelay $0x2  }
0xbf: {  	s31 =	sshll.u32 s1, $0xD;
	s1 =	sshrl.u32 s1, $0x2  }
0xc0: {  	s3 =	sand.u32 $0x4000, s31;
	s1 =	sadd.s32 s1, s30  }
0xc1: {  	s0 =	sor.u32 s3, s0;
	s1 =	sshll.u32 s1, $0x11  }
0xc2: {  	s0 =	sor.u32 s1, s0  }
0xc3: {  	s0 =	sadd.s32 $0x8F2B, s0  }
0xc4: {  	[sflag:s0] =	ssyncadd.remote.s32 $0x1  }
0xc5: {  	_ =	sfence.sel $0xFFFF  }
0xc6: {  	[dreg:$0x0] =	wrdreg $0xFFFFFFFF;
	(pc) =	sbr.abs _section_cstart, $3  }
0xc7: {  	[dreg:$0x1] =	wrdreg $0xFFFFFFFF  }
0xc8: {  	_ =	task.clear_ibuf [dreg:s8], $0x2FFFF;
	_ =	strace $0x9FFFFFFF  }
0xc9: {  	(tm) =	ssettm $0x7FFFFFFF  }
tec
execute0_lowered:
.L_overlay_start_1:
0x0: {  	(tag) =	ssettag $0x1  }
0x1: {  	s0 =	rddreg [dreg:$0x0]  }
0x2: {  	s1 =	rddreg [dreg:$0x1]  }
0x3: {  	s2 =	srdreg.scid;
	s4 =	stileid.u32  }
0x4: {  	s6 =	rddreg [dreg:$0x2];
	s13 =	simm.s32 $0x2100;
	s14 =	simm.s32 $0x2900  }
0x5: {  	s15 =	simm.s32 $0x3100;
	s16 =	simm.s32 $0x3900;
	s17 =	simm.s32 $0x4100  }
0x6: {  	s18 =	simm.s32 $0x1;
	s19 =	simm.s32 $0x4900;
	s20 =	simm.s32 $0x5100  }
0x7: {  	s21 =	simm.s32 $0x5900;
	s22 =	simm.s32 $0x6100;
	s23 =	simm.s32 $0x6900  }
0x8: {  	s24 =	simm.s32 $0x7100;
	s25 =	simm.s32 $0x7900;
	s26 =	simm.s32 $0x8100  }
0x9: {  	s28 =	simm.s32 $0x8900;
	s3 =	sand.u32 $0x1, s2;
	s4 =	sshll.u32 s4, $0x1  }
0xa: {  	s29 =	simm.s32 $0x9100;
	s30 =	simm.s32 $0x0;
	s4 =	sor.u32 s3, s4  }
0xb: {  	s2 =	simm.s32 $0x0;
	s5 =	ssub.s32 $0x2, s3;
	s7 =	smul.u32 $0x1200, s4  }
0xc: {  	[smem:$0x7FF] =	sst s2;
	s4 =	smul.u32 $0x12, s4;
	s8 =	sshrl.u32 s5, $0x1  }
0xd: {  	v2 =	vlaneseq.u32;
	s3 =	sadd.s32 $0x3200, s0;
	_ =	strace $0x8000004A;
	s8 =	ssub.s32 s5, s8  }
0xe: {  	vm0 =	vmmov $0xffff;
	v1 =	vshrl.u32 v2, $0x3;
	s0 =	sadd.s32 s7, s0;
	s4 =	sadd.s32 s1, s4;
	s6 =	sadd.s32 s6, s7  }
0xf: {  	v0 =	vand.u32 $0x7, v2;
	v2 =	vor.u32 $0x8, v2;
	v1 =	vmul.u32 $0x8, v1;
	s7 =	smax.u32 s8, $0x1;
	s8 =	simm.s32 $0x2;
	s5 =	sadd.s32 $0x203A00, s0  }
.LBB2_1:
0x10: {  	[tilespmem:s2], [sflag:$0x2] =	stream.linear.gather [hbm4b:s4+s2], $0x90, $0x38;
	[tilespmem:$0x12100] =	vst v63  }
0x11: {  	_ =	swait.ge [sflag:s8], $0x90  }
0x12: {  	[sflag:s8] =	ssyncset.done $0x0  }
0x13: {  	[sflag:s8] =	ssyncadd.s32 $0xFFFFFF70  }
0x14: {  	v3 =	vld [tilespmem:$0x0];
	_ =	sdelay $0x4  }
0x15: {  	v4 =	vshll.u32 v3, $0x1  }
0x16: {  	v3 =	vand.u32 $0x7, v3;
	v4 =	vand.u32 $0xFFFFFFF0, v4  }
0x17: {  	v3 =	vor.u32 v3, v4  }
0x18: {  	v4 =	vperm.xlane v3, v0;
	_ =	sdelay $0x1  }
0x19: {  	v3 =	vperm.xlane v3, v2;
	v4 =	vadd.s32 v1, v4;
	_ =	sdelay $0x1  }
0x1a: {  	v3 =	vadd.s32 v1, v3;
	_ =	sdelay $0x1  }
0x1b: {  	s0 =	simm.s32 $0x100  }
0x1c: {  	[tilespmem:s0], [sflag:$0x1] =	stream.indirect_vreg.gather [hbm4b:s3+s2], $0x80, v4, vm0, $0xb8;
	[tilespmem:$0x12100] =	vst v63  }
0x1d: {  	s10 =	simm.s32 $0x900  }
0x1e: {  	[tilespmem:s10], [sflag:$0x1] =	stream.indirect_vreg.gather [hbm4b:s3+s2], $0x80, v3, vm0, $0xb8;
	[tilespmem:$0x12100] =	vst v63  }
0x1f: {  	v3 =	vld [tilespmem:$0x10];
	_ =	sdelay $0x4  }
0x20: {  	v55 =	vshll.u32 v3, $0x1  }
0x21: {  	v3 =	vand.u32 $0x7, v3;
	v4 =	vand.u32 $0xFFFFFFF0, v55  }
0x22: {  	v3 =	vor.u32 v3, v4  }
0x23: {  	v4 =	vperm.xlane v3, v0;
	_ =	sdelay $0x1  }
0x24: {  	v3 =	vperm.xlane v3, v2;
	v4 =	vadd.s32 v1, v4;
	_ =	sdelay $0x1  }
0x25: {  	v3 =	vadd.s32 v1, v3;
	_ =	sdelay $0x1  }
0x26: {  	s11 =	simm.s32 $0x1100  }
0x27: {  	[tilespmem:s11], [sflag:$0x1] =	stream.indirect_vreg.gather [hbm4b:s3+s2], $0x80, v4, vm0, $0xb8;
	[tilespmem:$0x12100] =	vst v63  }
0x28: {  	s12 =	simm.s32 $0x1900  }
0x29: {  	[tilespmem:s12], [sflag:$0x1] =	stream.indirect_vreg.gather [hbm4b:s3+s2], $0x80, v3, vm0, $0xb8;
	[tilespmem:$0x12100] =	vst v63  }
0x2a: {  	v3 =	vld [tilespmem:$0x20];
	_ =	sdelay $0x4  }
0x2b: {  	v56 =	vshll.u32 v3, $0x1  }
0x2c: {  	v3 =	vand.u32 $0x7, v3;
	v4 =	vand.u32 $0xFFFFFFF0, v56  }
0x2d: {  	v3 =	vor.u32 v3, v4  }
0x2e: {  	v4 =	vperm.xlane v3, v0;
	_ =	sdelay $0x1  }
0x2f: {  	v3 =	vperm.xlane v3, v2;
	v4 =	vadd.s32 v1, v4;
	_ =	sdelay $0x1  }
0x30: {  	v3 =	vadd.s32 v1, v3;
	_ =	sdelay $0x2  }
0x31: {  	[tilespmem:s13], [sflag:$0x1] =	stream.indirect_vreg.gather [hbm4b:s3+s2], $0x80, v4, vm0, $0xb8;
	[tilespmem:$0x12100] =	vst v63  }
0x32: {  	_ = 	snop  }
0x33: {  	[tilespmem:s14], [sflag:$0x1] =	stream.indirect_vreg.gather [hbm4b:s3+s2], $0x80, v3, vm0, $0xb8;
	[tilespmem:$0x12100] =	vst v63  }
0x34: {  	v3 =	vld [tilespmem:$0x30];
	_ =	sdelay $0x4  }
0x35: {  	v57 =	vshll.u32 v3, $0x1  }
0x36: {  	v3 =	vand.u32 $0x7, v3;
	v4 =	vand.u32 $0xFFFFFFF0, v57  }
0x37: {  	v3 =	vor.u32 v3, v4  }
0x38: {  	v4 =	vperm.xlane v3, v0;
	_ =	sdelay $0x1  }
0x39: {  	v3 =	vperm.xlane v3, v2;
	v4 =	vadd.s32 v1, v4;
	_ =	sdelay $0x1  }
0x3a: {  	v3 =	vadd.s32 v1, v3;
	_ =	sdelay $0x2  }
0x3b: {  	[tilespmem:s15], [sflag:$0x1] =	stream.indirect_vreg.gather [hbm4b:s3+s2], $0x80, v4, vm0, $0xb8;
	[tilespmem:$0x12100] =	vst v63  }
0x3c: {  	_ = 	snop  }
0x3d: {  	[tilespmem:s16], [sflag:$0x1] =	stream.indirect_vreg.gather [hbm4b:s3+s2], $0x80, v3, vm0, $0xb8;
	[tilespmem:$0x12100] =	vst v63  }
0x3e: {  	v3 =	vld.msk [tilespmem:$0x40], $0xff;
	_ =	sdelay $0x4  }
0x3f: {  	v58 =	vshll.u32 v3, $0x1  }
0x40: {  	v3 =	vand.u32 $0x7, v3;
	v4 =	vand.u32 $0xFFFFFFF0, v58  }
0x41: {  	v3 =	vor.u32 v3, v4  }
0x42: {  	v3 =	vperm.xlane v3, v0;
	_ =	sdelay $0x1  }
0x43: {  	v3 =	vadd.s32 v1, v3;
	_ =	sdelay $0x4  }
0x44: {  	[tilespmem:s17], [sflag:$0x1] =	stream.indirect_vreg.gather [hbm4b:s3+s2], $0x80, v3, vm0, $0xb8;
	[tilespmem:$0x12100] =	vst v63  }
0x45: {  	_ =	swait.ge [sflag:s18], $0x4800  }
0x46: {  	[sflag:s18] =	ssyncset.done $0x0  }
0x47: {  	[sflag:s18] =	ssyncadd.s32 $0xFFFFB800  }
0x48: {  	v3 =	vld [tilespmem:$0x48];
	_ =	sdelay $0x4  }
0x49: {  	v59 =	vshll.u32 v3, $0x1  }
0x4a: {  	v3 =	vand.u32 $0x7, v3;
	v4 =	vand.u32 $0xFFFFFFF0, v59  }
0x4b: {  	v3 =	vor.u32 v3, v4  }
0x4c: {  	v4 =	vperm.xlane v3, v0;
	_ =	sdelay $0x1  }
0x4d: {  	v3 =	vperm.xlane v3, v2;
	v4 =	vadd.s32 v1, v4;
	_ =	sdelay $0x1  }
0x4e: {  	v3 =	vadd.s32 v1, v3;
	_ =	sdelay $0x2  }
0x4f: {  	[tilespmem:s19], [sflag:$0x1] =	stream.indirect_vreg.gather [hbm4b:s3+s2], $0x80, v4, vm0, $0xb8;
	[tilespmem:$0x12100] =	vst v63  }
0x50: {  	_ = 	snop  }
0x51: {  	[tilespmem:s20], [sflag:$0x1] =	stream.indirect_vreg.gather [hbm4b:s3+s2], $0x80, v3, vm0, $0xb8;
	[tilespmem:$0x12100] =	vst v63  }
0x52: {  	v3 =	vld [tilespmem:$0x58];
	_ =	sdelay $0x4  }
0x53: {  	v60 =	vshll.u32 v3, $0x1  }
0x54: {  	v3 =	vand.u32 $0x7, v3;
	v4 =	vand.u32 $0xFFFFFFF0, v60  }
0x55: {  	v3 =	vor.u32 v3, v4  }
0x56: {  	v4 =	vperm.xlane v3, v0;
	_ =	sdelay $0x1  }
0x57: {  	v3 =	vperm.xlane v3, v2;
	v4 =	vadd.s32 v1, v4;
	_ =	sdelay $0x1  }
0x58: {  	v3 =	vadd.s32 v1, v3;
	_ =	sdelay $0x2  }
0x59: {  	[tilespmem:s21], [sflag:$0x1] =	stream.indirect_vreg.gather [hbm4b:s3+s2], $0x80, v4, vm0, $0xb8;
	[tilespmem:$0x12100] =	vst v63  }
0x5a: {  	_ = 	snop  }
0x5b: {  	[tilespmem:s22], [sflag:$0x1] =	stream.indirect_vreg.gather [hbm4b:s3+s2], $0x80, v3, vm0, $0xb8;
	[tilespmem:$0x12100] =	vst v63  }
0x5c: {  	v3 =	vld [tilespmem:$0x68];
	_ =	sdelay $0x4  }
0x5d: {  	v61 =	vshll.u32 v3, $0x1  }
0x5e: {  	v3 =	vand.u32 $0x7, v3;
	v4 =	vand.u32 $0xFFFFFFF0, v61  }
0x5f: {  	v3 =	vor.u32 v3, v4  }
0x60: {  	v4 =	vperm.xlane v3, v0;
	_ =	sdelay $0x1  }
0x61: {  	v3 =	vperm.xlane v3, v2;
	v4 =	vadd.s32 v1, v4;
	_ =	sdelay $0x1  }
0x62: {  	v3 =	vadd.s32 v1, v3;
	_ =	sdelay $0x2  }
0x63: {  	[tilespmem:s23], [sflag:$0x1] =	stream.indirect_vreg.gather [hbm4b:s3+s2], $0x80, v4, vm0, $0xb8;
	[tilespmem:$0x12100] =	vst v63  }
0x64: {  	_ = 	snop  }
0x65: {  	[tilespmem:s24], [sflag:$0x1] =	stream.indirect_vreg.gather [hbm4b:s3+s2], $0x80, v3, vm0, $0xb8;
	[tilespmem:$0x12100] =	vst v63  }
0x66: {  	v3 =	vld [tilespmem:$0x78];
	_ =	sdelay $0x4  }
0x67: {  	v62 =	vshll.u32 v3, $0x1  }
0x68: {  	v3 =	vand.u32 $0x7, v3;
	v4 =	vand.u32 $0xFFFFFFF0, v62  }
0x69: {  	v3 =	vor.u32 v3, v4  }
0x6a: {  	v4 =	vperm.xlane v3, v0;
	_ =	sdelay $0x1  }
0x6b: {  	v3 =	vperm.xlane v3, v2;
	v4 =	vadd.s32 v1, v4;
	_ =	sdelay $0x1  }
0x6c: {  	v3 =	vadd.s32 v1, v3;
	_ =	sdelay $0x2  }
0x6d: {  	[tilespmem:s25], [sflag:$0x1] =	stream.indirect_vreg.gather [hbm4b:s3+s2], $0x80, v4, vm0, $0xb8;
	[tilespmem:$0x12100] =	vst v63  }
0x6e: {  	_ = 	snop  }
0x6f: {  	[tilespmem:s26], [sflag:$0x1] =	stream.indirect_vreg.gather [hbm4b:s3+s2], $0x80, v3, vm0, $0xb8;
	[tilespmem:$0x12100] =	vst v63  }
0x70: {  	v3 =	vld.msk [tilespmem:$0x88], $0xff;
	_ =	sdelay $0x4  }
0x71: {  	v63 =	vshll.u32 v3, $0x1  }
0x72: {  	v3 =	vand.u32 $0x7, v3;
	v4 =	vand.u32 $0xFFFFFFF0, v63  }
0x73: {  	v3 =	vor.u32 v3, v4  }
0x74: {  	v3 =	vperm.xlane v3, v0;
	_ =	sdelay $0x1  }
0x75: {  	v3 =	vadd.s32 v1, v3;
	_ =	sdelay $0x4  }
0x76: {  	[tilespmem:s28], [sflag:$0x1] =	stream.indirect_vreg.gather [hbm4b:s3+s2], $0x80, v3, vm0, $0xb8;
	[tilespmem:$0x12100] =	vst v63  }
0x77: {  	_ =	swait.ge [sflag:s18], $0x4800  }
0x78: {  	[sflag:s18] =	ssyncset.done $0x0  }
0x79: {  	[sflag:s18] =	ssyncadd.s32 $0xFFFFB800  }
0x7a: {  	[tilespmem:s29], [sflag:$0x2] =	stream.linear.gather [hbm4b:s5+s2], $0x9000, $0x38;
	[tilespmem:$0x12100] =	vst v63  }
0x7b: {  	_ =	swait.ge [sflag:s8], $0x9000  }
0x7c: {  	[sflag:s8] =	ssyncset.done $0x0  }
0x7d: {  	s31 =	simm.s32 $0x0;
	[sflag:s8] =	ssyncadd.s32 $0xFFFF7000  }
.LBB2_2:
0x7e: {  	s0 =	sshll.u32 s31, $0x8;
	s1 =	sshll.u32 s31, $0x7  }
0x7f: {  	s9 =	simm.s32 $0x0;
	s0 =	sand.u32 $0xF800, s0;
	s1 =	sand.u32 $0x380, s1  }
0x80: {  	s12 =	sand.u32 $0x400, s9;
	s1 =	sor.u32 s0, s1  }
0x81: {  	s9 =	sand.u32 $0x70, s9;
	s0 =	sor.u32 s12, s1  }
0x82: {  	s0 =	sor.u32 s9, s0  }
0x83: {  	v3 =	vld [tilespmem:s0+$0x100]  }
0x84: {  	v4 =	vld [tilespmem:s0+$0x9100];
	_ =	sdelay $0x2  }
0x85: {  	s9 =	simm.s32 $0x80  }
0x86: {  	s10 =	simm.s32 $0x10;
	s12 =	sand.u32 $0x400, s9  }
0x87: {  	s11 =	sand.u32 $0x70, s10;
	s10 =	simm.s32 $0x20;
	s12 =	sor.u32 s12, s1;
	v3 =	vsub.f32 v4, v3  }
.LBB2_3:
0x88: {  	p0 =	sne.s32 s10, $0xF0;
	s11 =	sor.u32 s11, s12  }
0x89: {  	v4 =	vld [tilespmem:s11+$0x100];
	[tilespmem:s0+$0x9100] =	vst v3;
	s0 =	smov.u32 s11  }
0x8a: {  	v3 =	vld [tilespmem:s0+$0x9100]  }
.Ltmp0:
0x8b: {  	(pc) =	sbr.rel @p0 .LBB2_3-.Ltmp0, $4  }
0x8c: {  	_ = 	snop  }
0x8d: {  	s9 =	sadd.s32 $0x80, s9  }
0x8e: {  	s12 =	sand.u32 $0x400, s9  }
0x8f: {  	s11 =	sand.u32 $0x70, s10;
	s10 =	sadd.s32 $0x10, s10;
	s12 =	sor.u32 s12, s1;
	v3 =	vsub.f32 v3, v4  }
0x90: {  	s1 =	sor.u32 s11, s12  }
0x91: {  	v4 =	vld [tilespmem:s1+$0x100];
	[tilespmem:s0+$0x9100] =	vst v3  }
0x92: {  	v3 =	vld [tilespmem:s1+$0x9100]  }
0x93: {  	s31 =	sadd.s32 $0x1, s31  }
0x94: {  	p0 =	sne.s32 s31, $0x90  }
.Ltmp1:
0x95: {  	_ = 	snop;
	(pc) =	sbr.rel @p0 .LBB2_2-.Ltmp1, $3  }
0x96: {  	_ = 	snop  }
0x97: {  	v3 =	vsub.f32 v3, v4;
	_ =	sdelay $0x1  }
0x98: {  	[tilespmem:s1+$0x9100] =	vst v3  }
0x99: {  	s30 =	sadd.s32 $0x1, s30  }
0x9a: {  	p0 =	sne.s32 s30, s7  }
.Ltmp2:
0x9b: {  	_ = 	snop;
	(pc) =	sbr.rel @p0 .LBB2_1-.Ltmp2, $4  }
0x9c: {  	[hbm4b:s6+s2] =	stream.linear.scatter [tilespmem:s29], [sflag:$0x2], $0x9000, $0x38;
	[tilespmem:$0x12100] =	vst v63  }
0x9d: {  	_ =	swait.ge [sflag:s8], $0x9000  }
0x9e: {  	[sflag:s8] =	ssyncset.done $0x0  }
0x9f: {  	[sflag:s8] =	ssyncadd.s32 $0xFFFF7000  }
0xa0: {  	_ =	sfence.sel $0x180000  }
0xa1: {  	[bflag:$0x0] =	sbarrier.arrive $0xFFFF  }
0xa2: {  	_ =	strace $0x9000004A  }
0xa3: {  	s0 =	stileid.u32;
	[bflag:$0x2] =	sbarrier.arrive $0xFFFF  }
0xa4: {  	p0 =	sne.s32 s0, $0x0;
	s0 =	rddreg [dreg:$0x3]  }
0xa5: {  	s0 =	sadd.s32 @!p0 $0x100000, s0  }
0xa6: {  	[sflag:s0] =	ssyncadd.tile.s32 @!p0 $0x1;
	_ =	shalt  }
.Lfunc_end2:
_tile_overlayer_lowered:
.L_overlay_start_2:
0xa7: {  	(tag) =	ssettag $0x2  }
0xa8: {  	s0 =	rddreg [dreg:$0x0];
	s2 =	stileid.u32  }
0xa9: {  	s1 =	rddreg [dreg:$0x1];
	p0 =	sne.s32 s2, $0x0  }
0xaa: {  	s3 =	rddreg [dreg:$0x2];
	[bflag:$0x3] =	sbarrier.arrive $0xFFFF;
	s2 =	simm.s32 @!p0 $0x1C02  }
0xab: {  	[timem:s3], [sflag:s2] =	dma.local @!p0 [hbm:s0], s1  }
0xac: {  	s0 =	simm.s32 @!p0 $0x2  }
0xad: {  	_ =	swait.ge @!p0 [sflag:s0], s1  }
0xae: {  	s1 =	ssub.s32 @!p0 $0x0, s1;
	[sflag:s0] =	ssyncset.done @!p0 $0x0  }
0xaf: {  	[sflag:s0] =	ssyncadd.s32 @!p0 s1  }
0xb0: {  	[bflag:$0x3] =	sbarrier.arrive $0xFFFF  }
0xb1: {  	_ =	shalt  }

// kernel: kernel.24.cloned.1.call-start
scs
__scs_entry_jumppad:
0x0: {  	(pc) =	sbr.rel $0x88, $3  }
0x1: {  	(tag) =	ssettag $0x0;
	lr =	simm.s32 $0x1  }
0x2: {  	[smem:$0x3F9F] =	sst lr;
	_ =	strace $0xD0000000  }
0x3: {  	_ = 	snop  }
0x4: {  	_ = 	snop  }
0x5: {  	_ = 	snop  }
0x6: {  	_ = 	snop  }
0x7: {  	_ = 	snop  }
__scs_overlays_trampoline_lowered:
0x8: {  	[smem:$0x3FAE] =	sst s0  }
0x9: {  	[smem:$0x3FAF] =	sst s1  }
0xa: {  	[smem:$0x3FB0] =	sst s2  }
0xb: {  	[smem:$0x3FB1] =	sst s3  }
0xc: {  	[smem:$0x3FB2] =	sst s4  }
0xd: {  	[smem:$0x3FB3] =	sst s5  }
0xe: {  	[smem:$0x3FB4] =	sst s6  }
0xf: {  	[smem:$0x3FB5] =	sst s7  }
0x10: {  	[smem:$0x3FB6] =	sst s8  }
0x11: {  	[smem:$0x3FB7] =	sst s9;
	s0 =	simm.s32 @!p0 $0x0  }
0x12: {  	s1 =	sld [smem:$0x3F9D];
	s0 =	simm.s32 @p0 $0x1  }
0x13: {  	[smem:$0x3FB8] =	sst s0;
	s0 =	simm.s32 @!p1 $0x0  }
0x14: {  	s2 =	sld [smem:$0x3F9C];
	s0 =	simm.s32 @p1 $0x1  }
0x15: {  	[smem:$0x3FB9] =	sst s0;
	s0 =	simm.s32 @!p2 $0x0  }
0x16: {  	s3 =	sld [smem:$0x3FDB];
	s0 =	simm.s32 @p2 $0x1  }
0x17: {  	s4 =	simm.s32 $0x1BF5;
	[smem:$0x3FBB] =	sst s0  }
0x18: {  	s0 =	sld [smem:$0x3F9E];
	_ =	swait.ge [sflag:s4], $0x0  }
0x19: {  	s7 =	sld [smem:$0x3F9F]  }
0x1a: {  	s8 =	sadd.s32 $0xFFFFE003, lr  }
0x1b: {  	s9 =	sadd.s32 $0xFFFFFEF7, lr;
	s5 =	simm.s32 $0xFFFFFFFF;
	p2 =	slt.u32 s8, $0xFFFFF086  }
0x1c: {  	p1 =	slt.u32 s9, $0xF7A;
	s5 =	simm.s32 @!p2 $0x0  }
0x1d: {  	s5 =	simm.s32 @p1 $0x1;
	p0 =	seq.s32 s7, s2  }
0x1e: {  	s7 =	smul.u32 @!p0 $0xF7A, s2;
	p2 =	seq.s32 @!p0 s5, $0x0  }
0x1f: {  	s9 =	smul.u32 $0xF7A, s1;
	s8 =	simm.s32 @!p0 $0x1BF5;
	p2 =	por !p2, p0  }
0x20: {  	[sflag:s8] =	ssyncset.s32 @!p0 $0xFFFFF086;
	s6 =	sadd.s32 @!p0 s3, s7;
	s7 =	simm.s32 @!p0 $0x108  }
0x21: {  	s3 =	sadd.s32 s3, s9;
	s6 =	sadd.s32 @!p0 $0x88, s6;
	s7 =	simm.s32 @p2 $0x1082  }
0x22: {  	[simem:s7], [sflag:s8] =	dma.local @!p0 [hbm:s6], $0xF7A  }
0x23: {  	s9 =	sor.u32 $0xD0000000, s2;
	s6 =	simm.s32 $0x108;
	_ =	swait.ge @!p0 [sflag:s8], $0x0  }
0x24: {  	s3 =	sadd.s32 $0x88, s3;
	s6 =	simm.s32 @!p1 $0x1082;
	[sflag:s4] =	ssyncset.s32 $0xFFFFF086  }
0x25: {  	[simem:s6], [sflag:s4] =	dma.local [hbm:s3], $0xF7A  }
0x26: {  	[smem:$0x3F9F] =	sst s1;
	(tag) =	ssettag s2;
	_ =	strace s9  }
0x27: {  	s1 =	sld [smem:$0x3FAF]  }
0x28: {  	s2 =	sld [smem:$0x3FB0]  }
0x29: {  	s4 =	sld [smem:$0x3FB2]  }
0x2a: {  	p0 =	seq.s32 s5, $0x0;
	s5 =	sld [smem:$0x3FB3]  }
0x2b: {  	s6 =	sld [smem:$0x3FB4]  }
0x2c: {  	s7 =	sld [smem:$0x3FB5]  }
0x2d: {  	s3 =	simm.s32 $0x108;
	s8 =	sld [smem:$0x3FB6]  }
0x2e: {  	s3 =	simm.s32 @!p0 $0x1082;
	s9 =	sld [smem:$0x3FB7]  }
0x2f: {  	lr =	sadd.s32 s0, s3;
	s0 =	sld [smem:$0x3FAE]  }
0x30: {  	s3 =	sld [smem:$0x3FB1]  }
0x31: {  	[smem:$0x3FBA] =	sst s10  }
0x32: {  	s10 =	sld [smem:$0x3FB8];
	_ =	sdelay $0x3  }
0x33: {  	p0 =	seq.s32 s10, $0x1;
	s10 =	sld [smem:$0x3FBA];
	_ =	sdelay $0x3  }
0x34: {  	[smem:$0x3FBA] =	sst s10  }
0x35: {  	s10 =	sld [smem:$0x3FB9];
	_ =	sdelay $0x3  }
0x36: {  	p1 =	seq.s32 s10, $0x1;
	s10 =	sld [smem:$0x3FBA];
	_ =	sdelay $0x3  }
0x37: {  	[smem:$0x3FBA] =	sst s10  }
0x38: {  	s10 =	sld [smem:$0x3FBB]  }
0x39: {  	_ = 	snop;
	(pc) =	sbr.ind lr, $3  }
0x3a: {  	_ = 	snop  }
0x3b: {  	_ = 	snop  }
0x3c: {  	p2 =	seq.s32 s10, $0x1;
	s10 =	sld [smem:$0x3FBA]  }
0x3d: {  	_ =	shalt  }
0x3e: {  	_ =	shalt  }
0x3f: {  	_ =	shalt  }
0x40: {  	_ =	shalt  }
0x41: {  	_ =	shalt  }
0x42: {  	_ =	shalt  }
0x43: {  	_ =	shalt  }
0x44: {  	_ =	shalt  }
0x45: {  	_ =	shalt  }
0x46: {  	_ =	shalt  }
0x47: {  	_ =	shalt  }
0x48: {  	_ =	shalt  }
0x49: {  	_ =	shalt  }
0x4a: {  	_ =	shalt  }
0x4b: {  	_ =	shalt  }
0x4c: {  	_ =	shalt  }
0x4d: {  	_ =	shalt  }
0x4e: {  	_ =	shalt  }
0x4f: {  	_ =	shalt  }
0x50: {  	_ =	shalt  }
0x51: {  	_ =	shalt  }
0x52: {  	_ =	shalt  }
0x53: {  	_ =	shalt  }
0x54: {  	_ =	shalt  }
0x55: {  	_ =	shalt  }
0x56: {  	_ =	shalt  }
0x57: {  	_ =	shalt  }
0x58: {  	_ =	shalt  }
0x59: {  	_ =	shalt  }
0x5a: {  	_ =	shalt  }
0x5b: {  	_ =	shalt  }
0x5c: {  	_ =	shalt  }
0x5d: {  	_ =	shalt  }
0x5e: {  	_ =	shalt  }
0x5f: {  	_ =	shalt  }
0x60: {  	_ =	shalt  }
0x61: {  	_ =	shalt  }
0x62: {  	_ =	shalt  }
0x63: {  	_ =	shalt  }
0x64: {  	_ =	shalt  }
0x65: {  	_ =	shalt  }
0x66: {  	_ =	shalt  }
0x67: {  	_ =	shalt  }
0x68: {  	_ =	shalt  }
0x69: {  	_ =	shalt  }
0x6a: {  	_ =	shalt  }
0x6b: {  	_ =	shalt  }
0x6c: {  	_ =	shalt  }
0x6d: {  	_ =	shalt  }
0x6e: {  	_ =	shalt  }
0x6f: {  	_ =	shalt  }
0x70: {  	_ =	shalt  }
0x71: {  	_ =	shalt  }
0x72: {  	_ =	shalt  }
0x73: {  	_ =	shalt  }
0x74: {  	_ =	shalt  }
0x75: {  	_ =	shalt  }
0x76: {  	_ =	shalt  }
0x77: {  	_ =	shalt  }
0x78: {  	_ =	shalt  }
0x79: {  	_ =	shalt  }
0x7a: {  	_ =	shalt  }
0x7b: {  	_ =	shalt  }
0x7c: {  	_ =	shalt  }
0x7d: {  	_ =	shalt  }
0x7e: {  	_ =	shalt  }
0x7f: {  	_ =	shalt  }
0x80: {  	_ =	shalt  }
0x81: {  	_ =	shalt  }
0x82: {  	_ =	shalt  }
0x83: {  	_ =	shalt  }
0x84: {  	_ =	shalt  }
0x85: {  	_ =	shalt  }
0x86: {  	_ =	shalt  }
0x87: {  	_ =	shalt  }
.Lfunc_end0:
.L_simem_size_0:
called_computation.2_lowered:
.L_overlay_start_0:
0x88: {  	s2 =	sld [smem:$0x3FD9]  }
0x89: {  	s3 =	sld [smem:$0x3FFE];
	_ =	sdelay $0x1  }
0x8a: {  	s1 =	srdreg.scid  }
0x8b: {  	s0 =	sand.u32 $0x1, s1  }
0x8c: {  	s14 =	sshll.u32 s0, $0xA;
	s2 =	sadd.s32 s3, s2  }
0x8d: {  	s2 =	sadd.s32 s2, s14  }
0x8e: {  	[smem:$0x3FC6] =	sst s2  }
0x8f: {  	_ = 	snop  }
0x90: {  	s2 =	sld [smem:$0x3FD0];
	_ =	sdelay $0x2  }
0x91: {  	s15 =	simm.s32 $0xA;
	s4 =	simm.s32 $0x10  }
0x92: {  	[smem:s4], [sflag:s15] =	dma.local [hbm:s2], $0x1  }
0x93: {  	_ =	swait.eq [sflag:s15], $0x1  }
0x94: {  	[sflag:s15] =	ssyncset.done $0x0  }
0x95: {  	s16 =	sld [smem:$0x10];
	[sflag:s15] =	ssyncadd.s32 $0xFFFFFFFF  }
0x96: {  	s17 =	sld [smem:$0x11];
	(tm) =	ssettm $0x1  }
0x97: {  	s18 =	sld [smem:$0x3FFB];
	_ =	sdelay $0x3  }
0x98: {  	_ =	strace s18  }
0x99: {  	s4 =	sld [smem:$0x3FFC];
	_ =	sdelay $0x3  }
0x9a: {  	_ =	strace s4  }
0x9b: {  	s4 =	sld [smem:$0x3FFD];
	_ =	sdelay $0x3  }
0x9c: {  	_ =	strace s4  }
0x9d: {  	_ =	strace $0x8FFFFFFF  }
0x9e: {  	s19 =	sld [smem:$0x3FDB];
	_ =	sdelay $0x1  }
0x9f: {  	s5 =	simm.s32 $_scs_section_size  }
0xa0: {  	s6 =	simm.s32 $_size__tile_overlayer_lowered;
	s7 =	simm.s32 $_tile_overlayer_lowered  }
0xa1: {  	s22 =	simm.s32 $0x1BFF;
	s21 =	sshll.u32 s7, $0x1;
	s4 =	sadd.s32 s5, s19  }
0xa2: {  	s8 =	simm.s32 $0x0;
	s20 =	sshll.u32 s6, $0x1;
	s6 =	sadd.s32 s21, s4  }
0xa3: {  	[timem:s8], [sflag:s22] =	dma.local [hbm:s6], s20  }
0xa4: {  	_ =	swait.ge [sflag:s22], s20  }
0xa5: {  	s5 =	ssub.s32 $0x0, s20;
	[sflag:s22] =	ssyncset.done $0x0  }
0xa6: {  	[sflag:s22] =	ssyncadd.s32 s5;
	_ =	sdelay $0x1  }
0xa7: {  	s23 =	simm.s32 $0x1B8B  }
0xa8: {  	_ =	swait.ge [sflag:s23], $0x1  }
0xa9: {  	[sflag:s23] =	ssyncset.done $0x0  }
0xaa: {  	s25 =	simm.s32 $0x1B8E;
	s24 =	sld [smem:$0x3FFE];
	[sflag:s23] =	ssyncadd.s32 $0xFFFFFFFF  }
0xab: {  	s26 =	simm.s32 $execute0_lowered;
	[smem:$0x3FD2] =	sst s25  }
0xac: {  	s6 =	sshll.u32 s26, $0x1;
	_ =	strace $0x8000004C;
	[dreg:$0x1] =	wrdreg $0xFFFFFFFF  }
0xad: {  	s28 =	simm.s32 $_size_execute0_lowered;
	s4 =	sadd.s32 s4, s6;
	[dreg:$0x0] =	wrdreg $0x0  }
0xae: {  	s6 =	sshll.u32 s28, $0x1;
	[dreg:$0x2] =	wrdreg s4  }
0xaf: {  	[dreg:$0x3] =	wrdreg s6  }
0xb0: {  	[dreg:$0x4] =	wrdreg $0xC0  }
0xb1: {  	_ =	task [dreg:s8], $0x5FFFF  }
0xb2: {  	[dreg:$0x1] =	wrdreg $0xFFFFFFFF  }
0xb3: {  	[dreg:$0x0] =	wrdreg $0x60  }
0xb4: {  	[dreg:$0x2] =	wrdreg s24  }
0xb5: {  	[dreg:$0x3] =	wrdreg s17  }
0xb6: {  	[dreg:$0x4] =	wrdreg s16  }
0xb7: {  	[dreg:$0x5] =	wrdreg $0x9  }
0xb8: {  	_ =	task.clear_ibuf [dreg:s8], $0x6FFFF;
	_ =	strace $0x9000004C  }
0xb9: {  	s29 =	simm.s32 $0x9;
	_ =	strace $0x8000004E  }
0xba: {  	_ =	swait.ge [sflag:s29], $0x1  }
0xbb: {  	[sflag:s29] =	ssyncadd.s32 $0xFFFFFFFF  }
0xbc: {  	_ =	strace $0x9000004E  }
0xbd: {  	_ =	sfence  }
0xbe: {  	s30 =	sld [smem:$0x0];
	_ =	sdelay $0x2  }
0xbf: {  	s31 =	sshll.u32 s1, $0xD;
	s1 =	sshrl.u32 s1, $0x2  }
0xc0: {  	s3 =	sand.u32 $0x4000, s31;
	s1 =	sadd.s32 s1, s30  }
0xc1: {  	s0 =	sor.u32 s3, s0;
	s1 =	sshll.u32 s1, $0x11  }
0xc2: {  	s0 =	sor.u32 s1, s0  }
0xc3: {  	s0 =	sadd.s32 $0x8F2B, s0  }
0xc4: {  	[sflag:s0] =	ssyncadd.remote.s32 $0x1  }
0xc5: {  	_ =	sfence.sel $0xFFFF  }
0xc6: {  	[dreg:$0x0] =	wrdreg $0xFFFFFFFF;
	(pc) =	sbr.abs _section_cstart, $3  }
0xc7: {  	[dreg:$0x1] =	wrdreg $0xFFFFFFFF  }
0xc8: {  	_ =	task.clear_ibuf [dreg:s8], $0x2FFFF;
	_ =	strace $0x9FFFFFFF  }
0xc9: {  	(tm) =	ssettm $0x7FFFFFFF  }
tec
execute0_lowered:
.L_overlay_start_1:
0x0: {  	(tag) =	ssettag $0x1  }
0x1: {  	s0 =	rddreg [dreg:$0x0]  }
0x2: {  	s1 =	rddreg [dreg:$0x1]  }
0x3: {  	s2 =	srdreg.scid;
	s4 =	stileid.u32  }
0x4: {  	s5 =	rddreg [dreg:$0x2];
	s13 =	simm.s32 $0x2100;
	s14 =	simm.s32 $0x2900  }
0x5: {  	s15 =	simm.s32 $0x3100;
	s16 =	simm.s32 $0x3900;
	s17 =	simm.s32 $0x4100  }
0x6: {  	s18 =	simm.s32 $0x1;
	s19 =	simm.s32 $0x4900;
	s20 =	simm.s32 $0x5100  }
0x7: {  	s21 =	simm.s32 $0x5900;
	s22 =	simm.s32 $0x6100;
	s23 =	simm.s32 $0x6900  }
0x8: {  	s24 =	simm.s32 $0x7100;
	s25 =	simm.s32 $0x7900;
	s26 =	simm.s32 $0x8100  }
0x9: {  	s28 =	simm.s32 $0x8900;
	s3 =	sand.u32 $0x1, s2;
	s4 =	sshll.u32 s4, $0x1  }
0xa: {  	s29 =	simm.s32 $0x9100;
	s30 =	simm.s32 $0x0;
	s4 =	sor.u32 s3, s4  }
0xb: {  	s2 =	simm.s32 $0x0;
	s7 =	ssub.s32 $0x2, s3;
	s6 =	smul.u32 $0x1200, s4  }
0xc: {  	[smem:$0x7FF] =	sst s2;
	s4 =	smul.u32 $0x12, s4;
	s8 =	sshrl.u32 s7, $0x1  }
0xd: {  	v2 =	vlaneseq.u32;
	s3 =	sadd.s32 $0x43200, s0;
	_ =	strace $0x8000004D;
	s7 =	ssub.s32 s7, s8  }
0xe: {  	vm0 =	vmmov $0xffff;
	v1 =	vshrl.u32 v2, $0x3;
	s8 =	simm.s32 $0x2;
	s0 =	sadd.s32 s6, s0;
	s4 =	sadd.s32 s1, s4  }
0xf: {  	v0 =	vand.u32 $0x7, v2;
	v2 =	vor.u32 $0x8, v2;
	v1 =	vmul.u32 $0x8, v1;
	s5 =	sadd.s32 s5, s6;
	s7 =	smax.u32 s7, $0x1;
	s6 =	sadd.s32 $0x3200, s0  }
.LBB2_1:
0x10: {  	[tilespmem:s2], [sflag:$0x2] =	stream.linear.gather [hbm4b:s4+s2], $0x90, $0x38;
	[tilespmem:$0x12100] =	vst v63  }
0x11: {  	_ =	swait.ge [sflag:s8], $0x90  }
0x12: {  	[sflag:s8] =	ssyncset.done $0x0  }
0x13: {  	[sflag:s8] =	ssyncadd.s32 $0xFFFFFF70  }
0x14: {  	v3 =	vld [tilespmem:$0x0];
	_ =	sdelay $0x4  }
0x15: {  	v4 =	vshll.u32 v3, $0x1  }
0x16: {  	v3 =	vand.u32 $0x7, v3;
	v4 =	vand.u32 $0xFFFFFFF0, v4  }
0x17: {  	v3 =	vor.u32 v3, v4  }
0x18: {  	v4 =	vperm.xlane v3, v0;
	_ =	sdelay $0x1  }
0x19: {  	v3 =	vperm.xlane v3, v2;
	v4 =	vadd.s32 v1, v4;
	_ =	sdelay $0x1  }
0x1a: {  	v3 =	vadd.s32 v1, v3;
	_ =	sdelay $0x1  }
0x1b: {  	s0 =	simm.s32 $0x100  }
0x1c: {  	[tilespmem:s0], [sflag:$0x1] =	stream.indirect_vreg.gather [hbm4b:s3+s2], $0x80, v4, vm0, $0xb8;
	[tilespmem:$0x12100] =	vst v63  }
0x1d: {  	s10 =	simm.s32 $0x900  }
0x1e: {  	[tilespmem:s10], [sflag:$0x1] =	stream.indirect_vreg.gather [hbm4b:s3+s2], $0x80, v3, vm0, $0xb8;
	[tilespmem:$0x12100] =	vst v63  }
0x1f: {  	v3 =	vld [tilespmem:$0x10];
	_ =	sdelay $0x4  }
0x20: {  	v55 =	vshll.u32 v3, $0x1  }
0x21: {  	v3 =	vand.u32 $0x7, v3;
	v4 =	vand.u32 $0xFFFFFFF0, v55  }
0x22: {  	v3 =	vor.u32 v3, v4  }
0x23: {  	v4 =	vperm.xlane v3, v0;
	_ =	sdelay $0x1  }
0x24: {  	v3 =	vperm.xlane v3, v2;
	v4 =	vadd.s32 v1, v4;
	_ =	sdelay $0x1  }
0x25: {  	v3 =	vadd.s32 v1, v3;
	_ =	sdelay $0x1  }
0x26: {  	s11 =	simm.s32 $0x1100  }
0x27: {  	[tilespmem:s11], [sflag:$0x1] =	stream.indirect_vreg.gather [hbm4b:s3+s2], $0x80, v4, vm0, $0xb8;
	[tilespmem:$0x12100] =	vst v63  }
0x28: {  	s12 =	simm.s32 $0x1900  }
0x29: {  	[tilespmem:s12], [sflag:$0x1] =	stream.indirect_vreg.gather [hbm4b:s3+s2], $0x80, v3, vm0, $0xb8;
	[tilespmem:$0x12100] =	vst v63  }
0x2a: {  	v3 =	vld [tilespmem:$0x20];
	_ =	sdelay $0x4  }
0x2b: {  	v56 =	vshll.u32 v3, $0x1  }
0x2c: {  	v3 =	vand.u32 $0x7, v3;
	v4 =	vand.u32 $0xFFFFFFF0, v56  }
0x2d: {  	v3 =	vor.u32 v3, v4  }
0x2e: {  	v4 =	vperm.xlane v3, v0;
	_ =	sdelay $0x1  }
0x2f: {  	v3 =	vperm.xlane v3, v2;
	v4 =	vadd.s32 v1, v4;
	_ =	sdelay $0x1  }
0x30: {  	v3 =	vadd.s32 v1, v3;
	_ =	sdelay $0x2  }
0x31: {  	[tilespmem:s13], [sflag:$0x1] =	stream.indirect_vreg.gather [hbm4b:s3+s2], $0x80, v4, vm0, $0xb8;
	[tilespmem:$0x12100] =	vst v63  }
0x32: {  	_ = 	snop  }
0x33: {  	[tilespmem:s14], [sflag:$0x1] =	stream.indirect_vreg.gather [hbm4b:s3+s2], $0x80, v3, vm0, $0xb8;
	[tilespmem:$0x12100] =	vst v63  }
0x34: {  	v3 =	vld [tilespmem:$0x30];
	_ =	sdelay $0x4  }
0x35: {  	v57 =	vshll.u32 v3, $0x1  }
0x36: {  	v3 =	vand.u32 $0x7, v3;
	v4 =	vand.u32 $0xFFFFFFF0, v57  }
0x37: {  	v3 =	vor.u32 v3, v4  }
0x38: {  	v4 =	vperm.xlane v3, v0;
	_ =	sdelay $0x1  }
0x39: {  	v3 =	vperm.xlane v3, v2;
	v4 =	vadd.s32 v1, v4;
	_ =	sdelay $0x1  }
0x3a: {  	v3 =	vadd.s32 v1, v3;
	_ =	sdelay $0x2  }
0x3b: {  	[tilespmem:s15], [sflag:$0x1] =	stream.indirect_vreg.gather [hbm4b:s3+s2], $0x80, v4, vm0, $0xb8;
	[tilespmem:$0x12100] =	vst v63  }
0x3c: {  	_ = 	snop  }
0x3d: {  	[tilespmem:s16], [sflag:$0x1] =	stream.indirect_vreg.gather [hbm4b:s3+s2], $0x80, v3, vm0, $0xb8;
	[tilespmem:$0x12100] =	vst v63  }
0x3e: {  	v3 =	vld.msk [tilespmem:$0x40], $0xff;
	_ =	sdelay $0x4  }
0x3f: {  	v58 =	vshll.u32 v3, $0x1  }
0x40: {  	v3 =	vand.u32 $0x7, v3;
	v4 =	vand.u32 $0xFFFFFFF0, v58  }
0x41: {  	v3 =	vor.u32 v3, v4  }
0x42: {  	v3 =	vperm.xlane v3, v0;
	_ =	sdelay $0x1  }
0x43: {  	v3 =	vadd.s32 v1, v3;
	_ =	sdelay $0x4  }
0x44: {  	[tilespmem:s17], [sflag:$0x1] =	stream.indirect_vreg.gather [hbm4b:s3+s2], $0x80, v3, vm0, $0xb8;
	[tilespmem:$0x12100] =	vst v63  }
0x45: {  	_ =	swait.ge [sflag:s18], $0x4800  }
0x46: {  	[sflag:s18] =	ssyncset.done $0x0  }
0x47: {  	[sflag:s18] =	ssyncadd.s32 $0xFFFFB800  }
0x48: {  	v3 =	vld [tilespmem:$0x48];
	_ =	sdelay $0x4  }
0x49: {  	v59 =	vshll.u32 v3, $0x1  }
0x4a: {  	v3 =	vand.u32 $0x7, v3;
	v4 =	vand.u32 $0xFFFFFFF0, v59  }
0x4b: {  	v3 =	vor.u32 v3, v4  }
0x4c: {  	v4 =	vperm.xlane v3, v0;
	_ =	sdelay $0x1  }
0x4d: {  	v3 =	vperm.xlane v3, v2;
	v4 =	vadd.s32 v1, v4;
	_ =	sdelay $0x1  }
0x4e: {  	v3 =	vadd.s32 v1, v3;
	_ =	sdelay $0x2  }
0x4f: {  	[tilespmem:s19], [sflag:$0x1] =	stream.indirect_vreg.gather [hbm4b:s3+s2], $0x80, v4, vm0, $0xb8;
	[tilespmem:$0x12100] =	vst v63  }
0x50: {  	_ = 	snop  }
0x51: {  	[tilespmem:s20], [sflag:$0x1] =	stream.indirect_vreg.gather [hbm4b:s3+s2], $0x80, v3, vm0, $0xb8;
	[tilespmem:$0x12100] =	vst v63  }
0x52: {  	v3 =	vld [tilespmem:$0x58];
	_ =	sdelay $0x4  }
0x53: {  	v60 =	vshll.u32 v3, $0x1  }
0x54: {  	v3 =	vand.u32 $0x7, v3;
	v4 =	vand.u32 $0xFFFFFFF0, v60  }
0x55: {  	v3 =	vor.u32 v3, v4  }
0x56: {  	v4 =	vperm.xlane v3, v0;
	_ =	sdelay $0x1  }
0x57: {  	v3 =	vperm.xlane v3, v2;
	v4 =	vadd.s32 v1, v4;
	_ =	sdelay $0x1  }
0x58: {  	v3 =	vadd.s32 v1, v3;
	_ =	sdelay $0x2  }
0x59: {  	[tilespmem:s21], [sflag:$0x1] =	stream.indirect_vreg.gather [hbm4b:s3+s2], $0x80, v4, vm0, $0xb8;
	[tilespmem:$0x12100] =	vst v63  }
0x5a: {  	_ = 	snop  }
0x5b: {  	[tilespmem:s22], [sflag:$0x1] =	stream.indirect_vreg.gather [hbm4b:s3+s2], $0x80, v3, vm0, $0xb8;
	[tilespmem:$0x12100] =	vst v63  }
0x5c: {  	v3 =	vld [tilespmem:$0x68];
	_ =	sdelay $0x4  }
0x5d: {  	v61 =	vshll.u32 v3, $0x1  }
0x5e: {  	v3 =	vand.u32 $0x7, v3;
	v4 =	vand.u32 $0xFFFFFFF0, v61  }
0x5f: {  	v3 =	vor.u32 v3, v4  }
0x60: {  	v4 =	vperm.xlane v3, v0;
	_ =	sdelay $0x1  }
0x61: {  	v3 =	vperm.xlane v3, v2;
	v4 =	vadd.s32 v1, v4;
	_ =	sdelay $0x1  }
0x62: {  	v3 =	vadd.s32 v1, v3;
	_ =	sdelay $0x2  }
0x63: {  	[tilespmem:s23], [sflag:$0x1] =	stream.indirect_vreg.gather [hbm4b:s3+s2], $0x80, v4, vm0, $0xb8;
	[tilespmem:$0x12100] =	vst v63  }
0x64: {  	_ = 	snop  }
0x65: {  	[tilespmem:s24], [sflag:$0x1] =	stream.indirect_vreg.gather [hbm4b:s3+s2], $0x80, v3, vm0, $0xb8;
	[tilespmem:$0x12100] =	vst v63  }
0x66: {  	v3 =	vld [tilespmem:$0x78];
	_ =	sdelay $0x4  }
0x67: {  	v62 =	vshll.u32 v3, $0x1  }
0x68: {  	v3 =	vand.u32 $0x7, v3;
	v4 =	vand.u32 $0xFFFFFFF0, v62  }
0x69: {  	v3 =	vor.u32 v3, v4  }
0x6a: {  	v4 =	vperm.xlane v3, v0;
	_ =	sdelay $0x1  }
0x6b: {  	v3 =	vperm.xlane v3, v2;
	v4 =	vadd.s32 v1, v4;
	_ =	sdelay $0x1  }
0x6c: {  	v3 =	vadd.s32 v1, v3;
	_ =	sdelay $0x2  }
0x6d: {  	[tilespmem:s25], [sflag:$0x1] =	stream.indirect_vreg.gather [hbm4b:s3+s2], $0x80, v4, vm0, $0xb8;
	[tilespmem:$0x12100] =	vst v63  }
0x6e: {  	_ = 	snop  }
0x6f: {  	[tilespmem:s26], [sflag:$0x1] =	stream.indirect_vreg.gather [hbm4b:s3+s2], $0x80, v3, vm0, $0xb8;
	[tilespmem:$0x12100] =	vst v63  }
0x70: {  	v3 =	vld.msk [tilespmem:$0x88], $0xff;
	_ =	sdelay $0x4  }
0x71: {  	v63 =	vshll.u32 v3, $0x1  }
0x72: {  	v3 =	vand.u32 $0x7, v3;
	v4 =	vand.u32 $0xFFFFFFF0, v63  }
0x73: {  	v3 =	vor.u32 v3, v4  }
0x74: {  	v3 =	vperm.xlane v3, v0;
	_ =	sdelay $0x1  }
0x75: {  	v3 =	vadd.s32 v1, v3;
	_ =	sdelay $0x4  }
0x76: {  	[tilespmem:s28], [sflag:$0x1] =	stream.indirect_vreg.gather [hbm4b:s3+s2], $0x80, v3, vm0, $0xb8;
	[tilespmem:$0x12100] =	vst v63  }
0x77: {  	_ =	swait.ge [sflag:s18], $0x4800  }
0x78: {  	[sflag:s18] =	ssyncset.done $0x0  }
0x79: {  	[sflag:s18] =	ssyncadd.s32 $0xFFFFB800  }
0x7a: {  	[tilespmem:s29], [sflag:$0x2] =	stream.linear.gather [hbm4b:s5+s2], $0x9000, $0x38;
	[tilespmem:$0x12100] =	vst v63  }
0x7b: {  	_ =	swait.ge [sflag:s8], $0x9000  }
0x7c: {  	[sflag:s8] =	ssyncset.done $0x0  }
0x7d: {  	s31 =	simm.s32 $0x0;
	[sflag:s8] =	ssyncadd.s32 $0xFFFF7000  }
.LBB2_2:
0x7e: {  	s0 =	sshll.u32 s31, $0x8;
	s1 =	sshll.u32 s31, $0x7  }
0x7f: {  	s9 =	simm.s32 $0x0;
	s0 =	sand.u32 $0xF800, s0;
	s1 =	sand.u32 $0x380, s1  }
0x80: {  	s12 =	sand.u32 $0x400, s9;
	s1 =	sor.u32 s0, s1  }
0x81: {  	s9 =	sand.u32 $0x70, s9;
	s0 =	sor.u32 s12, s1  }
0x82: {  	s0 =	sor.u32 s9, s0  }
0x83: {  	v3 =	vld [tilespmem:s0+$0x100]  }
0x84: {  	v4 =	vld [tilespmem:s0+$0x9100];
	_ =	sdelay $0x2  }
0x85: {  	s9 =	simm.s32 $0x80  }
0x86: {  	s10 =	simm.s32 $0x10;
	s12 =	sand.u32 $0x400, s9  }
0x87: {  	s11 =	sand.u32 $0x70, s10;
	s10 =	simm.s32 $0x20;
	s12 =	sor.u32 s12, s1;
	v3 =	vsub.f32 v4, v3  }
.LBB2_3:
0x88: {  	p0 =	sne.s32 s10, $0xF0;
	s11 =	sor.u32 s11, s12  }
0x89: {  	v4 =	vld [tilespmem:s11+$0x100];
	[tilespmem:s0+$0x9100] =	vst v3;
	s0 =	smov.u32 s11  }
0x8a: {  	v3 =	vld [tilespmem:s0+$0x9100]  }
.Ltmp0:
0x8b: {  	(pc) =	sbr.rel @p0 .LBB2_3-.Ltmp0, $4  }
0x8c: {  	_ = 	snop  }
0x8d: {  	s9 =	sadd.s32 $0x80, s9  }
0x8e: {  	s12 =	sand.u32 $0x400, s9  }
0x8f: {  	s11 =	sand.u32 $0x70, s10;
	s10 =	sadd.s32 $0x10, s10;
	s12 =	sor.u32 s12, s1;
	v3 =	vsub.f32 v3, v4  }
0x90: {  	s1 =	sor.u32 s11, s12  }
0x91: {  	v4 =	vld [tilespmem:s1+$0x100];
	[tilespmem:s0+$0x9100] =	vst v3  }
0x92: {  	v3 =	vld [tilespmem:s1+$0x9100]  }
0x93: {  	s31 =	sadd.s32 $0x1, s31  }
0x94: {  	p0 =	sne.s32 s31, $0x90  }
.Ltmp1:
0x95: {  	_ = 	snop;
	(pc) =	sbr.rel @p0 .LBB2_2-.Ltmp1, $3  }
0x96: {  	_ = 	snop  }
0x97: {  	v3 =	vsub.f32 v3, v4;
	_ =	sdelay $0x1  }
0x98: {  	[tilespmem:s1+$0x9100] =	vst v3  }
0x99: {  	s30 =	sadd.s32 $0x1, s30  }
0x9a: {  	p0 =	sne.s32 s30, s7  }
.Ltmp2:
0x9b: {  	_ = 	snop;
	(pc) =	sbr.rel @p0 .LBB2_1-.Ltmp2, $4  }
0x9c: {  	[hbm4b:s6+s2] =	stream.linear.scatter [tilespmem:s29], [sflag:$0x2], $0x9000, $0x38;
	[tilespmem:$0x12100] =	vst v63  }
0x9d: {  	_ =	swait.ge [sflag:s8], $0x9000  }
0x9e: {  	[sflag:s8] =	ssyncset.done $0x0  }
0x9f: {  	[sflag:s8] =	ssyncadd.s32 $0xFFFF7000  }
0xa0: {  	_ =	sfence.sel $0x180000  }
0xa1: {  	[bflag:$0x0] =	sbarrier.arrive $0xFFFF  }
0xa2: {  	_ =	strace $0x9000004D  }
0xa3: {  	s0 =	stileid.u32;
	[bflag:$0x2] =	sbarrier.arrive $0xFFFF  }
0xa4: {  	p0 =	sne.s32 s0, $0x0;
	s0 =	rddreg [dreg:$0x3]  }
0xa5: {  	s0 =	sadd.s32 @!p0 $0x100000, s0  }
0xa6: {  	[sflag:s0] =	ssyncadd.tile.s32 @!p0 $0x1;
	_ =	shalt  }
.Lfunc_end2:
_tile_overlayer_lowered:
.L_overlay_start_2:
0xa7: {  	(tag) =	ssettag $0x2  }
0xa8: {  	s0 =	rddreg [dreg:$0x0];
	s2 =	stileid.u32  }
0xa9: {  	s1 =	rddreg [dreg:$0x1];
	p0 =	sne.s32 s2, $0x0  }
0xaa: {  	s3 =	rddreg [dreg:$0x2];
	[bflag:$0x3] =	sbarrier.arrive $0xFFFF;
	s2 =	simm.s32 @!p0 $0x1C02  }
0xab: {  	[timem:s3], [sflag:s2] =	dma.local @!p0 [hbm:s0], s1  }
0xac: {  	s0 =	simm.s32 @!p0 $0x2  }
0xad: {  	_ =	swait.ge @!p0 [sflag:s0], s1  }
0xae: {  	s1 =	ssub.s32 @!p0 $0x0, s1;
	[sflag:s0] =	ssyncset.done @!p0 $0x0  }
0xaf: {  	[sflag:s0] =	ssyncadd.s32 @!p0 s1  }
0xb0: {  	[bflag:$0x3] =	sbarrier.arrive $0xFFFF  }
0xb1: {  	_ =	shalt  }

// kernel: kernel.27.cloned.1.call-start
scs
__scs_entry_jumppad:
0x0: {  	(pc) =	sbr.rel $0x88, $3  }
0x1: {  	(tag) =	ssettag $0x0;
	lr =	simm.s32 $0x1  }
0x2: {  	[smem:$0x3F9F] =	sst lr;
	_ =	strace $0xD0000000  }
0x3: {  	_ = 	snop  }
0x4: {  	_ = 	snop  }
0x5: {  	_ = 	snop  }
0x6: {  	_ = 	snop  }
0x7: {  	_ = 	snop  }
__scs_overlays_trampoline_lowered:
0x8: {  	[smem:$0x3FAE] =	sst s0  }
0x9: {  	[smem:$0x3FAF] =	sst s1  }
0xa: {  	[smem:$0x3FB0] =	sst s2  }
0xb: {  	[smem:$0x3FB1] =	sst s3  }
0xc: {  	[smem:$0x3FB2] =	sst s4  }
0xd: {  	[smem:$0x3FB3] =	sst s5  }
0xe: {  	[smem:$0x3FB4] =	sst s6  }
0xf: {  	[smem:$0x3FB5] =	sst s7  }
0x10: {  	[smem:$0x3FB6] =	sst s8  }
0x11: {  	[smem:$0x3FB7] =	sst s9;
	s0 =	simm.s32 @!p0 $0x0  }
0x12: {  	s1 =	sld [smem:$0x3F9D];
	s0 =	simm.s32 @p0 $0x1  }
0x13: {  	[smem:$0x3FB8] =	sst s0;
	s0 =	simm.s32 @!p1 $0x0  }
0x14: {  	s2 =	sld [smem:$0x3F9C];
	s0 =	simm.s32 @p1 $0x1  }
0x15: {  	[smem:$0x3FB9] =	sst s0;
	s0 =	simm.s32 @!p2 $0x0  }
0x16: {  	s3 =	sld [smem:$0x3FDB];
	s0 =	simm.s32 @p2 $0x1  }
0x17: {  	s4 =	simm.s32 $0x1BF5;
	[smem:$0x3FBB] =	sst s0  }
0x18: {  	s0 =	sld [smem:$0x3F9E];
	_ =	swait.ge [sflag:s4], $0x0  }
0x19: {  	s7 =	sld [smem:$0x3F9F]  }
0x1a: {  	s8 =	sadd.s32 $0xFFFFE003, lr  }
0x1b: {  	s9 =	sadd.s32 $0xFFFFFEF7, lr;
	s5 =	simm.s32 $0xFFFFFFFF;
	p2 =	slt.u32 s8, $0xFFFFF086  }
0x1c: {  	p1 =	slt.u32 s9, $0xF7A;
	s5 =	simm.s32 @!p2 $0x0  }
0x1d: {  	s5 =	simm.s32 @p1 $0x1;
	p0 =	seq.s32 s7, s2  }
0x1e: {  	s7 =	smul.u32 @!p0 $0xF7A, s2;
	p2 =	seq.s32 @!p0 s5, $0x0  }
0x1f: {  	s9 =	smul.u32 $0xF7A, s1;
	s8 =	simm.s32 @!p0 $0x1BF5;
	p2 =	por !p2, p0  }
0x20: {  	[sflag:s8] =	ssyncset.s32 @!p0 $0xFFFFF086;
	s6 =	sadd.s32 @!p0 s3, s7;
	s7 =	simm.s32 @!p0 $0x108  }
0x21: {  	s3 =	sadd.s32 s3, s9;
	s6 =	sadd.s32 @!p0 $0x88, s6;
	s7 =	simm.s32 @p2 $0x1082  }
0x22: {  	[simem:s7], [sflag:s8] =	dma.local @!p0 [hbm:s6], $0xF7A  }
0x23: {  	s9 =	sor.u32 $0xD0000000, s2;
	s6 =	simm.s32 $0x108;
	_ =	swait.ge @!p0 [sflag:s8], $0x0  }
0x24: {  	s3 =	sadd.s32 $0x88, s3;
	s6 =	simm.s32 @!p1 $0x1082;
	[sflag:s4] =	ssyncset.s32 $0xFFFFF086  }
0x25: {  	[simem:s6], [sflag:s4] =	dma.local [hbm:s3], $0xF7A  }
0x26: {  	[smem:$0x3F9F] =	sst s1;
	(tag) =	ssettag s2;
	_ =	strace s9  }
0x27: {  	s1 =	sld [smem:$0x3FAF]  }
0x28: {  	s2 =	sld [smem:$0x3FB0]  }
0x29: {  	s4 =	sld [smem:$0x3FB2]  }
0x2a: {  	p0 =	seq.s32 s5, $0x0;
	s5 =	sld [smem:$0x3FB3]  }
0x2b: {  	s6 =	sld [smem:$0x3FB4]  }
0x2c: {  	s7 =	sld [smem:$0x3FB5]  }
0x2d: {  	s3 =	simm.s32 $0x108;
	s8 =	sld [smem:$0x3FB6]  }
0x2e: {  	s3 =	simm.s32 @!p0 $0x1082;
	s9 =	sld [smem:$0x3FB7]  }
0x2f: {  	lr =	sadd.s32 s0, s3;
	s0 =	sld [smem:$0x3FAE]  }
0x30: {  	s3 =	sld [smem:$0x3FB1]  }
0x31: {  	[smem:$0x3FBA] =	sst s10  }
0x32: {  	s10 =	sld [smem:$0x3FB8];
	_ =	sdelay $0x3  }
0x33: {  	p0 =	seq.s32 s10, $0x1;
	s10 =	sld [smem:$0x3FBA];
	_ =	sdelay $0x3  }
0x34: {  	[smem:$0x3FBA] =	sst s10  }
0x35: {  	s10 =	sld [smem:$0x3FB9];
	_ =	sdelay $0x3  }
0x36: {  	p1 =	seq.s32 s10, $0x1;
	s10 =	sld [smem:$0x3FBA];
	_ =	sdelay $0x3  }
0x37: {  	[smem:$0x3FBA] =	sst s10  }
0x38: {  	s10 =	sld [smem:$0x3FBB]  }
0x39: {  	_ = 	snop;
	(pc) =	sbr.ind lr, $3  }
0x3a: {  	_ = 	snop  }
0x3b: {  	_ = 	snop  }
0x3c: {  	p2 =	seq.s32 s10, $0x1;
	s10 =	sld [smem:$0x3FBA]  }
0x3d: {  	_ =	shalt  }
0x3e: {  	_ =	shalt  }
0x3f: {  	_ =	shalt  }
0x40: {  	_ =	shalt  }
0x41: {  	_ =	shalt  }
0x42: {  	_ =	shalt  }
0x43: {  	_ =	shalt  }
0x44: {  	_ =	shalt  }
0x45: {  	_ =	shalt  }
0x46: {  	_ =	shalt  }
0x47: {  	_ =	shalt  }
0x48: {  	_ =	shalt  }
0x49: {  	_ =	shalt  }
0x4a: {  	_ =	shalt  }
0x4b: {  	_ =	shalt  }
0x4c: {  	_ =	shalt  }
0x4d: {  	_ =	shalt  }
0x4e: {  	_ =	shalt  }
0x4f: {  	_ =	shalt  }
0x50: {  	_ =	shalt  }
0x51: {  	_ =	shalt  }
0x52: {  	_ =	shalt  }
0x53: {  	_ =	shalt  }
0x54: {  	_ =	shalt  }
0x55: {  	_ =	shalt  }
0x56: {  	_ =	shalt  }
0x57: {  	_ =	shalt  }
0x58: {  	_ =	shalt  }
0x59: {  	_ =	shalt  }
0x5a: {  	_ =	shalt  }
0x5b: {  	_ =	shalt  }
0x5c: {  	_ =	shalt  }
0x5d: {  	_ =	shalt  }
0x5e: {  	_ =	shalt  }
0x5f: {  	_ =	shalt  }
0x60: {  	_ =	shalt  }
0x61: {  	_ =	shalt  }
0x62: {  	_ =	shalt  }
0x63: {  	_ =	shalt  }
0x64: {  	_ =	shalt  }
0x65: {  	_ =	shalt  }
0x66: {  	_ =	shalt  }
0x67: {  	_ =	shalt  }
0x68: {  	_ =	shalt  }
0x69: {  	_ =	shalt  }
0x6a: {  	_ =	shalt  }
0x6b: {  	_ =	shalt  }
0x6c: {  	_ =	shalt  }
0x6d: {  	_ =	shalt  }
0x6e: {  	_ =	shalt  }
0x6f: {  	_ =	shalt  }
0x70: {  	_ =	shalt  }
0x71: {  	_ =	shalt  }
0x72: {  	_ =	shalt  }
0x73: {  	_ =	shalt  }
0x74: {  	_ =	shalt  }
0x75: {  	_ =	shalt  }
0x76: {  	_ =	shalt  }
0x77: {  	_ =	shalt  }
0x78: {  	_ =	shalt  }
0x79: {  	_ =	shalt  }
0x7a: {  	_ =	shalt  }
0x7b: {  	_ =	shalt  }
0x7c: {  	_ =	shalt  }
0x7d: {  	_ =	shalt  }
0x7e: {  	_ =	shalt  }
0x7f: {  	_ =	shalt  }
0x80: {  	_ =	shalt  }
0x81: {  	_ =	shalt  }
0x82: {  	_ =	shalt  }
0x83: {  	_ =	shalt  }
0x84: {  	_ =	shalt  }
0x85: {  	_ =	shalt  }
0x86: {  	_ =	shalt  }
0x87: {  	_ =	shalt  }
.Lfunc_end0:
.L_simem_size_0:
called_computation.3_lowered:
.L_overlay_start_0:
0x88: {  	s2 =	sld [smem:$0x3FD9]  }
0x89: {  	s3 =	sld [smem:$0x3FFE];
	_ =	sdelay $0x1  }
0x8a: {  	s1 =	srdreg.scid  }
0x8b: {  	s0 =	sand.u32 $0x1, s1  }
0x8c: {  	s14 =	sshll.u32 s0, $0xA;
	s2 =	sadd.s32 s3, s2  }
0x8d: {  	s2 =	sadd.s32 s2, s14  }
0x8e: {  	[smem:$0x3FC6] =	sst s2  }
0x8f: {  	_ = 	snop  }
0x90: {  	s2 =	sld [smem:$0x3FD0];
	_ =	sdelay $0x2  }
0x91: {  	s15 =	simm.s32 $0xA;
	s4 =	simm.s32 $0x10  }
0x92: {  	[smem:s4], [sflag:s15] =	dma.local [hbm:s2], $0x1  }
0x93: {  	_ =	swait.eq [sflag:s15], $0x1  }
0x94: {  	[sflag:s15] =	ssyncset.done $0x0  }
0x95: {  	s16 =	sld [smem:$0x10];
	[sflag:s15] =	ssyncadd.s32 $0xFFFFFFFF  }
0x96: {  	s17 =	sld [smem:$0x11];
	(tm) =	ssettm $0x1  }
0x97: {  	s18 =	sld [smem:$0x3FFB];
	_ =	sdelay $0x3  }
0x98: {  	_ =	strace s18  }
0x99: {  	s4 =	sld [smem:$0x3FFC];
	_ =	sdelay $0x3  }
0x9a: {  	_ =	strace s4  }
0x9b: {  	s4 =	sld [smem:$0x3FFD];
	_ =	sdelay $0x3  }
0x9c: {  	_ =	strace s4  }
0x9d: {  	_ =	strace $0x8FFFFFFF  }
0x9e: {  	s19 =	sld [smem:$0x3FDB];
	_ =	sdelay $0x1  }
0x9f: {  	s5 =	simm.s32 $_scs_section_size  }
0xa0: {  	s6 =	simm.s32 $_size__tile_overlayer_lowered;
	s7 =	simm.s32 $_tile_overlayer_lowered  }
0xa1: {  	s22 =	simm.s32 $0x1BFF;
	s21 =	sshll.u32 s7, $0x1;
	s4 =	sadd.s32 s5, s19  }
0xa2: {  	s8 =	simm.s32 $0x0;
	s20 =	sshll.u32 s6, $0x1;
	s6 =	sadd.s32 s21, s4  }
0xa3: {  	[timem:s8], [sflag:s22] =	dma.local [hbm:s6], s20  }
0xa4: {  	_ =	swait.ge [sflag:s22], s20  }
0xa5: {  	s5 =	ssub.s32 $0x0, s20;
	[sflag:s22] =	ssyncset.done $0x0  }
0xa6: {  	[sflag:s22] =	ssyncadd.s32 s5;
	_ =	sdelay $0x1  }
0xa7: {  	s23 =	simm.s32 $0x1B8B  }
0xa8: {  	_ =	swait.ge [sflag:s23], $0x1  }
0xa9: {  	[sflag:s23] =	ssyncset.done $0x0  }
0xaa: {  	s25 =	simm.s32 $0x1B8E;
	s24 =	sld [smem:$0x3FFE];
	[sflag:s23] =	ssyncadd.s32 $0xFFFFFFFF  }
0xab: {  	s26 =	simm.s32 $execute0_lowered;
	[smem:$0x3FD2] =	sst s25  }
0xac: {  	s6 =	sshll.u32 s26, $0x1;
	_ =	strace $0x8000004F;
	[dreg:$0x1] =	wrdreg $0xFFFFFFFF  }
0xad: {  	s28 =	simm.s32 $_size_execute0_lowered;
	s4 =	sadd.s32 s4, s6;
	[dreg:$0x0] =	wrdreg $0x0  }
0xae: {  	s6 =	sshll.u32 s28, $0x1;
	[dreg:$0x2] =	wrdreg s4  }
0xaf: {  	[dreg:$0x3] =	wrdreg s6  }
0xb0: {  	[dreg:$0x4] =	wrdreg $0xC0  }
0xb1: {  	_ =	task [dreg:s8], $0x5FFFF  }
0xb2: {  	[dreg:$0x1] =	wrdreg $0xFFFFFFFF  }
0xb3: {  	[dreg:$0x0] =	wrdreg $0x60  }
0xb4: {  	[dreg:$0x2] =	wrdreg s24  }
0xb5: {  	[dreg:$0x3] =	wrdreg s17  }
0xb6: {  	[dreg:$0x4] =	wrdreg s16  }
0xb7: {  	[dreg:$0x5] =	wrdreg $0x9  }
0xb8: {  	_ =	task.clear_ibuf [dreg:s8], $0x6FFFF;
	_ =	strace $0x9000004F  }
0xb9: {  	s29 =	simm.s32 $0x9;
	_ =	strace $0x80000051  }
0xba: {  	_ =	swait.ge [sflag:s29], $0x1  }
0xbb: {  	[sflag:s29] =	ssyncadd.s32 $0xFFFFFFFF  }
0xbc: {  	_ =	strace $0x90000051  }
0xbd: {  	_ =	sfence  }
0xbe: {  	s30 =	sld [smem:$0x0];
	_ =	sdelay $0x2  }
0xbf: {  	s31 =	sshll.u32 s1, $0xD;
	s1 =	sshrl.u32 s1, $0x2  }
0xc0: {  	s3 =	sand.u32 $0x4000, s31;
	s1 =	sadd.s32 s1, s30  }
0xc1: {  	s0 =	sor.u32 s3, s0;
	s1 =	sshll.u32 s1, $0x11  }
0xc2: {  	s0 =	sor.u32 s1, s0  }
0xc3: {  	s0 =	sadd.s32 $0x8F2B, s0  }
0xc4: {  	[sflag:s0] =	ssyncadd.remote.s32 $0x1  }
0xc5: {  	_ =	sfence.sel $0xFFFF  }
0xc6: {  	[dreg:$0x0] =	wrdreg $0xFFFFFFFF;
	(pc) =	sbr.abs _section_cstart, $3  }
0xc7: {  	[dreg:$0x1] =	wrdreg $0xFFFFFFFF  }
0xc8: {  	_ =	task.clear_ibuf [dreg:s8], $0x2FFFF;
	_ =	strace $0x9FFFFFFF  }
0xc9: {  	(tm) =	ssettm $0x7FFFFFFF  }
tec
execute0_lowered:
.L_overlay_start_1:
0x0: {  	(tag) =	ssettag $0x1  }
0x1: {  	s0 =	rddreg [dreg:$0x0]  }
0x2: {  	s1 =	rddreg [dreg:$0x1]  }
0x3: {  	s2 =	srdreg.scid;
	s4 =	stileid.u32  }
0x4: {  	s6 =	rddreg [dreg:$0x2];
	s13 =	simm.s32 $0x2100;
	s14 =	simm.s32 $0x2900  }
0x5: {  	s15 =	simm.s32 $0x3100;
	s16 =	simm.s32 $0x3900;
	s17 =	simm.s32 $0x4100  }
0x6: {  	s18 =	simm.s32 $0x1;
	s19 =	simm.s32 $0x4900;
	s20 =	simm.s32 $0x5100  }
0x7: {  	s21 =	simm.s32 $0x5900;
	s22 =	simm.s32 $0x6100;
	s23 =	simm.s32 $0x6900  }
0x8: {  	s24 =	simm.s32 $0x7100;
	s25 =	simm.s32 $0x7900;
	s26 =	simm.s32 $0x8100  }
0x9: {  	s28 =	simm.s32 $0x8900;
	s3 =	sand.u32 $0x1, s2;
	s4 =	sshll.u32 s4, $0x1  }
0xa: {  	s29 =	simm.s32 $0x9100;
	s30 =	simm.s32 $0x0;
	s4 =	sor.u32 s3, s4  }
0xb: {  	s2 =	simm.s32 $0x0;
	s5 =	ssub.s32 $0x2, s3;
	s7 =	smul.u32 $0x1200, s4  }
0xc: {  	[smem:$0x7FF] =	sst s2;
	s4 =	smul.u32 $0x12, s4;
	s8 =	sshrl.u32 s5, $0x1  }
0xd: {  	v2 =	vlaneseq.u32;
	s3 =	sadd.s32 $0x83200, s0;
	_ =	strace $0x80000050;
	s8 =	ssub.s32 s5, s8  }
0xe: {  	vm0 =	vmmov $0xffff;
	v1 =	vshrl.u32 v2, $0x3;
	s0 =	sadd.s32 s7, s0;
	s4 =	sadd.s32 s1, s4;
	s6 =	sadd.s32 s6, s7  }
0xf: {  	v0 =	vand.u32 $0x7, v2;
	v2 =	vor.u32 $0x8, v2;
	v1 =	vmul.u32 $0x8, v1;
	s7 =	smax.u32 s8, $0x1;
	s8 =	simm.s32 $0x2;
	s5 =	sadd.s32 $0x3200, s0  }
.LBB2_1:
0x10: {  	[tilespmem:s2], [sflag:$0x2] =	stream.linear.gather [hbm4b:s4+s2], $0x90, $0x38;
	[tilespmem:$0x12100] =	vst v63  }
0x11: {  	_ =	swait.ge [sflag:s8], $0x90  }
0x12: {  	[sflag:s8] =	ssyncset.done $0x0  }
0x13: {  	[sflag:s8] =	ssyncadd.s32 $0xFFFFFF70  }
0x14: {  	v3 =	vld [tilespmem:$0x0];
	_ =	sdelay $0x4  }
0x15: {  	v4 =	vshll.u32 v3, $0x1  }
0x16: {  	v3 =	vand.u32 $0x7, v3;
	v4 =	vand.u32 $0xFFFFFFF0, v4  }
0x17: {  	v3 =	vor.u32 v3, v4  }
0x18: {  	v4 =	vperm.xlane v3, v0;
	_ =	sdelay $0x1  }
0x19: {  	v3 =	vperm.xlane v3, v2;
	v4 =	vadd.s32 v1, v4;
	_ =	sdelay $0x1  }
0x1a: {  	v3 =	vadd.s32 v1, v3;
	_ =	sdelay $0x1  }
0x1b: {  	s0 =	simm.s32 $0x100  }
0x1c: {  	[tilespmem:s0], [sflag:$0x1] =	stream.indirect_vreg.gather [hbm4b:s3+s2], $0x80, v4, vm0, $0xb8;
	[tilespmem:$0x12100] =	vst v63  }
0x1d: {  	s10 =	simm.s32 $0x900  }
0x1e: {  	[tilespmem:s10], [sflag:$0x1] =	stream.indirect_vreg.gather [hbm4b:s3+s2], $0x80, v3, vm0, $0xb8;
	[tilespmem:$0x12100] =	vst v63  }
0x1f: {  	v3 =	vld [tilespmem:$0x10];
	_ =	sdelay $0x4  }
0x20: {  	v55 =	vshll.u32 v3, $0x1  }
0x21: {  	v3 =	vand.u32 $0x7, v3;
	v4 =	vand.u32 $0xFFFFFFF0, v55  }
0x22: {  	v3 =	vor.u32 v3, v4  }
0x23: {  	v4 =	vperm.xlane v3, v0;
	_ =	sdelay $0x1  }
0x24: {  	v3 =	vperm.xlane v3, v2;
	v4 =	vadd.s32 v1, v4;
	_ =	sdelay $0x1  }
0x25: {  	v3 =	vadd.s32 v1, v3;
	_ =	sdelay $0x1  }
0x26: {  	s11 =	simm.s32 $0x1100  }
0x27: {  	[tilespmem:s11], [sflag:$0x1] =	stream.indirect_vreg.gather [hbm4b:s3+s2], $0x80, v4, vm0, $0xb8;
	[tilespmem:$0x12100] =	vst v63  }
0x28: {  	s12 =	simm.s32 $0x1900  }
0x29: {  	[tilespmem:s12], [sflag:$0x1] =	stream.indirect_vreg.gather [hbm4b:s3+s2], $0x80, v3, vm0, $0xb8;
	[tilespmem:$0x12100] =	vst v63  }
0x2a: {  	v3 =	vld [tilespmem:$0x20];
	_ =	sdelay $0x4  }
0x2b: {  	v56 =	vshll.u32 v3, $0x1  }
0x2c: {  	v3 =	vand.u32 $0x7, v3;
	v4 =	vand.u32 $0xFFFFFFF0, v56  }
0x2d: {  	v3 =	vor.u32 v3, v4  }
0x2e: {  	v4 =	vperm.xlane v3, v0;
	_ =	sdelay $0x1  }
0x2f: {  	v3 =	vperm.xlane v3, v2;
	v4 =	vadd.s32 v1, v4;
	_ =	sdelay $0x1  }
0x30: {  	v3 =	vadd.s32 v1, v3;
	_ =	sdelay $0x2  }
0x31: {  	[tilespmem:s13], [sflag:$0x1] =	stream.indirect_vreg.gather [hbm4b:s3+s2], $0x80, v4, vm0, $0xb8;
	[tilespmem:$0x12100] =	vst v63  }
0x32: {  	_ = 	snop  }
0x33: {  	[tilespmem:s14], [sflag:$0x1] =	stream.indirect_vreg.gather [hbm4b:s3+s2], $0x80, v3, vm0, $0xb8;
	[tilespmem:$0x12100] =	vst v63  }
0x34: {  	v3 =	vld [tilespmem:$0x30];
	_ =	sdelay $0x4  }
0x35: {  	v57 =	vshll.u32 v3, $0x1  }
0x36: {  	v3 =	vand.u32 $0x7, v3;
	v4 =	vand.u32 $0xFFFFFFF0, v57  }
0x37: {  	v3 =	vor.u32 v3, v4  }
0x38: {  	v4 =	vperm.xlane v3, v0;
	_ =	sdelay $0x1  }
0x39: {  	v3 =	vperm.xlane v3, v2;
	v4 =	vadd.s32 v1, v4;
	_ =	sdelay $0x1  }
0x3a: {  	v3 =	vadd.s32 v1, v3;
	_ =	sdelay $0x2  }
0x3b: {  	[tilespmem:s15], [sflag:$0x1] =	stream.indirect_vreg.gather [hbm4b:s3+s2], $0x80, v4, vm0, $0xb8;
	[tilespmem:$0x12100] =	vst v63  }
0x3c: {  	_ = 	snop  }
0x3d: {  	[tilespmem:s16], [sflag:$0x1] =	stream.indirect_vreg.gather [hbm4b:s3+s2], $0x80, v3, vm0, $0xb8;
	[tilespmem:$0x12100] =	vst v63  }
0x3e: {  	v3 =	vld.msk [tilespmem:$0x40], $0xff;
	_ =	sdelay $0x4  }
0x3f: {  	v58 =	vshll.u32 v3, $0x1  }
0x40: {  	v3 =	vand.u32 $0x7, v3;
	v4 =	vand.u32 $0xFFFFFFF0, v58  }
0x41: {  	v3 =	vor.u32 v3, v4  }
0x42: {  	v3 =	vperm.xlane v3, v0;
	_ =	sdelay $0x1  }
0x43: {  	v3 =	vadd.s32 v1, v3;
	_ =	sdelay $0x4  }
0x44: {  	[tilespmem:s17], [sflag:$0x1] =	stream.indirect_vreg.gather [hbm4b:s3+s2], $0x80, v3, vm0, $0xb8;
	[tilespmem:$0x12100] =	vst v63  }
0x45: {  	_ =	swait.ge [sflag:s18], $0x4800  }
0x46: {  	[sflag:s18] =	ssyncset.done $0x0  }
0x47: {  	[sflag:s18] =	ssyncadd.s32 $0xFFFFB800  }
0x48: {  	v3 =	vld [tilespmem:$0x48];
	_ =	sdelay $0x4  }
0x49: {  	v59 =	vshll.u32 v3, $0x1  }
0x4a: {  	v3 =	vand.u32 $0x7, v3;
	v4 =	vand.u32 $0xFFFFFFF0, v59  }
0x4b: {  	v3 =	vor.u32 v3, v4  }
0x4c: {  	v4 =	vperm.xlane v3, v0;
	_ =	sdelay $0x1  }
0x4d: {  	v3 =	vperm.xlane v3, v2;
	v4 =	vadd.s32 v1, v4;
	_ =	sdelay $0x1  }
0x4e: {  	v3 =	vadd.s32 v1, v3;
	_ =	sdelay $0x2  }
0x4f: {  	[tilespmem:s19], [sflag:$0x1] =	stream.indirect_vreg.gather [hbm4b:s3+s2], $0x80, v4, vm0, $0xb8;
	[tilespmem:$0x12100] =	vst v63  }
0x50: {  	_ = 	snop  }
0x51: {  	[tilespmem:s20], [sflag:$0x1] =	stream.indirect_vreg.gather [hbm4b:s3+s2], $0x80, v3, vm0, $0xb8;
	[tilespmem:$0x12100] =	vst v63  }
0x52: {  	v3 =	vld [tilespmem:$0x58];
	_ =	sdelay $0x4  }
0x53: {  	v60 =	vshll.u32 v3, $0x1  }
0x54: {  	v3 =	vand.u32 $0x7, v3;
	v4 =	vand.u32 $0xFFFFFFF0, v60  }
0x55: {  	v3 =	vor.u32 v3, v4  }
0x56: {  	v4 =	vperm.xlane v3, v0;
	_ =	sdelay $0x1  }
0x57: {  	v3 =	vperm.xlane v3, v2;
	v4 =	vadd.s32 v1, v4;
	_ =	sdelay $0x1  }
0x58: {  	v3 =	vadd.s32 v1, v3;
	_ =	sdelay $0x2  }
0x59: {  	[tilespmem:s21], [sflag:$0x1] =	stream.indirect_vreg.gather [hbm4b:s3+s2], $0x80, v4, vm0, $0xb8;
	[tilespmem:$0x12100] =	vst v63  }
0x5a: {  	_ = 	snop  }
0x5b: {  	[tilespmem:s22], [sflag:$0x1] =	stream.indirect_vreg.gather [hbm4b:s3+s2], $0x80, v3, vm0, $0xb8;
	[tilespmem:$0x12100] =	vst v63  }
0x5c: {  	v3 =	vld [tilespmem:$0x68];
	_ =	sdelay $0x4  }
0x5d: {  	v61 =	vshll.u32 v3, $0x1  }
0x5e: {  	v3 =	vand.u32 $0x7, v3;
	v4 =	vand.u32 $0xFFFFFFF0, v61  }
0x5f: {  	v3 =	vor.u32 v3, v4  }
0x60: {  	v4 =	vperm.xlane v3, v0;
	_ =	sdelay $0x1  }
0x61: {  	v3 =	vperm.xlane v3, v2;
	v4 =	vadd.s32 v1, v4;
	_ =	sdelay $0x1  }
0x62: {  	v3 =	vadd.s32 v1, v3;
	_ =	sdelay $0x2  }
0x63: {  	[tilespmem:s23], [sflag:$0x1] =	stream.indirect_vreg.gather [hbm4b:s3+s2], $0x80, v4, vm0, $0xb8;
	[tilespmem:$0x12100] =	vst v63  }
0x64: {  	_ = 	snop  }
0x65: {  	[tilespmem:s24], [sflag:$0x1] =	stream.indirect_vreg.gather [hbm4b:s3+s2], $0x80, v3, vm0, $0xb8;
	[tilespmem:$0x12100] =	vst v63  }
0x66: {  	v3 =	vld [tilespmem:$0x78];
	_ =	sdelay $0x4  }
0x67: {  	v62 =	vshll.u32 v3, $0x1  }
0x68: {  	v3 =	vand.u32 $0x7, v3;
	v4 =	vand.u32 $0xFFFFFFF0, v62  }
0x69: {  	v3 =	vor.u32 v3, v4  }
0x6a: {  	v4 =	vperm.xlane v3, v0;
	_ =	sdelay $0x1  }
0x6b: {  	v3 =	vperm.xlane v3, v2;
	v4 =	vadd.s32 v1, v4;
	_ =	sdelay $0x1  }
0x6c: {  	v3 =	vadd.s32 v1, v3;
	_ =	sdelay $0x2  }
0x6d: {  	[tilespmem:s25], [sflag:$0x1] =	stream.indirect_vreg.gather [hbm4b:s3+s2], $0x80, v4, vm0, $0xb8;
	[tilespmem:$0x12100] =	vst v63  }
0x6e: {  	_ = 	snop  }
0x6f: {  	[tilespmem:s26], [sflag:$0x1] =	stream.indirect_vreg.gather [hbm4b:s3+s2], $0x80, v3, vm0, $0xb8;
	[tilespmem:$0x12100] =	vst v63  }
0x70: {  	v3 =	vld.msk [tilespmem:$0x88], $0xff;
	_ =	sdelay $0x4  }
0x71: {  	v63 =	vshll.u32 v3, $0x1  }
0x72: {  	v3 =	vand.u32 $0x7, v3;
	v4 =	vand.u32 $0xFFFFFFF0, v63  }
0x73: {  	v3 =	vor.u32 v3, v4  }
0x74: {  	v3 =	vperm.xlane v3, v0;
	_ =	sdelay $0x1  }
0x75: {  	v3 =	vadd.s32 v1, v3;
	_ =	sdelay $0x4  }
0x76: {  	[tilespmem:s28], [sflag:$0x1] =	stream.indirect_vreg.gather [hbm4b:s3+s2], $0x80, v3, vm0, $0xb8;
	[tilespmem:$0x12100] =	vst v63  }
0x77: {  	_ =	swait.ge [sflag:s18], $0x4800  }
0x78: {  	[sflag:s18] =	ssyncset.done $0x0  }
0x79: {  	[sflag:s18] =	ssyncadd.s32 $0xFFFFB800  }
0x7a: {  	[tilespmem:s29], [sflag:$0x2] =	stream.linear.gather [hbm4b:s5+s2], $0x9000, $0x38;
	[tilespmem:$0x12100] =	vst v63  }
0x7b: {  	_ =	swait.ge [sflag:s8], $0x9000  }
0x7c: {  	[sflag:s8] =	ssyncset.done $0x0  }
0x7d: {  	s31 =	simm.s32 $0x0;
	[sflag:s8] =	ssyncadd.s32 $0xFFFF7000  }
.LBB2_2:
0x7e: {  	s0 =	sshll.u32 s31, $0x8;
	s1 =	sshll.u32 s31, $0x7  }
0x7f: {  	s9 =	simm.s32 $0x0;
	s0 =	sand.u32 $0xF800, s0;
	s1 =	sand.u32 $0x380, s1  }
0x80: {  	s12 =	sand.u32 $0x400, s9;
	s1 =	sor.u32 s0, s1  }
0x81: {  	s9 =	sand.u32 $0x70, s9;
	s0 =	sor.u32 s12, s1  }
0x82: {  	s0 =	sor.u32 s9, s0  }
0x83: {  	v3 =	vld [tilespmem:s0+$0x100]  }
0x84: {  	v4 =	vld [tilespmem:s0+$0x9100];
	_ =	sdelay $0x2  }
0x85: {  	s9 =	simm.s32 $0x80  }
0x86: {  	s10 =	simm.s32 $0x10;
	s12 =	sand.u32 $0x400, s9  }
0x87: {  	s11 =	sand.u32 $0x70, s10;
	s10 =	simm.s32 $0x20;
	s12 =	sor.u32 s12, s1;
	v3 =	vsub.f32 v4, v3  }
.LBB2_3:
0x88: {  	p0 =	sne.s32 s10, $0xF0;
	s11 =	sor.u32 s11, s12  }
0x89: {  	v4 =	vld [tilespmem:s11+$0x100];
	[tilespmem:s0+$0x9100] =	vst v3;
	s0 =	smov.u32 s11  }
0x8a: {  	v3 =	vld [tilespmem:s0+$0x9100]  }
.Ltmp0:
0x8b: {  	(pc) =	sbr.rel @p0 .LBB2_3-.Ltmp0, $4  }
0x8c: {  	_ = 	snop  }
0x8d: {  	s9 =	sadd.s32 $0x80, s9  }
0x8e: {  	s12 =	sand.u32 $0x400, s9  }
0x8f: {  	s11 =	sand.u32 $0x70, s10;
	s10 =	sadd.s32 $0x10, s10;
	s12 =	sor.u32 s12, s1;
	v3 =	vsub.f32 v3, v4  }
0x90: {  	s1 =	sor.u32 s11, s12  }
0x91: {  	v4 =	vld [tilespmem:s1+$0x100];
	[tilespmem:s0+$0x9100] =	vst v3  }
0x92: {  	v3 =	vld [tilespmem:s1+$0x9100]  }
0x93: {  	s31 =	sadd.s32 $0x1, s31  }
0x94: {  	p0 =	sne.s32 s31, $0x90  }
.Ltmp1:
0x95: {  	_ = 	snop;
	(pc) =	sbr.rel @p0 .LBB2_2-.Ltmp1, $3  }
0x96: {  	_ = 	snop  }
0x97: {  	v3 =	vsub.f32 v3, v4;
	_ =	sdelay $0x1  }
0x98: {  	[tilespmem:s1+$0x9100] =	vst v3  }
0x99: {  	s30 =	sadd.s32 $0x1, s30  }
0x9a: {  	p0 =	sne.s32 s30, s7  }
.Ltmp2:
0x9b: {  	_ = 	snop;
	(pc) =	sbr.rel @p0 .LBB2_1-.Ltmp2, $4  }
0x9c: {  	[hbm4b:s6+s2] =	stream.linear.scatter [tilespmem:s29], [sflag:$0x2], $0x9000, $0x38;
	[tilespmem:$0x12100] =	vst v63  }
0x9d: {  	_ =	swait.ge [sflag:s8], $0x9000  }
0x9e: {  	[sflag:s8] =	ssyncset.done $0x0  }
0x9f: {  	[sflag:s8] =	ssyncadd.s32 $0xFFFF7000  }
0xa0: {  	_ =	sfence.sel $0x180000  }
0xa1: {  	[bflag:$0x0] =	sbarrier.arrive $0xFFFF  }
0xa2: {  	_ =	strace $0x90000050  }
0xa3: {  	s0 =	stileid.u32;
	[bflag:$0x2] =	sbarrier.arrive $0xFFFF  }
0xa4: {  	p0 =	sne.s32 s0, $0x0;
	s0 =	rddreg [dreg:$0x3]  }
0xa5: {  	s0 =	sadd.s32 @!p0 $0x100000, s0  }
0xa6: {  	[sflag:s0] =	ssyncadd.tile.s32 @!p0 $0x1;
	_ =	shalt  }
.Lfunc_end2:
_tile_overlayer_lowered:
.L_overlay_start_2:
0xa7: {  	(tag) =	ssettag $0x2  }
0xa8: {  	s0 =	rddreg [dreg:$0x0];
	s2 =	stileid.u32  }
0xa9: {  	s1 =	rddreg [dreg:$0x1];
	p0 =	sne.s32 s2, $0x0  }
0xaa: {  	s3 =	rddreg [dreg:$0x2];
	[bflag:$0x3] =	sbarrier.arrive $0xFFFF;
	s2 =	simm.s32 @!p0 $0x1C02  }
0xab: {  	[timem:s3], [sflag:s2] =	dma.local @!p0 [hbm:s0], s1  }
0xac: {  	s0 =	simm.s32 @!p0 $0x2  }
0xad: {  	_ =	swait.ge @!p0 [sflag:s0], s1  }
0xae: {  	s1 =	ssub.s32 @!p0 $0x0, s1;
	[sflag:s0] =	ssyncset.done @!p0 $0x0  }
0xaf: {  	[sflag:s0] =	ssyncadd.s32 @!p0 s1  }
0xb0: {  	[bflag:$0x3] =	sbarrier.arrive $0xFFFF  }
0xb1: {  	_ =	shalt  }

// kernel: kernel.30.cloned.1.call-start
scs
__scs_entry_jumppad:
0x0: {  	(pc) =	sbr.rel $0x88, $3  }
0x1: {  	(tag) =	ssettag $0x0;
	lr =	simm.s32 $0x1  }
0x2: {  	[smem:$0x3F9F] =	sst lr;
	_ =	strace $0xD0000000  }
0x3: {  	_ = 	snop  }
0x4: {  	_ = 	snop  }
0x5: {  	_ = 	snop  }
0x6: {  	_ = 	snop  }
0x7: {  	_ = 	snop  }
__scs_overlays_trampoline_lowered:
0x8: {  	[smem:$0x3FAE] =	sst s0  }
0x9: {  	[smem:$0x3FAF] =	sst s1  }
0xa: {  	[smem:$0x3FB0] =	sst s2  }
0xb: {  	[smem:$0x3FB1] =	sst s3  }
0xc: {  	[smem:$0x3FB2] =	sst s4  }
0xd: {  	[smem:$0x3FB3] =	sst s5  }
0xe: {  	[smem:$0x3FB4] =	sst s6  }
0xf: {  	[smem:$0x3FB5] =	sst s7  }
0x10: {  	[smem:$0x3FB6] =	sst s8  }
0x11: {  	[smem:$0x3FB7] =	sst s9;
	s0 =	simm.s32 @!p0 $0x0  }
0x12: {  	s1 =	sld [smem:$0x3F9D];
	s0 =	simm.s32 @p0 $0x1  }
0x13: {  	[smem:$0x3FB8] =	sst s0;
	s0 =	simm.s32 @!p1 $0x0  }
0x14: {  	s2 =	sld [smem:$0x3F9C];
	s0 =	simm.s32 @p1 $0x1  }
0x15: {  	[smem:$0x3FB9] =	sst s0;
	s0 =	simm.s32 @!p2 $0x0  }
0x16: {  	s3 =	sld [smem:$0x3FDB];
	s0 =	simm.s32 @p2 $0x1  }
0x17: {  	s4 =	simm.s32 $0x1BF5;
	[smem:$0x3FBB] =	sst s0  }
0x18: {  	s0 =	sld [smem:$0x3F9E];
	_ =	swait.ge [sflag:s4], $0x0  }
0x19: {  	s7 =	sld [smem:$0x3F9F]  }
0x1a: {  	s8 =	sadd.s32 $0xFFFFE003, lr  }
0x1b: {  	s9 =	sadd.s32 $0xFFFFFEF7, lr;
	s5 =	simm.s32 $0xFFFFFFFF;
	p2 =	slt.u32 s8, $0xFFFFF086  }
0x1c: {  	p1 =	slt.u32 s9, $0xF7A;
	s5 =	simm.s32 @!p2 $0x0  }
0x1d: {  	s5 =	simm.s32 @p1 $0x1;
	p0 =	seq.s32 s7, s2  }
0x1e: {  	s7 =	smul.u32 @!p0 $0xF7A, s2;
	p2 =	seq.s32 @!p0 s5, $0x0  }
0x1f: {  	s9 =	smul.u32 $0xF7A, s1;
	s8 =	simm.s32 @!p0 $0x1BF5;
	p2 =	por !p2, p0  }
0x20: {  	[sflag:s8] =	ssyncset.s32 @!p0 $0xFFFFF086;
	s6 =	sadd.s32 @!p0 s3, s7;
	s7 =	simm.s32 @!p0 $0x108  }
0x21: {  	s3 =	sadd.s32 s3, s9;
	s6 =	sadd.s32 @!p0 $0x88, s6;
	s7 =	simm.s32 @p2 $0x1082  }
0x22: {  	[simem:s7], [sflag:s8] =	dma.local @!p0 [hbm:s6], $0xF7A  }
0x23: {  	s9 =	sor.u32 $0xD0000000, s2;
	s6 =	simm.s32 $0x108;
	_ =	swait.ge @!p0 [sflag:s8], $0x0  }
0x24: {  	s3 =	sadd.s32 $0x88, s3;
	s6 =	simm.s32 @!p1 $0x1082;
	[sflag:s4] =	ssyncset.s32 $0xFFFFF086  }
0x25: {  	[simem:s6], [sflag:s4] =	dma.local [hbm:s3], $0xF7A  }
0x26: {  	[smem:$0x3F9F] =	sst s1;
	(tag) =	ssettag s2;
	_ =	strace s9  }
0x27: {  	s1 =	sld [smem:$0x3FAF]  }
0x28: {  	s2 =	sld [smem:$0x3FB0]  }
0x29: {  	s4 =	sld [smem:$0x3FB2]  }
0x2a: {  	p0 =	seq.s32 s5, $0x0;
	s5 =	sld [smem:$0x3FB3]  }
0x2b: {  	s6 =	sld [smem:$0x3FB4]  }
0x2c: {  	s7 =	sld [smem:$0x3FB5]  }
0x2d: {  	s3 =	simm.s32 $0x108;
	s8 =	sld [smem:$0x3FB6]  }
0x2e: {  	s3 =	simm.s32 @!p0 $0x1082;
	s9 =	sld [smem:$0x3FB7]  }
0x2f: {  	lr =	sadd.s32 s0, s3;
	s0 =	sld [smem:$0x3FAE]  }
0x30: {  	s3 =	sld [smem:$0x3FB1]  }
0x31: {  	[smem:$0x3FBA] =	sst s10  }
0x32: {  	s10 =	sld [smem:$0x3FB8];
	_ =	sdelay $0x3  }
0x33: {  	p0 =	seq.s32 s10, $0x1;
	s10 =	sld [smem:$0x3FBA];
	_ =	sdelay $0x3  }
0x34: {  	[smem:$0x3FBA] =	sst s10  }
0x35: {  	s10 =	sld [smem:$0x3FB9];
	_ =	sdelay $0x3  }
0x36: {  	p1 =	seq.s32 s10, $0x1;
	s10 =	sld [smem:$0x3FBA];
	_ =	sdelay $0x3  }
0x37: {  	[smem:$0x3FBA] =	sst s10  }
0x38: {  	s10 =	sld [smem:$0x3FBB]  }
0x39: {  	_ = 	snop;
	(pc) =	sbr.ind lr, $3  }
0x3a: {  	_ = 	snop  }
0x3b: {  	_ = 	snop  }
0x3c: {  	p2 =	seq.s32 s10, $0x1;
	s10 =	sld [smem:$0x3FBA]  }
0x3d: {  	_ =	shalt  }
0x3e: {  	_ =	shalt  }
0x3f: {  	_ =	shalt  }
0x40: {  	_ =	shalt  }
0x41: {  	_ =	shalt  }
0x42: {  	_ =	shalt  }
0x43: {  	_ =	shalt  }
0x44: {  	_ =	shalt  }
0x45: {  	_ =	shalt  }
0x46: {  	_ =	shalt  }
0x47: {  	_ =	shalt  }
0x48: {  	_ =	shalt  }
0x49: {  	_ =	shalt  }
0x4a: {  	_ =	shalt  }
0x4b: {  	_ =	shalt  }
0x4c: {  	_ =	shalt  }
0x4d: {  	_ =	shalt  }
0x4e: {  	_ =	shalt  }
0x4f: {  	_ =	shalt  }
0x50: {  	_ =	shalt  }
0x51: {  	_ =	shalt  }
0x52: {  	_ =	shalt  }
0x53: {  	_ =	shalt  }
0x54: {  	_ =	shalt  }
0x55: {  	_ =	shalt  }
0x56: {  	_ =	shalt  }
0x57: {  	_ =	shalt  }
0x58: {  	_ =	shalt  }
0x59: {  	_ =	shalt  }
0x5a: {  	_ =	shalt  }
0x5b: {  	_ =	shalt  }
0x5c: {  	_ =	shalt  }
0x5d: {  	_ =	shalt  }
0x5e: {  	_ =	shalt  }
0x5f: {  	_ =	shalt  }
0x60: {  	_ =	shalt  }
0x61: {  	_ =	shalt  }
0x62: {  	_ =	shalt  }
0x63: {  	_ =	shalt  }
0x64: {  	_ =	shalt  }
0x65: {  	_ =	shalt  }
0x66: {  	_ =	shalt  }
0x67: {  	_ =	shalt  }
0x68: {  	_ =	shalt  }
0x69: {  	_ =	shalt  }
0x6a: {  	_ =	shalt  }
0x6b: {  	_ =	shalt  }
0x6c: {  	_ =	shalt  }
0x6d: {  	_ =	shalt  }
0x6e: {  	_ =	shalt  }
0x6f: {  	_ =	shalt  }
0x70: {  	_ =	shalt  }
0x71: {  	_ =	shalt  }
0x72: {  	_ =	shalt  }
0x73: {  	_ =	shalt  }
0x74: {  	_ =	shalt  }
0x75: {  	_ =	shalt  }
0x76: {  	_ =	shalt  }
0x77: {  	_ =	shalt  }
0x78: {  	_ =	shalt  }
0x79: {  	_ =	shalt  }
0x7a: {  	_ =	shalt  }
0x7b: {  	_ =	shalt  }
0x7c: {  	_ =	shalt  }
0x7d: {  	_ =	shalt  }
0x7e: {  	_ =	shalt  }
0x7f: {  	_ =	shalt  }
0x80: {  	_ =	shalt  }
0x81: {  	_ =	shalt  }
0x82: {  	_ =	shalt  }
0x83: {  	_ =	shalt  }
0x84: {  	_ =	shalt  }
0x85: {  	_ =	shalt  }
0x86: {  	_ =	shalt  }
0x87: {  	_ =	shalt  }
.Lfunc_end0:
.L_simem_size_0:
called_computation.4_lowered:
.L_overlay_start_0:
0x88: {  	s2 =	sld [smem:$0x3FD9]  }
0x89: {  	s3 =	sld [smem:$0x3FFE];
	_ =	sdelay $0x1  }
0x8a: {  	s1 =	srdreg.scid  }
0x8b: {  	s0 =	sand.u32 $0x1, s1  }
0x8c: {  	s14 =	sshll.u32 s0, $0xA;
	s2 =	sadd.s32 s3, s2  }
0x8d: {  	s2 =	sadd.s32 s2, s14  }
0x8e: {  	[smem:$0x3FC6] =	sst s2  }
0x8f: {  	_ = 	snop  }
0x90: {  	s2 =	sld [smem:$0x3FD0];
	_ =	sdelay $0x2  }
0x91: {  	s15 =	simm.s32 $0xA;
	s4 =	simm.s32 $0x10  }
0x92: {  	[smem:s4], [sflag:s15] =	dma.local [hbm:s2], $0x1  }
0x93: {  	_ =	swait.eq [sflag:s15], $0x1  }
0x94: {  	[sflag:s15] =	ssyncset.done $0x0  }
0x95: {  	s16 =	sld [smem:$0x10];
	[sflag:s15] =	ssyncadd.s32 $0xFFFFFFFF  }
0x96: {  	s17 =	sld [smem:$0x11];
	(tm) =	ssettm $0x1  }
0x97: {  	s18 =	sld [smem:$0x3FFB];
	_ =	sdelay $0x3  }
0x98: {  	_ =	strace s18  }
0x99: {  	s4 =	sld [smem:$0x3FFC];
	_ =	sdelay $0x3  }
0x9a: {  	_ =	strace s4  }
0x9b: {  	s4 =	sld [smem:$0x3FFD];
	_ =	sdelay $0x3  }
0x9c: {  	_ =	strace s4  }
0x9d: {  	_ =	strace $0x8FFFFFFF  }
0x9e: {  	s19 =	sld [smem:$0x3FDB];
	_ =	sdelay $0x1  }
0x9f: {  	s5 =	simm.s32 $_scs_section_size  }
0xa0: {  	s6 =	simm.s32 $_size__tile_overlayer_lowered;
	s7 =	simm.s32 $_tile_overlayer_lowered  }
0xa1: {  	s22 =	simm.s32 $0x1BFF;
	s21 =	sshll.u32 s7, $0x1;
	s4 =	sadd.s32 s5, s19  }
0xa2: {  	s8 =	simm.s32 $0x0;
	s20 =	sshll.u32 s6, $0x1;
	s6 =	sadd.s32 s21, s4  }
0xa3: {  	[timem:s8], [sflag:s22] =	dma.local [hbm:s6], s20  }
0xa4: {  	_ =	swait.ge [sflag:s22], s20  }
0xa5: {  	s5 =	ssub.s32 $0x0, s20;
	[sflag:s22] =	ssyncset.done $0x0  }
0xa6: {  	[sflag:s22] =	ssyncadd.s32 s5;
	_ =	sdelay $0x1  }
0xa7: {  	s23 =	simm.s32 $0x1B8B  }
0xa8: {  	_ =	swait.ge [sflag:s23], $0x1  }
0xa9: {  	[sflag:s23] =	ssyncset.done $0x0  }
0xaa: {  	s25 =	simm.s32 $0x1B8E;
	s24 =	sld [smem:$0x3FFE];
	[sflag:s23] =	ssyncadd.s32 $0xFFFFFFFF  }
0xab: {  	s26 =	simm.s32 $execute0_lowered;
	[smem:$0x3FD2] =	sst s25  }
0xac: {  	s6 =	sshll.u32 s26, $0x1;
	_ =	strace $0x80000052;
	[dreg:$0x1] =	wrdreg $0xFFFFFFFF  }
0xad: {  	s28 =	simm.s32 $_size_execute0_lowered;
	s4 =	sadd.s32 s4, s6;
	[dreg:$0x0] =	wrdreg $0x0  }
0xae: {  	s6 =	sshll.u32 s28, $0x1;
	[dreg:$0x2] =	wrdreg s4  }
0xaf: {  	[dreg:$0x3] =	wrdreg s6  }
0xb0: {  	[dreg:$0x4] =	wrdreg $0xC0  }
0xb1: {  	_ =	task [dreg:s8], $0x5FFFF  }
0xb2: {  	[dreg:$0x1] =	wrdreg $0xFFFFFFFF  }
0xb3: {  	[dreg:$0x0] =	wrdreg $0x60  }
0xb4: {  	[dreg:$0x2] =	wrdreg s24  }
0xb5: {  	[dreg:$0x3] =	wrdreg s17  }
0xb6: {  	[dreg:$0x4] =	wrdreg s16  }
0xb7: {  	[dreg:$0x5] =	wrdreg $0x9  }
0xb8: {  	_ =	task.clear_ibuf [dreg:s8], $0x6FFFF;
	_ =	strace $0x90000052  }
0xb9: {  	s29 =	simm.s32 $0x9;
	_ =	strace $0x80000054  }
0xba: {  	_ =	swait.ge [sflag:s29], $0x1  }
0xbb: {  	[sflag:s29] =	ssyncadd.s32 $0xFFFFFFFF  }
0xbc: {  	_ =	strace $0x90000054  }
0xbd: {  	_ =	sfence  }
0xbe: {  	s30 =	sld [smem:$0x0];
	_ =	sdelay $0x2  }
0xbf: {  	s31 =	sshll.u32 s1, $0xD;
	s1 =	sshrl.u32 s1, $0x2  }
0xc0: {  	s3 =	sand.u32 $0x4000, s31;
	s1 =	sadd.s32 s1, s30  }
0xc1: {  	s0 =	sor.u32 s3, s0;
	s1 =	sshll.u32 s1, $0x11  }
0xc2: {  	s0 =	sor.u32 s1, s0  }
0xc3: {  	s0 =	sadd.s32 $0x8F2B, s0  }
0xc4: {  	[sflag:s0] =	ssyncadd.remote.s32 $0x1  }
0xc5: {  	_ =	sfence.sel $0xFFFF  }
0xc6: {  	[dreg:$0x0] =	wrdreg $0xFFFFFFFF;
	(pc) =	sbr.abs _section_cstart, $3  }
0xc7: {  	[dreg:$0x1] =	wrdreg $0xFFFFFFFF  }
0xc8: {  	_ =	task.clear_ibuf [dreg:s8], $0x2FFFF;
	_ =	strace $0x9FFFFFFF  }
0xc9: {  	(tm) =	ssettm $0x7FFFFFFF  }
tec
execute0_lowered:
.L_overlay_start_1:
0x0: {  	(tag) =	ssettag $0x1  }
0x1: {  	s0 =	rddreg [dreg:$0x0]  }
0x2: {  	s1 =	rddreg [dreg:$0x1]  }
0x3: {  	s2 =	srdreg.scid;
	s4 =	stileid.u32  }
0x4: {  	s5 =	rddreg [dreg:$0x2];
	s13 =	simm.s32 $0x2100;
	s14 =	simm.s32 $0x2900  }
0x5: {  	s15 =	simm.s32 $0x3100;
	s16 =	simm.s32 $0x3900;
	s17 =	simm.s32 $0x4100  }
0x6: {  	s18 =	simm.s32 $0x1;
	s19 =	simm.s32 $0x4900;
	s20 =	simm.s32 $0x5100  }
0x7: {  	s21 =	simm.s32 $0x5900;
	s22 =	simm.s32 $0x6100;
	s23 =	simm.s32 $0x6900  }
0x8: {  	s24 =	simm.s32 $0x7100;
	s25 =	simm.s32 $0x7900;
	s26 =	simm.s32 $0x8100  }
0x9: {  	s28 =	simm.s32 $0x8900;
	s3 =	sand.u32 $0x1, s2;
	s4 =	sshll.u32 s4, $0x1  }
0xa: {  	s29 =	simm.s32 $0x9100;
	s30 =	simm.s32 $0x0;
	s4 =	sor.u32 s3, s4  }
0xb: {  	s2 =	simm.s32 $0x0;
	s7 =	ssub.s32 $0x2, s3;
	s6 =	smul.u32 $0x1200, s4  }
0xc: {  	[smem:$0x7FF] =	sst s2;
	s4 =	smul.u32 $0x12, s4;
	s8 =	sshrl.u32 s7, $0x1  }
0xd: {  	v2 =	vlaneseq.u32;
	s3 =	sadd.s32 $0xC3200, s0;
	_ =	strace $0x80000053;
	s7 =	ssub.s32 s7, s8  }
0xe: {  	vm0 =	vmmov $0xffff;
	v1 =	vshrl.u32 v2, $0x3;
	s8 =	simm.s32 $0x2;
	s0 =	sadd.s32 s6, s0;
	s4 =	sadd.s32 s1, s4  }
0xf: {  	v0 =	vand.u32 $0x7, v2;
	v2 =	vor.u32 $0x8, v2;
	v1 =	vmul.u32 $0x8, v1;
	s5 =	sadd.s32 s5, s6;
	s7 =	smax.u32 s7, $0x1;
	s6 =	sadd.s32 $0x1C3200, s0  }
.LBB2_1:
0x10: {  	[tilespmem:s2], [sflag:$0x2] =	stream.linear.gather [hbm4b:s4+s2], $0x90, $0x38;
	[tilespmem:$0x12100] =	vst v63  }
0x11: {  	_ =	swait.ge [sflag:s8], $0x90  }
0x12: {  	[sflag:s8] =	ssyncset.done $0x0  }
0x13: {  	[sflag:s8] =	ssyncadd.s32 $0xFFFFFF70  }
0x14: {  	v3 =	vld [tilespmem:$0x0];
	_ =	sdelay $0x4  }
0x15: {  	v4 =	vshll.u32 v3, $0x1  }
0x16: {  	v3 =	vand.u32 $0x7, v3;
	v4 =	vand.u32 $0xFFFFFFF0, v4  }
0x17: {  	v3 =	vor.u32 v3, v4  }
0x18: {  	v4 =	vperm.xlane v3, v0;
	_ =	sdelay $0x1  }
0x19: {  	v3 =	vperm.xlane v3, v2;
	v4 =	vadd.s32 v1, v4;
	_ =	sdelay $0x1  }
0x1a: {  	v3 =	vadd.s32 v1, v3;
	_ =	sdelay $0x1  }
0x1b: {  	s0 =	simm.s32 $0x100  }
0x1c: {  	[tilespmem:s0], [sflag:$0x1] =	stream.indirect_vreg.gather [hbm4b:s3+s2], $0x80, v4, vm0, $0xb8;
	[tilespmem:$0x12100] =	vst v63  }
0x1d: {  	s10 =	simm.s32 $0x900  }
0x1e: {  	[tilespmem:s10], [sflag:$0x1] =	stream.indirect_vreg.gather [hbm4b:s3+s2], $0x80, v3, vm0, $0xb8;
	[tilespmem:$0x12100] =	vst v63  }
0x1f: {  	v3 =	vld [tilespmem:$0x10];
	_ =	sdelay $0x4  }
0x20: {  	v55 =	vshll.u32 v3, $0x1  }
0x21: {  	v3 =	vand.u32 $0x7, v3;
	v4 =	vand.u32 $0xFFFFFFF0, v55  }
0x22: {  	v3 =	vor.u32 v3, v4  }
0x23: {  	v4 =	vperm.xlane v3, v0;
	_ =	sdelay $0x1  }
0x24: {  	v3 =	vperm.xlane v3, v2;
	v4 =	vadd.s32 v1, v4;
	_ =	sdelay $0x1  }
0x25: {  	v3 =	vadd.s32 v1, v3;
	_ =	sdelay $0x1  }
0x26: {  	s11 =	simm.s32 $0x1100  }
0x27: {  	[tilespmem:s11], [sflag:$0x1] =	stream.indirect_vreg.gather [hbm4b:s3+s2], $0x80, v4, vm0, $0xb8;
	[tilespmem:$0x12100] =	vst v63  }
0x28: {  	s12 =	simm.s32 $0x1900  }
0x29: {  	[tilespmem:s12], [sflag:$0x1] =	stream.indirect_vreg.gather [hbm4b:s3+s2], $0x80, v3, vm0, $0xb8;
	[tilespmem:$0x12100] =	vst v63  }
0x2a: {  	v3 =	vld [tilespmem:$0x20];
	_ =	sdelay $0x4  }
0x2b: {  	v56 =	vshll.u32 v3, $0x1  }
0x2c: {  	v3 =	vand.u32 $0x7, v3;
	v4 =	vand.u32 $0xFFFFFFF0, v56  }
0x2d: {  	v3 =	vor.u32 v3, v4  }
0x2e: {  	v4 =	vperm.xlane v3, v0;
	_ =	sdelay $0x1  }
0x2f: {  	v3 =	vperm.xlane v3, v2;
	v4 =	vadd.s32 v1, v4;
	_ =	sdelay $0x1  }
0x30: {  	v3 =	vadd.s32 v1, v3;
	_ =	sdelay $0x2  }
0x31: {  	[tilespmem:s13], [sflag:$0x1] =	stream.indirect_vreg.gather [hbm4b:s3+s2], $0x80, v4, vm0, $0xb8;
	[tilespmem:$0x12100] =	vst v63  }
0x32: {  	_ = 	snop  }
0x33: {  	[tilespmem:s14], [sflag:$0x1] =	stream.indirect_vreg.gather [hbm4b:s3+s2], $0x80, v3, vm0, $0xb8;
	[tilespmem:$0x12100] =	vst v63  }
0x34: {  	v3 =	vld [tilespmem:$0x30];
	_ =	sdelay $0x4  }
0x35: {  	v57 =	vshll.u32 v3, $0x1  }
0x36: {  	v3 =	vand.u32 $0x7, v3;
	v4 =	vand.u32 $0xFFFFFFF0, v57  }
0x37: {  	v3 =	vor.u32 v3, v4  }
0x38: {  	v4 =	vperm.xlane v3, v0;
	_ =	sdelay $0x1  }
0x39: {  	v3 =	vperm.xlane v3, v2;
	v4 =	vadd.s32 v1, v4;
	_ =	sdelay $0x1  }
0x3a: {  	v3 =	vadd.s32 v1, v3;
	_ =	sdelay $0x2  }
0x3b: {  	[tilespmem:s15], [sflag:$0x1] =	stream.indirect_vreg.gather [hbm4b:s3+s2], $0x80, v4, vm0, $0xb8;
	[tilespmem:$0x12100] =	vst v63  }
0x3c: {  	_ = 	snop  }
0x3d: {  	[tilespmem:s16], [sflag:$0x1] =	stream.indirect_vreg.gather [hbm4b:s3+s2], $0x80, v3, vm0, $0xb8;
	[tilespmem:$0x12100] =	vst v63  }
0x3e: {  	v3 =	vld.msk [tilespmem:$0x40], $0xff;
	_ =	sdelay $0x4  }
0x3f: {  	v58 =	vshll.u32 v3, $0x1  }
0x40: {  	v3 =	vand.u32 $0x7, v3;
	v4 =	vand.u32 $0xFFFFFFF0, v58  }
0x41: {  	v3 =	vor.u32 v3, v4  }
0x42: {  	v3 =	vperm.xlane v3, v0;
	_ =	sdelay $0x1  }
0x43: {  	v3 =	vadd.s32 v1, v3;
	_ =	sdelay $0x4  }
0x44: {  	[tilespmem:s17], [sflag:$0x1] =	stream.indirect_vreg.gather [hbm4b:s3+s2], $0x80, v3, vm0, $0xb8;
	[tilespmem:$0x12100] =	vst v63  }
0x45: {  	_ =	swait.ge [sflag:s18], $0x4800  }
0x46: {  	[sflag:s18] =	ssyncset.done $0x0  }
0x47: {  	[sflag:s18] =	ssyncadd.s32 $0xFFFFB800  }
0x48: {  	v3 =	vld [tilespmem:$0x48];
	_ =	sdelay $0x4  }
0x49: {  	v59 =	vshll.u32 v3, $0x1  }
0x4a: {  	v3 =	vand.u32 $0x7, v3;
	v4 =	vand.u32 $0xFFFFFFF0, v59  }
0x4b: {  	v3 =	vor.u32 v3, v4  }
0x4c: {  	v4 =	vperm.xlane v3, v0;
	_ =	sdelay $0x1  }
0x4d: {  	v3 =	vperm.xlane v3, v2;
	v4 =	vadd.s32 v1, v4;
	_ =	sdelay $0x1  }
0x4e: {  	v3 =	vadd.s32 v1, v3;
	_ =	sdelay $0x2  }
0x4f: {  	[tilespmem:s19], [sflag:$0x1] =	stream.indirect_vreg.gather [hbm4b:s3+s2], $0x80, v4, vm0, $0xb8;
	[tilespmem:$0x12100] =	vst v63  }
0x50: {  	_ = 	snop  }
0x51: {  	[tilespmem:s20], [sflag:$0x1] =	stream.indirect_vreg.gather [hbm4b:s3+s2], $0x80, v3, vm0, $0xb8;
	[tilespmem:$0x12100] =	vst v63  }
0x52: {  	v3 =	vld [tilespmem:$0x58];
	_ =	sdelay $0x4  }
0x53: {  	v60 =	vshll.u32 v3, $0x1  }
0x54: {  	v3 =	vand.u32 $0x7, v3;
	v4 =	vand.u32 $0xFFFFFFF0, v60  }
0x55: {  	v3 =	vor.u32 v3, v4  }
0x56: {  	v4 =	vperm.xlane v3, v0;
	_ =	sdelay $0x1  }
0x57: {  	v3 =	vperm.xlane v3, v2;
	v4 =	vadd.s32 v1, v4;
	_ =	sdelay $0x1  }
0x58: {  	v3 =	vadd.s32 v1, v3;
	_ =	sdelay $0x2  }
0x59: {  	[tilespmem:s21], [sflag:$0x1] =	stream.indirect_vreg.gather [hbm4b:s3+s2], $0x80, v4, vm0, $0xb8;
	[tilespmem:$0x12100] =	vst v63  }
0x5a: {  	_ = 	snop  }
0x5b: {  	[tilespmem:s22], [sflag:$0x1] =	stream.indirect_vreg.gather [hbm4b:s3+s2], $0x80, v3, vm0, $0xb8;
	[tilespmem:$0x12100] =	vst v63  }
0x5c: {  	v3 =	vld [tilespmem:$0x68];
	_ =	sdelay $0x4  }
0x5d: {  	v61 =	vshll.u32 v3, $0x1  }
0x5e: {  	v3 =	vand.u32 $0x7, v3;
	v4 =	vand.u32 $0xFFFFFFF0, v61  }
0x5f: {  	v3 =	vor.u32 v3, v4  }
0x60: {  	v4 =	vperm.xlane v3, v0;
	_ =	sdelay $0x1  }
0x61: {  	v3 =	vperm.xlane v3, v2;
	v4 =	vadd.s32 v1, v4;
	_ =	sdelay $0x1  }
0x62: {  	v3 =	vadd.s32 v1, v3;
	_ =	sdelay $0x2  }
0x63: {  	[tilespmem:s23], [sflag:$0x1] =	stream.indirect_vreg.gather [hbm4b:s3+s2], $0x80, v4, vm0, $0xb8;
	[tilespmem:$0x12100] =	vst v63  }
0x64: {  	_ = 	snop  }
0x65: {  	[tilespmem:s24], [sflag:$0x1] =	stream.indirect_vreg.gather [hbm4b:s3+s2], $0x80, v3, vm0, $0xb8;
	[tilespmem:$0x12100] =	vst v63  }
0x66: {  	v3 =	vld [tilespmem:$0x78];
	_ =	sdelay $0x4  }
0x67: {  	v62 =	vshll.u32 v3, $0x1  }
0x68: {  	v3 =	vand.u32 $0x7, v3;
	v4 =	vand.u32 $0xFFFFFFF0, v62  }
0x69: {  	v3 =	vor.u32 v3, v4  }
0x6a: {  	v4 =	vperm.xlane v3, v0;
	_ =	sdelay $0x1  }
0x6b: {  	v3 =	vperm.xlane v3, v2;
	v4 =	vadd.s32 v1, v4;
	_ =	sdelay $0x1  }
0x6c: {  	v3 =	vadd.s32 v1, v3;
	_ =	sdelay $0x2  }
0x6d: {  	[tilespmem:s25], [sflag:$0x1] =	stream.indirect_vreg.gather [hbm4b:s3+s2], $0x80, v4, vm0, $0xb8;
	[tilespmem:$0x12100] =	vst v63  }
0x6e: {  	_ = 	snop  }
0x6f: {  	[tilespmem:s26], [sflag:$0x1] =	stream.indirect_vreg.gather [hbm4b:s3+s2], $0x80, v3, vm0, $0xb8;
	[tilespmem:$0x12100] =	vst v63  }
0x70: {  	v3 =	vld.msk [tilespmem:$0x88], $0xff;
	_ =	sdelay $0x4  }
0x71: {  	v63 =	vshll.u32 v3, $0x1  }
0x72: {  	v3 =	vand.u32 $0x7, v3;
	v4 =	vand.u32 $0xFFFFFFF0, v63  }
0x73: {  	v3 =	vor.u32 v3, v4  }
0x74: {  	v3 =	vperm.xlane v3, v0;
	_ =	sdelay $0x1  }
0x75: {  	v3 =	vadd.s32 v1, v3;
	_ =	sdelay $0x4  }
0x76: {  	[tilespmem:s28], [sflag:$0x1] =	stream.indirect_vreg.gather [hbm4b:s3+s2], $0x80, v3, vm0, $0xb8;
	[tilespmem:$0x12100] =	vst v63  }
0x77: {  	_ =	swait.ge [sflag:s18], $0x4800  }
0x78: {  	[sflag:s18] =	ssyncset.done $0x0  }
0x79: {  	[sflag:s18] =	ssyncadd.s32 $0xFFFFB800  }
0x7a: {  	[tilespmem:s29], [sflag:$0x2] =	stream.linear.gather [hbm4b:s5+s2], $0x9000, $0x38;
	[tilespmem:$0x12100] =	vst v63  }
0x7b: {  	_ =	swait.ge [sflag:s8], $0x9000  }
0x7c: {  	[sflag:s8] =	ssyncset.done $0x0  }
0x7d: {  	s31 =	simm.s32 $0x0;
	[sflag:s8] =	ssyncadd.s32 $0xFFFF7000  }
.LBB2_2:
0x7e: {  	s0 =	sshll.u32 s31, $0x8;
	s1 =	sshll.u32 s31, $0x7  }
0x7f: {  	s9 =	simm.s32 $0x0;
	s0 =	sand.u32 $0xF800, s0;
	s1 =	sand.u32 $0x380, s1  }
0x80: {  	s12 =	sand.u32 $0x400, s9;
	s1 =	sor.u32 s0, s1  }
0x81: {  	s9 =	sand.u32 $0x70, s9;
	s0 =	sor.u32 s12, s1  }
0x82: {  	s0 =	sor.u32 s9, s0  }
0x83: {  	v3 =	vld [tilespmem:s0+$0x100]  }
0x84: {  	v4 =	vld [tilespmem:s0+$0x9100];
	_ =	sdelay $0x2  }
0x85: {  	s9 =	simm.s32 $0x80  }
0x86: {  	s10 =	simm.s32 $0x10;
	s12 =	sand.u32 $0x400, s9  }
0x87: {  	s11 =	sand.u32 $0x70, s10;
	s10 =	simm.s32 $0x20;
	s12 =	sor.u32 s12, s1;
	v3 =	vsub.f32 v4, v3  }
.LBB2_3:
0x88: {  	p0 =	sne.s32 s10, $0xF0;
	s11 =	sor.u32 s11, s12  }
0x89: {  	v4 =	vld [tilespmem:s11+$0x100];
	[tilespmem:s0+$0x9100] =	vst v3;
	s0 =	smov.u32 s11  }
0x8a: {  	v3 =	vld [tilespmem:s0+$0x9100]  }
.Ltmp0:
0x8b: {  	(pc) =	sbr.rel @p0 .LBB2_3-.Ltmp0, $4  }
0x8c: {  	_ = 	snop  }
0x8d: {  	s9 =	sadd.s32 $0x80, s9  }
0x8e: {  	s12 =	sand.u32 $0x400, s9  }
0x8f: {  	s11 =	sand.u32 $0x70, s10;
	s10 =	sadd.s32 $0x10, s10;
	s12 =	sor.u32 s12, s1;
	v3 =	vsub.f32 v3, v4  }
0x90: {  	s1 =	sor.u32 s11, s12  }
0x91: {  	v4 =	vld [tilespmem:s1+$0x100];
	[tilespmem:s0+$0x9100] =	vst v3  }
0x92: {  	v3 =	vld [tilespmem:s1+$0x9100]  }
0x93: {  	s31 =	sadd.s32 $0x1, s31  }
0x94: {  	p0 =	sne.s32 s31, $0x90  }
.Ltmp1:
0x95: {  	_ = 	snop;
	(pc) =	sbr.rel @p0 .LBB2_2-.Ltmp1, $3  }
0x96: {  	_ = 	snop  }
0x97: {  	v3 =	vsub.f32 v3, v4;
	_ =	sdelay $0x1  }
0x98: {  	[tilespmem:s1+$0x9100] =	vst v3  }
0x99: {  	s30 =	sadd.s32 $0x1, s30  }
0x9a: {  	p0 =	sne.s32 s30, s7  }
.Ltmp2:
0x9b: {  	_ = 	snop;
	(pc) =	sbr.rel @p0 .LBB2_1-.Ltmp2, $4  }
0x9c: {  	[hbm4b:s6+s2] =	stream.linear.scatter [tilespmem:s29], [sflag:$0x2], $0x9000, $0x38;
	[tilespmem:$0x12100] =	vst v63  }
0x9d: {  	_ =	swait.ge [sflag:s8], $0x9000  }
0x9e: {  	[sflag:s8] =	ssyncset.done $0x0  }
0x9f: {  	[sflag:s8] =	ssyncadd.s32 $0xFFFF7000  }
0xa0: {  	_ =	sfence.sel $0x180000  }
0xa1: {  	[bflag:$0x0] =	sbarrier.arrive $0xFFFF  }
0xa2: {  	_ =	strace $0x90000053  }
0xa3: {  	s0 =	stileid.u32;
	[bflag:$0x2] =	sbarrier.arrive $0xFFFF  }
0xa4: {  	p0 =	sne.s32 s0, $0x0;
	s0 =	rddreg [dreg:$0x3]  }
0xa5: {  	s0 =	sadd.s32 @!p0 $0x100000, s0  }
0xa6: {  	[sflag:s0] =	ssyncadd.tile.s32 @!p0 $0x1;
	_ =	shalt  }
.Lfunc_end2:
_tile_overlayer_lowered:
.L_overlay_start_2:
0xa7: {  	(tag) =	ssettag $0x2  }
0xa8: {  	s0 =	rddreg [dreg:$0x0];
	s2 =	stileid.u32  }
0xa9: {  	s1 =	rddreg [dreg:$0x1];
	p0 =	sne.s32 s2, $0x0  }
0xaa: {  	s3 =	rddreg [dreg:$0x2];
	[bflag:$0x3] =	sbarrier.arrive $0xFFFF;
	s2 =	simm.s32 @!p0 $0x1C02  }
0xab: {  	[timem:s3], [sflag:s2] =	dma.local @!p0 [hbm:s0], s1  }
0xac: {  	s0 =	simm.s32 @!p0 $0x2  }
0xad: {  	_ =	swait.ge @!p0 [sflag:s0], s1  }
0xae: {  	s1 =	ssub.s32 @!p0 $0x0, s1;
	[sflag:s0] =	ssyncset.done @!p0 $0x0  }
0xaf: {  	[sflag:s0] =	ssyncadd.s32 @!p0 s1  }
0xb0: {  	[bflag:$0x3] =	sbarrier.arrive $0xFFFF  }
0xb1: {  	_ =	shalt  }

// kernel: kernel.33.cloned.1.call-start
scs
__scs_entry_jumppad:
0x0: {  	(pc) =	sbr.rel $0x88, $3  }
0x1: {  	(tag) =	ssettag $0x0;
	lr =	simm.s32 $0x1  }
0x2: {  	[smem:$0x3F9F] =	sst lr;
	_ =	strace $0xD0000000  }
0x3: {  	_ = 	snop  }
0x4: {  	_ = 	snop  }
0x5: {  	_ = 	snop  }
0x6: {  	_ = 	snop  }
0x7: {  	_ = 	snop  }
__scs_overlays_trampoline_lowered:
0x8: {  	[smem:$0x3FAE] =	sst s0  }
0x9: {  	[smem:$0x3FAF] =	sst s1  }
0xa: {  	[smem:$0x3FB0] =	sst s2  }
0xb: {  	[smem:$0x3FB1] =	sst s3  }
0xc: {  	[smem:$0x3FB2] =	sst s4  }
0xd: {  	[smem:$0x3FB3] =	sst s5  }
0xe: {  	[smem:$0x3FB4] =	sst s6  }
0xf: {  	[smem:$0x3FB5] =	sst s7  }
0x10: {  	[smem:$0x3FB6] =	sst s8  }
0x11: {  	[smem:$0x3FB7] =	sst s9;
	s0 =	simm.s32 @!p0 $0x0  }
0x12: {  	s1 =	sld [smem:$0x3F9D];
	s0 =	simm.s32 @p0 $0x1  }
0x13: {  	[smem:$0x3FB8] =	sst s0;
	s0 =	simm.s32 @!p1 $0x0  }
0x14: {  	s2 =	sld [smem:$0x3F9C];
	s0 =	simm.s32 @p1 $0x1  }
0x15: {  	[smem:$0x3FB9] =	sst s0;
	s0 =	simm.s32 @!p2 $0x0  }
0x16: {  	s3 =	sld [smem:$0x3FDB];
	s0 =	simm.s32 @p2 $0x1  }
0x17: {  	s4 =	simm.s32 $0x1BF5;
	[smem:$0x3FBB] =	sst s0  }
0x18: {  	s0 =	sld [smem:$0x3F9E];
	_ =	swait.ge [sflag:s4], $0x0  }
0x19: {  	s7 =	sld [smem:$0x3F9F]  }
0x1a: {  	s8 =	sadd.s32 $0xFFFFE003, lr  }
0x1b: {  	s9 =	sadd.s32 $0xFFFFFEF7, lr;
	s5 =	simm.s32 $0xFFFFFFFF;
	p2 =	slt.u32 s8, $0xFFFFF086  }
0x1c: {  	p1 =	slt.u32 s9, $0xF7A;
	s5 =	simm.s32 @!p2 $0x0  }
0x1d: {  	s5 =	simm.s32 @p1 $0x1;
	p0 =	seq.s32 s7, s2  }
0x1e: {  	s7 =	smul.u32 @!p0 $0xF7A, s2;
	p2 =	seq.s32 @!p0 s5, $0x0  }
0x1f: {  	s9 =	smul.u32 $0xF7A, s1;
	s8 =	simm.s32 @!p0 $0x1BF5;
	p2 =	por !p2, p0  }
0x20: {  	[sflag:s8] =	ssyncset.s32 @!p0 $0xFFFFF086;
	s6 =	sadd.s32 @!p0 s3, s7;
	s7 =	simm.s32 @!p0 $0x108  }
0x21: {  	s3 =	sadd.s32 s3, s9;
	s6 =	sadd.s32 @!p0 $0x88, s6;
	s7 =	simm.s32 @p2 $0x1082  }
0x22: {  	[simem:s7], [sflag:s8] =	dma.local @!p0 [hbm:s6], $0xF7A  }
0x23: {  	s9 =	sor.u32 $0xD0000000, s2;
	s6 =	simm.s32 $0x108;
	_ =	swait.ge @!p0 [sflag:s8], $0x0  }
0x24: {  	s3 =	sadd.s32 $0x88, s3;
	s6 =	simm.s32 @!p1 $0x1082;
	[sflag:s4] =	ssyncset.s32 $0xFFFFF086  }
0x25: {  	[simem:s6], [sflag:s4] =	dma.local [hbm:s3], $0xF7A  }
0x26: {  	[smem:$0x3F9F] =	sst s1;
	(tag) =	ssettag s2;
	_ =	strace s9  }
0x27: {  	s1 =	sld [smem:$0x3FAF]  }
0x28: {  	s2 =	sld [smem:$0x3FB0]  }
0x29: {  	s4 =	sld [smem:$0x3FB2]  }
0x2a: {  	p0 =	seq.s32 s5, $0x0;
	s5 =	sld [smem:$0x3FB3]  }
0x2b: {  	s6 =	sld [smem:$0x3FB4]  }
0x2c: {  	s7 =	sld [smem:$0x3FB5]  }
0x2d: {  	s3 =	simm.s32 $0x108;
	s8 =	sld [smem:$0x3FB6]  }
0x2e: {  	s3 =	simm.s32 @!p0 $0x1082;
	s9 =	sld [smem:$0x3FB7]  }
0x2f: {  	lr =	sadd.s32 s0, s3;
	s0 =	sld [smem:$0x3FAE]  }
0x30: {  	s3 =	sld [smem:$0x3FB1]  }
0x31: {  	[smem:$0x3FBA] =	sst s10  }
0x32: {  	s10 =	sld [smem:$0x3FB8];
	_ =	sdelay $0x3  }
0x33: {  	p0 =	seq.s32 s10, $0x1;
	s10 =	sld [smem:$0x3FBA];
	_ =	sdelay $0x3  }
0x34: {  	[smem:$0x3FBA] =	sst s10  }
0x35: {  	s10 =	sld [smem:$0x3FB9];
	_ =	sdelay $0x3  }
0x36: {  	p1 =	seq.s32 s10, $0x1;
	s10 =	sld [smem:$0x3FBA];
	_ =	sdelay $0x3  }
0x37: {  	[smem:$0x3FBA] =	sst s10  }
0x38: {  	s10 =	sld [smem:$0x3FBB]  }
0x39: {  	_ = 	snop;
	(pc) =	sbr.ind lr, $3  }
0x3a: {  	_ = 	snop  }
0x3b: {  	_ = 	snop  }
0x3c: {  	p2 =	seq.s32 s10, $0x1;
	s10 =	sld [smem:$0x3FBA]  }
0x3d: {  	_ =	shalt  }
0x3e: {  	_ =	shalt  }
0x3f: {  	_ =	shalt  }
0x40: {  	_ =	shalt  }
0x41: {  	_ =	shalt  }
0x42: {  	_ =	shalt  }
0x43: {  	_ =	shalt  }
0x44: {  	_ =	shalt  }
0x45: {  	_ =	shalt  }
0x46: {  	_ =	shalt  }
0x47: {  	_ =	shalt  }
0x48: {  	_ =	shalt  }
0x49: {  	_ =	shalt  }
0x4a: {  	_ =	shalt  }
0x4b: {  	_ =	shalt  }
0x4c: {  	_ =	shalt  }
0x4d: {  	_ =	shalt  }
0x4e: {  	_ =	shalt  }
0x4f: {  	_ =	shalt  }
0x50: {  	_ =	shalt  }
0x51: {  	_ =	shalt  }
0x52: {  	_ =	shalt  }
0x53: {  	_ =	shalt  }
0x54: {  	_ =	shalt  }
0x55: {  	_ =	shalt  }
0x56: {  	_ =	shalt  }
0x57: {  	_ =	shalt  }
0x58: {  	_ =	shalt  }
0x59: {  	_ =	shalt  }
0x5a: {  	_ =	shalt  }
0x5b: {  	_ =	shalt  }
0x5c: {  	_ =	shalt  }
0x5d: {  	_ =	shalt  }
0x5e: {  	_ =	shalt  }
0x5f: {  	_ =	shalt  }
0x60: {  	_ =	shalt  }
0x61: {  	_ =	shalt  }
0x62: {  	_ =	shalt  }
0x63: {  	_ =	shalt  }
0x64: {  	_ =	shalt  }
0x65: {  	_ =	shalt  }
0x66: {  	_ =	shalt  }
0x67: {  	_ =	shalt  }
0x68: {  	_ =	shalt  }
0x69: {  	_ =	shalt  }
0x6a: {  	_ =	shalt  }
0x6b: {  	_ =	shalt  }
0x6c: {  	_ =	shalt  }
0x6d: {  	_ =	shalt  }
0x6e: {  	_ =	shalt  }
0x6f: {  	_ =	shalt  }
0x70: {  	_ =	shalt  }
0x71: {  	_ =	shalt  }
0x72: {  	_ =	shalt  }
0x73: {  	_ =	shalt  }
0x74: {  	_ =	shalt  }
0x75: {  	_ =	shalt  }
0x76: {  	_ =	shalt  }
0x77: {  	_ =	shalt  }
0x78: {  	_ =	shalt  }
0x79: {  	_ =	shalt  }
0x7a: {  	_ =	shalt  }
0x7b: {  	_ =	shalt  }
0x7c: {  	_ =	shalt  }
0x7d: {  	_ =	shalt  }
0x7e: {  	_ =	shalt  }
0x7f: {  	_ =	shalt  }
0x80: {  	_ =	shalt  }
0x81: {  	_ =	shalt  }
0x82: {  	_ =	shalt  }
0x83: {  	_ =	shalt  }
0x84: {  	_ =	shalt  }
0x85: {  	_ =	shalt  }
0x86: {  	_ =	shalt  }
0x87: {  	_ =	shalt  }
.Lfunc_end0:
.L_simem_size_0:
called_computation.5_lowered:
.L_overlay_start_0:
0x88: {  	s2 =	sld [smem:$0x3FD9]  }
0x89: {  	s3 =	sld [smem:$0x3FFE];
	_ =	sdelay $0x1  }
0x8a: {  	s1 =	srdreg.scid  }
0x8b: {  	s0 =	sand.u32 $0x1, s1  }
0x8c: {  	s14 =	sshll.u32 s0, $0xA;
	s2 =	sadd.s32 s3, s2  }
0x8d: {  	s2 =	sadd.s32 s2, s14  }
0x8e: {  	[smem:$0x3FC6] =	sst s2  }
0x8f: {  	_ = 	snop  }
0x90: {  	s2 =	sld [smem:$0x3FD0];
	_ =	sdelay $0x2  }
0x91: {  	s15 =	simm.s32 $0xA;
	s4 =	simm.s32 $0x10  }
0x92: {  	[smem:s4], [sflag:s15] =	dma.local [hbm:s2], $0x1  }
0x93: {  	_ =	swait.eq [sflag:s15], $0x1  }
0x94: {  	[sflag:s15] =	ssyncset.done $0x0  }
0x95: {  	s16 =	sld [smem:$0x10];
	[sflag:s15] =	ssyncadd.s32 $0xFFFFFFFF  }
0x96: {  	s17 =	sld [smem:$0x11];
	(tm) =	ssettm $0x1  }
0x97: {  	s18 =	sld [smem:$0x3FFB];
	_ =	sdelay $0x3  }
0x98: {  	_ =	strace s18  }
0x99: {  	s4 =	sld [smem:$0x3FFC];
	_ =	sdelay $0x3  }
0x9a: {  	_ =	strace s4  }
0x9b: {  	s4 =	sld [smem:$0x3FFD];
	_ =	sdelay $0x3  }
0x9c: {  	_ =	strace s4  }
0x9d: {  	_ =	strace $0x8FFFFFFF  }
0x9e: {  	s19 =	sld [smem:$0x3FDB];
	_ =	sdelay $0x1  }
0x9f: {  	s5 =	simm.s32 $_scs_section_size  }
0xa0: {  	s6 =	simm.s32 $_size__tile_overlayer_lowered;
	s7 =	simm.s32 $_tile_overlayer_lowered  }
0xa1: {  	s22 =	simm.s32 $0x1BFF;
	s21 =	sshll.u32 s7, $0x1;
	s4 =	sadd.s32 s5, s19  }
0xa2: {  	s8 =	simm.s32 $0x0;
	s20 =	sshll.u32 s6, $0x1;
	s6 =	sadd.s32 s21, s4  }
0xa3: {  	[timem:s8], [sflag:s22] =	dma.local [hbm:s6], s20  }
0xa4: {  	_ =	swait.ge [sflag:s22], s20  }
0xa5: {  	s5 =	ssub.s32 $0x0, s20;
	[sflag:s22] =	ssyncset.done $0x0  }
0xa6: {  	[sflag:s22] =	ssyncadd.s32 s5;
	_ =	sdelay $0x1  }
0xa7: {  	s23 =	simm.s32 $0x1B8B  }
0xa8: {  	_ =	swait.ge [sflag:s23], $0x1  }
0xa9: {  	[sflag:s23] =	ssyncset.done $0x0  }
0xaa: {  	s25 =	simm.s32 $0x1B8E;
	s24 =	sld [smem:$0x3FFE];
	[sflag:s23] =	ssyncadd.s32 $0xFFFFFFFF  }
0xab: {  	s26 =	simm.s32 $execute0_lowered;
	[smem:$0x3FD2] =	sst s25  }
0xac: {  	s6 =	sshll.u32 s26, $0x1;
	_ =	strace $0x80000055;
	[dreg:$0x1] =	wrdreg $0xFFFFFFFF  }
0xad: {  	s28 =	simm.s32 $_size_execute0_lowered;
	s4 =	sadd.s32 s4, s6;
	[dreg:$0x0] =	wrdreg $0x0  }
0xae: {  	s6 =	sshll.u32 s28, $0x1;
	[dreg:$0x2] =	wrdreg s4  }
0xaf: {  	[dreg:$0x3] =	wrdreg s6  }
0xb0: {  	[dreg:$0x4] =	wrdreg $0xC0  }
0xb1: {  	_ =	task [dreg:s8], $0x5FFFF  }
0xb2: {  	[dreg:$0x1] =	wrdreg $0xFFFFFFFF  }
0xb3: {  	[dreg:$0x0] =	wrdreg $0x60  }
0xb4: {  	[dreg:$0x2] =	wrdreg s24  }
0xb5: {  	[dreg:$0x3] =	wrdreg s17  }
0xb6: {  	[dreg:$0x4] =	wrdreg s16  }
0xb7: {  	[dreg:$0x5] =	wrdreg $0x9  }
0xb8: {  	_ =	task.clear_ibuf [dreg:s8], $0x6FFFF;
	_ =	strace $0x90000055  }
0xb9: {  	s29 =	simm.s32 $0x9;
	_ =	strace $0x80000057  }
0xba: {  	_ =	swait.ge [sflag:s29], $0x1  }
0xbb: {  	[sflag:s29] =	ssyncadd.s32 $0xFFFFFFFF  }
0xbc: {  	_ =	strace $0x90000057  }
0xbd: {  	_ =	sfence  }
0xbe: {  	s30 =	sld [smem:$0x0];
	_ =	sdelay $0x2  }
0xbf: {  	s31 =	sshll.u32 s1, $0xD;
	s1 =	sshrl.u32 s1, $0x2  }
0xc0: {  	s3 =	sand.u32 $0x4000, s31;
	s1 =	sadd.s32 s1, s30  }
0xc1: {  	s0 =	sor.u32 s3, s0;
	s1 =	sshll.u32 s1, $0x11  }
0xc2: {  	s0 =	sor.u32 s1, s0  }
0xc3: {  	s0 =	sadd.s32 $0x8F2B, s0  }
0xc4: {  	[sflag:s0] =	ssyncadd.remote.s32 $0x1  }
0xc5: {  	_ =	sfence.sel $0xFFFF  }
0xc6: {  	[dreg:$0x0] =	wrdreg $0xFFFFFFFF;
	(pc) =	sbr.abs _section_cstart, $3  }
0xc7: {  	[dreg:$0x1] =	wrdreg $0xFFFFFFFF  }
0xc8: {  	_ =	task.clear_ibuf [dreg:s8], $0x2FFFF;
	_ =	strace $0x9FFFFFFF  }
0xc9: {  	(tm) =	ssettm $0x7FFFFFFF  }
tec
execute0_lowered:
.L_overlay_start_1:
0x0: {  	(tag) =	ssettag $0x1  }
0x1: {  	s0 =	rddreg [dreg:$0x0]  }
0x2: {  	s1 =	rddreg [dreg:$0x1]  }
0x3: {  	s2 =	srdreg.scid;
	s4 =	stileid.u32  }
0x4: {  	s6 =	rddreg [dreg:$0x2];
	s13 =	simm.s32 $0x2100;
	s14 =	simm.s32 $0x2900  }
0x5: {  	s15 =	simm.s32 $0x3100;
	s16 =	simm.s32 $0x3900;
	s17 =	simm.s32 $0x4100  }
0x6: {  	s18 =	simm.s32 $0x1;
	s19 =	simm.s32 $0x4900;
	s20 =	simm.s32 $0x5100  }
0x7: {  	s21 =	simm.s32 $0x5900;
	s22 =	simm.s32 $0x6100;
	s23 =	simm.s32 $0x6900  }
0x8: {  	s24 =	simm.s32 $0x7100;
	s25 =	simm.s32 $0x7900;
	s26 =	simm.s32 $0x8100  }
0x9: {  	s28 =	simm.s32 $0x8900;
	s3 =	sand.u32 $0x1, s2;
	s4 =	sshll.u32 s4, $0x1  }
0xa: {  	s29 =	simm.s32 $0x9100;
	s30 =	simm.s32 $0x0;
	s4 =	sor.u32 s3, s4  }
0xb: {  	s2 =	simm.s32 $0x0;
	s5 =	ssub.s32 $0x2, s3;
	s7 =	smul.u32 $0x1200, s4  }
0xc: {  	[smem:$0x7FF] =	sst s2;
	s4 =	smul.u32 $0x12, s4;
	s8 =	sshrl.u32 s5, $0x1  }
0xd: {  	v2 =	vlaneseq.u32;
	s3 =	sadd.s32 $0x103200, s0;
	_ =	strace $0x80000056;
	s8 =	ssub.s32 s5, s8  }
0xe: {  	vm0 =	vmmov $0xffff;
	v1 =	vshrl.u32 v2, $0x3;
	s0 =	sadd.s32 s7, s0;
	s4 =	sadd.s32 s1, s4;
	s6 =	sadd.s32 s6, s7  }
0xf: {  	v0 =	vand.u32 $0x7, v2;
	v2 =	vor.u32 $0x8, v2;
	v1 =	vmul.u32 $0x8, v1;
	s7 =	smax.u32 s8, $0x1;
	s8 =	simm.s32 $0x2;
	s5 =	sadd.s32 $0x1C3200, s0  }
.LBB2_1:
0x10: {  	[tilespmem:s2], [sflag:$0x2] =	stream.linear.gather [hbm4b:s4+s2], $0x90, $0x38;
	[tilespmem:$0x12100] =	vst v63  }
0x11: {  	_ =	swait.ge [sflag:s8], $0x90  }
0x12: {  	[sflag:s8] =	ssyncset.done $0x0  }
0x13: {  	[sflag:s8] =	ssyncadd.s32 $0xFFFFFF70  }
0x14: {  	v3 =	vld [tilespmem:$0x0];
	_ =	sdelay $0x4  }
0x15: {  	v4 =	vshll.u32 v3, $0x1  }
0x16: {  	v3 =	vand.u32 $0x7, v3;
	v4 =	vand.u32 $0xFFFFFFF0, v4  }
0x17: {  	v3 =	vor.u32 v3, v4  }
0x18: {  	v4 =	vperm.xlane v3, v0;
	_ =	sdelay $0x1  }
0x19: {  	v3 =	vperm.xlane v3, v2;
	v4 =	vadd.s32 v1, v4;
	_ =	sdelay $0x1  }
0x1a: {  	v3 =	vadd.s32 v1, v3;
	_ =	sdelay $0x1  }
0x1b: {  	s0 =	simm.s32 $0x100  }
0x1c: {  	[tilespmem:s0], [sflag:$0x1] =	stream.indirect_vreg.gather [hbm4b:s3+s2], $0x80, v4, vm0, $0xb8;
	[tilespmem:$0x12100] =	vst v63  }
0x1d: {  	s10 =	simm.s32 $0x900  }
0x1e: {  	[tilespmem:s10], [sflag:$0x1] =	stream.indirect_vreg.gather [hbm4b:s3+s2], $0x80, v3, vm0, $0xb8;
	[tilespmem:$0x12100] =	vst v63  }
0x1f: {  	v3 =	vld [tilespmem:$0x10];
	_ =	sdelay $0x4  }
0x20: {  	v55 =	vshll.u32 v3, $0x1  }
0x21: {  	v3 =	vand.u32 $0x7, v3;
	v4 =	vand.u32 $0xFFFFFFF0, v55  }
0x22: {  	v3 =	vor.u32 v3, v4  }
0x23: {  	v4 =	vperm.xlane v3, v0;
	_ =	sdelay $0x1  }
0x24: {  	v3 =	vperm.xlane v3, v2;
	v4 =	vadd.s32 v1, v4;
	_ =	sdelay $0x1  }
0x25: {  	v3 =	vadd.s32 v1, v3;
	_ =	sdelay $0x1  }
0x26: {  	s11 =	simm.s32 $0x1100  }
0x27: {  	[tilespmem:s11], [sflag:$0x1] =	stream.indirect_vreg.gather [hbm4b:s3+s2], $0x80, v4, vm0, $0xb8;
	[tilespmem:$0x12100] =	vst v63  }
0x28: {  	s12 =	simm.s32 $0x1900  }
0x29: {  	[tilespmem:s12], [sflag:$0x1] =	stream.indirect_vreg.gather [hbm4b:s3+s2], $0x80, v3, vm0, $0xb8;
	[tilespmem:$0x12100] =	vst v63  }
0x2a: {  	v3 =	vld [tilespmem:$0x20];
	_ =	sdelay $0x4  }
0x2b: {  	v56 =	vshll.u32 v3, $0x1  }
0x2c: {  	v3 =	vand.u32 $0x7, v3;
	v4 =	vand.u32 $0xFFFFFFF0, v56  }
0x2d: {  	v3 =	vor.u32 v3, v4  }
0x2e: {  	v4 =	vperm.xlane v3, v0;
	_ =	sdelay $0x1  }
0x2f: {  	v3 =	vperm.xlane v3, v2;
	v4 =	vadd.s32 v1, v4;
	_ =	sdelay $0x1  }
0x30: {  	v3 =	vadd.s32 v1, v3;
	_ =	sdelay $0x2  }
0x31: {  	[tilespmem:s13], [sflag:$0x1] =	stream.indirect_vreg.gather [hbm4b:s3+s2], $0x80, v4, vm0, $0xb8;
	[tilespmem:$0x12100] =	vst v63  }
0x32: {  	_ = 	snop  }
0x33: {  	[tilespmem:s14], [sflag:$0x1] =	stream.indirect_vreg.gather [hbm4b:s3+s2], $0x80, v3, vm0, $0xb8;
	[tilespmem:$0x12100] =	vst v63  }
0x34: {  	v3 =	vld [tilespmem:$0x30];
	_ =	sdelay $0x4  }
0x35: {  	v57 =	vshll.u32 v3, $0x1  }
0x36: {  	v3 =	vand.u32 $0x7, v3;
	v4 =	vand.u32 $0xFFFFFFF0, v57  }
0x37: {  	v3 =	vor.u32 v3, v4  }
0x38: {  	v4 =	vperm.xlane v3, v0;
	_ =	sdelay $0x1  }
0x39: {  	v3 =	vperm.xlane v3, v2;
	v4 =	vadd.s32 v1, v4;
	_ =	sdelay $0x1  }
0x3a: {  	v3 =	vadd.s32 v1, v3;
	_ =	sdelay $0x2  }
0x3b: {  	[tilespmem:s15], [sflag:$0x1] =	stream.indirect_vreg.gather [hbm4b:s3+s2], $0x80, v4, vm0, $0xb8;
	[tilespmem:$0x12100] =	vst v63  }
0x3c: {  	_ = 	snop  }
0x3d: {  	[tilespmem:s16], [sflag:$0x1] =	stream.indirect_vreg.gather [hbm4b:s3+s2], $0x80, v3, vm0, $0xb8;
	[tilespmem:$0x12100] =	vst v63  }
0x3e: {  	v3 =	vld.msk [tilespmem:$0x40], $0xff;
	_ =	sdelay $0x4  }
0x3f: {  	v58 =	vshll.u32 v3, $0x1  }
0x40: {  	v3 =	vand.u32 $0x7, v3;
	v4 =	vand.u32 $0xFFFFFFF0, v58  }
0x41: {  	v3 =	vor.u32 v3, v4  }
0x42: {  	v3 =	vperm.xlane v3, v0;
	_ =	sdelay $0x1  }
0x43: {  	v3 =	vadd.s32 v1, v3;
	_ =	sdelay $0x4  }
0x44: {  	[tilespmem:s17], [sflag:$0x1] =	stream.indirect_vreg.gather [hbm4b:s3+s2], $0x80, v3, vm0, $0xb8;
	[tilespmem:$0x12100] =	vst v63  }
0x45: {  	_ =	swait.ge [sflag:s18], $0x4800  }
0x46: {  	[sflag:s18] =	ssyncset.done $0x0  }
0x47: {  	[sflag:s18] =	ssyncadd.s32 $0xFFFFB800  }
0x48: {  	v3 =	vld [tilespmem:$0x48];
	_ =	sdelay $0x4  }
0x49: {  	v59 =	vshll.u32 v3, $0x1  }
0x4a: {  	v3 =	vand.u32 $0x7, v3;
	v4 =	vand.u32 $0xFFFFFFF0, v59  }
0x4b: {  	v3 =	vor.u32 v3, v4  }
0x4c: {  	v4 =	vperm.xlane v3, v0;
	_ =	sdelay $0x1  }
0x4d: {  	v3 =	vperm.xlane v3, v2;
	v4 =	vadd.s32 v1, v4;
	_ =	sdelay $0x1  }
0x4e: {  	v3 =	vadd.s32 v1, v3;
	_ =	sdelay $0x2  }
0x4f: {  	[tilespmem:s19], [sflag:$0x1] =	stream.indirect_vreg.gather [hbm4b:s3+s2], $0x80, v4, vm0, $0xb8;
	[tilespmem:$0x12100] =	vst v63  }
0x50: {  	_ = 	snop  }
0x51: {  	[tilespmem:s20], [sflag:$0x1] =	stream.indirect_vreg.gather [hbm4b:s3+s2], $0x80, v3, vm0, $0xb8;
	[tilespmem:$0x12100] =	vst v63  }
0x52: {  	v3 =	vld [tilespmem:$0x58];
	_ =	sdelay $0x4  }
0x53: {  	v60 =	vshll.u32 v3, $0x1  }
0x54: {  	v3 =	vand.u32 $0x7, v3;
	v4 =	vand.u32 $0xFFFFFFF0, v60  }
0x55: {  	v3 =	vor.u32 v3, v4  }
0x56: {  	v4 =	vperm.xlane v3, v0;
	_ =	sdelay $0x1  }
0x57: {  	v3 =	vperm.xlane v3, v2;
	v4 =	vadd.s32 v1, v4;
	_ =	sdelay $0x1  }
0x58: {  	v3 =	vadd.s32 v1, v3;
	_ =	sdelay $0x2  }
0x59: {  	[tilespmem:s21], [sflag:$0x1] =	stream.indirect_vreg.gather [hbm4b:s3+s2], $0x80, v4, vm0, $0xb8;
	[tilespmem:$0x12100] =	vst v63  }
0x5a: {  	_ = 	snop  }
0x5b: {  	[tilespmem:s22], [sflag:$0x1] =	stream.indirect_vreg.gather [hbm4b:s3+s2], $0x80, v3, vm0, $0xb8;
	[tilespmem:$0x12100] =	vst v63  }
0x5c: {  	v3 =	vld [tilespmem:$0x68];
	_ =	sdelay $0x4  }
0x5d: {  	v61 =	vshll.u32 v3, $0x1  }
0x5e: {  	v3 =	vand.u32 $0x7, v3;
	v4 =	vand.u32 $0xFFFFFFF0, v61  }
0x5f: {  	v3 =	vor.u32 v3, v4  }
0x60: {  	v4 =	vperm.xlane v3, v0;
	_ =	sdelay $0x1  }
0x61: {  	v3 =	vperm.xlane v3, v2;
	v4 =	vadd.s32 v1, v4;
	_ =	sdelay $0x1  }
0x62: {  	v3 =	vadd.s32 v1, v3;
	_ =	sdelay $0x2  }
0x63: {  	[tilespmem:s23], [sflag:$0x1] =	stream.indirect_vreg.gather [hbm4b:s3+s2], $0x80, v4, vm0, $0xb8;
	[tilespmem:$0x12100] =	vst v63  }
0x64: {  	_ = 	snop  }
0x65: {  	[tilespmem:s24], [sflag:$0x1] =	stream.indirect_vreg.gather [hbm4b:s3+s2], $0x80, v3, vm0, $0xb8;
	[tilespmem:$0x12100] =	vst v63  }
0x66: {  	v3 =	vld [tilespmem:$0x78];
	_ =	sdelay $0x4  }
0x67: {  	v62 =	vshll.u32 v3, $0x1  }
0x68: {  	v3 =	vand.u32 $0x7, v3;
	v4 =	vand.u32 $0xFFFFFFF0, v62  }
0x69: {  	v3 =	vor.u32 v3, v4  }
0x6a: {  	v4 =	vperm.xlane v3, v0;
	_ =	sdelay $0x1  }
0x6b: {  	v3 =	vperm.xlane v3, v2;
	v4 =	vadd.s32 v1, v4;
	_ =	sdelay $0x1  }
0x6c: {  	v3 =	vadd.s32 v1, v3;
	_ =	sdelay $0x2  }
0x6d: {  	[tilespmem:s25], [sflag:$0x1] =	stream.indirect_vreg.gather [hbm4b:s3+s2], $0x80, v4, vm0, $0xb8;
	[tilespmem:$0x12100] =	vst v63  }
0x6e: {  	_ = 	snop  }
0x6f: {  	[tilespmem:s26], [sflag:$0x1] =	stream.indirect_vreg.gather [hbm4b:s3+s2], $0x80, v3, vm0, $0xb8;
	[tilespmem:$0x12100] =	vst v63  }
0x70: {  	v3 =	vld.msk [tilespmem:$0x88], $0xff;
	_ =	sdelay $0x4  }
0x71: {  	v63 =	vshll.u32 v3, $0x1  }
0x72: {  	v3 =	vand.u32 $0x7, v3;
	v4 =	vand.u32 $0xFFFFFFF0, v63  }
0x73: {  	v3 =	vor.u32 v3, v4  }
0x74: {  	v3 =	vperm.xlane v3, v0;
	_ =	sdelay $0x1  }
0x75: {  	v3 =	vadd.s32 v1, v3;
	_ =	sdelay $0x4  }
0x76: {  	[tilespmem:s28], [sflag:$0x1] =	stream.indirect_vreg.gather [hbm4b:s3+s2], $0x80, v3, vm0, $0xb8;
	[tilespmem:$0x12100] =	vst v63  }
0x77: {  	_ =	swait.ge [sflag:s18], $0x4800  }
0x78: {  	[sflag:s18] =	ssyncset.done $0x0  }
0x79: {  	[sflag:s18] =	ssyncadd.s32 $0xFFFFB800  }
0x7a: {  	[tilespmem:s29], [sflag:$0x2] =	stream.linear.gather [hbm4b:s5+s2], $0x9000, $0x38;
	[tilespmem:$0x12100] =	vst v63  }
0x7b: {  	_ =	swait.ge [sflag:s8], $0x9000  }
0x7c: {  	[sflag:s8] =	ssyncset.done $0x0  }
0x7d: {  	s31 =	simm.s32 $0x0;
	[sflag:s8] =	ssyncadd.s32 $0xFFFF7000  }
.LBB2_2:
0x7e: {  	s0 =	sshll.u32 s31, $0x8;
	s1 =	sshll.u32 s31, $0x7  }
0x7f: {  	s9 =	simm.s32 $0x0;
	s0 =	sand.u32 $0xF800, s0;
	s1 =	sand.u32 $0x380, s1  }
0x80: {  	s12 =	sand.u32 $0x400, s9;
	s1 =	sor.u32 s0, s1  }
0x81: {  	s9 =	sand.u32 $0x70, s9;
	s0 =	sor.u32 s12, s1  }
0x82: {  	s0 =	sor.u32 s9, s0  }
0x83: {  	v3 =	vld [tilespmem:s0+$0x100]  }
0x84: {  	v4 =	vld [tilespmem:s0+$0x9100];
	_ =	sdelay $0x2  }
0x85: {  	s9 =	simm.s32 $0x80  }
0x86: {  	s10 =	simm.s32 $0x10;
	s12 =	sand.u32 $0x400, s9  }
0x87: {  	s11 =	sand.u32 $0x70, s10;
	s10 =	simm.s32 $0x20;
	s12 =	sor.u32 s12, s1;
	v3 =	vsub.f32 v4, v3  }
.LBB2_3:
0x88: {  	p0 =	sne.s32 s10, $0xF0;
	s11 =	sor.u32 s11, s12  }
0x89: {  	v4 =	vld [tilespmem:s11+$0x100];
	[tilespmem:s0+$0x9100] =	vst v3;
	s0 =	smov.u32 s11  }
0x8a: {  	v3 =	vld [tilespmem:s0+$0x9100]  }
.Ltmp0:
0x8b: {  	(pc) =	sbr.rel @p0 .LBB2_3-.Ltmp0, $4  }
0x8c: {  	_ = 	snop  }
0x8d: {  	s9 =	sadd.s32 $0x80, s9  }
0x8e: {  	s12 =	sand.u32 $0x400, s9  }
0x8f: {  	s11 =	sand.u32 $0x70, s10;
	s10 =	sadd.s32 $0x10, s10;
	s12 =	sor.u32 s12, s1;
	v3 =	vsub.f32 v3, v4  }
0x90: {  	s1 =	sor.u32 s11, s12  }
0x91: {  	v4 =	vld [tilespmem:s1+$0x100];
	[tilespmem:s0+$0x9100] =	vst v3  }
0x92: {  	v3 =	vld [tilespmem:s1+$0x9100]  }
0x93: {  	s31 =	sadd.s32 $0x1, s31  }
0x94: {  	p0 =	sne.s32 s31, $0x90  }
.Ltmp1:
0x95: {  	_ = 	snop;
	(pc) =	sbr.rel @p0 .LBB2_2-.Ltmp1, $3  }
0x96: {  	_ = 	snop  }
0x97: {  	v3 =	vsub.f32 v3, v4;
	_ =	sdelay $0x1  }
0x98: {  	[tilespmem:s1+$0x9100] =	vst v3  }
0x99: {  	s30 =	sadd.s32 $0x1, s30  }
0x9a: {  	p0 =	sne.s32 s30, s7  }
.Ltmp2:
0x9b: {  	_ = 	snop;
	(pc) =	sbr.rel @p0 .LBB2_1-.Ltmp2, $4  }
0x9c: {  	[hbm4b:s6+s2] =	stream.linear.scatter [tilespmem:s29], [sflag:$0x2], $0x9000, $0x38;
	[tilespmem:$0x12100] =	vst v63  }
0x9d: {  	_ =	swait.ge [sflag:s8], $0x9000  }
0x9e: {  	[sflag:s8] =	ssyncset.done $0x0  }
0x9f: {  	[sflag:s8] =	ssyncadd.s32 $0xFFFF7000  }
0xa0: {  	_ =	sfence.sel $0x180000  }
0xa1: {  	[bflag:$0x0] =	sbarrier.arrive $0xFFFF  }
0xa2: {  	_ =	strace $0x90000056  }
0xa3: {  	s0 =	stileid.u32;
	[bflag:$0x2] =	sbarrier.arrive $0xFFFF  }
0xa4: {  	p0 =	sne.s32 s0, $0x0;
	s0 =	rddreg [dreg:$0x3]  }
0xa5: {  	s0 =	sadd.s32 @!p0 $0x100000, s0  }
0xa6: {  	[sflag:s0] =	ssyncadd.tile.s32 @!p0 $0x1;
	_ =	shalt  }
.Lfunc_end2:
_tile_overlayer_lowered:
.L_overlay_start_2:
0xa7: {  	(tag) =	ssettag $0x2  }
0xa8: {  	s0 =	rddreg [dreg:$0x0];
	s2 =	stileid.u32  }
0xa9: {  	s1 =	rddreg [dreg:$0x1];
	p0 =	sne.s32 s2, $0x0  }
0xaa: {  	s3 =	rddreg [dreg:$0x2];
	[bflag:$0x3] =	sbarrier.arrive $0xFFFF;
	s2 =	simm.s32 @!p0 $0x1C02  }
0xab: {  	[timem:s3], [sflag:s2] =	dma.local @!p0 [hbm:s0], s1  }
0xac: {  	s0 =	simm.s32 @!p0 $0x2  }
0xad: {  	_ =	swait.ge @!p0 [sflag:s0], s1  }
0xae: {  	s1 =	ssub.s32 @!p0 $0x0, s1;
	[sflag:s0] =	ssyncset.done @!p0 $0x0  }
0xaf: {  	[sflag:s0] =	ssyncadd.s32 @!p0 s1  }
0xb0: {  	[bflag:$0x3] =	sbarrier.arrive $0xFFFF  }
0xb1: {  	_ =	shalt  }

// kernel: kernel.36.cloned.1.call-start
scs
__scs_entry_jumppad:
0x0: {  	(pc) =	sbr.rel $0x88, $3  }
0x1: {  	(tag) =	ssettag $0x0;
	lr =	simm.s32 $0x1  }
0x2: {  	[smem:$0x3F9F] =	sst lr;
	_ =	strace $0xD0000000  }
0x3: {  	_ = 	snop  }
0x4: {  	_ = 	snop  }
0x5: {  	_ = 	snop  }
0x6: {  	_ = 	snop  }
0x7: {  	_ = 	snop  }
__scs_overlays_trampoline_lowered:
0x8: {  	[smem:$0x3FAE] =	sst s0  }
0x9: {  	[smem:$0x3FAF] =	sst s1  }
0xa: {  	[smem:$0x3FB0] =	sst s2  }
0xb: {  	[smem:$0x3FB1] =	sst s3  }
0xc: {  	[smem:$0x3FB2] =	sst s4  }
0xd: {  	[smem:$0x3FB3] =	sst s5  }
0xe: {  	[smem:$0x3FB4] =	sst s6  }
0xf: {  	[smem:$0x3FB5] =	sst s7  }
0x10: {  	[smem:$0x3FB6] =	sst s8  }
0x11: {  	[smem:$0x3FB7] =	sst s9;
	s0 =	simm.s32 @!p0 $0x0  }
0x12: {  	s1 =	sld [smem:$0x3F9D];
	s0 =	simm.s32 @p0 $0x1  }
0x13: {  	[smem:$0x3FB8] =	sst s0;
	s0 =	simm.s32 @!p1 $0x0  }
0x14: {  	s2 =	sld [smem:$0x3F9C];
	s0 =	simm.s32 @p1 $0x1  }
0x15: {  	[smem:$0x3FB9] =	sst s0;
	s0 =	simm.s32 @!p2 $0x0  }
0x16: {  	s3 =	sld [smem:$0x3FDB];
	s0 =	simm.s32 @p2 $0x1  }
0x17: {  	s4 =	simm.s32 $0x1BF5;
	[smem:$0x3FBB] =	sst s0  }
0x18: {  	s0 =	sld [smem:$0x3F9E];
	_ =	swait.ge [sflag:s4], $0x0  }
0x19: {  	s7 =	sld [smem:$0x3F9F]  }
0x1a: {  	s8 =	sadd.s32 $0xFFFFE003, lr  }
0x1b: {  	s9 =	sadd.s32 $0xFFFFFEF7, lr;
	s5 =	simm.s32 $0xFFFFFFFF;
	p2 =	slt.u32 s8, $0xFFFFF086  }
0x1c: {  	p1 =	slt.u32 s9, $0xF7A;
	s5 =	simm.s32 @!p2 $0x0  }
0x1d: {  	s5 =	simm.s32 @p1 $0x1;
	p0 =	seq.s32 s7, s2  }
0x1e: {  	s7 =	smul.u32 @!p0 $0xF7A, s2;
	p2 =	seq.s32 @!p0 s5, $0x0  }
0x1f: {  	s9 =	smul.u32 $0xF7A, s1;
	s8 =	simm.s32 @!p0 $0x1BF5;
	p2 =	por !p2, p0  }
0x20: {  	[sflag:s8] =	ssyncset.s32 @!p0 $0xFFFFF086;
	s6 =	sadd.s32 @!p0 s3, s7;
	s7 =	simm.s32 @!p0 $0x108  }
0x21: {  	s3 =	sadd.s32 s3, s9;
	s6 =	sadd.s32 @!p0 $0x88, s6;
	s7 =	simm.s32 @p2 $0x1082  }
0x22: {  	[simem:s7], [sflag:s8] =	dma.local @!p0 [hbm:s6], $0xF7A  }
0x23: {  	s9 =	sor.u32 $0xD0000000, s2;
	s6 =	simm.s32 $0x108;
	_ =	swait.ge @!p0 [sflag:s8], $0x0  }
0x24: {  	s3 =	sadd.s32 $0x88, s3;
	s6 =	simm.s32 @!p1 $0x1082;
	[sflag:s4] =	ssyncset.s32 $0xFFFFF086  }
0x25: {  	[simem:s6], [sflag:s4] =	dma.local [hbm:s3], $0xF7A  }
0x26: {  	[smem:$0x3F9F] =	sst s1;
	(tag) =	ssettag s2;
	_ =	strace s9  }
0x27: {  	s1 =	sld [smem:$0x3FAF]  }
0x28: {  	s2 =	sld [smem:$0x3FB0]  }
0x29: {  	s4 =	sld [smem:$0x3FB2]  }
0x2a: {  	p0 =	seq.s32 s5, $0x0;
	s5 =	sld [smem:$0x3FB3]  }
0x2b: {  	s6 =	sld [smem:$0x3FB4]  }
0x2c: {  	s7 =	sld [smem:$0x3FB5]  }
0x2d: {  	s3 =	simm.s32 $0x108;
	s8 =	sld [smem:$0x3FB6]  }
0x2e: {  	s3 =	simm.s32 @!p0 $0x1082;
	s9 =	sld [smem:$0x3FB7]  }
0x2f: {  	lr =	sadd.s32 s0, s3;
	s0 =	sld [smem:$0x3FAE]  }
0x30: {  	s3 =	sld [smem:$0x3FB1]  }
0x31: {  	[smem:$0x3FBA] =	sst s10  }
0x32: {  	s10 =	sld [smem:$0x3FB8];
	_ =	sdelay $0x3  }
0x33: {  	p0 =	seq.s32 s10, $0x1;
	s10 =	sld [smem:$0x3FBA];
	_ =	sdelay $0x3  }
0x34: {  	[smem:$0x3FBA] =	sst s10  }
0x35: {  	s10 =	sld [smem:$0x3FB9];
	_ =	sdelay $0x3  }
0x36: {  	p1 =	seq.s32 s10, $0x1;
	s10 =	sld [smem:$0x3FBA];
	_ =	sdelay $0x3  }
0x37: {  	[smem:$0x3FBA] =	sst s10  }
0x38: {  	s10 =	sld [smem:$0x3FBB]  }
0x39: {  	_ = 	snop;
	(pc) =	sbr.ind lr, $3  }
0x3a: {  	_ = 	snop  }
0x3b: {  	_ = 	snop  }
0x3c: {  	p2 =	seq.s32 s10, $0x1;
	s10 =	sld [smem:$0x3FBA]  }
0x3d: {  	_ =	shalt  }
0x3e: {  	_ =	shalt  }
0x3f: {  	_ =	shalt  }
0x40: {  	_ =	shalt  }
0x41: {  	_ =	shalt  }
0x42: {  	_ =	shalt  }
0x43: {  	_ =	shalt  }
0x44: {  	_ =	shalt  }
0x45: {  	_ =	shalt  }
0x46: {  	_ =	shalt  }
0x47: {  	_ =	shalt  }
0x48: {  	_ =	shalt  }
0x49: {  	_ =	shalt  }
0x4a: {  	_ =	shalt  }
0x4b: {  	_ =	shalt  }
0x4c: {  	_ =	shalt  }
0x4d: {  	_ =	shalt  }
0x4e: {  	_ =	shalt  }
0x4f: {  	_ =	shalt  }
0x50: {  	_ =	shalt  }
0x51: {  	_ =	shalt  }
0x52: {  	_ =	shalt  }
0x53: {  	_ =	shalt  }
0x54: {  	_ =	shalt  }
0x55: {  	_ =	shalt  }
0x56: {  	_ =	shalt  }
0x57: {  	_ =	shalt  }
0x58: {  	_ =	shalt  }
0x59: {  	_ =	shalt  }
0x5a: {  	_ =	shalt  }
0x5b: {  	_ =	shalt  }
0x5c: {  	_ =	shalt  }
0x5d: {  	_ =	shalt  }
0x5e: {  	_ =	shalt  }
0x5f: {  	_ =	shalt  }
0x60: {  	_ =	shalt  }
0x61: {  	_ =	shalt  }
0x62: {  	_ =	shalt  }
0x63: {  	_ =	shalt  }
0x64: {  	_ =	shalt  }
0x65: {  	_ =	shalt  }
0x66: {  	_ =	shalt  }
0x67: {  	_ =	shalt  }
0x68: {  	_ =	shalt  }
0x69: {  	_ =	shalt  }
0x6a: {  	_ =	shalt  }
0x6b: {  	_ =	shalt  }
0x6c: {  	_ =	shalt  }
0x6d: {  	_ =	shalt  }
0x6e: {  	_ =	shalt  }
0x6f: {  	_ =	shalt  }
0x70: {  	_ =	shalt  }
0x71: {  	_ =	shalt  }
0x72: {  	_ =	shalt  }
0x73: {  	_ =	shalt  }
0x74: {  	_ =	shalt  }
0x75: {  	_ =	shalt  }
0x76: {  	_ =	shalt  }
0x77: {  	_ =	shalt  }
0x78: {  	_ =	shalt  }
0x79: {  	_ =	shalt  }
0x7a: {  	_ =	shalt  }
0x7b: {  	_ =	shalt  }
0x7c: {  	_ =	shalt  }
0x7d: {  	_ =	shalt  }
0x7e: {  	_ =	shalt  }
0x7f: {  	_ =	shalt  }
0x80: {  	_ =	shalt  }
0x81: {  	_ =	shalt  }
0x82: {  	_ =	shalt  }
0x83: {  	_ =	shalt  }
0x84: {  	_ =	shalt  }
0x85: {  	_ =	shalt  }
0x86: {  	_ =	shalt  }
0x87: {  	_ =	shalt  }
.Lfunc_end0:
.L_simem_size_0:
called_computation.6_lowered:
.L_overlay_start_0:
0x88: {  	s2 =	sld [smem:$0x3FD9]  }
0x89: {  	s3 =	sld [smem:$0x3FFE];
	_ =	sdelay $0x1  }
0x8a: {  	s1 =	srdreg.scid  }
0x8b: {  	s0 =	sand.u32 $0x1, s1  }
0x8c: {  	s14 =	sshll.u32 s0, $0xA;
	s2 =	sadd.s32 s3, s2  }
0x8d: {  	s2 =	sadd.s32 s2, s14  }
0x8e: {  	[smem:$0x3FC6] =	sst s2  }
0x8f: {  	_ = 	snop  }
0x90: {  	s2 =	sld [smem:$0x3FD0];
	_ =	sdelay $0x2  }
0x91: {  	s15 =	simm.s32 $0xA;
	s4 =	simm.s32 $0x10  }
0x92: {  	[smem:s4], [sflag:s15] =	dma.local [hbm:s2], $0x1  }
0x93: {  	_ =	swait.eq [sflag:s15], $0x1  }
0x94: {  	[sflag:s15] =	ssyncset.done $0x0  }
0x95: {  	s16 =	sld [smem:$0x10];
	[sflag:s15] =	ssyncadd.s32 $0xFFFFFFFF  }
0x96: {  	s17 =	sld [smem:$0x11];
	(tm) =	ssettm $0x1  }
0x97: {  	s18 =	sld [smem:$0x3FFB];
	_ =	sdelay $0x3  }
0x98: {  	_ =	strace s18  }
0x99: {  	s4 =	sld [smem:$0x3FFC];
	_ =	sdelay $0x3  }
0x9a: {  	_ =	strace s4  }
0x9b: {  	s4 =	sld [smem:$0x3FFD];
	_ =	sdelay $0x3  }
0x9c: {  	_ =	strace s4  }
0x9d: {  	_ =	strace $0x8FFFFFFF  }
0x9e: {  	s19 =	sld [smem:$0x3FDB];
	_ =	sdelay $0x1  }
0x9f: {  	s5 =	simm.s32 $_scs_section_size  }
0xa0: {  	s6 =	simm.s32 $_size__tile_overlayer_lowered;
	s7 =	simm.s32 $_tile_overlayer_lowered  }
0xa1: {  	s22 =	simm.s32 $0x1BFF;
	s21 =	sshll.u32 s7, $0x1;
	s4 =	sadd.s32 s5, s19  }
0xa2: {  	s8 =	simm.s32 $0x0;
	s20 =	sshll.u32 s6, $0x1;
	s6 =	sadd.s32 s21, s4  }
0xa3: {  	[timem:s8], [sflag:s22] =	dma.local [hbm:s6], s20  }
0xa4: {  	_ =	swait.ge [sflag:s22], s20  }
0xa5: {  	s5 =	ssub.s32 $0x0, s20;
	[sflag:s22] =	ssyncset.done $0x0  }
0xa6: {  	[sflag:s22] =	ssyncadd.s32 s5;
	_ =	sdelay $0x1  }
0xa7: {  	s23 =	simm.s32 $0x1B8B  }
0xa8: {  	_ =	swait.ge [sflag:s23], $0x1  }
0xa9: {  	[sflag:s23] =	ssyncset.done $0x0  }
0xaa: {  	s25 =	simm.s32 $0x1B8E;
	s24 =	sld [smem:$0x3FFE];
	[sflag:s23] =	ssyncadd.s32 $0xFFFFFFFF  }
0xab: {  	s26 =	simm.s32 $execute0_lowered;
	[smem:$0x3FD2] =	sst s25  }
0xac: {  	s6 =	sshll.u32 s26, $0x1;
	_ =	strace $0x80000058;
	[dreg:$0x1] =	wrdreg $0xFFFFFFFF  }
0xad: {  	s28 =	simm.s32 $_size_execute0_lowered;
	s4 =	sadd.s32 s4, s6;
	[dreg:$0x0] =	wrdreg $0x0  }
0xae: {  	s6 =	sshll.u32 s28, $0x1;
	[dreg:$0x2] =	wrdreg s4  }
0xaf: {  	[dreg:$0x3] =	wrdreg s6  }
0xb0: {  	[dreg:$0x4] =	wrdreg $0xC0  }
0xb1: {  	_ =	task [dreg:s8], $0x5FFFF  }
0xb2: {  	[dreg:$0x1] =	wrdreg $0xFFFFFFFF  }
0xb3: {  	[dreg:$0x0] =	wrdreg $0x60  }
0xb4: {  	[dreg:$0x2] =	wrdreg s24  }
0xb5: {  	[dreg:$0x3] =	wrdreg s17  }
0xb6: {  	[dreg:$0x4] =	wrdreg s16  }
0xb7: {  	[dreg:$0x5] =	wrdreg $0x9  }
0xb8: {  	_ =	task.clear_ibuf [dreg:s8], $0x6FFFF;
	_ =	strace $0x90000058  }
0xb9: {  	s29 =	simm.s32 $0x9;
	_ =	strace $0x8000005A  }
0xba: {  	_ =	swait.ge [sflag:s29], $0x1  }
0xbb: {  	[sflag:s29] =	ssyncadd.s32 $0xFFFFFFFF  }
0xbc: {  	_ =	strace $0x9000005A  }
0xbd: {  	_ =	sfence  }
0xbe: {  	s30 =	sld [smem:$0x0];
	_ =	sdelay $0x2  }
0xbf: {  	s31 =	sshll.u32 s1, $0xD;
	s1 =	sshrl.u32 s1, $0x2  }
0xc0: {  	s3 =	sand.u32 $0x4000, s31;
	s1 =	sadd.s32 s1, s30  }
0xc1: {  	s0 =	sor.u32 s3, s0;
	s1 =	sshll.u32 s1, $0x11  }
0xc2: {  	s0 =	sor.u32 s1, s0  }
0xc3: {  	s0 =	sadd.s32 $0x8F2B, s0  }
0xc4: {  	[sflag:s0] =	ssyncadd.remote.s32 $0x1  }
0xc5: {  	_ =	sfence.sel $0xFFFF  }
0xc6: {  	[dreg:$0x0] =	wrdreg $0xFFFFFFFF;
	(pc) =	sbr.abs _section_cstart, $3  }
0xc7: {  	[dreg:$0x1] =	wrdreg $0xFFFFFFFF  }
0xc8: {  	_ =	task.clear_ibuf [dreg:s8], $0x2FFFF;
	_ =	strace $0x9FFFFFFF  }
0xc9: {  	(tm) =	ssettm $0x7FFFFFFF  }
tec
execute0_lowered:
.L_overlay_start_1:
0x0: {  	(tag) =	ssettag $0x1  }
0x1: {  	s0 =	rddreg [dreg:$0x0]  }
0x2: {  	s1 =	rddreg [dreg:$0x1]  }
0x3: {  	s2 =	srdreg.scid;
	s4 =	stileid.u32  }
0x4: {  	s5 =	rddreg [dreg:$0x2];
	s13 =	simm.s32 $0x2100;
	s14 =	simm.s32 $0x2900  }
0x5: {  	s15 =	simm.s32 $0x3100;
	s16 =	simm.s32 $0x3900;
	s17 =	simm.s32 $0x4100  }
0x6: {  	s18 =	simm.s32 $0x1;
	s19 =	simm.s32 $0x4900;
	s20 =	simm.s32 $0x5100  }
0x7: {  	s21 =	simm.s32 $0x5900;
	s22 =	simm.s32 $0x6100;
	s23 =	simm.s32 $0x6900  }
0x8: {  	s24 =	simm.s32 $0x7100;
	s25 =	simm.s32 $0x7900;
	s26 =	simm.s32 $0x8100  }
0x9: {  	s28 =	simm.s32 $0x8900;
	s3 =	sand.u32 $0x1, s2;
	s4 =	sshll.u32 s4, $0x1  }
0xa: {  	s29 =	simm.s32 $0x9100;
	s30 =	simm.s32 $0x0;
	s4 =	sor.u32 s3, s4  }
0xb: {  	s2 =	simm.s32 $0x0;
	s7 =	ssub.s32 $0x2, s3;
	s6 =	smul.u32 $0x1200, s4  }
0xc: {  	[smem:$0x7FF] =	sst s2;
	s4 =	smul.u32 $0x12, s4;
	s8 =	sshrl.u32 s7, $0x1  }
0xd: {  	v2 =	vlaneseq.u32;
	s3 =	sadd.s32 $0x143200, s0;
	_ =	strace $0x80000059;
	s7 =	ssub.s32 s7, s8  }
0xe: {  	vm0 =	vmmov $0xffff;
	v1 =	vshrl.u32 v2, $0x3;
	s8 =	simm.s32 $0x2;
	s0 =	sadd.s32 s6, s0;
	s4 =	sadd.s32 s1, s4  }
0xf: {  	v0 =	vand.u32 $0x7, v2;
	v2 =	vor.u32 $0x8, v2;
	v1 =	vmul.u32 $0x8, v1;
	s5 =	sadd.s32 s5, s6;
	s7 =	smax.u32 s7, $0x1;
	s6 =	sadd.s32 $0x1C3200, s0  }
.LBB2_1:
0x10: {  	[tilespmem:s2], [sflag:$0x2] =	stream.linear.gather [hbm4b:s4+s2], $0x90, $0x38;
	[tilespmem:$0x12100] =	vst v63  }
0x11: {  	_ =	swait.ge [sflag:s8], $0x90  }
0x12: {  	[sflag:s8] =	ssyncset.done $0x0  }
0x13: {  	[sflag:s8] =	ssyncadd.s32 $0xFFFFFF70  }
0x14: {  	v3 =	vld [tilespmem:$0x0];
	_ =	sdelay $0x4  }
0x15: {  	v4 =	vshll.u32 v3, $0x1  }
0x16: {  	v3 =	vand.u32 $0x7, v3;
	v4 =	vand.u32 $0xFFFFFFF0, v4  }
0x17: {  	v3 =	vor.u32 v3, v4  }
0x18: {  	v4 =	vperm.xlane v3, v0;
	_ =	sdelay $0x1  }
0x19: {  	v3 =	vperm.xlane v3, v2;
	v4 =	vadd.s32 v1, v4;
	_ =	sdelay $0x1  }
0x1a: {  	v3 =	vadd.s32 v1, v3;
	_ =	sdelay $0x1  }
0x1b: {  	s0 =	simm.s32 $0x100  }
0x1c: {  	[tilespmem:s0], [sflag:$0x1] =	stream.indirect_vreg.gather [hbm4b:s3+s2], $0x80, v4, vm0, $0xb8;
	[tilespmem:$0x12100] =	vst v63  }
0x1d: {  	s10 =	simm.s32 $0x900  }
0x1e: {  	[tilespmem:s10], [sflag:$0x1] =	stream.indirect_vreg.gather [hbm4b:s3+s2], $0x80, v3, vm0, $0xb8;
	[tilespmem:$0x12100] =	vst v63  }
0x1f: {  	v3 =	vld [tilespmem:$0x10];
	_ =	sdelay $0x4  }
0x20: {  	v55 =	vshll.u32 v3, $0x1  }
0x21: {  	v3 =	vand.u32 $0x7, v3;
	v4 =	vand.u32 $0xFFFFFFF0, v55  }
0x22: {  	v3 =	vor.u32 v3, v4  }
0x23: {  	v4 =	vperm.xlane v3, v0;
	_ =	sdelay $0x1  }
0x24: {  	v3 =	vperm.xlane v3, v2;
	v4 =	vadd.s32 v1, v4;
	_ =	sdelay $0x1  }
0x25: {  	v3 =	vadd.s32 v1, v3;
	_ =	sdelay $0x1  }
0x26: {  	s11 =	simm.s32 $0x1100  }
0x27: {  	[tilespmem:s11], [sflag:$0x1] =	stream.indirect_vreg.gather [hbm4b:s3+s2], $0x80, v4, vm0, $0xb8;
	[tilespmem:$0x12100] =	vst v63  }
0x28: {  	s12 =	simm.s32 $0x1900  }
0x29: {  	[tilespmem:s12], [sflag:$0x1] =	stream.indirect_vreg.gather [hbm4b:s3+s2], $0x80, v3, vm0, $0xb8;
	[tilespmem:$0x12100] =	vst v63  }
0x2a: {  	v3 =	vld [tilespmem:$0x20];
	_ =	sdelay $0x4  }
0x2b: {  	v56 =	vshll.u32 v3, $0x1  }
0x2c: {  	v3 =	vand.u32 $0x7, v3;
	v4 =	vand.u32 $0xFFFFFFF0, v56  }
0x2d: {  	v3 =	vor.u32 v3, v4  }
0x2e: {  	v4 =	vperm.xlane v3, v0;
	_ =	sdelay $0x1  }
0x2f: {  	v3 =	vperm.xlane v3, v2;
	v4 =	vadd.s32 v1, v4;
	_ =	sdelay $0x1  }
0x30: {  	v3 =	vadd.s32 v1, v3;
	_ =	sdelay $0x2  }
0x31: {  	[tilespmem:s13], [sflag:$0x1] =	stream.indirect_vreg.gather [hbm4b:s3+s2], $0x80, v4, vm0, $0xb8;
	[tilespmem:$0x12100] =	vst v63  }
0x32: {  	_ = 	snop  }
0x33: {  	[tilespmem:s14], [sflag:$0x1] =	stream.indirect_vreg.gather [hbm4b:s3+s2], $0x80, v3, vm0, $0xb8;
	[tilespmem:$0x12100] =	vst v63  }
0x34: {  	v3 =	vld [tilespmem:$0x30];
	_ =	sdelay $0x4  }
0x35: {  	v57 =	vshll.u32 v3, $0x1  }
0x36: {  	v3 =	vand.u32 $0x7, v3;
	v4 =	vand.u32 $0xFFFFFFF0, v57  }
0x37: {  	v3 =	vor.u32 v3, v4  }
0x38: {  	v4 =	vperm.xlane v3, v0;
	_ =	sdelay $0x1  }
0x39: {  	v3 =	vperm.xlane v3, v2;
	v4 =	vadd.s32 v1, v4;
	_ =	sdelay $0x1  }
0x3a: {  	v3 =	vadd.s32 v1, v3;
	_ =	sdelay $0x2  }
0x3b: {  	[tilespmem:s15], [sflag:$0x1] =	stream.indirect_vreg.gather [hbm4b:s3+s2], $0x80, v4, vm0, $0xb8;
	[tilespmem:$0x12100] =	vst v63  }
0x3c: {  	_ = 	snop  }
0x3d: {  	[tilespmem:s16], [sflag:$0x1] =	stream.indirect_vreg.gather [hbm4b:s3+s2], $0x80, v3, vm0, $0xb8;
	[tilespmem:$0x12100] =	vst v63  }
0x3e: {  	v3 =	vld.msk [tilespmem:$0x40], $0xff;
	_ =	sdelay $0x4  }
0x3f: {  	v58 =	vshll.u32 v3, $0x1  }
0x40: {  	v3 =	vand.u32 $0x7, v3;
	v4 =	vand.u32 $0xFFFFFFF0, v58  }
0x41: {  	v3 =	vor.u32 v3, v4  }
0x42: {  	v3 =	vperm.xlane v3, v0;
	_ =	sdelay $0x1  }
0x43: {  	v3 =	vadd.s32 v1, v3;
	_ =	sdelay $0x4  }
0x44: {  	[tilespmem:s17], [sflag:$0x1] =	stream.indirect_vreg.gather [hbm4b:s3+s2], $0x80, v3, vm0, $0xb8;
	[tilespmem:$0x12100] =	vst v63  }
0x45: {  	_ =	swait.ge [sflag:s18], $0x4800  }
0x46: {  	[sflag:s18] =	ssyncset.done $0x0  }
0x47: {  	[sflag:s18] =	ssyncadd.s32 $0xFFFFB800  }
0x48: {  	v3 =	vld [tilespmem:$0x48];
	_ =	sdelay $0x4  }
0x49: {  	v59 =	vshll.u32 v3, $0x1  }
0x4a: {  	v3 =	vand.u32 $0x7, v3;
	v4 =	vand.u32 $0xFFFFFFF0, v59  }
0x4b: {  	v3 =	vor.u32 v3, v4  }
0x4c: {  	v4 =	vperm.xlane v3, v0;
	_ =	sdelay $0x1  }
0x4d: {  	v3 =	vperm.xlane v3, v2;
	v4 =	vadd.s32 v1, v4;
	_ =	sdelay $0x1  }
0x4e: {  	v3 =	vadd.s32 v1, v3;
	_ =	sdelay $0x2  }
0x4f: {  	[tilespmem:s19], [sflag:$0x1] =	stream.indirect_vreg.gather [hbm4b:s3+s2], $0x80, v4, vm0, $0xb8;
	[tilespmem:$0x12100] =	vst v63  }
0x50: {  	_ = 	snop  }
0x51: {  	[tilespmem:s20], [sflag:$0x1] =	stream.indirect_vreg.gather [hbm4b:s3+s2], $0x80, v3, vm0, $0xb8;
	[tilespmem:$0x12100] =	vst v63  }
0x52: {  	v3 =	vld [tilespmem:$0x58];
	_ =	sdelay $0x4  }
0x53: {  	v60 =	vshll.u32 v3, $0x1  }
0x54: {  	v3 =	vand.u32 $0x7, v3;
	v4 =	vand.u32 $0xFFFFFFF0, v60  }
0x55: {  	v3 =	vor.u32 v3, v4  }
0x56: {  	v4 =	vperm.xlane v3, v0;
	_ =	sdelay $0x1  }
0x57: {  	v3 =	vperm.xlane v3, v2;
	v4 =	vadd.s32 v1, v4;
	_ =	sdelay $0x1  }
0x58: {  	v3 =	vadd.s32 v1, v3;
	_ =	sdelay $0x2  }
0x59: {  	[tilespmem:s21], [sflag:$0x1] =	stream.indirect_vreg.gather [hbm4b:s3+s2], $0x80, v4, vm0, $0xb8;
	[tilespmem:$0x12100] =	vst v63  }
0x5a: {  	_ = 	snop  }
0x5b: {  	[tilespmem:s22], [sflag:$0x1] =	stream.indirect_vreg.gather [hbm4b:s3+s2], $0x80, v3, vm0, $0xb8;
	[tilespmem:$0x12100] =	vst v63  }
0x5c: {  	v3 =	vld [tilespmem:$0x68];
	_ =	sdelay $0x4  }
0x5d: {  	v61 =	vshll.u32 v3, $0x1  }
0x5e: {  	v3 =	vand.u32 $0x7, v3;
	v4 =	vand.u32 $0xFFFFFFF0, v61  }
0x5f: {  	v3 =	vor.u32 v3, v4  }
0x60: {  	v4 =	vperm.xlane v3, v0;
	_ =	sdelay $0x1  }
0x61: {  	v3 =	vperm.xlane v3, v2;
	v4 =	vadd.s32 v1, v4;
	_ =	sdelay $0x1  }
0x62: {  	v3 =	vadd.s32 v1, v3;
	_ =	sdelay $0x2  }
0x63: {  	[tilespmem:s23], [sflag:$0x1] =	stream.indirect_vreg.gather [hbm4b:s3+s2], $0x80, v4, vm0, $0xb8;
	[tilespmem:$0x12100] =	vst v63  }
0x64: {  	_ = 	snop  }
0x65: {  	[tilespmem:s24], [sflag:$0x1] =	stream.indirect_vreg.gather [hbm4b:s3+s2], $0x80, v3, vm0, $0xb8;
	[tilespmem:$0x12100] =	vst v63  }
0x66: {  	v3 =	vld [tilespmem:$0x78];
	_ =	sdelay $0x4  }
0x67: {  	v62 =	vshll.u32 v3, $0x1  }
0x68: {  	v3 =	vand.u32 $0x7, v3;
	v4 =	vand.u32 $0xFFFFFFF0, v62  }
0x69: {  	v3 =	vor.u32 v3, v4  }
0x6a: {  	v4 =	vperm.xlane v3, v0;
	_ =	sdelay $0x1  }
0x6b: {  	v3 =	vperm.xlane v3, v2;
	v4 =	vadd.s32 v1, v4;
	_ =	sdelay $0x1  }
0x6c: {  	v3 =	vadd.s32 v1, v3;
	_ =	sdelay $0x2  }
0x6d: {  	[tilespmem:s25], [sflag:$0x1] =	stream.indirect_vreg.gather [hbm4b:s3+s2], $0x80, v4, vm0, $0xb8;
	[tilespmem:$0x12100] =	vst v63  }
0x6e: {  	_ = 	snop  }
0x6f: {  	[tilespmem:s26], [sflag:$0x1] =	stream.indirect_vreg.gather [hbm4b:s3+s2], $0x80, v3, vm0, $0xb8;
	[tilespmem:$0x12100] =	vst v63  }
0x70: {  	v3 =	vld.msk [tilespmem:$0x88], $0xff;
	_ =	sdelay $0x4  }
0x71: {  	v63 =	vshll.u32 v3, $0x1  }
0x72: {  	v3 =	vand.u32 $0x7, v3;
	v4 =	vand.u32 $0xFFFFFFF0, v63  }
0x73: {  	v3 =	vor.u32 v3, v4  }
0x74: {  	v3 =	vperm.xlane v3, v0;
	_ =	sdelay $0x1  }
0x75: {  	v3 =	vadd.s32 v1, v3;
	_ =	sdelay $0x4  }
0x76: {  	[tilespmem:s28], [sflag:$0x1] =	stream.indirect_vreg.gather [hbm4b:s3+s2], $0x80, v3, vm0, $0xb8;
	[tilespmem:$0x12100] =	vst v63  }
0x77: {  	_ =	swait.ge [sflag:s18], $0x4800  }
0x78: {  	[sflag:s18] =	ssyncset.done $0x0  }
0x79: {  	[sflag:s18] =	ssyncadd.s32 $0xFFFFB800  }
0x7a: {  	[tilespmem:s29], [sflag:$0x2] =	stream.linear.gather [hbm4b:s5+s2], $0x9000, $0x38;
	[tilespmem:$0x12100] =	vst v63  }
0x7b: {  	_ =	swait.ge [sflag:s8], $0x9000  }
0x7c: {  	[sflag:s8] =	ssyncset.done $0x0  }
0x7d: {  	s31 =	simm.s32 $0x0;
	[sflag:s8] =	ssyncadd.s32 $0xFFFF7000  }
.LBB2_2:
0x7e: {  	s0 =	sshll.u32 s31, $0x8;
	s1 =	sshll.u32 s31, $0x7  }
0x7f: {  	s9 =	simm.s32 $0x0;
	s0 =	sand.u32 $0xF800, s0;
	s1 =	sand.u32 $0x380, s1  }
0x80: {  	s12 =	sand.u32 $0x400, s9;
	s1 =	sor.u32 s0, s1  }
0x81: {  	s9 =	sand.u32 $0x70, s9;
	s0 =	sor.u32 s12, s1  }
0x82: {  	s0 =	sor.u32 s9, s0  }
0x83: {  	v3 =	vld [tilespmem:s0+$0x100]  }
0x84: {  	v4 =	vld [tilespmem:s0+$0x9100];
	_ =	sdelay $0x2  }
0x85: {  	s9 =	simm.s32 $0x80  }
0x86: {  	s10 =	simm.s32 $0x10;
	s12 =	sand.u32 $0x400, s9  }
0x87: {  	s11 =	sand.u32 $0x70, s10;
	s10 =	simm.s32 $0x20;
	s12 =	sor.u32 s12, s1;
	v3 =	vsub.f32 v4, v3  }
.LBB2_3:
0x88: {  	p0 =	sne.s32 s10, $0xF0;
	s11 =	sor.u32 s11, s12  }
0x89: {  	v4 =	vld [tilespmem:s11+$0x100];
	[tilespmem:s0+$0x9100] =	vst v3;
	s0 =	smov.u32 s11  }
0x8a: {  	v3 =	vld [tilespmem:s0+$0x9100]  }
.Ltmp0:
0x8b: {  	(pc) =	sbr.rel @p0 .LBB2_3-.Ltmp0, $4  }
0x8c: {  	_ = 	snop  }
0x8d: {  	s9 =	sadd.s32 $0x80, s9  }
0x8e: {  	s12 =	sand.u32 $0x400, s9  }
0x8f: {  	s11 =	sand.u32 $0x70, s10;
	s10 =	sadd.s32 $0x10, s10;
	s12 =	sor.u32 s12, s1;
	v3 =	vsub.f32 v3, v4  }
0x90: {  	s1 =	sor.u32 s11, s12  }
0x91: {  	v4 =	vld [tilespmem:s1+$0x100];
	[tilespmem:s0+$0x9100] =	vst v3  }
0x92: {  	v3 =	vld [tilespmem:s1+$0x9100]  }
0x93: {  	s31 =	sadd.s32 $0x1, s31  }
0x94: {  	p0 =	sne.s32 s31, $0x90  }
.Ltmp1:
0x95: {  	_ = 	snop;
	(pc) =	sbr.rel @p0 .LBB2_2-.Ltmp1, $3  }
0x96: {  	_ = 	snop  }
0x97: {  	v3 =	vsub.f32 v3, v4;
	_ =	sdelay $0x1  }
0x98: {  	[tilespmem:s1+$0x9100] =	vst v3  }
0x99: {  	s30 =	sadd.s32 $0x1, s30  }
0x9a: {  	p0 =	sne.s32 s30, s7  }
.Ltmp2:
0x9b: {  	_ = 	snop;
	(pc) =	sbr.rel @p0 .LBB2_1-.Ltmp2, $4  }
0x9c: {  	[hbm4b:s6+s2] =	stream.linear.scatter [tilespmem:s29], [sflag:$0x2], $0x9000, $0x38;
	[tilespmem:$0x12100] =	vst v63  }
0x9d: {  	_ =	swait.ge [sflag:s8], $0x9000  }
0x9e: {  	[sflag:s8] =	ssyncset.done $0x0  }
0x9f: {  	[sflag:s8] =	ssyncadd.s32 $0xFFFF7000  }
0xa0: {  	_ =	sfence.sel $0x180000  }
0xa1: {  	[bflag:$0x0] =	sbarrier.arrive $0xFFFF  }
0xa2: {  	_ =	strace $0x90000059  }
0xa3: {  	s0 =	stileid.u32;
	[bflag:$0x2] =	sbarrier.arrive $0xFFFF  }
0xa4: {  	p0 =	sne.s32 s0, $0x0;
	s0 =	rddreg [dreg:$0x3]  }
0xa5: {  	s0 =	sadd.s32 @!p0 $0x100000, s0  }
0xa6: {  	[sflag:s0] =	ssyncadd.tile.s32 @!p0 $0x1;
	_ =	shalt  }
.Lfunc_end2:
_tile_overlayer_lowered:
.L_overlay_start_2:
0xa7: {  	(tag) =	ssettag $0x2  }
0xa8: {  	s0 =	rddreg [dreg:$0x0];
	s2 =	stileid.u32  }
0xa9: {  	s1 =	rddreg [dreg:$0x1];
	p0 =	sne.s32 s2, $0x0  }
0xaa: {  	s3 =	rddreg [dreg:$0x2];
	[bflag:$0x3] =	sbarrier.arrive $0xFFFF;
	s2 =	simm.s32 @!p0 $0x1C02  }
0xab: {  	[timem:s3], [sflag:s2] =	dma.local @!p0 [hbm:s0], s1  }
0xac: {  	s0 =	simm.s32 @!p0 $0x2  }
0xad: {  	_ =	swait.ge @!p0 [sflag:s0], s1  }
0xae: {  	s1 =	ssub.s32 @!p0 $0x0, s1;
	[sflag:s0] =	ssyncset.done @!p0 $0x0  }
0xaf: {  	[sflag:s0] =	ssyncadd.s32 @!p0 s1  }
0xb0: {  	[bflag:$0x3] =	sbarrier.arrive $0xFFFF  }
0xb1: {  	_ =	shalt  }

// kernel: kernel.39.cloned.1.call-start
scs
__scs_entry_jumppad:
0x0: {  	(pc) =	sbr.rel $0x88, $3  }
0x1: {  	(tag) =	ssettag $0x0;
	lr =	simm.s32 $0x1  }
0x2: {  	[smem:$0x3F9F] =	sst lr;
	_ =	strace $0xD0000000  }
0x3: {  	_ = 	snop  }
0x4: {  	_ = 	snop  }
0x5: {  	_ = 	snop  }
0x6: {  	_ = 	snop  }
0x7: {  	_ = 	snop  }
__scs_overlays_trampoline_lowered:
0x8: {  	[smem:$0x3FAE] =	sst s0  }
0x9: {  	[smem:$0x3FAF] =	sst s1  }
0xa: {  	[smem:$0x3FB0] =	sst s2  }
0xb: {  	[smem:$0x3FB1] =	sst s3  }
0xc: {  	[smem:$0x3FB2] =	sst s4  }
0xd: {  	[smem:$0x3FB3] =	sst s5  }
0xe: {  	[smem:$0x3FB4] =	sst s6  }
0xf: {  	[smem:$0x3FB5] =	sst s7  }
0x10: {  	[smem:$0x3FB6] =	sst s8  }
0x11: {  	[smem:$0x3FB7] =	sst s9;
	s0 =	simm.s32 @!p0 $0x0  }
0x12: {  	s1 =	sld [smem:$0x3F9D];
	s0 =	simm.s32 @p0 $0x1  }
0x13: {  	[smem:$0x3FB8] =	sst s0;
	s0 =	simm.s32 @!p1 $0x0  }
0x14: {  	s2 =	sld [smem:$0x3F9C];
	s0 =	simm.s32 @p1 $0x1  }
0x15: {  	[smem:$0x3FB9] =	sst s0;
	s0 =	simm.s32 @!p2 $0x0  }
0x16: {  	s3 =	sld [smem:$0x3FDB];
	s0 =	simm.s32 @p2 $0x1  }
0x17: {  	s4 =	simm.s32 $0x1BF5;
	[smem:$0x3FBB] =	sst s0  }
0x18: {  	s0 =	sld [smem:$0x3F9E];
	_ =	swait.ge [sflag:s4], $0x0  }
0x19: {  	s7 =	sld [smem:$0x3F9F]  }
0x1a: {  	s8 =	sadd.s32 $0xFFFFE003, lr  }
0x1b: {  	s9 =	sadd.s32 $0xFFFFFEF7, lr;
	s5 =	simm.s32 $0xFFFFFFFF;
	p2 =	slt.u32 s8, $0xFFFFF086  }
0x1c: {  	p1 =	slt.u32 s9, $0xF7A;
	s5 =	simm.s32 @!p2 $0x0  }
0x1d: {  	s5 =	simm.s32 @p1 $0x1;
	p0 =	seq.s32 s7, s2  }
0x1e: {  	s7 =	smul.u32 @!p0 $0xF7A, s2;
	p2 =	seq.s32 @!p0 s5, $0x0  }
0x1f: {  	s9 =	smul.u32 $0xF7A, s1;
	s8 =	simm.s32 @!p0 $0x1BF5;
	p2 =	por !p2, p0  }
0x20: {  	[sflag:s8] =	ssyncset.s32 @!p0 $0xFFFFF086;
	s6 =	sadd.s32 @!p0 s3, s7;
	s7 =	simm.s32 @!p0 $0x108  }
0x21: {  	s3 =	sadd.s32 s3, s9;
	s6 =	sadd.s32 @!p0 $0x88, s6;
	s7 =	simm.s32 @p2 $0x1082  }
0x22: {  	[simem:s7], [sflag:s8] =	dma.local @!p0 [hbm:s6], $0xF7A  }
0x23: {  	s9 =	sor.u32 $0xD0000000, s2;
	s6 =	simm.s32 $0x108;
	_ =	swait.ge @!p0 [sflag:s8], $0x0  }
0x24: {  	s3 =	sadd.s32 $0x88, s3;
	s6 =	simm.s32 @!p1 $0x1082;
	[sflag:s4] =	ssyncset.s32 $0xFFFFF086  }
0x25: {  	[simem:s6], [sflag:s4] =	dma.local [hbm:s3], $0xF7A  }
0x26: {  	[smem:$0x3F9F] =	sst s1;
	(tag) =	ssettag s2;
	_ =	strace s9  }
0x27: {  	s1 =	sld [smem:$0x3FAF]  }
0x28: {  	s2 =	sld [smem:$0x3FB0]  }
0x29: {  	s4 =	sld [smem:$0x3FB2]  }
0x2a: {  	p0 =	seq.s32 s5, $0x0;
	s5 =	sld [smem:$0x3FB3]  }
0x2b: {  	s6 =	sld [smem:$0x3FB4]  }
0x2c: {  	s7 =	sld [smem:$0x3FB5]  }
0x2d: {  	s3 =	simm.s32 $0x108;
	s8 =	sld [smem:$0x3FB6]  }
0x2e: {  	s3 =	simm.s32 @!p0 $0x1082;
	s9 =	sld [smem:$0x3FB7]  }
0x2f: {  	lr =	sadd.s32 s0, s3;
	s0 =	sld [smem:$0x3FAE]  }
0x30: {  	s3 =	sld [smem:$0x3FB1]  }
0x31: {  	[smem:$0x3FBA] =	sst s10  }
0x32: {  	s10 =	sld [smem:$0x3FB8];
	_ =	sdelay $0x3  }
0x33: {  	p0 =	seq.s32 s10, $0x1;
	s10 =	sld [smem:$0x3FBA];
	_ =	sdelay $0x3  }
0x34: {  	[smem:$0x3FBA] =	sst s10  }
0x35: {  	s10 =	sld [smem:$0x3FB9];
	_ =	sdelay $0x3  }
0x36: {  	p1 =	seq.s32 s10, $0x1;
	s10 =	sld [smem:$0x3FBA];
	_ =	sdelay $0x3  }
0x37: {  	[smem:$0x3FBA] =	sst s10  }
0x38: {  	s10 =	sld [smem:$0x3FBB]  }
0x39: {  	_ = 	snop;
	(pc) =	sbr.ind lr, $3  }
0x3a: {  	_ = 	snop  }
0x3b: {  	_ = 	snop  }
0x3c: {  	p2 =	seq.s32 s10, $0x1;
	s10 =	sld [smem:$0x3FBA]  }
0x3d: {  	_ =	shalt  }
0x3e: {  	_ =	shalt  }
0x3f: {  	_ =	shalt  }
0x40: {  	_ =	shalt  }
0x41: {  	_ =	shalt  }
0x42: {  	_ =	shalt  }
0x43: {  	_ =	shalt  }
0x44: {  	_ =	shalt  }
0x45: {  	_ =	shalt  }
0x46: {  	_ =	shalt  }
0x47: {  	_ =	shalt  }
0x48: {  	_ =	shalt  }
0x49: {  	_ =	shalt  }
0x4a: {  	_ =	shalt  }
0x4b: {  	_ =	shalt  }
0x4c: {  	_ =	shalt  }
0x4d: {  	_ =	shalt  }
0x4e: {  	_ =	shalt  }
0x4f: {  	_ =	shalt  }
0x50: {  	_ =	shalt  }
0x51: {  	_ =	shalt  }
0x52: {  	_ =	shalt  }
0x53: {  	_ =	shalt  }
0x54: {  	_ =	shalt  }
0x55: {  	_ =	shalt  }
0x56: {  	_ =	shalt  }
0x57: {  	_ =	shalt  }
0x58: {  	_ =	shalt  }
0x59: {  	_ =	shalt  }
0x5a: {  	_ =	shalt  }
0x5b: {  	_ =	shalt  }
0x5c: {  	_ =	shalt  }
0x5d: {  	_ =	shalt  }
0x5e: {  	_ =	shalt  }
0x5f: {  	_ =	shalt  }
0x60: {  	_ =	shalt  }
0x61: {  	_ =	shalt  }
0x62: {  	_ =	shalt  }
0x63: {  	_ =	shalt  }
0x64: {  	_ =	shalt  }
0x65: {  	_ =	shalt  }
0x66: {  	_ =	shalt  }
0x67: {  	_ =	shalt  }
0x68: {  	_ =	shalt  }
0x69: {  	_ =	shalt  }
0x6a: {  	_ =	shalt  }
0x6b: {  	_ =	shalt  }
0x6c: {  	_ =	shalt  }
0x6d: {  	_ =	shalt  }
0x6e: {  	_ =	shalt  }
0x6f: {  	_ =	shalt  }
0x70: {  	_ =	shalt  }
0x71: {  	_ =	shalt  }
0x72: {  	_ =	shalt  }
0x73: {  	_ =	shalt  }
0x74: {  	_ =	shalt  }
0x75: {  	_ =	shalt  }
0x76: {  	_ =	shalt  }
0x77: {  	_ =	shalt  }
0x78: {  	_ =	shalt  }
0x79: {  	_ =	shalt  }
0x7a: {  	_ =	shalt  }
0x7b: {  	_ =	shalt  }
0x7c: {  	_ =	shalt  }
0x7d: {  	_ =	shalt  }
0x7e: {  	_ =	shalt  }
0x7f: {  	_ =	shalt  }
0x80: {  	_ =	shalt  }
0x81: {  	_ =	shalt  }
0x82: {  	_ =	shalt  }
0x83: {  	_ =	shalt  }
0x84: {  	_ =	shalt  }
0x85: {  	_ =	shalt  }
0x86: {  	_ =	shalt  }
0x87: {  	_ =	shalt  }
.Lfunc_end0:
.L_simem_size_0:
called_computation.7_lowered:
.L_overlay_start_0:
0x88: {  	s2 =	sld [smem:$0x3FD9]  }
0x89: {  	s3 =	sld [smem:$0x3FFE];
	_ =	sdelay $0x1  }
0x8a: {  	s1 =	srdreg.scid  }
0x8b: {  	s0 =	sand.u32 $0x1, s1  }
0x8c: {  	s14 =	sshll.u32 s0, $0xA;
	s2 =	sadd.s32 s3, s2  }
0x8d: {  	s2 =	sadd.s32 s2, s14  }
0x8e: {  	[smem:$0x3FC6] =	sst s2  }
0x8f: {  	_ = 	snop  }
0x90: {  	s2 =	sld [smem:$0x3FD0];
	_ =	sdelay $0x2  }
0x91: {  	s4 =	simm.s32 $0xA;
	s5 =	simm.s32 $0x10;
	s15 =	sld [smem:$0x3FC9]  }
0x92: {  	[smem:s5], [sflag:s4] =	dma.local [hbm:s2], $0x1  }
0x93: {  	_ =	swait.eq [sflag:s4], $0x1  }
0x94: {  	[sflag:s4] =	ssyncset.done $0x0  }
0x95: {  	[sflag:s4] =	ssyncadd.s32 $0xFFFFFFFF  }
0x96: {  	s16 =	sld [smem:$0x10];
	(tm) =	ssettm $0x1  }
0x97: {  	s17 =	sld [smem:$0x3FFB];
	_ =	sdelay $0x3  }
0x98: {  	_ =	strace s17  }
0x99: {  	s4 =	sld [smem:$0x3FFC];
	_ =	sdelay $0x3  }
0x9a: {  	_ =	strace s4  }
0x9b: {  	s4 =	sld [smem:$0x3FFD];
	_ =	sdelay $0x3  }
0x9c: {  	_ =	strace s4  }
0x9d: {  	_ =	strace $0x8FFFFFFF  }
0x9e: {  	s18 =	sld [smem:$0x3FDB];
	_ =	sdelay $0x1  }
0x9f: {  	s19 =	simm.s32 $_scs_section_size  }
0xa0: {  	s6 =	simm.s32 $_size__tile_overlayer_lowered;
	s7 =	simm.s32 $_tile_overlayer_lowered  }
0xa1: {  	s22 =	simm.s32 $0x1BFF;
	s21 =	sshll.u32 s7, $0x1;
	s4 =	sadd.s32 s19, s18  }
0xa2: {  	s8 =	simm.s32 $0x0;
	s20 =	sshll.u32 s6, $0x1;
	s6 =	sadd.s32 s21, s4  }
0xa3: {  	[timem:s8], [sflag:s22] =	dma.local [hbm:s6], s20  }
0xa4: {  	_ =	swait.ge [sflag:s22], s20  }
0xa5: {  	s5 =	ssub.s32 $0x0, s20;
	[sflag:s22] =	ssyncset.done $0x0  }
0xa6: {  	[sflag:s22] =	ssyncadd.s32 s5;
	_ =	sdelay $0x1  }
0xa7: {  	s23 =	simm.s32 $0x1B8B  }
0xa8: {  	_ =	swait.ge [sflag:s23], $0x1  }
0xa9: {  	[sflag:s23] =	ssyncset.done $0x0  }
0xaa: {  	s25 =	simm.s32 $0x1B8E;
	s24 =	sld [smem:$0x3FFE];
	[sflag:s23] =	ssyncadd.s32 $0xFFFFFFFF  }
0xab: {  	s26 =	simm.s32 $execute0_lowered;
	[smem:$0x3FD2] =	sst s25  }
0xac: {  	s6 =	sshll.u32 s26, $0x1;
	_ =	strace $0x8000005B;
	[dreg:$0x1] =	wrdreg $0xFFFFFFFF  }
0xad: {  	s28 =	simm.s32 $_size_execute0_lowered;
	s4 =	sadd.s32 s4, s6;
	[dreg:$0x0] =	wrdreg $0x0  }
0xae: {  	s6 =	sshll.u32 s28, $0x1;
	[dreg:$0x2] =	wrdreg s4  }
0xaf: {  	[dreg:$0x3] =	wrdreg s6  }
0xb0: {  	[dreg:$0x4] =	wrdreg $0xC0  }
0xb1: {  	_ =	task [dreg:s8], $0x5FFFF  }
0xb2: {  	[dreg:$0x1] =	wrdreg $0xFFFFFFFF  }
0xb3: {  	[dreg:$0x0] =	wrdreg $0x60  }
0xb4: {  	[dreg:$0x2] =	wrdreg s24  }
0xb5: {  	[dreg:$0x3] =	wrdreg s15  }
0xb6: {  	[dreg:$0x4] =	wrdreg s16  }
0xb7: {  	[dreg:$0x5] =	wrdreg $0x9  }
0xb8: {  	_ =	task.clear_ibuf [dreg:s8], $0x6FFFF;
	_ =	strace $0x9000005B  }
0xb9: {  	s29 =	simm.s32 $0x9;
	_ =	strace $0x8000005D  }
0xba: {  	_ =	swait.ge [sflag:s29], $0x1  }
0xbb: {  	[sflag:s29] =	ssyncadd.s32 $0xFFFFFFFF  }
0xbc: {  	_ =	strace $0x9000005D  }
0xbd: {  	_ =	sfence  }
0xbe: {  	s30 =	sld [smem:$0x0];
	_ =	sdelay $0x2  }
0xbf: {  	s31 =	sshll.u32 s1, $0xD;
	s1 =	sshrl.u32 s1, $0x2  }
0xc0: {  	s3 =	sand.u32 $0x4000, s31;
	s1 =	sadd.s32 s1, s30  }
0xc1: {  	s0 =	sor.u32 s3, s0;
	s1 =	sshll.u32 s1, $0x11  }
0xc2: {  	s0 =	sor.u32 s1, s0  }
0xc3: {  	s0 =	sadd.s32 $0x8F2B, s0  }
0xc4: {  	[sflag:s0] =	ssyncadd.remote.s32 $0x1  }
0xc5: {  	_ =	sfence.sel $0xFFFF  }
0xc6: {  	[dreg:$0x0] =	wrdreg $0xFFFFFFFF;
	(pc) =	sbr.abs _section_cstart, $3  }
0xc7: {  	[dreg:$0x1] =	wrdreg $0xFFFFFFFF  }
0xc8: {  	_ =	task.clear_ibuf [dreg:s8], $0x2FFFF;
	_ =	strace $0x9FFFFFFF  }
0xc9: {  	(tm) =	ssettm $0x7FFFFFFF  }
tec
execute0_lowered:
.L_overlay_start_1:
0x0: {  	(tag) =	ssettag $0x1  }
0x1: {  	s0 =	rddreg [dreg:$0x0];
	s1 =	srdreg.scid  }
0x2: {  	s2 =	stileid.u32;
	s7 =	rddreg [dreg:$0x1]  }
0x3: {  	s8 =	rddreg [dreg:$0x2];
	s10 =	simm.s32 $0x2;
	s11 =	simm.s32 $0x100  }
0x4: {  	s20 =	simm.s32 $0x1;
	s21 =	simm.s32 $0x4900;
	s22 =	simm.s32 $0x5100  }
0x5: {  	s23 =	simm.s32 $0x5900;
	s24 =	simm.s32 $0x6100;
	s25 =	simm.s32 $0x6900  }
0x6: {  	s26 =	simm.s32 $0x7100;
	s28 =	simm.s32 $0x7900;
	s29 =	simm.s32 $0x8100  }
0x7: {  	s30 =	simm.s32 $0x8900;
	s1 =	sand.u32 $0x1, s1;
	s2 =	sshll.u32 s2, $0x1  }
0x8: {  	s31 =	simm.s32 $0x9100;
	s3 =	sor.u32 s1, s2;
	s2 =	simm.s32 $0x0  }
0x9: {  	s1 =	ssub.s32 $0x2, s1;
	s4 =	smul.u32 $0x12, s3;
	[smem:$0x7FF] =	sst s2  }
0xa: {  	s9 =	smul.u32 $0x1200, s3;
	s3 =	sadd.s32 $0x183200, s0;
	s5 =	sshrl.u32 s1, $0x1  }
0xb: {  	_ =	strace $0x8000005C;
	s1 =	ssub.s32 s1, s5;
	s4 =	sadd.s32 s4, s0  }
0xc: {  	v2 =	vlaneseq.u32;
	s0 =	sadd.s32 s9, s0;
	s7 =	sadd.s32 s7, s9;
	s8 =	sadd.s32 s8, s9  }
0xd: {  	vm0 =	vmmov $0xffff;
	v1 =	vshrl.u32 v2, $0x3;
	s9 =	smax.u32 s1, $0x1;
	s1 =	simm.s32 $0x12100;
	s4 =	sadd.s32 $0x1E7200, s4  }
0xe: {  	v0 =	vand.u32 $0x7, v2;
	v2 =	vor.u32 $0x8, v2;
	v1 =	vmul.u32 $0x8, v1;
	s5 =	sadd.s32 $0x1C3200, s0;
	s6 =	sadd.s32 $0x3200, s0;
	s0 =	simm.s32 $0x0  }
.LBB2_1:
0xf: {  	[tilespmem:s2], [sflag:$0x2] =	stream.linear.gather [hbm4b:s4+s2], $0x90, $0x38;
	[tilespmem:$0x1B100] =	vst v63  }
0x10: {  	_ =	swait.ge [sflag:s10], $0x90  }
0x11: {  	[sflag:s10] =	ssyncset.done $0x0  }
0x12: {  	[sflag:s10] =	ssyncadd.s32 $0xFFFFFF70  }
0x13: {  	v3 =	vld [tilespmem:$0x0];
	_ =	sdelay $0x4  }
0x14: {  	v4 =	vshll.u32 v3, $0x1  }
0x15: {  	v3 =	vand.u32 $0x7, v3;
	v4 =	vand.u32 $0xFFFFFFF0, v4  }
0x16: {  	v3 =	vor.u32 v3, v4  }
0x17: {  	v4 =	vperm.xlane v3, v0;
	_ =	sdelay $0x1  }
0x18: {  	v3 =	vperm.xlane v3, v2;
	v4 =	vadd.s32 v1, v4;
	_ =	sdelay $0x1  }
0x19: {  	v3 =	vadd.s32 v1, v3;
	_ =	sdelay $0x2  }
0x1a: {  	[tilespmem:s11], [sflag:$0x1] =	stream.indirect_vreg.gather [hbm4b:s3+s2], $0x80, v4, vm0, $0xb8;
	[tilespmem:$0x1B100] =	vst v63  }
0x1b: {  	s12 =	simm.s32 $0x900  }
0x1c: {  	[tilespmem:s12], [sflag:$0x1] =	stream.indirect_vreg.gather [hbm4b:s3+s2], $0x80, v3, vm0, $0xb8;
	[tilespmem:$0x1B100] =	vst v63  }
0x1d: {  	v3 =	vld [tilespmem:$0x10];
	_ =	sdelay $0x4  }
0x1e: {  	v55 =	vshll.u32 v3, $0x1  }
0x1f: {  	v3 =	vand.u32 $0x7, v3;
	v4 =	vand.u32 $0xFFFFFFF0, v55  }
0x20: {  	v3 =	vor.u32 v3, v4  }
0x21: {  	v4 =	vperm.xlane v3, v0;
	_ =	sdelay $0x1  }
0x22: {  	v3 =	vperm.xlane v3, v2;
	v4 =	vadd.s32 v1, v4;
	_ =	sdelay $0x1  }
0x23: {  	v3 =	vadd.s32 v1, v3;
	_ =	sdelay $0x1  }
0x24: {  	s13 =	simm.s32 $0x1100  }
0x25: {  	[tilespmem:s13], [sflag:$0x1] =	stream.indirect_vreg.gather [hbm4b:s3+s2], $0x80, v4, vm0, $0xb8;
	[tilespmem:$0x1B100] =	vst v63  }
0x26: {  	s14 =	simm.s32 $0x1900  }
0x27: {  	[tilespmem:s14], [sflag:$0x1] =	stream.indirect_vreg.gather [hbm4b:s3+s2], $0x80, v3, vm0, $0xb8;
	[tilespmem:$0x1B100] =	vst v63  }
0x28: {  	v3 =	vld [tilespmem:$0x20];
	_ =	sdelay $0x4  }
0x29: {  	v56 =	vshll.u32 v3, $0x1  }
0x2a: {  	v3 =	vand.u32 $0x7, v3;
	v4 =	vand.u32 $0xFFFFFFF0, v56  }
0x2b: {  	v3 =	vor.u32 v3, v4  }
0x2c: {  	v4 =	vperm.xlane v3, v0;
	_ =	sdelay $0x1  }
0x2d: {  	v3 =	vperm.xlane v3, v2;
	v4 =	vadd.s32 v1, v4;
	_ =	sdelay $0x1  }
0x2e: {  	v3 =	vadd.s32 v1, v3;
	_ =	sdelay $0x1  }
0x2f: {  	s15 =	simm.s32 $0x2100  }
0x30: {  	[tilespmem:s15], [sflag:$0x1] =	stream.indirect_vreg.gather [hbm4b:s3+s2], $0x80, v4, vm0, $0xb8;
	[tilespmem:$0x1B100] =	vst v63  }
0x31: {  	s16 =	simm.s32 $0x2900  }
0x32: {  	[tilespmem:s16], [sflag:$0x1] =	stream.indirect_vreg.gather [hbm4b:s3+s2], $0x80, v3, vm0, $0xb8;
	[tilespmem:$0x1B100] =	vst v63  }
0x33: {  	v3 =	vld [tilespmem:$0x30];
	_ =	sdelay $0x4  }
0x34: {  	v57 =	vshll.u32 v3, $0x1  }
0x35: {  	v3 =	vand.u32 $0x7, v3;
	v4 =	vand.u32 $0xFFFFFFF0, v57  }
0x36: {  	v3 =	vor.u32 v3, v4  }
0x37: {  	v4 =	vperm.xlane v3, v0;
	_ =	sdelay $0x1  }
0x38: {  	v3 =	vperm.xlane v3, v2;
	v4 =	vadd.s32 v1, v4;
	_ =	sdelay $0x1  }
0x39: {  	v3 =	vadd.s32 v1, v3;
	_ =	sdelay $0x1  }
0x3a: {  	s17 =	simm.s32 $0x3100  }
0x3b: {  	[tilespmem:s17], [sflag:$0x1] =	stream.indirect_vreg.gather [hbm4b:s3+s2], $0x80, v4, vm0, $0xb8;
	[tilespmem:$0x1B100] =	vst v63  }
0x3c: {  	s18 =	simm.s32 $0x3900  }
0x3d: {  	[tilespmem:s18], [sflag:$0x1] =	stream.indirect_vreg.gather [hbm4b:s3+s2], $0x80, v3, vm0, $0xb8;
	[tilespmem:$0x1B100] =	vst v63  }
0x3e: {  	v3 =	vld.msk [tilespmem:$0x40], $0xff;
	_ =	sdelay $0x4  }
0x3f: {  	v58 =	vshll.u32 v3, $0x1  }
0x40: {  	v3 =	vand.u32 $0x7, v3;
	v4 =	vand.u32 $0xFFFFFFF0, v58  }
0x41: {  	v3 =	vor.u32 v3, v4  }
0x42: {  	v3 =	vperm.xlane v3, v0;
	_ =	sdelay $0x1  }
0x43: {  	v3 =	vadd.s32 v1, v3;
	_ =	sdelay $0x3  }
0x44: {  	s19 =	simm.s32 $0x4100  }
0x45: {  	[tilespmem:s19], [sflag:$0x1] =	stream.indirect_vreg.gather [hbm4b:s3+s2], $0x80, v3, vm0, $0xb8;
	[tilespmem:$0x1B100] =	vst v63  }
0x46: {  	_ =	swait.ge [sflag:s20], $0x4800  }
0x47: {  	[sflag:s20] =	ssyncset.done $0x0  }
0x48: {  	[sflag:s20] =	ssyncadd.s32 $0xFFFFB800  }
0x49: {  	v3 =	vld [tilespmem:$0x48];
	_ =	sdelay $0x4  }
0x4a: {  	v59 =	vshll.u32 v3, $0x1  }
0x4b: {  	v3 =	vand.u32 $0x7, v3;
	v4 =	vand.u32 $0xFFFFFFF0, v59  }
0x4c: {  	v3 =	vor.u32 v3, v4  }
0x4d: {  	v4 =	vperm.xlane v3, v0;
	_ =	sdelay $0x1  }
0x4e: {  	v3 =	vperm.xlane v3, v2;
	v4 =	vadd.s32 v1, v4;
	_ =	sdelay $0x1  }
0x4f: {  	v3 =	vadd.s32 v1, v3;
	_ =	sdelay $0x2  }
0x50: {  	[tilespmem:s21], [sflag:$0x1] =	stream.indirect_vreg.gather [hbm4b:s3+s2], $0x80, v4, vm0, $0xb8;
	[tilespmem:$0x1B100] =	vst v63  }
0x51: {  	_ = 	snop  }
0x52: {  	[tilespmem:s22], [sflag:$0x1] =	stream.indirect_vreg.gather [hbm4b:s3+s2], $0x80, v3, vm0, $0xb8;
	[tilespmem:$0x1B100] =	vst v63  }
0x53: {  	v3 =	vld [tilespmem:$0x58];
	_ =	sdelay $0x4  }
0x54: {  	v60 =	vshll.u32 v3, $0x1  }
0x55: {  	v3 =	vand.u32 $0x7, v3;
	v4 =	vand.u32 $0xFFFFFFF0, v60  }
0x56: {  	v3 =	vor.u32 v3, v4  }
0x57: {  	v4 =	vperm.xlane v3, v0;
	_ =	sdelay $0x1  }
0x58: {  	v3 =	vperm.xlane v3, v2;
	v4 =	vadd.s32 v1, v4;
	_ =	sdelay $0x1  }
0x59: {  	v3 =	vadd.s32 v1, v3;
	_ =	sdelay $0x2  }
0x5a: {  	[tilespmem:s23], [sflag:$0x1] =	stream.indirect_vreg.gather [hbm4b:s3+s2], $0x80, v4, vm0, $0xb8;
	[tilespmem:$0x1B100] =	vst v63  }
0x5b: {  	_ = 	snop  }
0x5c: {  	[tilespmem:s24], [sflag:$0x1] =	stream.indirect_vreg.gather [hbm4b:s3+s2], $0x80, v3, vm0, $0xb8;
	[tilespmem:$0x1B100] =	vst v63  }
0x5d: {  	v3 =	vld [tilespmem:$0x68];
	_ =	sdelay $0x4  }
0x5e: {  	v61 =	vshll.u32 v3, $0x1  }
0x5f: {  	v3 =	vand.u32 $0x7, v3;
	v4 =	vand.u32 $0xFFFFFFF0, v61  }
0x60: {  	v3 =	vor.u32 v3, v4  }
0x61: {  	v4 =	vperm.xlane v3, v0;
	_ =	sdelay $0x1  }
0x62: {  	v3 =	vperm.xlane v3, v2;
	v4 =	vadd.s32 v1, v4;
	_ =	sdelay $0x1  }
0x63: {  	v3 =	vadd.s32 v1, v3;
	_ =	sdelay $0x2  }
0x64: {  	[tilespmem:s25], [sflag:$0x1] =	stream.indirect_vreg.gather [hbm4b:s3+s2], $0x80, v4, vm0, $0xb8;
	[tilespmem:$0x1B100] =	vst v63  }
0x65: {  	_ = 	snop  }
0x66: {  	[tilespmem:s26], [sflag:$0x1] =	stream.indirect_vreg.gather [hbm4b:s3+s2], $0x80, v3, vm0, $0xb8;
	[tilespmem:$0x1B100] =	vst v63  }
0x67: {  	v3 =	vld [tilespmem:$0x78];
	_ =	sdelay $0x4  }
0x68: {  	v62 =	vshll.u32 v3, $0x1  }
0x69: {  	v3 =	vand.u32 $0x7, v3;
	v4 =	vand.u32 $0xFFFFFFF0, v62  }
0x6a: {  	v3 =	vor.u32 v3, v4  }
0x6b: {  	v4 =	vperm.xlane v3, v0;
	_ =	sdelay $0x1  }
0x6c: {  	v3 =	vperm.xlane v3, v2;
	v4 =	vadd.s32 v1, v4;
	_ =	sdelay $0x1  }
0x6d: {  	v3 =	vadd.s32 v1, v3;
	_ =	sdelay $0x2  }
0x6e: {  	[tilespmem:s28], [sflag:$0x1] =	stream.indirect_vreg.gather [hbm4b:s3+s2], $0x80, v4, vm0, $0xb8;
	[tilespmem:$0x1B100] =	vst v63  }
0x6f: {  	_ = 	snop  }
0x70: {  	[tilespmem:s29], [sflag:$0x1] =	stream.indirect_vreg.gather [hbm4b:s3+s2], $0x80, v3, vm0, $0xb8;
	[tilespmem:$0x1B100] =	vst v63  }
0x71: {  	v3 =	vld.msk [tilespmem:$0x88], $0xff;
	_ =	sdelay $0x4  }
0x72: {  	v63 =	vshll.u32 v3, $0x1  }
0x73: {  	v3 =	vand.u32 $0x7, v3;
	v4 =	vand.u32 $0xFFFFFFF0, v63  }
0x74: {  	v3 =	vor.u32 v3, v4  }
0x75: {  	v3 =	vperm.xlane v3, v0;
	_ =	sdelay $0x1  }
0x76: {  	v3 =	vadd.s32 v1, v3;
	_ =	sdelay $0x4  }
0x77: {  	[tilespmem:s30], [sflag:$0x1] =	stream.indirect_vreg.gather [hbm4b:s3+s2], $0x80, v3, vm0, $0xb8;
	[tilespmem:$0x1B100] =	vst v63  }
0x78: {  	_ =	swait.ge [sflag:s20], $0x4800  }
0x79: {  	[sflag:s20] =	ssyncset.done $0x0  }
0x7a: {  	[sflag:s20] =	ssyncadd.s32 $0xFFFFB800  }
0x7b: {  	[tilespmem:s31], [sflag:$0x2] =	stream.linear.gather [hbm4b:s5+s2], $0x9000, $0x38;
	[tilespmem:$0x1B100] =	vst v63  }
0x7c: {  	_ =	swait.ge [sflag:s10], $0x9000  }
0x7d: {  	[sflag:s10] =	ssyncset.done $0x0  }
0x7e: {  	s12 =	simm.s32 $0x0;
	[sflag:s10] =	ssyncadd.s32 $0xFFFF7000  }
.LBB2_2:
0x7f: {  	s13 =	sshll.u32 s12, $0x8;
	s14 =	sshll.u32 s12, $0x7  }
0x80: {  	s15 =	simm.s32 $0x0;
	s13 =	sand.u32 $0xF800, s13;
	s14 =	sand.u32 $0x380, s14  }
0x81: {  	s19 =	sand.u32 $0x400, s15;
	s13 =	sor.u32 s13, s14  }
0x82: {  	s15 =	sand.u32 $0x70, s15;
	s14 =	sor.u32 s19, s13  }
0x83: {  	s14 =	sor.u32 s15, s14  }
0x84: {  	v3 =	vld [tilespmem:s14+$0x100]  }
0x85: {  	v4 =	vld [tilespmem:s14+$0x9100];
	_ =	sdelay $0x2  }
0x86: {  	s15 =	simm.s32 $0x80  }
0x87: {  	s16 =	simm.s32 $0x10;
	s18 =	sand.u32 $0x400, s15  }
0x88: {  	s17 =	sand.u32 $0x70, s16;
	s16 =	simm.s32 $0x20;
	s18 =	sor.u32 s18, s13;
	v3 =	vsub.f32 v4, v3  }
.LBB2_3:
0x89: {  	p0 =	sne.s32 s16, $0xF0;
	s17 =	sor.u32 s17, s18  }
0x8a: {  	v4 =	vld [tilespmem:s17+$0x100];
	[tilespmem:s14+$0x9100] =	vst v3;
	s14 =	smov.u32 s17  }
0x8b: {  	v3 =	vld [tilespmem:s14+$0x9100]  }
.Ltmp0:
0x8c: {  	(pc) =	sbr.rel @p0 .LBB2_3-.Ltmp0, $4  }
0x8d: {  	_ = 	snop  }
0x8e: {  	s15 =	sadd.s32 $0x80, s15  }
0x8f: {  	s18 =	sand.u32 $0x400, s15  }
0x90: {  	s17 =	sand.u32 $0x70, s16;
	s16 =	sadd.s32 $0x10, s16;
	s18 =	sor.u32 s18, s13;
	v3 =	vsub.f32 v3, v4  }
0x91: {  	s13 =	sor.u32 s17, s18  }
0x92: {  	v4 =	vld [tilespmem:s13+$0x100];
	[tilespmem:s14+$0x9100] =	vst v3  }
0x93: {  	v3 =	vld [tilespmem:s13+$0x9100]  }
0x94: {  	s12 =	sadd.s32 $0x1, s12  }
0x95: {  	p0 =	sne.s32 s12, $0x90  }
.Ltmp1:
0x96: {  	_ = 	snop;
	(pc) =	sbr.rel @p0 .LBB2_2-.Ltmp1, $3  }
0x97: {  	_ = 	snop  }
0x98: {  	v3 =	vsub.f32 v3, v4;
	_ =	sdelay $0x1  }
0x99: {  	[tilespmem:s13+$0x9100] =	vst v3  }
0x9a: {  	s12 =	simm.s32 $0x0  }
0x9b: {  	[hbm4b:s6+s12] =	stream.linear.scatter [tilespmem:s31], [sflag:$0x2], $0x9000, $0x38;
	[tilespmem:$0x1B100] =	vst v63  }
0x9c: {  	_ =	swait.ge [sflag:s10], $0x9000  }
0x9d: {  	[sflag:s10] =	ssyncset.done $0x0  }
0x9e: {  	[sflag:s10] =	ssyncadd.s32 $0xFFFF7000  }
0x9f: {  	[tilespmem:s1], [sflag:$0x2] =	stream.linear.gather [hbm4b:s7+s12], $0x9000, $0x38;
	[tilespmem:$0x1B100] =	vst v63  }
0xa0: {  	_ =	swait.ge [sflag:s10], $0x9000  }
0xa1: {  	[sflag:s10] =	ssyncset.done $0x0  }
0xa2: {  	s13 =	simm.s32 $0x0;
	[sflag:s10] =	ssyncadd.s32 $0xFFFF7000  }
.LBB2_6:
0xa3: {  	s14 =	sshll.u32 s13, $0x8;
	s15 =	sshll.u32 s13, $0x7  }
0xa4: {  	s14 =	sand.u32 $0xF800, s14;
	s15 =	sand.u32 $0x380, s15  }
0xa5: {  	s19 =	sand.u32 $0x400, s12;
	s14 =	sor.u32 s14, s15  }
0xa6: {  	s16 =	sand.u32 $0x70, s12;
	s15 =	sor.u32 s19, s14  }
0xa7: {  	s15 =	sor.u32 s16, s15  }
0xa8: {  	v3 =	vld [tilespmem:s15+$0x12100]  }
0xa9: {  	v4 =	vld [tilespmem:s15+$0x9100]  }
0xaa: {  	s17 =	simm.s32 $0x80;
	s16 =	simm.s32 $0x10  }
.LBB2_7:
0xab: {  	s18 =	sand.u32 $0x70, s16;
	s19 =	sand.u32 $0x400, s17;
	p0 =	sne.s32 s16, $0xF0  }
.Ltmp2:
0xac: {  	s16 =	sadd.s32 $0x10, s16;
	s19 =	sor.u32 s19, s14;
	(pc) =	sbr.rel @p0 .LBB2_7-.Ltmp2, $4  }
0xad: {  	s18 =	sor.u32 s18, s19  }
0xae: {  	v5 =	vsub.f32 v3, v4;
	v3 =	vld [tilespmem:s18+$0x12100]  }
0xaf: {  	v4 =	vld [tilespmem:s18+$0x9100]  }
0xb0: {  	s17 =	sadd.s32 $0x80, s17;
	[tilespmem:s15+$0x100] =	vst v5;
	s15 =	smov.u32 s18  }
0xb1: {  	s13 =	sadd.s32 $0x1, s13  }
0xb2: {  	p0 =	sne.s32 s13, $0x90  }
.Ltmp3:
0xb3: {  	_ = 	snop;
	(pc) =	sbr.rel @p0 .LBB2_6-.Ltmp3, $3  }
0xb4: {  	_ = 	snop  }
0xb5: {  	v3 =	vsub.f32 v3, v4;
	_ =	sdelay $0x1  }
0xb6: {  	[tilespmem:s15+$0x100] =	vst v3  }
0xb7: {  	s0 =	sadd.s32 $0x1, s0  }
0xb8: {  	p0 =	sne.s32 s0, s9  }
.Ltmp4:
0xb9: {  	_ = 	snop;
	(pc) =	sbr.rel @p0 .LBB2_1-.Ltmp4, $4  }
0xba: {  	[hbm4b:s8+s2] =	stream.linear.scatter [tilespmem:s11], [sflag:$0x2], $0x9000, $0x38;
	[tilespmem:$0x1B100] =	vst v63  }
0xbb: {  	_ =	swait.ge [sflag:s10], $0x9000  }
0xbc: {  	[sflag:s10] =	ssyncset.done $0x0  }
0xbd: {  	[sflag:s10] =	ssyncadd.s32 $0xFFFF7000  }
0xbe: {  	_ =	sfence.sel $0x180000  }
0xbf: {  	[bflag:$0x0] =	sbarrier.arrive $0xFFFF  }
0xc0: {  	_ =	strace $0x9000005C  }
0xc1: {  	s0 =	stileid.u32;
	[bflag:$0x2] =	sbarrier.arrive $0xFFFF  }
0xc2: {  	p0 =	sne.s32 s0, $0x0;
	s0 =	rddreg [dreg:$0x3]  }
0xc3: {  	s0 =	sadd.s32 @!p0 $0x100000, s0  }
0xc4: {  	[sflag:s0] =	ssyncadd.tile.s32 @!p0 $0x1;
	_ =	shalt  }
.Lfunc_end2:
_tile_overlayer_lowered:
.L_overlay_start_2:
0xc5: {  	(tag) =	ssettag $0x2  }
0xc6: {  	s0 =	rddreg [dreg:$0x0];
	s2 =	stileid.u32  }
0xc7: {  	s1 =	rddreg [dreg:$0x1];
	p0 =	sne.s32 s2, $0x0  }
0xc8: {  	s3 =	rddreg [dreg:$0x2];
	[bflag:$0x3] =	sbarrier.arrive $0xFFFF;
	s2 =	simm.s32 @!p0 $0x1C02  }
0xc9: {  	[timem:s3], [sflag:s2] =	dma.local @!p0 [hbm:s0], s1  }
0xca: {  	s0 =	simm.s32 @!p0 $0x2  }
0xcb: {  	_ =	swait.ge @!p0 [sflag:s0], s1  }
0xcc: {  	s1 =	ssub.s32 @!p0 $0x0, s1;
	[sflag:s0] =	ssyncset.done @!p0 $0x0  }
0xcd: {  	[sflag:s0] =	ssyncadd.s32 @!p0 s1  }
0xce: {  	[bflag:$0x3] =	sbarrier.arrive $0xFFFF  }
0xcf: {  	_ =	shalt  }

</sc_bundles>
